<compile_context>
chip_gen: v7x
topology: tpu7x:2x2x1
jax: 0.10.2.dev20260603
libtpu: 0.0.44.dev20260713+nightly
codegen_flags: <defaults>
</compile_context>

<pallas_src>
import functools
import math

import jax
import jax.numpy as jnp
import numpy as np
from jax import lax
from jax.experimental import pallas as pl
from jax.experimental.pallas import tpu as pltpu
from jax.experimental.pallas import tpu_sc as plsc

SAMPLE_RATE = 16000
MAX_ORDER = 15
RIR_LENGTH = 3968
WINDOW_LENGTH = 81
SOUND_SPEED = 343.0
PAD = WINDOW_LENGTH // 2
B = 32
NROWS = RIR_LENGTH // 128
W = 256
CHUNK = 1024
NTAP = 80
RBUF = 4096
S_SC = 3072


def _build_tables():
    ind = np.arange(-MAX_ORDER, MAX_ORDER + 1)
    X, Y, Z = np.meshgrid(ind, ind, ind, indexing='ij')
    xyz = np.stack([X.ravel(), Y.ravel(), Z.ravel()], axis=-1)
    xyz = xyz[np.abs(xyz).sum(axis=-1) <= MAX_ORDER]
    exp_lo = np.abs(np.floor(xyz / 2.0))
    exp_hi = np.abs(np.floor((xyz + 1) / 2.0))
    s_real = xyz.shape[0]
    s_pad = ((s_real + CHUNK - 1) // CHUNK) * CHUNK
    odd = (xyz % 2) == 1
    coef_room = np.where(odd, xyz + 1.0, xyz).astype(np.float32)
    sign_src = np.where(odd, -1.0, 1.0).astype(np.float32)
    T = np.zeros((16, s_pad), np.float32)
    T[0:3, :s_real] = coef_room.T
    T[3:6, :s_real] = sign_src.T
    T[6:12:2, :s_real] = exp_lo.T
    T[7:12:2, :s_real] = exp_hi.T
    T[12, :s_real] = 1.0
    if s_pad > s_real:
        T[0:6, s_real:] = T[0:6, 0:1]
    j = np.arange(NTAP, dtype=np.float64)
    tabs = np.stack([
        j,
        0.5 * np.cos(2.0 * np.pi * j / (2 * PAD)),
        0.5 * np.sin(2.0 * np.pi * j / (2 * PAD)),
        np.where(j % 2 == 0, 1.0, -1.0),
    ]).astype(np.float32)
    c = np.arange(W, dtype=np.float64)
    ccb = np.broadcast_to(np.cos(2.0 * np.pi * c / (2 * PAD))[:, None],
                          (W, 128)).astype(np.float32).copy()
    ssb = np.broadcast_to(np.sin(2.0 * np.pi * c / (2 * PAD))[:, None],
                          (W, 128)).astype(np.float32).copy()
    return T, tabs, ccb, ssb, s_pad


_T_NP, _TABS_NP, _CCB_NP, _SSB_NP, S_PAD = _build_tables()
NCH = S_PAD // CHUNK
NCH_SC = S_SC // CHUNK
_INV_PI = np.float32(1.0 / math.pi)
_PI = np.float32(math.pi)
_HANN_W = np.float32(2.0 * math.pi / (2 * PAD))


def _per_source(scal_ref, t_ref, b, sl):
    room = [scal_ref[b, 0], scal_ref[b, 1], scal_ref[b, 2]]
    mic = [scal_ref[b, 3], scal_ref[b, 4], scal_ref[b, 5]]
    src = [scal_ref[b, 6], scal_ref[b, 7], scal_ref[b, 8]]
    ltr = [scal_ref[b, 9 + k] for k in range(6)]
    dist2 = None
    for d in range(3):
        img = room[d] * t_ref[d:d + 1, sl] + src[d] * t_ref[3 + d:4 + d, sl]
        diff = img - mic[d]
        dist2 = diff * diff if dist2 is None else dist2 + diff * diff
    dist = jnp.sqrt(dist2)
    delay = dist * np.float32(SAMPLE_RATE) / np.float32(SOUND_SPEED)
    delay_i = jnp.ceil(delay)
    frac = delay_i - delay
    lg = None
    for k in range(6):
        term = ltr[k] * t_ref[6 + k:7 + k, sl]
        lg = term if lg is None else lg + term
    att = jnp.exp(lg)
    mask = t_ref[12:13, sl]
    wgt = jnp.where(mask > 0, att / dist, 0.0)
    return wgt, delay_i, frac


def _params_kernel(scal_ref, t_ref, out_ref):
    b = pl.program_id(0)
    for ch in range(NCH_SC):
        sl = slice(ch * CHUNK, (ch + 1) * CHUNK)
        wgt, delay_i, frac = _per_source(scal_ref, t_ref, b, sl)
        wsp = wgt * jnp.sin(_PI * frac) * _INV_PI
        phi = frac - np.float32(PAD)
        ang = phi * _HANN_W
        out_ref[0, 0:1, sl] = wgt
        out_ref[0, 1:2, sl] = wsp
        out_ref[0, 2:3, sl] = jnp.cos(ang)
        out_ref[0, 3:4, sl] = jnp.sin(ang)
        out_ref[0, 4:5, sl] = phi
        out_ref[0, 5:6, sl] = delay_i


def _sc_scatter_kernel(params_hbm, tabs_hbm, out_hbm, pv, tv, rv):
    cid = lax.axis_index("c")
    sid = lax.axis_index("s")
    b = sid * 2 + cid
    pltpu.sync_copy(params_hbm.at[b], pv)
    pltpu.sync_copy(tabs_hbm, tv)
    zero16 = jnp.zeros((16,), jnp.float32)

    @plsc.parallel_loop(0, RBUF, 16)
    def _zero_body(i):
        rv[pl.ds(i, 16)] = zero16

    jv = [tv[0, pl.ds(16 * t, 16)] for t in range(5)]
    chv = [tv[1, pl.ds(16 * t, 16)] for t in range(5)]
    shv = [tv[2, pl.ds(16 * t, 16)] for t in range(5)]
    av = [tv[3, pl.ds(16 * t, 16)] for t in range(5)]

    @plsc.parallel_loop(0, S_SC, 16, unroll=2)
    def _src_body(s0):
        wv = pv[0, pl.ds(s0, 16)]
        wspv = pv[1, pl.ds(s0, 16)]
        cv = pv[2, pl.ds(s0, 16)]
        sv = pv[3, pl.ds(s0, 16)]
        phv = pv[4, pl.ds(s0, 16)]
        bv = jnp.minimum(pv[5, pl.ds(s0, 16)],
                         np.float32(RBUF - NTAP)).astype(jnp.int32)
        for i in range(16):
            wgt = wv[i]
            wsp = wspv[i]
            cphi = cv[i]
            sphi = sv[i]
            phi = phv[i]
            base = bv[i]
            for t in range(5):
                x = jv[t] + phi
                hann = 0.5 + (chv[t] * cphi - shv[t] * sphi)
                sincp = wsp * av[t] / x
                if t == 2:
                    sincp = jnp.where(x == 0.0, wgt, sincp)
                plsc.addupdate(rv.at[pl.ds(base + 16 * t, 16)], hann * sincp)

    pltpu.sync_copy(rv.at[pl.ds(0, RIR_LENGTH)], out_hbm.at[b])


def _tc_dense_kernel(scal_ref, t_ref, ccb_ref, ssb_ref, out_ref):
    b = pl.program_id(0)
    cc = ccb_ref[:, 0:1]
    ss = ssb_ref[:, 0:1]
    ci = jax.lax.broadcasted_iota(jnp.int32, (W, CHUNK), 0)
    cf = ci.astype(jnp.float32)
    alt = (1 - 2 * (ci & 1)).astype(jnp.float32)

    acc = jnp.zeros((32, W), jnp.float32)
    for ch in range(NCH_SC, NCH):
        sl = slice(ch * CHUNK, (ch + 1) * CHUNK)
        wgt, delay_i, frac = _per_source(scal_ref, t_ref, b, sl)
        q = jnp.floor(delay_i * np.float32(1.0 / 128.0))
        r = delay_i - q * 128.0
        sp = jnp.sin(_PI * frac) * _INV_PI
        sgn = 1.0 - 2.0 * (r - 2.0 * jnp.floor(r * 0.5))
        phi = frac - r - np.float32(PAD)
        ang = phi * _HANN_W
        cphi = jnp.cos(ang)
        sphi = jnp.sin(ang)

        x = cf + phi
        inwin = jnp.abs(x) <= np.float32(PAD)
        hann = 0.5 + 0.5 * (cc * cphi - ss * sphi)
        num = alt * (sp * sgn)
        sinc = jnp.where(x == 0.0, 1.0, num / x)
        p = jnp.where(inwin, hann * sinc * wgt, 0.0)

        rows = jax.lax.broadcasted_iota(jnp.int32, (32, CHUNK), 0)
        oh = jnp.where(rows.astype(jnp.float32) == q, 1.0, 0.0)
        acc = acc + jax.lax.dot_general(
            oh, p, (((1,), (1,)), ((), ())),
            preferred_element_type=jnp.float32)

    lo = acc[0:NROWS, 0:128]
    hi = jnp.concatenate(
        [jnp.zeros((1, 128), jnp.float32), acc[0:NROWS - 1, 128:W]], axis=0)
    out_ref[0] = lo + hi


def kernel(input):
    input = input.astype(jnp.float32)
    room = input[:, 0:3]
    mic = input[:, 3:6] * room
    src = input[:, 6:9] * room
    a = jnp.concatenate(
        [jnp.repeat(input[:, 9:10], 4, axis=1), input[:, 10:11],
         input[:, 11:12]], axis=1)
    a = a * 0.84 + 0.01
    ltr = 0.5 * jnp.log(1.0 - a)
    scal = jnp.concatenate(
        [room, mic, src, ltr, jnp.zeros((B, 1), jnp.float32)], axis=1)

    t_tab = jnp.asarray(_T_NP)

    params = pl.pallas_call(
        _params_kernel,
        grid=(B,),
        in_specs=[
            pl.BlockSpec(memory_space=pltpu.SMEM),
            pl.BlockSpec((16, S_PAD), lambda b: (0, 0)),
        ],
        out_specs=pl.BlockSpec((1, 8, S_SC), lambda b: (b, 0, 0)),
        out_shape=jax.ShapeDtypeStruct((B, 8, S_SC), jnp.float32),
    )(scal, t_tab)

    sck = functools.partial(
        pl.kernel,
        mesh=plsc.VectorSubcoreMesh(core_axis_name="c", subcore_axis_name="s"),
        out_type=jax.ShapeDtypeStruct((B, RIR_LENGTH), jnp.float32),
        scratch_types=[
            pltpu.VMEM((8, S_SC), jnp.float32),
            pltpu.VMEM((4, NTAP), jnp.float32),
            pltpu.VMEM((RBUF,), jnp.float32),
        ],
    )(_sc_scatter_kernel)
    rir_sc = sck(params, jnp.asarray(_TABS_NP))

    rir_tc = pl.pallas_call(
        _tc_dense_kernel,
        grid=(B,),
        in_specs=[
            pl.BlockSpec(memory_space=pltpu.SMEM),
            pl.BlockSpec((16, S_PAD), lambda b: (0, 0)),
            pl.BlockSpec((W, 128), lambda b: (0, 0)),
            pl.BlockSpec((W, 128), lambda b: (0, 0)),
        ],
        out_specs=pl.BlockSpec((1, NROWS, 128), lambda b: (b, 0, 0)),
        out_shape=jax.ShapeDtypeStruct((B, NROWS, 128), jnp.float32),
    )(scal, t_tab, jnp.asarray(_CCB_NP), jnp.asarray(_SSB_NP))

    rir = rir_sc + rir_tc.reshape(B, RIR_LENGTH)

    dist_ms = jnp.linalg.norm(mic - src, axis=1)
    toa = WINDOW_LENGTH // 2 + SAMPLE_RATE * dist_ms / SOUND_SPEED
    return (rir, toa)

# --- scband reference (transcript-rebuilt; emitter-appended) ---
"""Pipeline reference for scband-shoebox-to-rir-29085518529094 (READ-ONLY COPY).

The authoritative reference and input builder live on the scoring server;
editing this copy changes nothing except your own understanding.
"""

import jax, jax.numpy as jnp
import numpy as np
import math

SAMPLE_RATE = 16000
MAX_ORDER = 15
RIR_LENGTH = 3968
WINDOW_LENGTH = 81
SOUND_SPEED = 343.0
PAD = WINDOW_LENGTH // 2
B = 32


def _lattice(max_order):
    ind = np.arange(-max_order, max_order + 1)
    X, Y, Z = np.meshgrid(ind, ind, ind, indexing='ij')
    xyz = np.stack([X.ravel(), Y.ravel(), Z.ravel()], axis=-1)
    xyz = xyz[np.abs(xyz).sum(axis=-1) <= max_order]
    exp_lo = np.abs(np.floor(xyz / 2.0))
    exp_hi = np.abs(np.floor((xyz + 1) / 2.0))
    return (jnp.asarray(xyz, jnp.float32), jnp.asarray(exp_lo, jnp.float32), jnp.asarray(exp_hi, jnp.float32))

XYZ, EXP_LO, EXP_HI = _lattice(MAX_ORDER)


def _hann(x, T):
    return jnp.where(jnp.abs(x) <= T / 2, 0.5 * (1.0 + jnp.cos(2.0 * math.pi * x / T)), 0.0)


def _simulate_one(room, mic, src, absorption):
    # room (3,), mic (3,), src (3,), absorption (6,) ordered [x0,x1,y0,y1,floor,ceiling]
    tr = jnp.sqrt(1.0 - absorption)
    img_loc = jnp.where(XYZ % 2 == 1, room[None, :] * (XYZ + 1.0) - src[None, :], room[None, :] * XYZ + src[None, :])
    att = jnp.prod((tr[::2][None, :] ** EXP_LO) * (tr[1::2][None, :] ** EXP_HI), axis=-1)
    dist = jnp.linalg.norm(img_loc - mic[None, :], axis=-1)
    delay = dist * SAMPLE_RATE / SOUND_SPEED
    delay_i = jnp.ceil(delay)
    j = jnp.arange(WINDOW_LENGTH, dtype=jnp.float32)[None, :]
    x = delay_i[:, None] + j - PAD - delay[:, None]
    taps = jnp.sinc(x) * _hann(x, 2 * PAD)
    irs = (att / dist)[:, None] * taps
    idx = delay_i.astype(jnp.int32)[:, None] + jnp.arange(WINDOW_LENGTH, dtype=jnp.int32)[None, :]
    rir = jnp.zeros((RIR_LENGTH,), jnp.float32).at[idx.reshape(-1)].add(irs.reshape(-1), mode='drop')
    return rir


def setup_inputs(seed: int = 0):
    key = jax.random.key(seed)
    inp = jax.random.uniform(key, (B, 12), dtype=jnp.float32)
    return {"input": inp}


def reference(input):
    room = input[:, 0:3]
    mic = input[:, 3:6] * room
    src = input[:, 6:9] * room
    absorption = jnp.concatenate([jnp.repeat(input[:, 9:10], 4, axis=1), input[:, 10:11], input[:, 11:12]], axis=1)
    absorption = absorption * 0.84 + 0.01
    rir = jax.vmap(_simulate_one)(room, mic, src, absorption)
    dist = jnp.linalg.norm(mic - src, axis=1)
    toa = WINDOW_LENGTH // 2 + SAMPLE_RATE * dist / SOUND_SPEED
    return (rir, toa)

if __name__ == "__main__":
    import jax
    _d = setup_inputs()
    print(jax.jit(kernel)(*tuple(_d.values())))

</pallas_src>

<mosaic_0001>
#map = affine_map<(d0, d1) -> (0, 0, 0)>
#map1 = affine_map<(d0, d1) -> (0, 0)>
module attributes {stable_mosaic.version = 14 : i64} {
  func.func @_sc_scatter_kernel(%arg0: i32, %arg1: i32, %arg2: memref<32x8x3072xf32, #tpu.memory_space<hbm>>, %arg3: memref<4x80xf32, #tpu.memory_space<hbm>>, %arg4: memref<32x3968xf32, #tpu.memory_space<hbm>>, %arg5: memref<8x3072xf32, #tpu.memory_space<vmem>>, %arg6: memref<4x80xf32, #tpu.memory_space<vmem>>, %arg7: memref<4096xf32, #tpu.memory_space<vmem>>) attributes {dimension_semantics = [#tpu.dimension_semantics<core_parallel>, #tpu.dimension_semantics<subcore_parallel>], iteration_bounds = array<i64: 2, 16>, scalar_prefetch = 0 : i64, scratch_operands = 3 : i64, tpu.core_type = #tpu.core_type<sc_vector_subcore>, window_params = [{transform_indices = #map}, {transform_indices = #map1}, {transform_indices = #map1}]} {
    %mul3A = arith.constant 2 : i32
    %mul3A_0 = arith.muli %arg1, %mul3A : i32
    %add3A = arith.addi %mul3A_0, %arg0 : i32
    "tpu.region"() ({
      %run_scoped3A = tpu.sem_alloc : memref<!tpu.dma_semaphore, #tpu.memory_space<semaphore_mem>>
      %dma_start3A = arith.constant 0 : i32
      %dma_start3A_106 = arith.constant 0 : i32
      %dma_start3A_107 = tpu.memref_slice %arg2[%add3A, %dma_start3A, %dma_start3A_106] : memref<32x8x3072xf32, #tpu.memory_space<hbm>> -> memref<1x8x3072xf32, #tpu.memory_space<hbm>>
      %dma_start3A_108 = tpu.memref_squeeze %dma_start3A_107 : memref<1x8x3072xf32, #tpu.memory_space<hbm>> -> memref<8x3072xf32, #tpu.memory_space<hbm>>
      %dma_start3A_109 = arith.constant 0 : i32
      %dma_start3A_110 = arith.constant 0 : i32
      %dma_start3A_111 = tpu.memref_slice %arg2[%add3A, %dma_start3A_109, %dma_start3A_110] : memref<32x8x3072xf32, #tpu.memory_space<hbm>> -> memref<1x8x3072xf32, #tpu.memory_space<hbm>>
      %dma_start3A_112 = tpu.memref_squeeze %dma_start3A_111 : memref<1x8x3072xf32, #tpu.memory_space<hbm>> -> memref<8x3072xf32, #tpu.memory_space<hbm>>
      tpu.enqueue_dma source(%dma_start3A_112 : memref<8x3072xf32, #tpu.memory_space<hbm>>) target(%arg5 : memref<8x3072xf32, #tpu.memory_space<vmem>>) target_semaphore(%run_scoped3A : memref<!tpu.dma_semaphore, #tpu.memory_space<semaphore_mem>>)
      %dma_wait3A = arith.constant 0 : i32
      %dma_wait3A_113 = arith.constant 0 : i32
      %dma_wait3A_114 = tpu.memref_slice %arg2[%add3A, %dma_wait3A, %dma_wait3A_113] : memref<32x8x3072xf32, #tpu.memory_space<hbm>> -> memref<1x8x3072xf32, #tpu.memory_space<hbm>>
      %dma_wait3A_115 = tpu.memref_squeeze %dma_wait3A_114 : memref<1x8x3072xf32, #tpu.memory_space<hbm>> -> memref<8x3072xf32, #tpu.memory_space<hbm>>
      %dma_wait3A_116 = arith.constant 0 : i32
      %dma_wait3A_117 = arith.constant 0 : i32
      %dma_wait3A_118 = tpu.memref_slice %arg2[%add3A, %dma_wait3A_116, %dma_wait3A_117] : memref<32x8x3072xf32, #tpu.memory_space<hbm>> -> memref<1x8x3072xf32, #tpu.memory_space<hbm>>
      %dma_wait3A_119 = tpu.memref_squeeze %dma_wait3A_118 : memref<1x8x3072xf32, #tpu.memory_space<hbm>> -> memref<8x3072xf32, #tpu.memory_space<hbm>>
      tpu.wait_dma2 semaphore(%run_scoped3A : memref<!tpu.dma_semaphore, #tpu.memory_space<semaphore_mem>>) src(%dma_wait3A_119 : memref<8x3072xf32, #tpu.memory_space<hbm>>) dst(%arg5 : memref<8x3072xf32, #tpu.memory_space<vmem>>)
      tpu.yield
    }) : () -> ()
    "tpu.region"() ({
      %run_scoped3A = tpu.sem_alloc : memref<!tpu.dma_semaphore, #tpu.memory_space<semaphore_mem>>
      tpu.enqueue_dma source(%arg3 : memref<4x80xf32, #tpu.memory_space<hbm>>) target(%arg6 : memref<4x80xf32, #tpu.memory_space<vmem>>) target_semaphore(%run_scoped3A : memref<!tpu.dma_semaphore, #tpu.memory_space<semaphore_mem>>)
      tpu.wait_dma2 semaphore(%run_scoped3A : memref<!tpu.dma_semaphore, #tpu.memory_space<semaphore_mem>>) src(%arg3 : memref<4x80xf32, #tpu.memory_space<hbm>>) dst(%arg6 : memref<4x80xf32, #tpu.memory_space<vmem>>)
      tpu.yield
    }) : () -> ()
    %broadcast_in_dim3A = arith.constant 0.000000e+00 : f32
    %broadcast_in_dim3A_1 = vector.broadcast %broadcast_in_dim3A : f32 to vector<16xf32>
    %parallel_loop3A = arith.constant 0 : i32
    %parallel_loop3A_2 = arith.constant 4096 : i32
    %parallel_loop3A_3 = arith.constant 16 : i32
    scf.for %parallel_loop3A_106 = %parallel_loop3A to %parallel_loop3A_2 step %parallel_loop3A_3  : i32 {
      %parallel_loop3A_107 = arith.index_cast %parallel_loop3A_106 : i32 to index
      %parallel_loop3A_108 = tpu.vector_load %arg7[%parallel_loop3A_107] {strides = array<i32>} : memref<4096xf32, #tpu.memory_space<vmem>>, vector<16xf32>,
      %parallel_loop3A_109 = vector.shape_cast %parallel_loop3A_108 : vector<16xf32> to vector<16xf32>
      %parallel_loop3A_110 = vector.shape_cast %broadcast_in_dim3A_1 : vector<16xf32> to vector<16xf32>
      tpu.vector_store %arg7[%parallel_loop3A_107], %parallel_loop3A_110 {strides = array<i32>} : memref<4096xf32, #tpu.memory_space<vmem>>, vector<16xf32>,
    } {sc.loop_unroll_factor = 1 : i64, sc.parallel_access}
    %get3A = arith.constant 0 : i32
    %get3A_4 = arith.index_cast %get3A : i32 to index
    %get3A_5 = arith.constant 0 : index
    %get3A_6 = tpu.vector_load %arg6[%get3A_4, %get3A_5] {strides = array<i32>} : memref<4x80xf32, #tpu.memory_space<vmem>>, vector<1x16xf32>,
    %get3A_7 = vector.shape_cast %get3A_6 : vector<1x16xf32> to vector<16xf32>
    %get3A_8 = arith.constant 0 : i32
    %get3A_9 = arith.index_cast %get3A_8 : i32 to index
    %get3A_10 = arith.constant 16 : index
    %get3A_11 = tpu.vector_load %arg6[%get3A_9, %get3A_10] {strides = array<i32>} : memref<4x80xf32, #tpu.memory_space<vmem>>, vector<1x16xf32>,
    %get3A_12 = vector.shape_cast %get3A_11 : vector<1x16xf32> to vector<16xf32>
    %get3A_13 = arith.constant 0 : i32
    %get3A_14 = arith.index_cast %get3A_13 : i32 to index
    %get3A_15 = arith.constant 32 : index
    %get3A_16 = tpu.vector_load %arg6[%get3A_14, %get3A_15] {strides = array<i32>} : memref<4x80xf32, #tpu.memory_space<vmem>>, vector<1x16xf32>,
    %get3A_17 = vector.shape_cast %get3A_16 : vector<1x16xf32> to vector<16xf32>
    %get3A_18 = arith.constant 0 : i32
    %get3A_19 = arith.index_cast %get3A_18 : i32 to index
    %get3A_20 = arith.constant 48 : index
    %get3A_21 = tpu.vector_load %arg6[%get3A_19, %get3A_20] {strides = array<i32>} : memref<4x80xf32, #tpu.memory_space<vmem>>, vector<1x16xf32>,
    %get3A_22 = vector.shape_cast %get3A_21 : vector<1x16xf32> to vector<16xf32>
    %get3A_23 = arith.constant 0 : i32
    %get3A_24 = arith.index_cast %get3A_23 : i32 to index
    %get3A_25 = arith.constant 64 : index
    %get3A_26 = tpu.vector_load %arg6[%get3A_24, %get3A_25] {strides = array<i32>} : memref<4x80xf32, #tpu.memory_space<vmem>>, vector<1x16xf32>,
    %get3A_27 = vector.shape_cast %get3A_26 : vector<1x16xf32> to vector<16xf32>
    %get3A_28 = arith.constant 1 : i32
    %get3A_29 = arith.index_cast %get3A_28 : i32 to index
    %get3A_30 = arith.constant 0 : index
    %get3A_31 = tpu.vector_load %arg6[%get3A_29, %get3A_30] {strides = array<i32>} : memref<4x80xf32, #tpu.memory_space<vmem>>, vector<1x16xf32>,
    %get3A_32 = vector.shape_cast %get3A_31 : vector<1x16xf32> to vector<16xf32>
    %get3A_33 = arith.constant 1 : i32
    %get3A_34 = arith.index_cast %get3A_33 : i32 to index
    %get3A_35 = arith.constant 16 : index
    %get3A_36 = tpu.vector_load %arg6[%get3A_34, %get3A_35] {strides = array<i32>} : memref<4x80xf32, #tpu.memory_space<vmem>>, vector<1x16xf32>,
    %get3A_37 = vector.shape_cast %get3A_36 : vector<1x16xf32> to vector<16xf32>
    %get3A_38 = arith.constant 1 : i32
    %get3A_39 = arith.index_cast %get3A_38 : i32 to index
    %get3A_40 = arith.constant 32 : index
    %get3A_41 = tpu.vector_load %arg6[%get3A_39, %get3A_40] {strides = array<i32>} : memref<4x80xf32, #tpu.memory_space<vmem>>, vector<1x16xf32>,
    %get3A_42 = vector.shape_cast %get3A_41 : vector<1x16xf32> to vector<16xf32>
    %get3A_43 = arith.constant 1 : i32
    %get3A_44 = arith.index_cast %get3A_43 : i32 to index
    %get3A_45 = arith.constant 48 : index
    %get3A_46 = tpu.vector_load %arg6[%get3A_44, %get3A_45] {strides = array<i32>} : memref<4x80xf32, #tpu.memory_space<vmem>>, vector<1x16xf32>,
    %get3A_47 = vector.shape_cast %get3A_46 : vector<1x16xf32> to vector<16xf32>
    %get3A_48 = arith.constant 1 : i32
    %get3A_49 = arith.index_cast %get3A_48 : i32 to index
    %get3A_50 = arith.constant 64 : index
    %get3A_51 = tpu.vector_load %arg6[%get3A_49, %get3A_50] {strides = array<i32>} : memref<4x80xf32, #tpu.memory_space<vmem>>, vector<1x16xf32>,
    %get3A_52 = vector.shape_cast %get3A_51 : vector<1x16xf32> to vector<16xf32>
    %get3A_53 = arith.constant 2 : i32
    %get3A_54 = arith.index_cast %get3A_53 : i32 to index
    %get3A_55 = arith.constant 0 : index
    %get3A_56 = tpu.vector_load %arg6[%get3A_54, %get3A_55] {strides = array<i32>} : memref<4x80xf32, #tpu.memory_space<vmem>>, vector<1x16xf32>,
    %get3A_57 = vector.shape_cast %get3A_56 : vector<1x16xf32> to vector<16xf32>
    %get3A_58 = arith.constant 2 : i32
    %get3A_59 = arith.index_cast %get3A_58 : i32 to index
    %get3A_60 = arith.constant 16 : index
    %get3A_61 = tpu.vector_load %arg6[%get3A_59, %get3A_60] {strides = array<i32>} : memref<4x80xf32, #tpu.memory_space<vmem>>, vector<1x16xf32>,
    %get3A_62 = vector.shape_cast %get3A_61 : vector<1x16xf32> to vector<16xf32>
    %get3A_63 = arith.constant 2 : i32
    %get3A_64 = arith.index_cast %get3A_63 : i32 to index
    %get3A_65 = arith.constant 32 : index
    %get3A_66 = tpu.vector_load %arg6[%get3A_64, %get3A_65] {strides = array<i32>} : memref<4x80xf32, #tpu.memory_space<vmem>>, vector<1x16xf32>,
    %get3A_67 = vector.shape_cast %get3A_66 : vector<1x16xf32> to vector<16xf32>
    %get3A_68 = arith.constant 2 : i32
    %get3A_69 = arith.index_cast %get3A_68 : i32 to index
    %get3A_70 = arith.constant 48 : index
    %get3A_71 = tpu.vector_load %arg6[%get3A_69, %get3A_70] {strides = array<i32>} : memref<4x80xf32, #tpu.memory_space<vmem>>, vector<1x16xf32>,
    %get3A_72 = vector.shape_cast %get3A_71 : vector<1x16xf32> to vector<16xf32>
    %get3A_73 = arith.constant 2 : i32
    %get3A_74 = arith.index_cast %get3A_73 : i32 to index
    %get3A_75 = arith.constant 64 : index
    %get3A_76 = tpu.vector_load %arg6[%get3A_74, %get3A_75] {strides = array<i32>} : memref<4x80xf32, #tpu.memory_space<vmem>>, vector<1x16xf32>,
    %get3A_77 = vector.shape_cast %get3A_76 : vector<1x16xf32> to vector<16xf32>
    %get3A_78 = arith.constant 3 : i32
    %get3A_79 = arith.index_cast %get3A_78 : i32 to index
    %get3A_80 = arith.constant 0 : index
    %get3A_81 = tpu.vector_load %arg6[%get3A_79, %get3A_80] {strides = array<i32>} : memref<4x80xf32, #tpu.memory_space<vmem>>, vector<1x16xf32>,
    %get3A_82 = vector.shape_cast %get3A_81 : vector<1x16xf32> to vector<16xf32>
    %get3A_83 = arith.constant 3 : i32
    %get3A_84 = arith.index_cast %get3A_83 : i32 to index
    %get3A_85 = arith.constant 16 : index
    %get3A_86 = tpu.vector_load %arg6[%get3A_84, %get3A_85] {strides = array<i32>} : memref<4x80xf32, #tpu.memory_space<vmem>>, vector<1x16xf32>,
    %get3A_87 = vector.shape_cast %get3A_86 : vector<1x16xf32> to vector<16xf32>
    %get3A_88 = arith.constant 3 : i32
    %get3A_89 = arith.index_cast %get3A_88 : i32 to index
    %get3A_90 = arith.constant 32 : index
    %get3A_91 = tpu.vector_load %arg6[%get3A_89, %get3A_90] {strides = array<i32>} : memref<4x80xf32, #tpu.memory_space<vmem>>, vector<1x16xf32>,
    %get3A_92 = vector.shape_cast %get3A_91 : vector<1x16xf32> to vector<16xf32>
    %get3A_93 = arith.constant 3 : i32
    %get3A_94 = arith.index_cast %get3A_93 : i32 to index
    %get3A_95 = arith.constant 48 : index
    %get3A_96 = tpu.vector_load %arg6[%get3A_94, %get3A_95] {strides = array<i32>} : memref<4x80xf32, #tpu.memory_space<vmem>>, vector<1x16xf32>,
    %get3A_97 = vector.shape_cast %get3A_96 : vector<1x16xf32> to vector<16xf32>
    %get3A_98 = arith.constant 3 : i32
    %get3A_99 = arith.index_cast %get3A_98 : i32 to index
    %get3A_100 = arith.constant 64 : index
    %get3A_101 = tpu.vector_load %arg6[%get3A_99, %get3A_100] {strides = array<i32>} : memref<4x80xf32, #tpu.memory_space<vmem>>, vector<1x16xf32>,
    %get3A_102 = vector.shape_cast %get3A_101 : vector<1x16xf32> to vector<16xf32>
    %parallel_loop3A_103 = arith.constant 0 : i32
    %parallel_loop3A_104 = arith.constant 3072 : i32
    %parallel_loop3A_105 = arith.constant 16 : i32
    scf.for %parallel_loop3A_106 = %parallel_loop3A_103 to %parallel_loop3A_104 step %parallel_loop3A_105  : i32 {
      %parallel_loop3A_107 = arith.constant 0 : i32
      %parallel_loop3A_108 = arith.index_cast %parallel_loop3A_107 : i32 to index
      %parallel_loop3A_109 = arith.index_cast %parallel_loop3A_106 : i32 to index
      %parallel_loop3A_110 = tpu.vector_load %arg5[%parallel_loop3A_108, %parallel_loop3A_109] {strides = array<i32>} : memref<8x3072xf32, #tpu.memory_space<vmem>>, vector<1x16xf32>,
      %parallel_loop3A_111 = vector.shape_cast %parallel_loop3A_110 : vector<1x16xf32> to vector<16xf32>
      %parallel_loop3A_112 = arith.constant 1 : i32
      %parallel_loop3A_113 = arith.index_cast %parallel_loop3A_112 : i32 to index
      %parallel_loop3A_114 = arith.index_cast %parallel_loop3A_106 : i32 to index
      %parallel_loop3A_115 = tpu.vector_load %arg5[%parallel_loop3A_113, %parallel_loop3A_114] {strides = array<i32>} : memref<8x3072xf32, #tpu.memory_space<vmem>>, vector<1x16xf32>,
      %parallel_loop3A_116 = vector.shape_cast %parallel_loop3A_115 : vector<1x16xf32> to vector<16xf32>
      %parallel_loop3A_117 = arith.constant 2 : i32
      %parallel_loop3A_118 = arith.index_cast %parallel_loop3A_117 : i32 to index
      %parallel_loop3A_119 = arith.index_cast %parallel_loop3A_106 : i32 to index
      %parallel_loop3A_120 = tpu.vector_load %arg5[%parallel_loop3A_118, %parallel_loop3A_119] {strides = array<i32>} : memref<8x3072xf32, #tpu.memory_space<vmem>>, vector<1x16xf32>,
      %parallel_loop3A_121 = vector.shape_cast %parallel_loop3A_120 : vector<1x16xf32> to vector<16xf32>
      %parallel_loop3A_122 = arith.constant 3 : i32
      %parallel_loop3A_123 = arith.index_cast %parallel_loop3A_122 : i32 to index
      %parallel_loop3A_124 = arith.index_cast %parallel_loop3A_106 : i32 to index
      %parallel_loop3A_125 = tpu.vector_load %arg5[%parallel_loop3A_123, %parallel_loop3A_124] {strides = array<i32>} : memref<8x3072xf32, #tpu.memory_space<vmem>>, vector<1x16xf32>,
      %parallel_loop3A_126 = vector.shape_cast %parallel_loop3A_125 : vector<1x16xf32> to vector<16xf32>
      %parallel_loop3A_127 = arith.constant 4 : i32
      %parallel_loop3A_128 = arith.index_cast %parallel_loop3A_127 : i32 to index
      %parallel_loop3A_129 = arith.index_cast %parallel_loop3A_106 : i32 to index
      %parallel_loop3A_130 = tpu.vector_load %arg5[%parallel_loop3A_128, %parallel_loop3A_129] {strides = array<i32>} : memref<8x3072xf32, #tpu.memory_space<vmem>>, vector<1x16xf32>,
      %parallel_loop3A_131 = vector.shape_cast %parallel_loop3A_130 : vector<1x16xf32> to vector<16xf32>
      %parallel_loop3A_132 = arith.constant 5 : i32
      %parallel_loop3A_133 = arith.index_cast %parallel_loop3A_132 : i32 to index
      %parallel_loop3A_134 = arith.index_cast %parallel_loop3A_106 : i32 to index
      %parallel_loop3A_135 = tpu.vector_load %arg5[%parallel_loop3A_133, %parallel_loop3A_134] {strides = array<i32>} : memref<8x3072xf32, #tpu.memory_space<vmem>>, vector<1x16xf32>,
      %parallel_loop3A_136 = vector.shape_cast %parallel_loop3A_135 : vector<1x16xf32> to vector<16xf32>
      %parallel_loop3A_137 = arith.constant 4.016000e+03 : f32
      %parallel_loop3A_138 = vector.broadcast %parallel_loop3A_137 : f32 to vector<16xf32>
      %parallel_loop3A_139 = arith.minimumf %parallel_loop3A_136, %parallel_loop3A_138 : vector<16xf32>
      %parallel_loop3A_140 = arith.fptosi %parallel_loop3A_139 : vector<16xf32> to vector<16xi32>
      %parallel_loop3A_141 = vector.extract_strided_slice %parallel_loop3A_111 {offsets = [0], sizes = [1], strides = [1]} : vector<16xf32> to vector<1xf32>
      %parallel_loop3A_142 = vector.extract %parallel_loop3A_141[0] : f32 from vector<1xf32>
      %parallel_loop3A_143 = vector.extract_strided_slice %parallel_loop3A_116 {offsets = [0], sizes = [1], strides = [1]} : vector<16xf32> to vector<1xf32>
      %parallel_loop3A_144 = vector.extract %parallel_loop3A_143[0] : f32 from vector<1xf32>
      %parallel_loop3A_145 = vector.extract_strided_slice %parallel_loop3A_121 {offsets = [0], sizes = [1], strides = [1]} : vector<16xf32> to vector<1xf32>
      %parallel_loop3A_146 = vector.extract %parallel_loop3A_145[0] : f32 from vector<1xf32>
      %parallel_loop3A_147 = vector.extract_strided_slice %parallel_loop3A_126 {offsets = [0], sizes = [1], strides = [1]} : vector<16xf32> to vector<1xf32>
      %parallel_loop3A_148 = vector.extract %parallel_loop3A_147[0] : f32 from vector<1xf32>
      %parallel_loop3A_149 = vector.extract_strided_slice %parallel_loop3A_131 {offsets = [0], sizes = [1], strides = [1]} : vector<16xf32> to vector<1xf32>
      %parallel_loop3A_150 = vector.extract %parallel_loop3A_149[0] : f32 from vector<1xf32>
      %parallel_loop3A_151 = vector.extract_strided_slice %parallel_loop3A_140 {offsets = [0], sizes = [1], strides = [1]} : vector<16xi32> to vector<1xi32>
      %parallel_loop3A_152 = vector.extract %parallel_loop3A_151[0] : i32 from vector<1xi32>
      %parallel_loop3A_153 = vector.broadcast %parallel_loop3A_150 : f32 to vector<16xf32>
      %parallel_loop3A_154 = arith.addf %get3A_7, %parallel_loop3A_153 : vector<16xf32>
      %parallel_loop3A_155 = vector.broadcast %parallel_loop3A_146 : f32 to vector<16xf32>
      %parallel_loop3A_156 = arith.mulf %get3A_32, %parallel_loop3A_155 : vector<16xf32>
      %parallel_loop3A_157 = vector.broadcast %parallel_loop3A_148 : f32 to vector<16xf32>
      %parallel_loop3A_158 = arith.mulf %get3A_57, %parallel_loop3A_157 : vector<16xf32>
      %parallel_loop3A_159 = arith.subf %parallel_loop3A_156, %parallel_loop3A_158 : vector<16xf32>
      %parallel_loop3A_160 = arith.constant 5.000000e-01 : f32
      %parallel_loop3A_161 = vector.broadcast %parallel_loop3A_160 : f32 to vector<16xf32>
      %parallel_loop3A_162 = arith.addf %parallel_loop3A_161, %parallel_loop3A_159 : vector<16xf32>
      %parallel_loop3A_163 = vector.broadcast %parallel_loop3A_144 : f32 to vector<16xf32>
      %parallel_loop3A_164 = arith.mulf %parallel_loop3A_163, %get3A_82 : vector<16xf32>
      %parallel_loop3A_165 = arith.divf %parallel_loop3A_164, %parallel_loop3A_154 : vector<16xf32>
      %parallel_loop3A_166 = arith.constant 0 : i32
      %parallel_loop3A_167 = arith.addi %parallel_loop3A_152, %parallel_loop3A_166 : i32
      %parallel_loop3A_168 = arith.mulf %parallel_loop3A_162, %parallel_loop3A_165 : vector<16xf32>
      %parallel_loop3A_169 = arith.index_cast %parallel_loop3A_167 : i32 to index
      %parallel_loop3A_170 = tpu.vector_load %arg7[%parallel_loop3A_169] {strides = array<i32>} : memref<4096xf32, #tpu.memory_space<vmem>>, vector<16xf32>,
      %parallel_loop3A_171 = vector.shape_cast %parallel_loop3A_170 : vector<16xf32> to vector<16xf32>
      %parallel_loop3A_172 = vector.shape_cast %parallel_loop3A_168 : vector<16xf32> to vector<16xf32>
      tpu.vector_store %arg7[%parallel_loop3A_169], %parallel_loop3A_172 {add = true, strides = array<i32>} : memref<4096xf32, #tpu.memory_space<vmem>>, vector<16xf32>,
      %parallel_loop3A_173 = vector.broadcast %parallel_loop3A_150 : f32 to vector<16xf32>
      %parallel_loop3A_174 = arith.addf %get3A_12, %parallel_loop3A_173 : vector<16xf32>
      %parallel_loop3A_175 = vector.broadcast %parallel_loop3A_146 : f32 to vector<16xf32>
      %parallel_loop3A_176 = arith.mulf %get3A_37, %parallel_loop3A_175 : vector<16xf32>
      %parallel_loop3A_177 = vector.broadcast %parallel_loop3A_148 : f32 to vector<16xf32>
      %parallel_loop3A_178 = arith.mulf %get3A_62, %parallel_loop3A_177 : vector<16xf32>
      %parallel_loop3A_179 = arith.subf %parallel_loop3A_176, %parallel_loop3A_178 : vector<16xf32>
      %parallel_loop3A_180 = arith.constant 5.000000e-01 : f32
      %parallel_loop3A_181 = vector.broadcast %parallel_loop3A_180 : f32 to vector<16xf32>
      %parallel_loop3A_182 = arith.addf %parallel_loop3A_181, %parallel_loop3A_179 : vector<16xf32>
      %parallel_loop3A_183 = vector.broadcast %parallel_loop3A_144 : f32 to vector<16xf32>
      %parallel_loop3A_184 = arith.mulf %parallel_loop3A_183, %get3A_87 : vector<16xf32>
      %parallel_loop3A_185 = arith.divf %parallel_loop3A_184, %parallel_loop3A_174 : vector<16xf32>
      %parallel_loop3A_186 = arith.constant 16 : i32
      %parallel_loop3A_187 = arith.addi %parallel_loop3A_152, %parallel_loop3A_186 : i32
      %parallel_loop3A_188 = arith.mulf %parallel_loop3A_182, %parallel_loop3A_185 : vector<16xf32>
      %parallel_loop3A_189 = arith.index_cast %parallel_loop3A_187 : i32 to index
      %parallel_loop3A_190 = tpu.vector_load %arg7[%parallel_loop3A_189] {strides = array<i32>} : memref<4096xf32, #tpu.memory_space<vmem>>, vector<16xf32>,
      %parallel_loop3A_191 = vector.shape_cast %parallel_loop3A_190 : vector<16xf32> to vector<16xf32>
      %parallel_loop3A_192 = vector.shape_cast %parallel_loop3A_188 : vector<16xf32> to vector<16xf32>
      tpu.vector_store %arg7[%parallel_loop3A_189], %parallel_loop3A_192 {add = true, strides = array<i32>} : memref<4096xf32, #tpu.memory_space<vmem>>, vector<16xf32>,
      %parallel_loop3A_193 = vector.broadcast %parallel_loop3A_150 : f32 to vector<16xf32>
      %parallel_loop3A_194 = arith.addf %get3A_17, %parallel_loop3A_193 : vector<16xf32>
      %parallel_loop3A_195 = vector.broadcast %parallel_loop3A_146 : f32 to vector<16xf32>
      %parallel_loop3A_196 = arith.mulf %get3A_42, %parallel_loop3A_195 : vector<16xf32>
      %parallel_loop3A_197 = vector.broadcast %parallel_loop3A_148 : f32 to vector<16xf32>
      %parallel_loop3A_198 = arith.mulf %get3A_67, %parallel_loop3A_197 : vector<16xf32>
      %parallel_loop3A_199 = arith.subf %parallel_loop3A_196, %parallel_loop3A_198 : vector<16xf32>
      %parallel_loop3A_200 = arith.constant 5.000000e-01 : f32
      %parallel_loop3A_201 = vector.broadcast %parallel_loop3A_200 : f32 to vector<16xf32>
      %parallel_loop3A_202 = arith.addf %parallel_loop3A_201, %parallel_loop3A_199 : vector<16xf32>
      %parallel_loop3A_203 = vector.broadcast %parallel_loop3A_144 : f32 to vector<16xf32>
      %parallel_loop3A_204 = arith.mulf %parallel_loop3A_203, %get3A_92 : vector<16xf32>
      %parallel_loop3A_205 = arith.divf %parallel_loop3A_204, %parallel_loop3A_194 : vector<16xf32>
      %parallel_loop3A_206 = arith.constant 0.000000e+00 : f32
      %parallel_loop3A_207 = vector.broadcast %parallel_loop3A_206 : f32 to vector<16xf32>
      %parallel_loop3A_208 = arith.cmpf oeq, %parallel_loop3A_194, %parallel_loop3A_207 : vector<16xf32>
      %parallel_loop3A_209 = vector.broadcast %parallel_loop3A_142 : f32 to vector<16xf32>
      %parallel_loop3A_210 = arith.select %parallel_loop3A_208, %parallel_loop3A_209, %parallel_loop3A_205 : vector<16xi1>, vector<16xf32>
      %parallel_loop3A_211 = arith.constant 32 : i32
      %parallel_loop3A_212 = arith.addi %parallel_loop3A_152, %parallel_loop3A_211 : i32
      %parallel_loop3A_213 = arith.mulf %parallel_loop3A_202, %parallel_loop3A_210 : vector<16xf32>
      %parallel_loop3A_214 = arith.index_cast %parallel_loop3A_212 : i32 to index
      %parallel_loop3A_215 = tpu.vector_load %arg7[%parallel_loop3A_214] {strides = array<i32>} : memref<4096xf32, #tpu.memory_space<vmem>>, vector<16xf32>,
      %parallel_loop3A_216 = vector.shape_cast %parallel_loop3A_215 : vector<16xf32> to vector<16xf32>
      %parallel_loop3A_217 = vector.shape_cast %parallel_loop3A_213 : vector<16xf32> to vector<16xf32>
      tpu.vector_store %arg7[%parallel_loop3A_214], %parallel_loop3A_217 {add = true, strides = array<i32>} : memref<4096xf32, #tpu.memory_space<vmem>>, vector<16xf32>,
      %parallel_loop3A_218 = vector.broadcast %parallel_loop3A_150 : f32 to vector<16xf32>
      %parallel_loop3A_219 = arith.addf %get3A_22, %parallel_loop3A_218 : vector<16xf32>
      %parallel_loop3A_220 = vector.broadcast %parallel_loop3A_146 : f32 to vector<16xf32>
      %parallel_loop3A_221 = arith.mulf %get3A_47, %parallel_loop3A_220 : vector<16xf32>
      %parallel_loop3A_222 = vector.broadcast %parallel_loop3A_148 : f32 to vector<16xf32>
      %parallel_loop3A_223 = arith.mulf %get3A_72, %parallel_loop3A_222 : vector<16xf32>
      %parallel_loop3A_224 = arith.subf %parallel_loop3A_221, %parallel_loop3A_223 : vector<16xf32>
      %parallel_loop3A_225 = arith.constant 5.000000e-01 : f32
      %parallel_loop3A_226 = vector.broadcast %parallel_loop3A_225 : f32 to vector<16xf32>
      %parallel_loop3A_227 = arith.addf %parallel_loop3A_226, %parallel_loop3A_224 : vector<16xf32>
      %parallel_loop3A_228 = vector.broadcast %parallel_loop3A_144 : f32 to vector<16xf32>
      %parallel_loop3A_229 = arith.mulf %parallel_loop3A_228, %get3A_97 : vector<16xf32>
      %parallel_loop3A_230 = arith.divf %parallel_loop3A_229, %parallel_loop3A_219 : vector<16xf32>
      %parallel_loop3A_231 = arith.constant 48 : i32
      %parallel_loop3A_232 = arith.addi %parallel_loop3A_152, %parallel_loop3A_231 : i32
      %parallel_loop3A_233 = arith.mulf %parallel_loop3A_227, %parallel_loop3A_230 : vector<16xf32>
      %parallel_loop3A_234 = arith.index_cast %parallel_loop3A_232 : i32 to index
      %parallel_loop3A_235 = tpu.vector_load %arg7[%parallel_loop3A_234] {strides = array<i32>} : memref<4096xf32, #tpu.memory_space<vmem>>, vector<16xf32>,
      %parallel_loop3A_236 = vector.shape_cast %parallel_loop3A_235 : vector<16xf32> to vector<16xf32>
      %parallel_loop3A_237 = vector.shape_cast %parallel_loop3A_233 : vector<16xf32> to vector<16xf32>
      tpu.vector_store %arg7[%parallel_loop3A_234], %parallel_loop3A_237 {add = true, strides = array<i32>} : memref<4096xf32, #tpu.memory_space<vmem>>, vector<16xf32>,
      %parallel_loop3A_238 = vector.broadcast %parallel_loop3A_150 : f32 to vector<16xf32>
      %parallel_loop3A_239 = arith.addf %get3A_27, %parallel_loop3A_238 : vector<16xf32>
      %parallel_loop3A_240 = vector.broadcast %parallel_loop3A_146 : f32 to vector<16xf32>
      %parallel_loop3A_241 = arith.mulf %get3A_52, %parallel_loop3A_240 : vector<16xf32>
      %parallel_loop3A_242 = vector.broadcast %parallel_loop3A_148 : f32 to vector<16xf32>
      %parallel_loop3A_243 = arith.mulf %get3A_77, %parallel_loop3A_242 : vector<16xf32>
      %parallel_loop3A_244 = arith.subf %parallel_loop3A_241, %parallel_loop3A_243 : vector<16xf32>
      %parallel_loop3A_245 = arith.constant 5.000000e-01 : f32
      %parallel_loop3A_246 = vector.broadcast %parallel_loop3A_245 : f32 to vector<16xf32>
      %parallel_loop3A_247 = arith.addf %parallel_loop3A_246, %parallel_loop3A_244 : vector<16xf32>
      %parallel_loop3A_248 = vector.broadcast %parallel_loop3A_144 : f32 to vector<16xf32>
      %parallel_loop3A_249 = arith.mulf %parallel_loop3A_248, %get3A_102 : vector<16xf32>
      %parallel_loop3A_250 = arith.divf %parallel_loop3A_249, %parallel_loop3A_239 : vector<16xf32>
      %parallel_loop3A_251 = arith.constant 64 : i32
      %parallel_loop3A_252 = arith.addi %parallel_loop3A_152, %parallel_loop3A_251 : i32
      %parallel_loop3A_253 = arith.mulf %parallel_loop3A_247, %parallel_loop3A_250 : vector<16xf32>
      %parallel_loop3A_254 = arith.index_cast %parallel_loop3A_252 : i32 to index
      %parallel_loop3A_255 = tpu.vector_load %arg7[%parallel_loop3A_254] {strides = array<i32>} : memref<4096xf32, #tpu.memory_space<vmem>>, vector<16xf32>,
      %parallel_loop3A_256 = vector.shape_cast %parallel_loop3A_255 : vector<16xf32> to vector<16xf32>
      %parallel_loop3A_257 = vector.shape_cast %parallel_loop3A_253 : vector<16xf32> to vector<16xf32>
      tpu.vector_store %arg7[%parallel_loop3A_254], %parallel_loop3A_257 {add = true, strides = array<i32>} : memref<4096xf32, #tpu.memory_space<vmem>>, vector<16xf32>,
      %parallel_loop3A_258 = vector.extract_strided_slice %parallel_loop3A_111 {offsets = [1], sizes = [1], strides = [1]} : vector<16xf32> to vector<1xf32>
      %parallel_loop3A_259 = vector.extract %parallel_loop3A_258[0] : f32 from vector<1xf32>
      %parallel_loop3A_260 = vector.extract_strided_slice %parallel_loop3A_116 {offsets = [1], sizes = [1], strides = [1]} : vector<16xf32> to vector<1xf32>
      %parallel_loop3A_261 = vector.extract %parallel_loop3A_260[0] : f32 from vector<1xf32>
      %parallel_loop3A_262 = vector.extract_strided_slice %parallel_loop3A_121 {offsets = [1], sizes = [1], strides = [1]} : vector<16xf32> to vector<1xf32>
      %parallel_loop3A_263 = vector.extract %parallel_loop3A_262[0] : f32 from vector<1xf32>
      %parallel_loop3A_264 = vector.extract_strided_slice %parallel_loop3A_126 {offsets = [1], sizes = [1], strides = [1]} : vector<16xf32> to vector<1xf32>
      %parallel_loop3A_265 = vector.extract %parallel_loop3A_264[0] : f32 from vector<1xf32>
      %parallel_loop3A_266 = vector.extract_strided_slice %parallel_loop3A_131 {offsets = [1], sizes = [1], strides = [1]} : vector<16xf32> to vector<1xf32>
      %parallel_loop3A_267 = vector.extract %parallel_loop3A_266[0] : f32 from vector<1xf32>
      %parallel_loop3A_268 = vector.extract_strided_slice %parallel_loop3A_140 {offsets = [1], sizes = [1], strides = [1]} : vector<16xi32> to vector<1xi32>
      %parallel_loop3A_269 = vector.extract %parallel_loop3A_268[0] : i32 from vector<1xi32>
      %parallel_loop3A_270 = vector.broadcast %parallel_loop3A_267 : f32 to vector<16xf32>
      %parallel_loop3A_271 = arith.addf %get3A_7, %parallel_loop3A_270 : vector<16xf32>
      %parallel_loop3A_272 = vector.broadcast %parallel_loop3A_263 : f32 to vector<16xf32>
      %parallel_loop3A_273 = arith.mulf %get3A_32, %parallel_loop3A_272 : vector<16xf32>
      %parallel_loop3A_274 = vector.broadcast %parallel_loop3A_265 : f32 to vector<16xf32>
      %parallel_loop3A_275 = arith.mulf %get3A_57, %parallel_loop3A_274 : vector<16xf32>
      %parallel_loop3A_276 = arith.subf %parallel_loop3A_273, %parallel_loop3A_275 : vector<16xf32>
      %parallel_loop3A_277 = arith.constant 5.000000e-01 : f32
      %parallel_loop3A_278 = vector.broadcast %parallel_loop3A_277 : f32 to vector<16xf32>
      %parallel_loop3A_279 = arith.addf %parallel_loop3A_278, %parallel_loop3A_276 : vector<16xf32>
      %parallel_loop3A_280 = vector.broadcast %parallel_loop3A_261 : f32 to vector<16xf32>
      %parallel_loop3A_281 = arith.mulf %parallel_loop3A_280, %get3A_82 : vector<16xf32>
      %parallel_loop3A_282 = arith.divf %parallel_loop3A_281, %parallel_loop3A_271 : vector<16xf32>
      %parallel_loop3A_283 = arith.constant 0 : i32
      %parallel_loop3A_284 = arith.addi %parallel_loop3A_269, %parallel_loop3A_283 : i32
      %parallel_loop3A_285 = arith.mulf %parallel_loop3A_279, %parallel_loop3A_282 : vector<16xf32>
      %parallel_loop3A_286 = arith.index_cast %parallel_loop3A_284 : i32 to index
      %parallel_loop3A_287 = tpu.vector_load %arg7[%parallel_loop3A_286] {strides = array<i32>} : memref<4096xf32, #tpu.memory_space<vmem>>, vector<16xf32>,
      %parallel_loop3A_288 = vector.shape_cast %parallel_loop3A_287 : vector<16xf32> to vector<16xf32>
      %parallel_loop3A_289 = vector.shape_cast %parallel_loop3A_285 : vector<16xf32> to vector<16xf32>
      tpu.vector_store %arg7[%parallel_loop3A_286], %parallel_loop3A_289 {add = true, strides = array<i32>} : memref<4096xf32, #tpu.memory_space<vmem>>, vector<16xf32>,
      %parallel_loop3A_290 = vector.broadcast %parallel_loop3A_267 : f32 to vector<16xf32>
      %parallel_loop3A_291 = arith.addf %get3A_12, %parallel_loop3A_290 : vector<16xf32>
      %parallel_loop3A_292 = vector.broadcast %parallel_loop3A_263 : f32 to vector<16xf32>
      %parallel_loop3A_293 = arith.mulf %get3A_37, %parallel_loop3A_292 : vector<16xf32>
      %parallel_loop3A_294 = vector.broadcast %parallel_loop3A_265 : f32 to vector<16xf32>
      %parallel_loop3A_295 = arith.mulf %get3A_62, %parallel_loop3A_294 : vector<16xf32>
      %parallel_loop3A_296 = arith.subf %parallel_loop3A_293, %parallel_loop3A_295 : vector<16xf32>
      %parallel_loop3A_297 = arith.constant 5.000000e-01 : f32
      %parallel_loop3A_298 = vector.broadcast %parallel_loop3A_297 : f32 to vector<16xf32>
      %parallel_loop3A_299 = arith.addf %parallel_loop3A_298, %parallel_loop3A_296 : vector<16xf32>
      %parallel_loop3A_300 = vector.broadcast %parallel_loop3A_261 : f32 to vector<16xf32>
      %parallel_loop3A_301 = arith.mulf %parallel_loop3A_300, %get3A_87 : vector<16xf32>
      %parallel_loop3A_302 = arith.divf %parallel_loop3A_301, %parallel_loop3A_291 : vector<16xf32>
      %parallel_loop3A_303 = arith.constant 16 : i32
      %parallel_loop3A_304 = arith.addi %parallel_loop3A_269, %parallel_loop3A_303 : i32
      %parallel_loop3A_305 = arith.mulf %parallel_loop3A_299, %parallel_loop3A_302 : vector<16xf32>
      %parallel_loop3A_306 = arith.index_cast %parallel_loop3A_304 : i32 to index
      %parallel_loop3A_307 = tpu.vector_load %arg7[%parallel_loop3A_306] {strides = array<i32>} : memref<4096xf32, #tpu.memory_space<vmem>>, vector<16xf32>,
      %parallel_loop3A_308 = vector.shape_cast %parallel_loop3A_307 : vector<16xf32> to vector<16xf32>
      %parallel_loop3A_309 = vector.shape_cast %parallel_loop3A_305 : vector<16xf32> to vector<16xf32>
      tpu.vector_store %arg7[%parallel_loop3A_306], %parallel_loop3A_309 {add = true, strides = array<i32>} : memref<4096xf32, #tpu.memory_space<vmem>>, vector<16xf32>,
      %parallel_loop3A_310 = vector.broadcast %parallel_loop3A_267 : f32 to vector<16xf32>
      %parallel_loop3A_311 = arith.addf %get3A_17, %parallel_loop3A_310 : vector<16xf32>
      %parallel_loop3A_312 = vector.broadcast %parallel_loop3A_263 : f32 to vector<16xf32>
      %parallel_loop3A_313 = arith.mulf %get3A_42, %parallel_loop3A_312 : vector<16xf32>
      %parallel_loop3A_314 = vector.broadcast %parallel_loop3A_265 : f32 to vector<16xf32>
      %parallel_loop3A_315 = arith.mulf %get3A_67, %parallel_loop3A_314 : vector<16xf32>
      %parallel_loop3A_316 = arith.subf %parallel_loop3A_313, %parallel_loop3A_315 : vector<16xf32>
      %parallel_loop3A_317 = arith.constant 5.000000e-01 : f32
      %parallel_loop3A_318 = vector.broadcast %parallel_loop3A_317 : f32 to vector<16xf32>
      %parallel_loop3A_319 = arith.addf %parallel_loop3A_318, %parallel_loop3A_316 : vector<16xf32>
      %parallel_loop3A_320 = vector.broadcast %parallel_loop3A_261 : f32 to vector<16xf32>
      %parallel_loop3A_321 = arith.mulf %parallel_loop3A_320, %get3A_92 : vector<16xf32>
      %parallel_loop3A_322 = arith.divf %parallel_loop3A_321, %parallel_loop3A_311 : vector<16xf32>
      %parallel_loop3A_323 = arith.constant 0.000000e+00 : f32
      %parallel_loop3A_324 = vector.broadcast %parallel_loop3A_323 : f32 to vector<16xf32>
      %parallel_loop3A_325 = arith.cmpf oeq, %parallel_loop3A_311, %parallel_loop3A_324 : vector<16xf32>
      %parallel_loop3A_326 = vector.broadcast %parallel_loop3A_259 : f32 to vector<16xf32>
      %parallel_loop3A_327 = arith.select %parallel_loop3A_325, %parallel_loop3A_326, %parallel_loop3A_322 : vector<16xi1>, vector<16xf32>
      %parallel_loop3A_328 = arith.constant 32 : i32
      %parallel_loop3A_329 = arith.addi %parallel_loop3A_269, %parallel_loop3A_328 : i32
      %parallel_loop3A_330 = arith.mulf %parallel_loop3A_319, %parallel_loop3A_327 : vector<16xf32>
      %parallel_loop3A_331 = arith.index_cast %parallel_loop3A_329 : i32 to index
      %parallel_loop3A_332 = tpu.vector_load %arg7[%parallel_loop3A_331] {strides = array<i32>} : memref<4096xf32, #tpu.memory_space<vmem>>, vector<16xf32>,
      %parallel_loop3A_333 = vector.shape_cast %parallel_loop3A_332 : vector<16xf32> to vector<16xf32>
      %parallel_loop3A_334 = vector.shape_cast %parallel_loop3A_330 : vector<16xf32> to vector<16xf32>
      tpu.vector_store %arg7[%parallel_loop3A_331], %parallel_loop3A_334 {add = true, strides = array<i32>} : memref<4096xf32, #tpu.memory_space<vmem>>, vector<16xf32>,
      %parallel_loop3A_335 = vector.broadcast %parallel_loop3A_267 : f32 to vector<16xf32>
      %parallel_loop3A_336 = arith.addf %get3A_22, %parallel_loop3A_335 : vector<16xf32>
      %parallel_loop3A_337 = vector.broadcast %parallel_loop3A_263 : f32 to vector<16xf32>
      %parallel_loop3A_338 = arith.mulf %get3A_47, %parallel_loop3A_337 : vector<16xf32>
      %parallel_loop3A_339 = vector.broadcast %parallel_loop3A_265 : f32 to vector<16xf32>
      %parallel_loop3A_340 = arith.mulf %get3A_72, %parallel_loop3A_339 : vector<16xf32>
      %parallel_loop3A_341 = arith.subf %parallel_loop3A_338, %parallel_loop3A_340 : vector<16xf32>
      %parallel_loop3A_342 = arith.constant 5.000000e-01 : f32
      %parallel_loop3A_343 = vector.broadcast %parallel_loop3A_342 : f32 to vector<16xf32>
      %parallel_loop3A_344 = arith.addf %parallel_loop3A_343, %parallel_loop3A_341 : vector<16xf32>
      %parallel_loop3A_345 = vector.broadcast %parallel_loop3A_261 : f32 to vector<16xf32>
      %parallel_loop3A_346 = arith.mulf %parallel_loop3A_345, %get3A_97 : vector<16xf32>
      %parallel_loop3A_347 = arith.divf %parallel_loop3A_346, %parallel_loop3A_336 : vector<16xf32>
      %parallel_loop3A_348 = arith.constant 48 : i32
      %parallel_loop3A_349 = arith.addi %parallel_loop3A_269, %parallel_loop3A_348 : i32
      %parallel_loop3A_350 = arith.mulf %parallel_loop3A_344, %parallel_loop3A_347 : vector<16xf32>
      %parallel_loop3A_351 = arith.index_cast %parallel_loop3A_349 : i32 to index
      %parallel_loop3A_352 = tpu.vector_load %arg7[%parallel_loop3A_351] {strides = array<i32>} : memref<4096xf32, #tpu.memory_space<vmem>>, vector<16xf32>,
      %parallel_loop3A_353 = vector.shape_cast %parallel_loop3A_352 : vector<16xf32> to vector<16xf32>
      %parallel_loop3A_354 = vector.shape_cast %parallel_loop3A_350 : vector<16xf32> to vector<16xf32>
      tpu.vector_store %arg7[%parallel_loop3A_351], %parallel_loop3A_354 {add = true, strides = array<i32>} : memref<4096xf32, #tpu.memory_space<vmem>>, vector<16xf32>,
      %parallel_loop3A_355 = vector.broadcast %parallel_loop3A_267 : f32 to vector<16xf32>
      %parallel_loop3A_356 = arith.addf %get3A_27, %parallel_loop3A_355 : vector<16xf32>
      %parallel_loop3A_357 = vector.broadcast %parallel_loop3A_263 : f32 to vector<16xf32>
      %parallel_loop3A_358 = arith.mulf %get3A_52, %parallel_loop3A_357 : vector<16xf32>
      %parallel_loop3A_359 = vector.broadcast %parallel_loop3A_265 : f32 to vector<16xf32>
      %parallel_loop3A_360 = arith.mulf %get3A_77, %parallel_loop3A_359 : vector<16xf32>
      %parallel_loop3A_361 = arith.subf %parallel_loop3A_358, %parallel_loop3A_360 : vector<16xf32>
      %parallel_loop3A_362 = arith.constant 5.000000e-01 : f32
      %parallel_loop3A_363 = vector.broadcast %parallel_loop3A_362 : f32 to vector<16xf32>
      %parallel_loop3A_364 = arith.addf %parallel_loop3A_363, %parallel_loop3A_361 : vector<16xf32>
      %parallel_loop3A_365 = vector.broadcast %parallel_loop3A_261 : f32 to vector<16xf32>
      %parallel_loop3A_366 = arith.mulf %parallel_loop3A_365, %get3A_102 : vector<16xf32>
      %parallel_loop3A_367 = arith.divf %parallel_loop3A_366, %parallel_loop3A_356 : vector<16xf32>
      %parallel_loop3A_368 = arith.constant 64 : i32
      %parallel_loop3A_369 = arith.addi %parallel_loop3A_269, %parallel_loop3A_368 : i32
      %parallel_loop3A_370 = arith.mulf %parallel_loop3A_364, %parallel_loop3A_367 : vector<16xf32>
      %parallel_loop3A_371 = arith.index_cast %parallel_loop3A_369 : i32 to index
      %parallel_loop3A_372 = tpu.vector_load %arg7[%parallel_loop3A_371] {strides = array<i32>} : memref<4096xf32, #tpu.memory_space<vmem>>, vector<16xf32>,
      %parallel_loop3A_373 = vector.shape_cast %parallel_loop3A_372 : vector<16xf32> to vector<16xf32>
      %parallel_loop3A_374 = vector.shape_cast %parallel_loop3A_370 : vector<16xf32> to vector<16xf32>
      tpu.vector_store %arg7[%parallel_loop3A_371], %parallel_loop3A_374 {add = true, strides = array<i32>} : memref<4096xf32, #tpu.memory_space<vmem>>, vector<16xf32>,
      %parallel_loop3A_375 = vector.extract_strided_slice %parallel_loop3A_111 {offsets = [2], sizes = [1], strides = [1]} : vector<16xf32> to vector<1xf32>
      %parallel_loop3A_376 = vector.extract %parallel_loop3A_375[0] : f32 from vector<1xf32>
      %parallel_loop3A_377 = vector.extract_strided_slice %parallel_loop3A_116 {offsets = [2], sizes = [1], strides = [1]} : vector<16xf32> to vector<1xf32>
      %parallel_loop3A_378 = vector.extract %parallel_loop3A_377[0] : f32 from vector<1xf32>
      %parallel_loop3A_379 = vector.extract_strided_slice %parallel_loop3A_121 {offsets = [2], sizes = [1], strides = [1]} : vector<16xf32> to vector<1xf32>
      %parallel_loop3A_380 = vector.extract %parallel_loop3A_379[0] : f32 from vector<1xf32>
      %parallel_loop3A_381 = vector.extract_strided_slice %parallel_loop3A_126 {offsets = [2], sizes = [1], strides = [1]} : vector<16xf32> to vector<1xf32>
      %parallel_loop3A_382 = vector.extract %parallel_loop3A_381[0] : f32 from vector<1xf32>
      %parallel_loop3A_383 = vector.extract_strided_slice %parallel_loop3A_131 {offsets = [2], sizes = [1], strides = [1]} : vector<16xf32> to vector<1xf32>
      %parallel_loop3A_384 = vector.extract %parallel_loop3A_383[0] : f32 from vector<1xf32>
      %parallel_loop3A_385 = vector.extract_strided_slice %parallel_loop3A_140 {offsets = [2], sizes = [1], strides = [1]} : vector<16xi32> to vector<1xi32>
      %parallel_loop3A_386 = vector.extract %parallel_loop3A_385[0] : i32 from vector<1xi32>
      %parallel_loop3A_387 = vector.broadcast %parallel_loop3A_384 : f32 to vector<16xf32>
      %parallel_loop3A_388 = arith.addf %get3A_7, %parallel_loop3A_387 : vector<16xf32>
      %parallel_loop3A_389 = vector.broadcast %parallel_loop3A_380 : f32 to vector<16xf32>
      %parallel_loop3A_390 = arith.mulf %get3A_32, %parallel_loop3A_389 : vector<16xf32>
      %parallel_loop3A_391 = vector.broadcast %parallel_loop3A_382 : f32 to vector<16xf32>
      %parallel_loop3A_392 = arith.mulf %get3A_57, %parallel_loop3A_391 : vector<16xf32>
      %parallel_loop3A_393 = arith.subf %parallel_loop3A_390, %parallel_loop3A_392 : vector<16xf32>
      %parallel_loop3A_394 = arith.constant 5.000000e-01 : f32
      %parallel_loop3A_395 = vector.broadcast %parallel_loop3A_394 : f32 to vector<16xf32>
      %parallel_loop3A_396 = arith.addf %parallel_loop3A_395, %parallel_loop3A_393 : vector<16xf32>
      %parallel_loop3A_397 = vector.broadcast %parallel_loop3A_378 : f32 to vector<16xf32>
      %parallel_loop3A_398 = arith.mulf %parallel_loop3A_397, %get3A_82 : vector<16xf32>
      %parallel_loop3A_399 = arith.divf %parallel_loop3A_398, %parallel_loop3A_388 : vector<16xf32>
      %parallel_loop3A_400 = arith.constant 0 : i32
      %parallel_loop3A_401 = arith.addi %parallel_loop3A_386, %parallel_loop3A_400 : i32
      %parallel_loop3A_402 = arith.mulf %parallel_loop3A_396, %parallel_loop3A_399 : vector<16xf32>
      %parallel_loop3A_403 = arith.index_cast %parallel_loop3A_401 : i32 to index
      %parallel_loop3A_404 = tpu.vector_load %arg7[%parallel_loop3A_403] {strides = array<i32>} : memref<4096xf32, #tpu.memory_space<vmem>>, vector<16xf32>,
      %parallel_loop3A_405 = vector.shape_cast %parallel_loop3A_404 : vector<16xf32> to vector<16xf32>
      %parallel_loop3A_406 = vector.shape_cast %parallel_loop3A_402 : vector<16xf32> to vector<16xf32>
      tpu.vector_store %arg7[%parallel_loop3A_403], %parallel_loop3A_406 {add = true, strides = array<i32>} : memref<4096xf32, #tpu.memory_space<vmem>>, vector<16xf32>,
      %parallel_loop3A_407 = vector.broadcast %parallel_loop3A_384 : f32 to vector<16xf32>
      %parallel_loop3A_408 = arith.addf %get3A_12, %parallel_loop3A_407 : vector<16xf32>
      %parallel_loop3A_409 = vector.broadcast %parallel_loop3A_380 : f32 to vector<16xf32>
      %parallel_loop3A_410 = arith.mulf %get3A_37, %parallel_loop3A_409 : vector<16xf32>
      %parallel_loop3A_411 = vector.broadcast %parallel_loop3A_382 : f32 to vector<16xf32>
      %parallel_loop3A_412 = arith.mulf %get3A_62, %parallel_loop3A_411 : vector<16xf32>
      %parallel_loop3A_413 = arith.subf %parallel_loop3A_410, %parallel_loop3A_412 : vector<16xf32>
      %parallel_loop3A_414 = arith.constant 5.000000e-01 : f32
      %parallel_loop3A_415 = vector.broadcast %parallel_loop3A_414 : f32 to vector<16xf32>
      %parallel_loop3A_416 = arith.addf %parallel_loop3A_415, %parallel_loop3A_413 : vector<16xf32>
      %parallel_loop3A_417 = vector.broadcast %parallel_loop3A_378 : f32 to vector<16xf32>
      %parallel_loop3A_418 = arith.mulf %parallel_loop3A_417, %get3A_87 : vector<16xf32>
      %parallel_loop3A_419 = arith.divf %parallel_loop3A_418, %parallel_loop3A_408 : vector<16xf32>
      %parallel_loop3A_420 = arith.constant 16 : i32
      %parallel_loop3A_421 = arith.addi %parallel_loop3A_386, %parallel_loop3A_420 : i32
      %parallel_loop3A_422 = arith.mulf %parallel_loop3A_416, %parallel_loop3A_419 : vector<16xf32>
      %parallel_loop3A_423 = arith.index_cast %parallel_loop3A_421 : i32 to index
      %parallel_loop3A_424 = tpu.vector_load %arg7[%parallel_loop3A_423] {strides = array<i32>} : memref<4096xf32, #tpu.memory_space<vmem>>, vector<16xf32>,
      %parallel_loop3A_425 = vector.shape_cast %parallel_loop3A_424 : vector<16xf32> to vector<16xf32>
      %parallel_loop3A_426 = vector.shape_cast %parallel_loop3A_422 : vector<16xf32> to vector<16xf32>
      tpu.vector_store %arg7[%parallel_loop3A_423], %parallel_loop3A_426 {add = true, strides = array<i32>} : memref<4096xf32, #tpu.memory_space<vmem>>, vector<16xf32>,
      %parallel_loop3A_427 = vector.broadcast %parallel_loop3A_384 : f32 to vector<16xf32>
      %parallel_loop3A_428 = arith.addf %get3A_17, %parallel_loop3A_427 : vector<16xf32>
      %parallel_loop3A_429 = vector.broadcast %parallel_loop3A_380 : f32 to vector<16xf32>
      %parallel_loop3A_430 = arith.mulf %get3A_42, %parallel_loop3A_429 : vector<16xf32>
      %parallel_loop3A_431 = vector.broadcast %parallel_loop3A_382 : f32 to vector<16xf32>
      %parallel_loop3A_432 = arith.mulf %get3A_67, %parallel_loop3A_431 : vector<16xf32>
      %parallel_loop3A_433 = arith.subf %parallel_loop3A_430, %parallel_loop3A_432 : vector<16xf32>
      %parallel_loop3A_434 = arith.constant 5.000000e-01 : f32
      %parallel_loop3A_435 = vector.broadcast %parallel_loop3A_434 : f32 to vector<16xf32>
      %parallel_loop3A_436 = arith.addf %parallel_loop3A_435, %parallel_loop3A_433 : vector<16xf32>
      %parallel_loop3A_437 = vector.broadcast %parallel_loop3A_378 : f32 to vector<16xf32>
      %parallel_loop3A_438 = arith.mulf %parallel_loop3A_437, %get3A_92 : vector<16xf32>
      %parallel_loop3A_439 = arith.divf %parallel_loop3A_438, %parallel_loop3A_428 : vector<16xf32>
      %parallel_loop3A_440 = arith.constant 0.000000e+00 : f32
      %parallel_loop3A_441 = vector.broadcast %parallel_loop3A_440 : f32 to vector<16xf32>
      %parallel_loop3A_442 = arith.cmpf oeq, %parallel_loop3A_428, %parallel_loop3A_441 : vector<16xf32>
      %parallel_loop3A_443 = vector.broadcast %parallel_loop3A_376 : f32 to vector<16xf32>
      %parallel_loop3A_444 = arith.select %parallel_loop3A_442, %parallel_loop3A_443, %parallel_loop3A_439 : vector<16xi1>, vector<16xf32>
      %parallel_loop3A_445 = arith.constant 32 : i32
      %parallel_loop3A_446 = arith.addi %parallel_loop3A_386, %parallel_loop3A_445 : i32
      %parallel_loop3A_447 = arith.mulf %parallel_loop3A_436, %parallel_loop3A_444 : vector<16xf32>
      %parallel_loop3A_448 = arith.index_cast %parallel_loop3A_446 : i32 to index
      %parallel_loop3A_449 = tpu.vector_load %arg7[%parallel_loop3A_448] {strides = array<i32>} : memref<4096xf32, #tpu.memory_space<vmem>>, vector<16xf32>,
      %parallel_loop3A_450 = vector.shape_cast %parallel_loop3A_449 : vector<16xf32> to vector<16xf32>
      %parallel_loop3A_451 = vector.shape_cast %parallel_loop3A_447 : vector<16xf32> to vector<16xf32>
      tpu.vector_store %arg7[%parallel_loop3A_448], %parallel_loop3A_451 {add = true, strides = array<i32>} : memref<4096xf32, #tpu.memory_space<vmem>>, vector<16xf32>,
      %parallel_loop3A_452 = vector.broadcast %parallel_loop3A_384 : f32 to vector<16xf32>
      %parallel_loop3A_453 = arith.addf %get3A_22, %parallel_loop3A_452 : vector<16xf32>
      %parallel_loop3A_454 = vector.broadcast %parallel_loop3A_380 : f32 to vector<16xf32>
      %parallel_loop3A_455 = arith.mulf %get3A_47, %parallel_loop3A_454 : vector<16xf32>
      %parallel_loop3A_456 = vector.broadcast %parallel_loop3A_382 : f32 to vector<16xf32>
      %parallel_loop3A_457 = arith.mulf %get3A_72, %parallel_loop3A_456 : vector<16xf32>
      %parallel_loop3A_458 = arith.subf %parallel_loop3A_455, %parallel_loop3A_457 : vector<16xf32>
      %parallel_loop3A_459 = arith.constant 5.000000e-01 : f32
      %parallel_loop3A_460 = vector.broadcast %parallel_loop3A_459 : f32 to vector<16xf32>
      %parallel_loop3A_461 = arith.addf %parallel_loop3A_460, %parallel_loop3A_458 : vector<16xf32>
      %parallel_loop3A_462 = vector.broadcast %parallel_loop3A_378 : f32 to vector<16xf32>
      %parallel_loop3A_463 = arith.mulf %parallel_loop3A_462, %get3A_97 : vector<16xf32>
      %parallel_loop3A_464 = arith.divf %parallel_loop3A_463, %parallel_loop3A_453 : vector<16xf32>
      %parallel_loop3A_465 = arith.constant 48 : i32
      %parallel_loop3A_466 = arith.addi %parallel_loop3A_386, %parallel_loop3A_465 : i32
      %parallel_loop3A_467 = arith.mulf %parallel_loop3A_461, %parallel_loop3A_464 : vector<16xf32>
      %parallel_loop3A_468 = arith.index_cast %parallel_loop3A_466 : i32 to index
      %parallel_loop3A_469 = tpu.vector_load %arg7[%parallel_loop3A_468] {strides = array<i32>} : memref<4096xf32, #tpu.memory_space<vmem>>, vector<16xf32>,
      %parallel_loop3A_470 = vector.shape_cast %parallel_loop3A_469 : vector<16xf32> to vector<16xf32>
      %parallel_loop3A_471 = vector.shape_cast %parallel_loop3A_467 : vector<16xf32> to vector<16xf32>
      tpu.vector_store %arg7[%parallel_loop3A_468], %parallel_loop3A_471 {add = true, strides = array<i32>} : memref<4096xf32, #tpu.memory_space<vmem>>, vector<16xf32>,
      %parallel_loop3A_472 = vector.broadcast %parallel_loop3A_384 : f32 to vector<16xf32>
      %parallel_loop3A_473 = arith.addf %get3A_27, %parallel_loop3A_472 : vector<16xf32>
      %parallel_loop3A_474 = vector.broadcast %parallel_loop3A_380 : f32 to vector<16xf32>
      %parallel_loop3A_475 = arith.mulf %get3A_52, %parallel_loop3A_474 : vector<16xf32>
      %parallel_loop3A_476 = vector.broadcast %parallel_loop3A_382 : f32 to vector<16xf32>
      %parallel_loop3A_477 = arith.mulf %get3A_77, %parallel_loop3A_476 : vector<16xf32>
      %parallel_loop3A_478 = arith.subf %parallel_loop3A_475, %parallel_loop3A_477 : vector<16xf32>
      %parallel_loop3A_479 = arith.constant 5.000000e-01 : f32
      %parallel_loop3A_480 = vector.broadcast %parallel_loop3A_479 : f32 to vector<16xf32>
      %parallel_loop3A_481 = arith.addf %parallel_loop3A_480, %parallel_loop3A_478 : vector<16xf32>
      %parallel_loop3A_482 = vector.broadcast %parallel_loop3A_378 : f32 to vector<16xf32>
      %parallel_loop3A_483 = arith.mulf %parallel_loop3A_482, %get3A_102 : vector<16xf32>
      %parallel_loop3A_484 = arith.divf %parallel_loop3A_483, %parallel_loop3A_473 : vector<16xf32>
      %parallel_loop3A_485 = arith.constant 64 : i32
      %parallel_loop3A_486 = arith.addi %parallel_loop3A_386, %parallel_loop3A_485 : i32
      %parallel_loop3A_487 = arith.mulf %parallel_loop3A_481, %parallel_loop3A_484 : vector<16xf32>
      %parallel_loop3A_488 = arith.index_cast %parallel_loop3A_486 : i32 to index
      %parallel_loop3A_489 = tpu.vector_load %arg7[%parallel_loop3A_488] {strides = array<i32>} : memref<4096xf32, #tpu.memory_space<vmem>>, vector<16xf32>,
      %parallel_loop3A_490 = vector.shape_cast %parallel_loop3A_489 : vector<16xf32> to vector<16xf32>
      %parallel_loop3A_491 = vector.shape_cast %parallel_loop3A_487 : vector<16xf32> to vector<16xf32>
      tpu.vector_store %arg7[%parallel_loop3A_488], %parallel_loop3A_491 {add = true, strides = array<i32>} : memref<4096xf32, #tpu.memory_space<vmem>>, vector<16xf32>,
      %parallel_loop3A_492 = vector.extract_strided_slice %parallel_loop3A_111 {offsets = [3], sizes = [1], strides = [1]} : vector<16xf32> to vector<1xf32>
      %parallel_loop3A_493 = vector.extract %parallel_loop3A_492[0] : f32 from vector<1xf32>
      %parallel_loop3A_494 = vector.extract_strided_slice %parallel_loop3A_116 {offsets = [3], sizes = [1], strides = [1]} : vector<16xf32> to vector<1xf32>
      %parallel_loop3A_495 = vector.extract %parallel_loop3A_494[0] : f32 from vector<1xf32>
      %parallel_loop3A_496 = vector.extract_strided_slice %parallel_loop3A_121 {offsets = [3], sizes = [1], strides = [1]} : vector<16xf32> to vector<1xf32>
      %parallel_loop3A_497 = vector.extract %parallel_loop3A_496[0] : f32 from vector<1xf32>
      %parallel_loop3A_498 = vector.extract_strided_slice %parallel_loop3A_126 {offsets = [3], sizes = [1], strides = [1]} : vector<16xf32> to vector<1xf32>
      %parallel_loop3A_499 = vector.extract %parallel_loop3A_498[0] : f32 from vector<1xf32>
      %parallel_loop3A_500 = vector.extract_strided_slice %parallel_loop3A_131 {offsets = [3], sizes = [1], strides = [1]} : vector<16xf32> to vector<1xf32>
      %parallel_loop3A_501 = vector.extract %parallel_loop3A_500[0] : f32 from vector<1xf32>
      %parallel_loop3A_502 = vector.extract_strided_slice %parallel_loop3A_140 {offsets = [3], sizes = [1], strides = [1]} : vector<16xi32> to vector<1xi32>
      %parallel_loop3A_503 = vector.extract %parallel_loop3A_502[0] : i32 from vector<1xi32>
      %parallel_loop3A_504 = vector.broadcast %parallel_loop3A_501 : f32 to vector<16xf32>
      %parallel_loop3A_505 = arith.addf %get3A_7, %parallel_loop3A_504 : vector<16xf32>
      %parallel_loop3A_506 = vector.broadcast %parallel_loop3A_497 : f32 to vector<16xf32>
      %parallel_loop3A_507 = arith.mulf %get3A_32, %parallel_loop3A_506 : vector<16xf32>
      %parallel_loop3A_508 = vector.broadcast %parallel_loop3A_499 : f32 to vector<16xf32>
      %parallel_loop3A_509 = arith.mulf %get3A_57, %parallel_loop3A_508 : vector<16xf32>
      %parallel_loop3A_510 = arith.subf %parallel_loop3A_507, %parallel_loop3A_509 : vector<16xf32>
      %parallel_loop3A_511 = arith.constant 5.000000e-01 : f32
      %parallel_loop3A_512 = vector.broadcast %parallel_loop3A_511 : f32 to vector<16xf32>
      %parallel_loop3A_513 = arith.addf %parallel_loop3A_512, %parallel_loop3A_510 : vector<16xf32>
      %parallel_loop3A_514 = vector.broadcast %parallel_loop3A_495 : f32 to vector<16xf32>
      %parallel_loop3A_515 = arith.mulf %parallel_loop3A_514, %get3A_82 : vector<16xf32>
      %parallel_loop3A_516 = arith.divf %parallel_loop3A_515, %parallel_loop3A_505 : vector<16xf32>
      %parallel_loop3A_517 = arith.constant 0 : i32
      %parallel_loop3A_518 = arith.addi %parallel_loop3A_503, %parallel_loop3A_517 : i32
      %parallel_loop3A_519 = arith.mulf %parallel_loop3A_513, %parallel_loop3A_516 : vector<16xf32>
      %parallel_loop3A_520 = arith.index_cast %parallel_loop3A_518 : i32 to index
      %parallel_loop3A_521 = tpu.vector_load %arg7[%parallel_loop3A_520] {strides = array<i32>} : memref<4096xf32, #tpu.memory_space<vmem>>, vector<16xf32>,
      %parallel_loop3A_522 = vector.shape_cast %parallel_loop3A_521 : vector<16xf32> to vector<16xf32>
      %parallel_loop3A_523 = vector.shape_cast %parallel_loop3A_519 : vector<16xf32> to vector<16xf32>
      tpu.vector_store %arg7[%parallel_loop3A_520], %parallel_loop3A_523 {add = true, strides = array<i32>} : memref<4096xf32, #tpu.memory_space<vmem>>, vector<16xf32>,
      %parallel_loop3A_524 = vector.broadcast %parallel_loop3A_501 : f32 to vector<16xf32>
      %parallel_loop3A_525 = arith.addf %get3A_12, %parallel_loop3A_524 : vector<16xf32>
      %parallel_loop3A_526 = vector.broadcast %parallel_loop3A_497 : f32 to vector<16xf32>
      %parallel_loop3A_527 = arith.mulf %get3A_37, %parallel_loop3A_526 : vector<16xf32>
      %parallel_loop3A_528 = vector.broadcast %parallel_loop3A_499 : f32 to vector<16xf32>
      %parallel_loop3A_529 = arith.mulf %get3A_62, %parallel_loop3A_528 : vector<16xf32>
      %parallel_loop3A_530 = arith.subf %parallel_loop3A_527, %parallel_loop3A_529 : vector<16xf32>
      %parallel_loop3A_531 = arith.constant 5.000000e-01 : f32
      %parallel_loop3A_532 = vector.broadcast %parallel_loop3A_531 : f32 to vector<16xf32>
      %parallel_loop3A_533 = arith.addf %parallel_loop3A_532, %parallel_loop3A_530 : vector<16xf32>
      %parallel_loop3A_534 = vector.broadcast %parallel_loop3A_495 : f32 to vector<16xf32>
      %parallel_loop3A_535 = arith.mulf %parallel_loop3A_534, %get3A_87 : vector<16xf32>
      %parallel_loop3A_536 = arith.divf %parallel_loop3A_535, %parallel_loop3A_525 : vector<16xf32>
      %parallel_loop3A_537 = arith.constant 16 : i32
      %parallel_loop3A_538 = arith.addi %parallel_loop3A_503, %parallel_loop3A_537 : i32
      %parallel_loop3A_539 = arith.mulf %parallel_loop3A_533, %parallel_loop3A_536 : vector<16xf32>
      %parallel_loop3A_540 = arith.index_cast %parallel_loop3A_538 : i32 to index
      %parallel_loop3A_541 = tpu.vector_load %arg7[%parallel_loop3A_540] {strides = array<i32>} : memref<4096xf32, #tpu.memory_space<vmem>>, vector<16xf32>,
      %parallel_loop3A_542 = vector.shape_cast %parallel_loop3A_541 : vector<16xf32> to vector<16xf32>
      %parallel_loop3A_543 = vector.shape_cast %parallel_loop3A_539 : vector<16xf32> to vector<16xf32>
      tpu.vector_store %arg7[%parallel_loop3A_540], %parallel_loop3A_543 {add = true, strides = array<i32>} : memref<4096xf32, #tpu.memory_space<vmem>>, vector<16xf32>,
      %parallel_loop3A_544 = vector.broadcast %parallel_loop3A_501 : f32 to vector<16xf32>
      %parallel_loop3A_545 = arith.addf %get3A_17, %parallel_loop3A_544 : vector<16xf32>
      %parallel_loop3A_546 = vector.broadcast %parallel_loop3A_497 : f32 to vector<16xf32>
      %parallel_loop3A_547 = arith.mulf %get3A_42, %parallel_loop3A_546 : vector<16xf32>
      %parallel_loop3A_548 = vector.broadcast %parallel_loop3A_499 : f32 to vector<16xf32>
      %parallel_loop3A_549 = arith.mulf %get3A_67, %parallel_loop3A_548 : vector<16xf32>
      %parallel_loop3A_550 = arith.subf %parallel_loop3A_547, %parallel_loop3A_549 : vector<16xf32>
      %parallel_loop3A_551 = arith.constant 5.000000e-01 : f32
      %parallel_loop3A_552 = vector.broadcast %parallel_loop3A_551 : f32 to vector<16xf32>
      %parallel_loop3A_553 = arith.addf %parallel_loop3A_552, %parallel_loop3A_550 : vector<16xf32>
      %parallel_loop3A_554 = vector.broadcast %parallel_loop3A_495 : f32 to vector<16xf32>
      %parallel_loop3A_555 = arith.mulf %parallel_loop3A_554, %get3A_92 : vector<16xf32>
      %parallel_loop3A_556 = arith.divf %parallel_loop3A_555, %parallel_loop3A_545 : vector<16xf32>
      %parallel_loop3A_557 = arith.constant 0.000000e+00 : f32
      %parallel_loop3A_558 = vector.broadcast %parallel_loop3A_557 : f32 to vector<16xf32>
      %parallel_loop3A_559 = arith.cmpf oeq, %parallel_loop3A_545, %parallel_loop3A_558 : vector<16xf32>
      %parallel_loop3A_560 = vector.broadcast %parallel_loop3A_493 : f32 to vector<16xf32>
      %parallel_loop3A_561 = arith.select %parallel_loop3A_559, %parallel_loop3A_560, %parallel_loop3A_556 : vector<16xi1>, vector<16xf32>
      %parallel_loop3A_562 = arith.constant 32 : i32
      %parallel_loop3A_563 = arith.addi %parallel_loop3A_503, %parallel_loop3A_562 : i32
      %parallel_loop3A_564 = arith.mulf %parallel_loop3A_553, %parallel_loop3A_561 : vector<16xf32>
      %parallel_loop3A_565 = arith.index_cast %parallel_loop3A_563 : i32 to index
      %parallel_loop3A_566 = tpu.vector_load %arg7[%parallel_loop3A_565] {strides = array<i32>} : memref<4096xf32, #tpu.memory_space<vmem>>, vector<16xf32>,
      %parallel_loop3A_567 = vector.shape_cast %parallel_loop3A_566 : vector<16xf32> to vector<16xf32>
      %parallel_loop3A_568 = vector.shape_cast %parallel_loop3A_564 : vector<16xf32> to vector<16xf32>
      tpu.vector_store %arg7[%parallel_loop3A_565], %parallel_loop3A_568 {add = true, strides = array<i32>} : memref<4096xf32, #tpu.memory_space<vmem>>, vector<16xf32>,
      %parallel_loop3A_569 = vector.broadcast %parallel_loop3A_501 : f32 to vector<16xf32>
      %parallel_loop3A_570 = arith.addf %get3A_22, %parallel_loop3A_569 : vector<16xf32>
      %parallel_loop3A_571 = vector.broadcast %parallel_loop3A_497 : f32 to vector<16xf32>
      %parallel_loop3A_572 = arith.mulf %get3A_47, %parallel_loop3A_571 : vector<16xf32>
      %parallel_loop3A_573 = vector.broadcast %parallel_loop3A_499 : f32 to vector<16xf32>
      %parallel_loop3A_574 = arith.mulf %get3A_72, %parallel_loop3A_573 : vector<16xf32>
      %parallel_loop3A_575 = arith.subf %parallel_loop3A_572, %parallel_loop3A_574 : vector<16xf32>
      %parallel_loop3A_576 = arith.constant 5.000000e-01 : f32
      %parallel_loop3A_577 = vector.broadcast %parallel_loop3A_576 : f32 to vector<16xf32>
      %parallel_loop3A_578 = arith.addf %parallel_loop3A_577, %parallel_loop3A_575 : vector<16xf32>
      %parallel_loop3A_579 = vector.broadcast %parallel_loop3A_495 : f32 to vector<16xf32>
      %parallel_loop3A_580 = arith.mulf %parallel_loop3A_579, %get3A_97 : vector<16xf32>
      %parallel_loop3A_581 = arith.divf %parallel_loop3A_580, %parallel_loop3A_570 : vector<16xf32>
      %parallel_loop3A_582 = arith.constant 48 : i32
      %parallel_loop3A_583 = arith.addi %parallel_loop3A_503, %parallel_loop3A_582 : i32
      %parallel_loop3A_584 = arith.mulf %parallel_loop3A_578, %parallel_loop3A_581 : vector<16xf32>
      %parallel_loop3A_585 = arith.index_cast %parallel_loop3A_583 : i32 to index
      %parallel_loop3A_586 = tpu.vector_load %arg7[%parallel_loop3A_585] {strides = array<i32>} : memref<4096xf32, #tpu.memory_space<vmem>>, vector<16xf32>,
      %parallel_loop3A_587 = vector.shape_cast %parallel_loop3A_586 : vector<16xf32> to vector<16xf32>
      %parallel_loop3A_588 = vector.shape_cast %parallel_loop3A_584 : vector<16xf32> to vector<16xf32>
      tpu.vector_store %arg7[%parallel_loop3A_585], %parallel_loop3A_588 {add = true, strides = array<i32>} : memref<4096xf32, #tpu.memory_space<vmem>>, vector<16xf32>,
      %parallel_loop3A_589 = vector.broadcast %parallel_loop3A_501 : f32 to vector<16xf32>
      %parallel_loop3A_590 = arith.addf %get3A_27, %parallel_loop3A_589 : vector<16xf32>
      %parallel_loop3A_591 = vector.broadcast %parallel_loop3A_497 : f32 to vector<16xf32>
      %parallel_loop3A_592 = arith.mulf %get3A_52, %parallel_loop3A_591 : vector<16xf32>
      %parallel_loop3A_593 = vector.broadcast %parallel_loop3A_499 : f32 to vector<16xf32>
      %parallel_loop3A_594 = arith.mulf %get3A_77, %parallel_loop3A_593 : vector<16xf32>
      %parallel_loop3A_595 = arith.subf %parallel_loop3A_592, %parallel_loop3A_594 : vector<16xf32>
      %parallel_loop3A_596 = arith.constant 5.000000e-01 : f32
      %parallel_loop3A_597 = vector.broadcast %parallel_loop3A_596 : f32 to vector<16xf32>
      %parallel_loop3A_598 = arith.addf %parallel_loop3A_597, %parallel_loop3A_595 : vector<16xf32>
      %parallel_loop3A_599 = vector.broadcast %parallel_loop3A_495 : f32 to vector<16xf32>
      %parallel_loop3A_600 = arith.mulf %parallel_loop3A_599, %get3A_102 : vector<16xf32>
      %parallel_loop3A_601 = arith.divf %parallel_loop3A_600, %parallel_loop3A_590 : vector<16xf32>
      %parallel_loop3A_602 = arith.constant 64 : i32
      %parallel_loop3A_603 = arith.addi %parallel_loop3A_503, %parallel_loop3A_602 : i32
      %parallel_loop3A_604 = arith.mulf %parallel_loop3A_598, %parallel_loop3A_601 : vector<16xf32>
      %parallel_loop3A_605 = arith.index_cast %parallel_loop3A_603 : i32 to index
      %parallel_loop3A_606 = tpu.vector_load %arg7[%parallel_loop3A_605] {strides = array<i32>} : memref<4096xf32, #tpu.memory_space<vmem>>, vector<16xf32>,
      %parallel_loop3A_607 = vector.shape_cast %parallel_loop3A_606 : vector<16xf32> to vector<16xf32>
      %parallel_loop3A_608 = vector.shape_cast %parallel_loop3A_604 : vector<16xf32> to vector<16xf32>
      tpu.vector_store %arg7[%parallel_loop3A_605], %parallel_loop3A_608 {add = true, strides = array<i32>} : memref<4096xf32, #tpu.memory_space<vmem>>, vector<16xf32>,
      %parallel_loop3A_609 = vector.extract_strided_slice %parallel_loop3A_111 {offsets = [4], sizes = [1], strides = [1]} : vector<16xf32> to vector<1xf32>
      %parallel_loop3A_610 = vector.extract %parallel_loop3A_609[0] : f32 from vector<1xf32>
      %parallel_loop3A_611 = vector.extract_strided_slice %parallel_loop3A_116 {offsets = [4], sizes = [1], strides = [1]} : vector<16xf32> to vector<1xf32>
      %parallel_loop3A_612 = vector.extract %parallel_loop3A_611[0] : f32 from vector<1xf32>
      %parallel_loop3A_613 = vector.extract_strided_slice %parallel_loop3A_121 {offsets = [4], sizes = [1], strides = [1]} : vector<16xf32> to vector<1xf32>
      %parallel_loop3A_614 = vector.extract %parallel_loop3A_613[0] : f32 from vector<1xf32>
      %parallel_loop3A_615 = vector.extract_strided_slice %parallel_loop3A_126 {offsets = [4], sizes = [1], strides = [1]} : vector<16xf32> to vector<1xf32>
      %parallel_loop3A_616 = vector.extract %parallel_loop3A_615[0] : f32 from vector<1xf32>
      %parallel_loop3A_617 = vector.extract_strided_slice %parallel_loop3A_131 {offsets = [4], sizes = [1], strides = [1]} : vector<16xf32> to vector<1xf32>
      %parallel_loop3A_618 = vector.extract %parallel_loop3A_617[0] : f32 from vector<1xf32>
      %parallel_loop3A_619 = vector.extract_strided_slice %parallel_loop3A_140 {offsets = [4], sizes = [1], strides = [1]} : vector<16xi32> to vector<1xi32>
      %parallel_loop3A_620 = vector.extract %parallel_loop3A_619[0] : i32 from vector<1xi32>
      %parallel_loop3A_621 = vector.broadcast %parallel_loop3A_618 : f32 to vector<16xf32>
      %parallel_loop3A_622 = arith.addf %get3A_7, %parallel_loop3A_621 : vector<16xf32>
      %parallel_loop3A_623 = vector.broadcast %parallel_loop3A_614 : f32 to vector<16xf32>
      %parallel_loop3A_624 = arith.mulf %get3A_32, %parallel_loop3A_623 : vector<16xf32>
      %parallel_loop3A_625 = vector.broadcast %parallel_loop3A_616 : f32 to vector<16xf32>
      %parallel_loop3A_626 = arith.mulf %get3A_57, %parallel_loop3A_625 : vector<16xf32>
      %parallel_loop3A_627 = arith.subf %parallel_loop3A_624, %parallel_loop3A_626 : vector<16xf32>
      %parallel_loop3A_628 = arith.constant 5.000000e-01 : f32
      %parallel_loop3A_629 = vector.broadcast %parallel_loop3A_628 : f32 to vector<16xf32>
      %parallel_loop3A_630 = arith.addf %parallel_loop3A_629, %parallel_loop3A_627 : vector<16xf32>
      %parallel_loop3A_631 = vector.broadcast %parallel_loop3A_612 : f32 to vector<16xf32>
      %parallel_loop3A_632 = arith.mulf %parallel_loop3A_631, %get3A_82 : vector<16xf32>
      %parallel_loop3A_633 = arith.divf %parallel_loop3A_632, %parallel_loop3A_622 : vector<16xf32>
      %parallel_loop3A_634 = arith.constant 0 : i32
      %parallel_loop3A_635 = arith.addi %parallel_loop3A_620, %parallel_loop3A_634 : i32
      %parallel_loop3A_636 = arith.mulf %parallel_loop3A_630, %parallel_loop3A_633 : vector<16xf32>
      %parallel_loop3A_637 = arith.index_cast %parallel_loop3A_635 : i32 to index
      %parallel_loop3A_638 = tpu.vector_load %arg7[%parallel_loop3A_637] {strides = array<i32>} : memref<4096xf32, #tpu.memory_space<vmem>>, vector<16xf32>,
      %parallel_loop3A_639 = vector.shape_cast %parallel_loop3A_638 : vector<16xf32> to vector<16xf32>
      %parallel_loop3A_640 = vector.shape_cast %parallel_loop3A_636 : vector<16xf32> to vector<16xf32>
      tpu.vector_store %arg7[%parallel_loop3A_637], %parallel_loop3A_640 {add = true, strides = array<i32>} : memref<4096xf32, #tpu.memory_space<vmem>>, vector<16xf32>,
      %parallel_loop3A_641 = vector.broadcast %parallel_loop3A_618 : f32 to vector<16xf32>
      %parallel_loop3A_642 = arith.addf %get3A_12, %parallel_loop3A_641 : vector<16xf32>
      %parallel_loop3A_643 = vector.broadcast %parallel_loop3A_614 : f32 to vector<16xf32>
      %parallel_loop3A_644 = arith.mulf %get3A_37, %parallel_loop3A_643 : vector<16xf32>
      %parallel_loop3A_645 = vector.broadcast %parallel_loop3A_616 : f32 to vector<16xf32>
      %parallel_loop3A_646 = arith.mulf %get3A_62, %parallel_loop3A_645 : vector<16xf32>
      %parallel_loop3A_647 = arith.subf %parallel_loop3A_644, %parallel_loop3A_646 : vector<16xf32>
      %parallel_loop3A_648 = arith.constant 5.000000e-01 : f32
      %parallel_loop3A_649 = vector.broadcast %parallel_loop3A_648 : f32 to vector<16xf32>
      %parallel_loop3A_650 = arith.addf %parallel_loop3A_649, %parallel_loop3A_647 : vector<16xf32>
      %parallel_loop3A_651 = vector.broadcast %parallel_loop3A_612 : f32 to vector<16xf32>
      %parallel_loop3A_652 = arith.mulf %parallel_loop3A_651, %get3A_87 : vector<16xf32>
      %parallel_loop3A_653 = arith.divf %parallel_loop3A_652, %parallel_loop3A_642 : vector<16xf32>
      %parallel_loop3A_654 = arith.constant 16 : i32
      %parallel_loop3A_655 = arith.addi %parallel_loop3A_620, %parallel_loop3A_654 : i32
      %parallel_loop3A_656 = arith.mulf %parallel_loop3A_650, %parallel_loop3A_653 : vector<16xf32>
      %parallel_loop3A_657 = arith.index_cast %parallel_loop3A_655 : i32 to index
      %parallel_loop3A_658 = tpu.vector_load %arg7[%parallel_loop3A_657] {strides = array<i32>} : memref<4096xf32, #tpu.memory_space<vmem>>, vector<16xf32>,
      %parallel_loop3A_659 = vector.shape_cast %parallel_loop3A_658 : vector<16xf32> to vector<16xf32>
      %parallel_loop3A_660 = vector.shape_cast %parallel_loop3A_656 : vector<16xf32> to vector<16xf32>
      tpu.vector_store %arg7[%parallel_loop3A_657], %parallel_loop3A_660 {add = true, strides = array<i32>} : memref<4096xf32, #tpu.memory_space<vmem>>, vector<16xf32>,
      %parallel_loop3A_661 = vector.broadcast %parallel_loop3A_618 : f32 to vector<16xf32>
      %parallel_loop3A_662 = arith.addf %get3A_17, %parallel_loop3A_661 : vector<16xf32>
      %parallel_loop3A_663 = vector.broadcast %parallel_loop3A_614 : f32 to vector<16xf32>
      %parallel_loop3A_664 = arith.mulf %get3A_42, %parallel_loop3A_663 : vector<16xf32>
      %parallel_loop3A_665 = vector.broadcast %parallel_loop3A_616 : f32 to vector<16xf32>
      %parallel_loop3A_666 = arith.mulf %get3A_67, %parallel_loop3A_665 : vector<16xf32>
      %parallel_loop3A_667 = arith.subf %parallel_loop3A_664, %parallel_loop3A_666 : vector<16xf32>
      %parallel_loop3A_668 = arith.constant 5.000000e-01 : f32
      %parallel_loop3A_669 = vector.broadcast %parallel_loop3A_668 : f32 to vector<16xf32>
      %parallel_loop3A_670 = arith.addf %parallel_loop3A_669, %parallel_loop3A_667 : vector<16xf32>
      %parallel_loop3A_671 = vector.broadcast %parallel_loop3A_612 : f32 to vector<16xf32>
      %parallel_loop3A_672 = arith.mulf %parallel_loop3A_671, %get3A_92 : vector<16xf32>
      %parallel_loop3A_673 = arith.divf %parallel_loop3A_672, %parallel_loop3A_662 : vector<16xf32>
      %parallel_loop3A_674 = arith.constant 0.000000e+00 : f32
      %parallel_loop3A_675 = vector.broadcast %parallel_loop3A_674 : f32 to vector<16xf32>
      %parallel_loop3A_676 = arith.cmpf oeq, %parallel_loop3A_662, %parallel_loop3A_675 : vector<16xf32>
      %parallel_loop3A_677 = vector.broadcast %parallel_loop3A_610 : f32 to vector<16xf32>
      %parallel_loop3A_678 = arith.select %parallel_loop3A_676, %parallel_loop3A_677, %parallel_loop3A_673 : vector<16xi1>, vector<16xf32>
      %parallel_loop3A_679 = arith.constant 32 : i32
      %parallel_loop3A_680 = arith.addi %parallel_loop3A_620, %parallel_loop3A_679 : i32
      %parallel_loop3A_681 = arith.mulf %parallel_loop3A_670, %parallel_loop3A_678 : vector<16xf32>
      %parallel_loop3A_682 = arith.index_cast %parallel_loop3A_680 : i32 to index
      %parallel_loop3A_683 = tpu.vector_load %arg7[%parallel_loop3A_682] {strides = array<i32>} : memref<4096xf32, #tpu.memory_space<vmem>>, vector<16xf32>,
      %parallel_loop3A_684 = vector.shape_cast %parallel_loop3A_683 : vector<16xf32> to vector<16xf32>
      %parallel_loop3A_685 = vector.shape_cast %parallel_loop3A_681 : vector<16xf32> to vector<16xf32>
      tpu.vector_store %arg7[%parallel_loop3A_682], %parallel_loop3A_685 {add = true, strides = array<i32>} : memref<4096xf32, #tpu.memory_space<vmem>>, vector<16xf32>,
      %parallel_loop3A_686 = vector.broadcast %parallel_loop3A_618 : f32 to vector<16xf32>
      %parallel_loop3A_687 = arith.addf %get3A_22, %parallel_loop3A_686 : vector<16xf32>
      %parallel_loop3A_688 = vector.broadcast %parallel_loop3A_614 : f32 to vector<16xf32>
      %parallel_loop3A_689 = arith.mulf %get3A_47, %parallel_loop3A_688 : vector<16xf32>
      %parallel_loop3A_690 = vector.broadcast %parallel_loop3A_616 : f32 to vector<16xf32>
      %parallel_loop3A_691 = arith.mulf %get3A_72, %parallel_loop3A_690 : vector<16xf32>
      %parallel_loop3A_692 = arith.subf %parallel_loop3A_689, %parallel_loop3A_691 : vector<16xf32>
      %parallel_loop3A_693 = arith.constant 5.000000e-01 : f32
      %parallel_loop3A_694 = vector.broadcast %parallel_loop3A_693 : f32 to vector<16xf32>
      %parallel_loop3A_695 = arith.addf %parallel_loop3A_694, %parallel_loop3A_692 : vector<16xf32>
      %parallel_loop3A_696 = vector.broadcast %parallel_loop3A_612 : f32 to vector<16xf32>
      %parallel_loop3A_697 = arith.mulf %parallel_loop3A_696, %get3A_97 : vector<16xf32>
      %parallel_loop3A_698 = arith.divf %parallel_loop3A_697, %parallel_loop3A_687 : vector<16xf32>
      %parallel_loop3A_699 = arith.constant 48 : i32
      %parallel_loop3A_700 = arith.addi %parallel_loop3A_620, %parallel_loop3A_699 : i32
      %parallel_loop3A_701 = arith.mulf %parallel_loop3A_695, %parallel_loop3A_698 : vector<16xf32>
      %parallel_loop3A_702 = arith.index_cast %parallel_loop3A_700 : i32 to index
      %parallel_loop3A_703 = tpu.vector_load %arg7[%parallel_loop3A_702] {strides = array<i32>} : memref<4096xf32, #tpu.memory_space<vmem>>, vector<16xf32>,
      %parallel_loop3A_704 = vector.shape_cast %parallel_loop3A_703 : vector<16xf32> to vector<16xf32>
      %parallel_loop3A_705 = vector.shape_cast %parallel_loop3A_701 : vector<16xf32> to vector<16xf32>
      tpu.vector_store %arg7[%parallel_loop3A_702], %parallel_loop3A_705 {add = true, strides = array<i32>} : memref<4096xf32, #tpu.memory_space<vmem>>, vector<16xf32>,
      %parallel_loop3A_706 = vector.broadcast %parallel_loop3A_618 : f32 to vector<16xf32>
      %parallel_loop3A_707 = arith.addf %get3A_27, %parallel_loop3A_706 : vector<16xf32>
      %parallel_loop3A_708 = vector.broadcast %parallel_loop3A_614 : f32 to vector<16xf32>
      %parallel_loop3A_709 = arith.mulf %get3A_52, %parallel_loop3A_708 : vector<16xf32>
      %parallel_loop3A_710 = vector.broadcast %parallel_loop3A_616 : f32 to vector<16xf32>
      %parallel_loop3A_711 = arith.mulf %get3A_77, %parallel_loop3A_710 : vector<16xf32>
      %parallel_loop3A_712 = arith.subf %parallel_loop3A_709, %parallel_loop3A_711 : vector<16xf32>
      %parallel_loop3A_713 = arith.constant 5.000000e-01 : f32
      %parallel_loop3A_714 = vector.broadcast %parallel_loop3A_713 : f32 to vector<16xf32>
      %parallel_loop3A_715 = arith.addf %parallel_loop3A_714, %parallel_loop3A_712 : vector<16xf32>
      %parallel_loop3A_716 = vector.broadcast %parallel_loop3A_612 : f32 to vector<16xf32>
      %parallel_loop3A_717 = arith.mulf %parallel_loop3A_716, %get3A_102 : vector<16xf32>
      %parallel_loop3A_718 = arith.divf %parallel_loop3A_717, %parallel_loop3A_707 : vector<16xf32>
      %parallel_loop3A_719 = arith.constant 64 : i32
      %parallel_loop3A_720 = arith.addi %parallel_loop3A_620, %parallel_loop3A_719 : i32
      %parallel_loop3A_721 = arith.mulf %parallel_loop3A_715, %parallel_loop3A_718 : vector<16xf32>
      %parallel_loop3A_722 = arith.index_cast %parallel_loop3A_720 : i32 to index
      %parallel_loop3A_723 = tpu.vector_load %arg7[%parallel_loop3A_722] {strides = array<i32>} : memref<4096xf32, #tpu.memory_space<vmem>>, vector<16xf32>,
      %parallel_loop3A_724 = vector.shape_cast %parallel_loop3A_723 : vector<16xf32> to vector<16xf32>
      %parallel_loop3A_725 = vector.shape_cast %parallel_loop3A_721 : vector<16xf32> to vector<16xf32>
      tpu.vector_store %arg7[%parallel_loop3A_722], %parallel_loop3A_725 {add = true, strides = array<i32>} : memref<4096xf32, #tpu.memory_space<vmem>>, vector<16xf32>,
      %parallel_loop3A_726 = vector.extract_strided_slice %parallel_loop3A_111 {offsets = [5], sizes = [1], strides = [1]} : vector<16xf32> to vector<1xf32>
      %parallel_loop3A_727 = vector.extract %parallel_loop3A_726[0] : f32 from vector<1xf32>
      %parallel_loop3A_728 = vector.extract_strided_slice %parallel_loop3A_116 {offsets = [5], sizes = [1], strides = [1]} : vector<16xf32> to vector<1xf32>
      %parallel_loop3A_729 = vector.extract %parallel_loop3A_728[0] : f32 from vector<1xf32>
      %parallel_loop3A_730 = vector.extract_strided_slice %parallel_loop3A_121 {offsets = [5], sizes = [1], strides = [1]} : vector<16xf32> to vector<1xf32>
      %parallel_loop3A_731 = vector.extract %parallel_loop3A_730[0] : f32 from vector<1xf32>
      %parallel_loop3A_732 = vector.extract_strided_slice %parallel_loop3A_126 {offsets = [5], sizes = [1], strides = [1]} : vector<16xf32> to vector<1xf32>
      %parallel_loop3A_733 = vector.extract %parallel_loop3A_732[0] : f32 from vector<1xf32>
      %parallel_loop3A_734 = vector.extract_strided_slice %parallel_loop3A_131 {offsets = [5], sizes = [1], strides = [1]} : vector<16xf32> to vector<1xf32>
      %parallel_loop3A_735 = vector.extract %parallel_loop3A_734[0] : f32 from vector<1xf32>
      %parallel_loop3A_736 = vector.extract_strided_slice %parallel_loop3A_140 {offsets = [5], sizes = [1], strides = [1]} : vector<16xi32> to vector<1xi32>
      %parallel_loop3A_737 = vector.extract %parallel_loop3A_736[0] : i32 from vector<1xi32>
      %parallel_loop3A_738 = vector.broadcast %parallel_loop3A_735 : f32 to vector<16xf32>
      %parallel_loop3A_739 = arith.addf %get3A_7, %parallel_loop3A_738 : vector<16xf32>
      %parallel_loop3A_740 = vector.broadcast %parallel_loop3A_731 : f32 to vector<16xf32>
      %parallel_loop3A_741 = arith.mulf %get3A_32, %parallel_loop3A_740 : vector<16xf32>
      %parallel_loop3A_742 = vector.broadcast %parallel_loop3A_733 : f32 to vector<16xf32>
      %parallel_loop3A_743 = arith.mulf %get3A_57, %parallel_loop3A_742 : vector<16xf32>
      %parallel_loop3A_744 = arith.subf %parallel_loop3A_741, %parallel_loop3A_743 : vector<16xf32>
      %parallel_loop3A_745 = arith.constant 5.000000e-01 : f32
      %parallel_loop3A_746 = vector.broadcast %parallel_loop3A_745 : f32 to vector<16xf32>
      %parallel_loop3A_747 = arith.addf %parallel_loop3A_746, %parallel_loop3A_744 : vector<16xf32>
      %parallel_loop3A_748 = vector.broadcast %parallel_loop3A_729 : f32 to vector<16xf32>
      %parallel_loop3A_749 = arith.mulf %parallel_loop3A_748, %get3A_82 : vector<16xf32>
      %parallel_loop3A_750 = arith.divf %parallel_loop3A_749, %parallel_loop3A_739 : vector<16xf32>
      %parallel_loop3A_751 = arith.constant 0 : i32
      %parallel_loop3A_752 = arith.addi %parallel_loop3A_737, %parallel_loop3A_751 : i32
      %parallel_loop3A_753 = arith.mulf %parallel_loop3A_747, %parallel_loop3A_750 : vector<16xf32>
      %parallel_loop3A_754 = arith.index_cast %parallel_loop3A_752 : i32 to index
      %parallel_loop3A_755 = tpu.vector_load %arg7[%parallel_loop3A_754] {strides = array<i32>} : memref<4096xf32, #tpu.memory_space<vmem>>, vector<16xf32>,
      %parallel_loop3A_756 = vector.shape_cast %parallel_loop3A_755 : vector<16xf32> to vector<16xf32>
      %parallel_loop3A_757 = vector.shape_cast %parallel_loop3A_753 : vector<16xf32> to vector<16xf32>
      tpu.vector_store %arg7[%parallel_loop3A_754], %parallel_loop3A_757 {add = true, strides = array<i32>} : memref<4096xf32, #tpu.memory_space<vmem>>, vector<16xf32>,
      %parallel_loop3A_758 = vector.broadcast %parallel_loop3A_735 : f32 to vector<16xf32>
      %parallel_loop3A_759 = arith.addf %get3A_12, %parallel_loop3A_758 : vector<16xf32>
      %parallel_loop3A_760 = vector.broadcast %parallel_loop3A_731 : f32 to vector<16xf32>
      %parallel_loop3A_761 = arith.mulf %get3A_37, %parallel_loop3A_760 : vector<16xf32>
      %parallel_loop3A_762 = vector.broadcast %parallel_loop3A_733 : f32 to vector<16xf32>
      %parallel_loop3A_763 = arith.mulf %get3A_62, %parallel_loop3A_762 : vector<16xf32>
      %parallel_loop3A_764 = arith.subf %parallel_loop3A_761, %parallel_loop3A_763 : vector<16xf32>
      %parallel_loop3A_765 = arith.constant 5.000000e-01 : f32
      %parallel_loop3A_766 = vector.broadcast %parallel_loop3A_765 : f32 to vector<16xf32>
      %parallel_loop3A_767 = arith.addf %parallel_loop3A_766, %parallel_loop3A_764 : vector<16xf32>
      %parallel_loop3A_768 = vector.broadcast %parallel_loop3A_729 : f32 to vector<16xf32>
      %parallel_loop3A_769 = arith.mulf %parallel_loop3A_768, %get3A_87 : vector<16xf32>
      %parallel_loop3A_770 = arith.divf %parallel_loop3A_769, %parallel_loop3A_759 : vector<16xf32>
      %parallel_loop3A_771 = arith.constant 16 : i32
      %parallel_loop3A_772 = arith.addi %parallel_loop3A_737, %parallel_loop3A_771 : i32
      %parallel_loop3A_773 = arith.mulf %parallel_loop3A_767, %parallel_loop3A_770 : vector<16xf32>
      %parallel_loop3A_774 = arith.index_cast %parallel_loop3A_772 : i32 to index
      %parallel_loop3A_775 = tpu.vector_load %arg7[%parallel_loop3A_774] {strides = array<i32>} : memref<4096xf32, #tpu.memory_space<vmem>>, vector<16xf32>,
      %parallel_loop3A_776 = vector.shape_cast %parallel_loop3A_775 : vector<16xf32> to vector<16xf32>
      %parallel_loop3A_777 = vector.shape_cast %parallel_loop3A_773 : vector<16xf32> to vector<16xf32>
      tpu.vector_store %arg7[%parallel_loop3A_774], %parallel_loop3A_777 {add = true, strides = array<i32>} : memref<4096xf32, #tpu.memory_space<vmem>>, vector<16xf32>,
      %parallel_loop3A_778 = vector.broadcast %parallel_loop3A_735 : f32 to vector<16xf32>
      %parallel_loop3A_779 = arith.addf %get3A_17, %parallel_loop3A_778 : vector<16xf32>
      %parallel_loop3A_780 = vector.broadcast %parallel_loop3A_731 : f32 to vector<16xf32>
      %parallel_loop3A_781 = arith.mulf %get3A_42, %parallel_loop3A_780 : vector<16xf32>
      %parallel_loop3A_782 = vector.broadcast %parallel_loop3A_733 : f32 to vector<16xf32>
      %parallel_loop3A_783 = arith.mulf %get3A_67, %parallel_loop3A_782 : vector<16xf32>
      %parallel_loop3A_784 = arith.subf %parallel_loop3A_781, %parallel_loop3A_783 : vector<16xf32>
      %parallel_loop3A_785 = arith.constant 5.000000e-01 : f32
      %parallel_loop3A_786 = vector.broadcast %parallel_loop3A_785 : f32 to vector<16xf32>
      %parallel_loop3A_787 = arith.addf %parallel_loop3A_786, %parallel_loop3A_784 : vector<16xf32>
      %parallel_loop3A_788 = vector.broadcast %parallel_loop3A_729 : f32 to vector<16xf32>
      %parallel_loop3A_789 = arith.mulf %parallel_loop3A_788, %get3A_92 : vector<16xf32>
      %parallel_loop3A_790 = arith.divf %parallel_loop3A_789, %parallel_loop3A_779 : vector<16xf32>
      %parallel_loop3A_791 = arith.constant 0.000000e+00 : f32
      %parallel_loop3A_792 = vector.broadcast %parallel_loop3A_791 : f32 to vector<16xf32>
      %parallel_loop3A_793 = arith.cmpf oeq, %parallel_loop3A_779, %parallel_loop3A_792 : vector<16xf32>
      %parallel_loop3A_794 = vector.broadcast %parallel_loop3A_727 : f32 to vector<16xf32>
      %parallel_loop3A_795 = arith.select %parallel_loop3A_793, %parallel_loop3A_794, %parallel_loop3A_790 : vector<16xi1>, vector<16xf32>
      %parallel_loop3A_796 = arith.constant 32 : i32
      %parallel_loop3A_797 = arith.addi %parallel_loop3A_737, %parallel_loop3A_796 : i32
      %parallel_loop3A_798 = arith.mulf %parallel_loop3A_787, %parallel_loop3A_795 : vector<16xf32>
      %parallel_loop3A_799 = arith.index_cast %parallel_loop3A_797 : i32 to index
      %parallel_loop3A_800 = tpu.vector_load %arg7[%parallel_loop3A_799] {strides = array<i32>} : memref<4096xf32, #tpu.memory_space<vmem>>, vector<16xf32>,
      %parallel_loop3A_801 = vector.shape_cast %parallel_loop3A_800 : vector<16xf32> to vector<16xf32>
      %parallel_loop3A_802 = vector.shape_cast %parallel_loop3A_798 : vector<16xf32> to vector<16xf32>
      tpu.vector_store %arg7[%parallel_loop3A_799], %parallel_loop3A_802 {add = true, strides = array<i32>} : memref<4096xf32, #tpu.memory_space<vmem>>, vector<16xf32>,
      %parallel_loop3A_803 = vector.broadcast %parallel_loop3A_735 : f32 to vector<16xf32>
      %parallel_loop3A_804 = arith.addf %get3A_22, %parallel_loop3A_803 : vector<16xf32>
      %parallel_loop3A_805 = vector.broadcast %parallel_loop3A_731 : f32 to vector<16xf32>
      %parallel_loop3A_806 = arith.mulf %get3A_47, %parallel_loop3A_805 : vector<16xf32>
      %parallel_loop3A_807 = vector.broadcast %parallel_loop3A_733 : f32 to vector<16xf32>
      %parallel_loop3A_808 = arith.mulf %get3A_72, %parallel_loop3A_807 : vector<16xf32>
      %parallel_loop3A_809 = arith.subf %parallel_loop3A_806, %parallel_loop3A_808 : vector<16xf32>
      %parallel_loop3A_810 = arith.constant 5.000000e-01 : f32
      %parallel_loop3A_811 = vector.broadcast %parallel_loop3A_810 : f32 to vector<16xf32>
      %parallel_loop3A_812 = arith.addf %parallel_loop3A_811, %parallel_loop3A_809 : vector<16xf32>
      %parallel_loop3A_813 = vector.broadcast %parallel_loop3A_729 : f32 to vector<16xf32>
      %parallel_loop3A_814 = arith.mulf %parallel_loop3A_813, %get3A_97 : vector<16xf32>
      %parallel_loop3A_815 = arith.divf %parallel_loop3A_814, %parallel_loop3A_804 : vector<16xf32>
      %parallel_loop3A_816 = arith.constant 48 : i32
      %parallel_loop3A_817 = arith.addi %parallel_loop3A_737, %parallel_loop3A_816 : i32
      %parallel_loop3A_818 = arith.mulf %parallel_loop3A_812, %parallel_loop3A_815 : vector<16xf32>
      %parallel_loop3A_819 = arith.index_cast %parallel_loop3A_817 : i32 to index
      %parallel_loop3A_820 = tpu.vector_load %arg7[%parallel_loop3A_819] {strides = array<i32>} : memref<4096xf32, #tpu.memory_space<vmem>>, vector<16xf32>,
      %parallel_loop3A_821 = vector.shape_cast %parallel_loop3A_820 : vector<16xf32> to vector<16xf32>
      %parallel_loop3A_822 = vector.shape_cast %parallel_loop3A_818 : vector<16xf32> to vector<16xf32>
      tpu.vector_store %arg7[%parallel_loop3A_819], %parallel_loop3A_822 {add = true, strides = array<i32>} : memref<4096xf32, #tpu.memory_space<vmem>>, vector<16xf32>,
      %parallel_loop3A_823 = vector.broadcast %parallel_loop3A_735 : f32 to vector<16xf32>
      %parallel_loop3A_824 = arith.addf %get3A_27, %parallel_loop3A_823 : vector<16xf32>
      %parallel_loop3A_825 = vector.broadcast %parallel_loop3A_731 : f32 to vector<16xf32>
      %parallel_loop3A_826 = arith.mulf %get3A_52, %parallel_loop3A_825 : vector<16xf32>
      %parallel_loop3A_827 = vector.broadcast %parallel_loop3A_733 : f32 to vector<16xf32>
      %parallel_loop3A_828 = arith.mulf %get3A_77, %parallel_loop3A_827 : vector<16xf32>
      %parallel_loop3A_829 = arith.subf %parallel_loop3A_826, %parallel_loop3A_828 : vector<16xf32>
      %parallel_loop3A_830 = arith.constant 5.000000e-01 : f32
      %parallel_loop3A_831 = vector.broadcast %parallel_loop3A_830 : f32 to vector<16xf32>
      %parallel_loop3A_832 = arith.addf %parallel_loop3A_831, %parallel_loop3A_829 : vector<16xf32>
      %parallel_loop3A_833 = vector.broadcast %parallel_loop3A_729 : f32 to vector<16xf32>
      %parallel_loop3A_834 = arith.mulf %parallel_loop3A_833, %get3A_102 : vector<16xf32>
      %parallel_loop3A_835 = arith.divf %parallel_loop3A_834, %parallel_loop3A_824 : vector<16xf32>
      %parallel_loop3A_836 = arith.constant 64 : i32
      %parallel_loop3A_837 = arith.addi %parallel_loop3A_737, %parallel_loop3A_836 : i32
      %parallel_loop3A_838 = arith.mulf %parallel_loop3A_832, %parallel_loop3A_835 : vector<16xf32>
      %parallel_loop3A_839 = arith.index_cast %parallel_loop3A_837 : i32 to index
      %parallel_loop3A_840 = tpu.vector_load %arg7[%parallel_loop3A_839] {strides = array<i32>} : memref<4096xf32, #tpu.memory_space<vmem>>, vector<16xf32>,
      %parallel_loop3A_841 = vector.shape_cast %parallel_loop3A_840 : vector<16xf32> to vector<16xf32>
      %parallel_loop3A_842 = vector.shape_cast %parallel_loop3A_838 : vector<16xf32> to vector<16xf32>
      tpu.vector_store %arg7[%parallel_loop3A_839], %parallel_loop3A_842 {add = true, strides = array<i32>} : memref<4096xf32, #tpu.memory_space<vmem>>, vector<16xf32>,
      %parallel_loop3A_843 = vector.extract_strided_slice %parallel_loop3A_111 {offsets = [6], sizes = [1], strides = [1]} : vector<16xf32> to vector<1xf32>
      %parallel_loop3A_844 = vector.extract %parallel_loop3A_843[0] : f32 from vector<1xf32>
      %parallel_loop3A_845 = vector.extract_strided_slice %parallel_loop3A_116 {offsets = [6], sizes = [1], strides = [1]} : vector<16xf32> to vector<1xf32>
      %parallel_loop3A_846 = vector.extract %parallel_loop3A_845[0] : f32 from vector<1xf32>
      %parallel_loop3A_847 = vector.extract_strided_slice %parallel_loop3A_121 {offsets = [6], sizes = [1], strides = [1]} : vector<16xf32> to vector<1xf32>
      %parallel_loop3A_848 = vector.extract %parallel_loop3A_847[0] : f32 from vector<1xf32>
      %parallel_loop3A_849 = vector.extract_strided_slice %parallel_loop3A_126 {offsets = [6], sizes = [1], strides = [1]} : vector<16xf32> to vector<1xf32>
      %parallel_loop3A_850 = vector.extract %parallel_loop3A_849[0] : f32 from vector<1xf32>
      %parallel_loop3A_851 = vector.extract_strided_slice %parallel_loop3A_131 {offsets = [6], sizes = [1], strides = [1]} : vector<16xf32> to vector<1xf32>
      %parallel_loop3A_852 = vector.extract %parallel_loop3A_851[0] : f32 from vector<1xf32>
      %parallel_loop3A_853 = vector.extract_strided_slice %parallel_loop3A_140 {offsets = [6], sizes = [1], strides = [1]} : vector<16xi32> to vector<1xi32>
      %parallel_loop3A_854 = vector.extract %parallel_loop3A_853[0] : i32 from vector<1xi32>
      %parallel_loop3A_855 = vector.broadcast %parallel_loop3A_852 : f32 to vector<16xf32>
      %parallel_loop3A_856 = arith.addf %get3A_7, %parallel_loop3A_855 : vector<16xf32>
      %parallel_loop3A_857 = vector.broadcast %parallel_loop3A_848 : f32 to vector<16xf32>
      %parallel_loop3A_858 = arith.mulf %get3A_32, %parallel_loop3A_857 : vector<16xf32>
      %parallel_loop3A_859 = vector.broadcast %parallel_loop3A_850 : f32 to vector<16xf32>
      %parallel_loop3A_860 = arith.mulf %get3A_57, %parallel_loop3A_859 : vector<16xf32>
      %parallel_loop3A_861 = arith.subf %parallel_loop3A_858, %parallel_loop3A_860 : vector<16xf32>
      %parallel_loop3A_862 = arith.constant 5.000000e-01 : f32
      %parallel_loop3A_863 = vector.broadcast %parallel_loop3A_862 : f32 to vector<16xf32>
      %parallel_loop3A_864 = arith.addf %parallel_loop3A_863, %parallel_loop3A_861 : vector<16xf32>
      %parallel_loop3A_865 = vector.broadcast %parallel_loop3A_846 : f32 to vector<16xf32>
      %parallel_loop3A_866 = arith.mulf %parallel_loop3A_865, %get3A_82 : vector<16xf32>
      %parallel_loop3A_867 = arith.divf %parallel_loop3A_866, %parallel_loop3A_856 : vector<16xf32>
      %parallel_loop3A_868 = arith.constant 0 : i32
      %parallel_loop3A_869 = arith.addi %parallel_loop3A_854, %parallel_loop3A_868 : i32
      %parallel_loop3A_870 = arith.mulf %parallel_loop3A_864, %parallel_loop3A_867 : vector<16xf32>
      %parallel_loop3A_871 = arith.index_cast %parallel_loop3A_869 : i32 to index
      %parallel_loop3A_872 = tpu.vector_load %arg7[%parallel_loop3A_871] {strides = array<i32>} : memref<4096xf32, #tpu.memory_space<vmem>>, vector<16xf32>,
      %parallel_loop3A_873 = vector.shape_cast %parallel_loop3A_872 : vector<16xf32> to vector<16xf32>
      %parallel_loop3A_874 = vector.shape_cast %parallel_loop3A_870 : vector<16xf32> to vector<16xf32>
      tpu.vector_store %arg7[%parallel_loop3A_871], %parallel_loop3A_874 {add = true, strides = array<i32>} : memref<4096xf32, #tpu.memory_space<vmem>>, vector<16xf32>,
      %parallel_loop3A_875 = vector.broadcast %parallel_loop3A_852 : f32 to vector<16xf32>
      %parallel_loop3A_876 = arith.addf %get3A_12, %parallel_loop3A_875 : vector<16xf32>
      %parallel_loop3A_877 = vector.broadcast %parallel_loop3A_848 : f32 to vector<16xf32>
      %parallel_loop3A_878 = arith.mulf %get3A_37, %parallel_loop3A_877 : vector<16xf32>
      %parallel_loop3A_879 = vector.broadcast %parallel_loop3A_850 : f32 to vector<16xf32>
      %parallel_loop3A_880 = arith.mulf %get3A_62, %parallel_loop3A_879 : vector<16xf32>
      %parallel_loop3A_881 = arith.subf %parallel_loop3A_878, %parallel_loop3A_880 : vector<16xf32>
      %parallel_loop3A_882 = arith.constant 5.000000e-01 : f32
      %parallel_loop3A_883 = vector.broadcast %parallel_loop3A_882 : f32 to vector<16xf32>
      %parallel_loop3A_884 = arith.addf %parallel_loop3A_883, %parallel_loop3A_881 : vector<16xf32>
      %parallel_loop3A_885 = vector.broadcast %parallel_loop3A_846 : f32 to vector<16xf32>
      %parallel_loop3A_886 = arith.mulf %parallel_loop3A_885, %get3A_87 : vector<16xf32>
      %parallel_loop3A_887 = arith.divf %parallel_loop3A_886, %parallel_loop3A_876 : vector<16xf32>
      %parallel_loop3A_888 = arith.constant 16 : i32
      %parallel_loop3A_889 = arith.addi %parallel_loop3A_854, %parallel_loop3A_888 : i32
      %parallel_loop3A_890 = arith.mulf %parallel_loop3A_884, %parallel_loop3A_887 : vector<16xf32>
      %parallel_loop3A_891 = arith.index_cast %parallel_loop3A_889 : i32 to index
      %parallel_loop3A_892 = tpu.vector_load %arg7[%parallel_loop3A_891] {strides = array<i32>} : memref<4096xf32, #tpu.memory_space<vmem>>, vector<16xf32>,
      %parallel_loop3A_893 = vector.shape_cast %parallel_loop3A_892 : vector<16xf32> to vector<16xf32>
      %parallel_loop3A_894 = vector.shape_cast %parallel_loop3A_890 : vector<16xf32> to vector<16xf32>
      tpu.vector_store %arg7[%parallel_loop3A_891], %parallel_loop3A_894 {add = true, strides = array<i32>} : memref<4096xf32, #tpu.memory_space<vmem>>, vector<16xf32>,
      %parallel_loop3A_895 = vector.broadcast %parallel_loop3A_852 : f32 to vector<16xf32>
      %parallel_loop3A_896 = arith.addf %get3A_17, %parallel_loop3A_895 : vector<16xf32>
      %parallel_loop3A_897 = vector.broadcast %parallel_loop3A_848 : f32 to vector<16xf32>
      %parallel_loop3A_898 = arith.mulf %get3A_42, %parallel_loop3A_897 : vector<16xf32>
      %parallel_loop3A_899 = vector.broadcast %parallel_loop3A_850 : f32 to vector<16xf32>
      %parallel_loop3A_900 = arith.mulf %get3A_67, %parallel_loop3A_899 : vector<16xf32>
      %parallel_loop3A_901 = arith.subf %parallel_loop3A_898, %parallel_loop3A_900 : vector<16xf32>
      %parallel_loop3A_902 = arith.constant 5.000000e-01 : f32
      %parallel_loop3A_903 = vector.broadcast %parallel_loop3A_902 : f32 to vector<16xf32>
      %parallel_loop3A_904 = arith.addf %parallel_loop3A_903, %parallel_loop3A_901 : vector<16xf32>
      %parallel_loop3A_905 = vector.broadcast %parallel_loop3A_846 : f32 to vector<16xf32>
      %parallel_loop3A_906 = arith.mulf %parallel_loop3A_905, %get3A_92 : vector<16xf32>
      %parallel_loop3A_907 = arith.divf %parallel_loop3A_906, %parallel_loop3A_896 : vector<16xf32>
      %parallel_loop3A_908 = arith.constant 0.000000e+00 : f32
      %parallel_loop3A_909 = vector.broadcast %parallel_loop3A_908 : f32 to vector<16xf32>
      %parallel_loop3A_910 = arith.cmpf oeq, %parallel_loop3A_896, %parallel_loop3A_909 : vector<16xf32>
      %parallel_loop3A_911 = vector.broadcast %parallel_loop3A_844 : f32 to vector<16xf32>
      %parallel_loop3A_912 = arith.select %parallel_loop3A_910, %parallel_loop3A_911, %parallel_loop3A_907 : vector<16xi1>, vector<16xf32>
      %parallel_loop3A_913 = arith.constant 32 : i32
      %parallel_loop3A_914 = arith.addi %parallel_loop3A_854, %parallel_loop3A_913 : i32
      %parallel_loop3A_915 = arith.mulf %parallel_loop3A_904, %parallel_loop3A_912 : vector<16xf32>
      %parallel_loop3A_916 = arith.index_cast %parallel_loop3A_914 : i32 to index
      %parallel_loop3A_917 = tpu.vector_load %arg7[%parallel_loop3A_916] {strides = array<i32>} : memref<4096xf32, #tpu.memory_space<vmem>>, vector<16xf32>,
      %parallel_loop3A_918 = vector.shape_cast %parallel_loop3A_917 : vector<16xf32> to vector<16xf32>
      %parallel_loop3A_919 = vector.shape_cast %parallel_loop3A_915 : vector<16xf32> to vector<16xf32>
      tpu.vector_store %arg7[%parallel_loop3A_916], %parallel_loop3A_919 {add = true, strides = array<i32>} : memref<4096xf32, #tpu.memory_space<vmem>>, vector<16xf32>,
      %parallel_loop3A_920 = vector.broadcast %parallel_loop3A_852 : f32 to vector<16xf32>
      %parallel_loop3A_921 = arith.addf %get3A_22, %parallel_loop3A_920 : vector<16xf32>
      %parallel_loop3A_922 = vector.broadcast %parallel_loop3A_848 : f32 to vector<16xf32>
      %parallel_loop3A_923 = arith.mulf %get3A_47, %parallel_loop3A_922 : vector<16xf32>
      %parallel_loop3A_924 = vector.broadcast %parallel_loop3A_850 : f32 to vector<16xf32>
      %parallel_loop3A_925 = arith.mulf %get3A_72, %parallel_loop3A_924 : vector<16xf32>
      %parallel_loop3A_926 = arith.subf %parallel_loop3A_923, %parallel_loop3A_925 : vector<16xf32>
      %parallel_loop3A_927 = arith.constant 5.000000e-01 : f32
      %parallel_loop3A_928 = vector.broadcast %parallel_loop3A_927 : f32 to vector<16xf32>
      %parallel_loop3A_929 = arith.addf %parallel_loop3A_928, %parallel_loop3A_926 : vector<16xf32>
      %parallel_loop3A_930 = vector.broadcast %parallel_loop3A_846 : f32 to vector<16xf32>
      %parallel_loop3A_931 = arith.mulf %parallel_loop3A_930, %get3A_97 : vector<16xf32>
      %parallel_loop3A_932 = arith.divf %parallel_loop3A_931, %parallel_loop3A_921 : vector<16xf32>
      %parallel_loop3A_933 = arith.constant 48 : i32
      %parallel_loop3A_934 = arith.addi %parallel_loop3A_854, %parallel_loop3A_933 : i32
      %parallel_loop3A_935 = arith.mulf %parallel_loop3A_929, %parallel_loop3A_932 : vector<16xf32>
      %parallel_loop3A_936 = arith.index_cast %parallel_loop3A_934 : i32 to index
      %parallel_loop3A_937 = tpu.vector_load %arg7[%parallel_loop3A_936] {strides = array<i32>} : memref<4096xf32, #tpu.memory_space<vmem>>, vector<16xf32>,
      %parallel_loop3A_938 = vector.shape_cast %parallel_loop3A_937 : vector<16xf32> to vector<16xf32>
      %parallel_loop3A_939 = vector.shape_cast %parallel_loop3A_935 : vector<16xf32> to vector<16xf32>
      tpu.vector_store %arg7[%parallel_loop3A_936], %parallel_loop3A_939 {add = true, strides = array<i32>} : memref<4096xf32, #tpu.memory_space<vmem>>, vector<16xf32>,
      %parallel_loop3A_940 = vector.broadcast %parallel_loop3A_852 : f32 to vector<16xf32>
      %parallel_loop3A_941 = arith.addf %get3A_27, %parallel_loop3A_940 : vector<16xf32>
      %parallel_loop3A_942 = vector.broadcast %parallel_loop3A_848 : f32 to vector<16xf32>
      %parallel_loop3A_943 = arith.mulf %get3A_52, %parallel_loop3A_942 : vector<16xf32>
      %parallel_loop3A_944 = vector.broadcast %parallel_loop3A_850 : f32 to vector<16xf32>
      %parallel_loop3A_945 = arith.mulf %get3A_77, %parallel_loop3A_944 : vector<16xf32>
      %parallel_loop3A_946 = arith.subf %parallel_loop3A_943, %parallel_loop3A_945 : vector<16xf32>
      %parallel_loop3A_947 = arith.constant 5.000000e-01 : f32
      %parallel_loop3A_948 = vector.broadcast %parallel_loop3A_947 : f32 to vector<16xf32>
      %parallel_loop3A_949 = arith.addf %parallel_loop3A_948, %parallel_loop3A_946 : vector<16xf32>
      %parallel_loop3A_950 = vector.broadcast %parallel_loop3A_846 : f32 to vector<16xf32>
      %parallel_loop3A_951 = arith.mulf %parallel_loop3A_950, %get3A_102 : vector<16xf32>
      %parallel_loop3A_952 = arith.divf %parallel_loop3A_951, %parallel_loop3A_941 : vector<16xf32>
      %parallel_loop3A_953 = arith.constant 64 : i32
      %parallel_loop3A_954 = arith.addi %parallel_loop3A_854, %parallel_loop3A_953 : i32
      %parallel_loop3A_955 = arith.mulf %parallel_loop3A_949, %parallel_loop3A_952 : vector<16xf32>
      %parallel_loop3A_956 = arith.index_cast %parallel_loop3A_954 : i32 to index
      %parallel_loop3A_957 = tpu.vector_load %arg7[%parallel_loop3A_956] {strides = array<i32>} : memref<4096xf32, #tpu.memory_space<vmem>>, vector<16xf32>,
      %parallel_loop3A_958 = vector.shape_cast %parallel_loop3A_957 : vector<16xf32> to vector<16xf32>
      %parallel_loop3A_959 = vector.shape_cast %parallel_loop3A_955 : vector<16xf32> to vector<16xf32>
      tpu.vector_store %arg7[%parallel_loop3A_956], %parallel_loop3A_959 {add = true, strides = array<i32>} : memref<4096xf32, #tpu.memory_space<vmem>>, vector<16xf32>,
      %parallel_loop3A_960 = vector.extract_strided_slice %parallel_loop3A_111 {offsets = [7], sizes = [1], strides = [1]} : vector<16xf32> to vector<1xf32>
      %parallel_loop3A_961 = vector.extract %parallel_loop3A_960[0] : f32 from vector<1xf32>
      %parallel_loop3A_962 = vector.extract_strided_slice %parallel_loop3A_116 {offsets = [7], sizes = [1], strides = [1]} : vector<16xf32> to vector<1xf32>
      %parallel_loop3A_963 = vector.extract %parallel_loop3A_962[0] : f32 from vector<1xf32>
      %parallel_loop3A_964 = vector.extract_strided_slice %parallel_loop3A_121 {offsets = [7], sizes = [1], strides = [1]} : vector<16xf32> to vector<1xf32>
      %parallel_loop3A_965 = vector.extract %parallel_loop3A_964[0] : f32 from vector<1xf32>
      %parallel_loop3A_966 = vector.extract_strided_slice %parallel_loop3A_126 {offsets = [7], sizes = [1], strides = [1]} : vector<16xf32> to vector<1xf32>
      %parallel_loop3A_967 = vector.extract %parallel_loop3A_966[0] : f32 from vector<1xf32>
      %parallel_loop3A_968 = vector.extract_strided_slice %parallel_loop3A_131 {offsets = [7], sizes = [1], strides = [1]} : vector<16xf32> to vector<1xf32>
      %parallel_loop3A_969 = vector.extract %parallel_loop3A_968[0] : f32 from vector<1xf32>
      %parallel_loop3A_970 = vector.extract_strided_slice %parallel_loop3A_140 {offsets = [7], sizes = [1], strides = [1]} : vector<16xi32> to vector<1xi32>
      %parallel_loop3A_971 = vector.extract %parallel_loop3A_970[0] : i32 from vector<1xi32>
      %parallel_loop3A_972 = vector.broadcast %parallel_loop3A_969 : f32 to vector<16xf32>
      %parallel_loop3A_973 = arith.addf %get3A_7, %parallel_loop3A_972 : vector<16xf32>
      %parallel_loop3A_974 = vector.broadcast %parallel_loop3A_965 : f32 to vector<16xf32>
      %parallel_loop3A_975 = arith.mulf %get3A_32, %parallel_loop3A_974 : vector<16xf32>
      %parallel_loop3A_976 = vector.broadcast %parallel_loop3A_967 : f32 to vector<16xf32>
      %parallel_loop3A_977 = arith.mulf %get3A_57, %parallel_loop3A_976 : vector<16xf32>
      %parallel_loop3A_978 = arith.subf %parallel_loop3A_975, %parallel_loop3A_977 : vector<16xf32>
      %parallel_loop3A_979 = arith.constant 5.000000e-01 : f32
      %parallel_loop3A_980 = vector.broadcast %parallel_loop3A_979 : f32 to vector<16xf32>
      %parallel_loop3A_981 = arith.addf %parallel_loop3A_980, %parallel_loop3A_978 : vector<16xf32>
      %parallel_loop3A_982 = vector.broadcast %parallel_loop3A_963 : f32 to vector<16xf32>
      %parallel_loop3A_983 = arith.mulf %parallel_loop3A_982, %get3A_82 : vector<16xf32>
      %parallel_loop3A_984 = arith.divf %parallel_loop3A_983, %parallel_loop3A_973 : vector<16xf32>
      %parallel_loop3A_985 = arith.constant 0 : i32
      %parallel_loop3A_986 = arith.addi %parallel_loop3A_971, %parallel_loop3A_985 : i32
      %parallel_loop3A_987 = arith.mulf %parallel_loop3A_981, %parallel_loop3A_984 : vector<16xf32>
      %parallel_loop3A_988 = arith.index_cast %parallel_loop3A_986 : i32 to index
      %parallel_loop3A_989 = tpu.vector_load %arg7[%parallel_loop3A_988] {strides = array<i32>} : memref<4096xf32, #tpu.memory_space<vmem>>, vector<16xf32>,
      %parallel_loop3A_990 = vector.shape_cast %parallel_loop3A_989 : vector<16xf32> to vector<16xf32>
      %parallel_loop3A_991 = vector.shape_cast %parallel_loop3A_987 : vector<16xf32> to vector<16xf32>
      tpu.vector_store %arg7[%parallel_loop3A_988], %parallel_loop3A_991 {add = true, strides = array<i32>} : memref<4096xf32, #tpu.memory_space<vmem>>, vector<16xf32>,
      %parallel_loop3A_992 = vector.broadcast %parallel_loop3A_969 : f32 to vector<16xf32>
      %parallel_loop3A_993 = arith.addf %get3A_12, %parallel_loop3A_992 : vector<16xf32>
      %parallel_loop3A_994 = vector.broadcast %parallel_loop3A_965 : f32 to vector<16xf32>
      %parallel_loop3A_995 = arith.mulf %get3A_37, %parallel_loop3A_994 : vector<16xf32>
      %parallel_loop3A_996 = vector.broadcast %parallel_loop3A_967 : f32 to vector<16xf32>
      %parallel_loop3A_997 = arith.mulf %get3A_62, %parallel_loop3A_996 : vector<16xf32>
      %parallel_loop3A_998 = arith.subf %parallel_loop3A_995, %parallel_loop3A_997 : vector<16xf32>
      %parallel_loop3A_999 = arith.constant 5.000000e-01 : f32
      %parallel_loop3A_1000 = vector.broadcast %parallel_loop3A_999 : f32 to vector<16xf32>
      %parallel_loop3A_1001 = arith.addf %parallel_loop3A_1000, %parallel_loop3A_998 : vector<16xf32>
      %parallel_loop3A_1002 = vector.broadcast %parallel_loop3A_963 : f32 to vector<16xf32>
      %parallel_loop3A_1003 = arith.mulf %parallel_loop3A_1002, %get3A_87 : vector<16xf32>
      %parallel_loop3A_1004 = arith.divf %parallel_loop3A_1003, %parallel_loop3A_993 : vector<16xf32>
      %parallel_loop3A_1005 = arith.constant 16 : i32
      %parallel_loop3A_1006 = arith.addi %parallel_loop3A_971, %parallel_loop3A_1005 : i32
      %parallel_loop3A_1007 = arith.mulf %parallel_loop3A_1001, %parallel_loop3A_1004 : vector<16xf32>
      %parallel_loop3A_1008 = arith.index_cast %parallel_loop3A_1006 : i32 to index
      %parallel_loop3A_1009 = tpu.vector_load %arg7[%parallel_loop3A_1008] {strides = array<i32>} : memref<4096xf32, #tpu.memory_space<vmem>>, vector<16xf32>,
      %parallel_loop3A_1010 = vector.shape_cast %parallel_loop3A_1009 : vector<16xf32> to vector<16xf32>
      %parallel_loop3A_1011 = vector.shape_cast %parallel_loop3A_1007 : vector<16xf32> to vector<16xf32>
      tpu.vector_store %arg7[%parallel_loop3A_1008], %parallel_loop3A_1011 {add = true, strides = array<i32>} : memref<4096xf32, #tpu.memory_space<vmem>>, vector<16xf32>,
      %parallel_loop3A_1012 = vector.broadcast %parallel_loop3A_969 : f32 to vector<16xf32>
      %parallel_loop3A_1013 = arith.addf %get3A_17, %parallel_loop3A_1012 : vector<16xf32>
      %parallel_loop3A_1014 = vector.broadcast %parallel_loop3A_965 : f32 to vector<16xf32>
      %parallel_loop3A_1015 = arith.mulf %get3A_42, %parallel_loop3A_1014 : vector<16xf32>
      %parallel_loop3A_1016 = vector.broadcast %parallel_loop3A_967 : f32 to vector<16xf32>
      %parallel_loop3A_1017 = arith.mulf %get3A_67, %parallel_loop3A_1016 : vector<16xf32>
      %parallel_loop3A_1018 = arith.subf %parallel_loop3A_1015, %parallel_loop3A_1017 : vector<16xf32>
      %parallel_loop3A_1019 = arith.constant 5.000000e-01 : f32
      %parallel_loop3A_1020 = vector.broadcast %parallel_loop3A_1019 : f32 to vector<16xf32>
      %parallel_loop3A_1021 = arith.addf %parallel_loop3A_1020, %parallel_loop3A_1018 : vector<16xf32>
      %parallel_loop3A_1022 = vector.broadcast %parallel_loop3A_963 : f32 to vector<16xf32>
      %parallel_loop3A_1023 = arith.mulf %parallel_loop3A_1022, %get3A_92 : vector<16xf32>
      %parallel_loop3A_1024 = arith.divf %parallel_loop3A_1023, %parallel_loop3A_1013 : vector<16xf32>
      %parallel_loop3A_1025 = arith.constant 0.000000e+00 : f32
      %parallel_loop3A_1026 = vector.broadcast %parallel_loop3A_1025 : f32 to vector<16xf32>
      %parallel_loop3A_1027 = arith.cmpf oeq, %parallel_loop3A_1013, %parallel_loop3A_1026 : vector<16xf32>
      %parallel_loop3A_1028 = vector.broadcast %parallel_loop3A_961 : f32 to vector<16xf32>
      %parallel_loop3A_1029 = arith.select %parallel_loop3A_1027, %parallel_loop3A_1028, %parallel_loop3A_1024 : vector<16xi1>, vector<16xf32>
      %parallel_loop3A_1030 = arith.constant 32 : i32
      %parallel_loop3A_1031 = arith.addi %parallel_loop3A_971, %parallel_loop3A_1030 : i32
      %parallel_loop3A_1032 = arith.mulf %parallel_loop3A_1021, %parallel_loop3A_1029 : vector<16xf32>
      %parallel_loop3A_1033 = arith.index_cast %parallel_loop3A_1031 : i32 to index
      %parallel_loop3A_1034 = tpu.vector_load %arg7[%parallel_loop3A_1033] {strides = array<i32>} : memref<4096xf32, #tpu.memory_space<vmem>>, vector<16xf32>,
      %parallel_loop3A_1035 = vector.shape_cast %parallel_loop3A_1034 : vector<16xf32> to vector<16xf32>
      %parallel_loop3A_1036 = vector.shape_cast %parallel_loop3A_1032 : vector<16xf32> to vector<16xf32>
      tpu.vector_store %arg7[%parallel_loop3A_1033], %parallel_loop3A_1036 {add = true, strides = array<i32>} : memref<4096xf32, #tpu.memory_space<vmem>>, vector<16xf32>,
      %parallel_loop3A_1037 = vector.broadcast %parallel_loop3A_969 : f32 to vector<16xf32>
      %parallel_loop3A_1038 = arith.addf %get3A_22, %parallel_loop3A_1037 : vector<16xf32>
      %parallel_loop3A_1039 = vector.broadcast %parallel_loop3A_965 : f32 to vector<16xf32>
      %parallel_loop3A_1040 = arith.mulf %get3A_47, %parallel_loop3A_1039 : vector<16xf32>
      %parallel_loop3A_1041 = vector.broadcast %parallel_loop3A_967 : f32 to vector<16xf32>
      %parallel_loop3A_1042 = arith.mulf %get3A_72, %parallel_loop3A_1041 : vector<16xf32>
      %parallel_loop3A_1043 = arith.subf %parallel_loop3A_1040, %parallel_loop3A_1042 : vector<16xf32>
      %parallel_loop3A_1044 = arith.constant 5.000000e-01 : f32
      %parallel_loop3A_1045 = vector.broadcast %parallel_loop3A_1044 : f32 to vector<16xf32>
      %parallel_loop3A_1046 = arith.addf %parallel_loop3A_1045, %parallel_loop3A_1043 : vector<16xf32>
      %parallel_loop3A_1047 = vector.broadcast %parallel_loop3A_963 : f32 to vector<16xf32>
      %parallel_loop3A_1048 = arith.mulf %parallel_loop3A_1047, %get3A_97 : vector<16xf32>
      %parallel_loop3A_1049 = arith.divf %parallel_loop3A_1048, %parallel_loop3A_1038 : vector<16xf32>
      %parallel_loop3A_1050 = arith.constant 48 : i32
      %parallel_loop3A_1051 = arith.addi %parallel_loop3A_971, %parallel_loop3A_1050 : i32
      %parallel_loop3A_1052 = arith.mulf %parallel_loop3A_1046, %parallel_loop3A_1049 : vector<16xf32>
      %parallel_loop3A_1053 = arith.index_cast %parallel_loop3A_1051 : i32 to index
      %parallel_loop3A_1054 = tpu.vector_load %arg7[%parallel_loop3A_1053] {strides = array<i32>} : memref<4096xf32, #tpu.memory_space<vmem>>, vector<16xf32>,
      %parallel_loop3A_1055 = vector.shape_cast %parallel_loop3A_1054 : vector<16xf32> to vector<16xf32>
      %parallel_loop3A_1056 = vector.shape_cast %parallel_loop3A_1052 : vector<16xf32> to vector<16xf32>
      tpu.vector_store %arg7[%parallel_loop3A_1053], %parallel_loop3A_1056 {add = true, strides = array<i32>} : memref<4096xf32, #tpu.memory_space<vmem>>, vector<16xf32>,
      %parallel_loop3A_1057 = vector.broadcast %parallel_loop3A_969 : f32 to vector<16xf32>
      %parallel_loop3A_1058 = arith.addf %get3A_27, %parallel_loop3A_1057 : vector<16xf32>
      %parallel_loop3A_1059 = vector.broadcast %parallel_loop3A_965 : f32 to vector<16xf32>
      %parallel_loop3A_1060 = arith.mulf %get3A_52, %parallel_loop3A_1059 : vector<16xf32>
      %parallel_loop3A_1061 = vector.broadcast %parallel_loop3A_967 : f32 to vector<16xf32>
      %parallel_loop3A_1062 = arith.mulf %get3A_77, %parallel_loop3A_1061 : vector<16xf32>
      %parallel_loop3A_1063 = arith.subf %parallel_loop3A_1060, %parallel_loop3A_1062 : vector<16xf32>
      %parallel_loop3A_1064 = arith.constant 5.000000e-01 : f32
      %parallel_loop3A_1065 = vector.broadcast %parallel_loop3A_1064 : f32 to vector<16xf32>
      %parallel_loop3A_1066 = arith.addf %parallel_loop3A_1065, %parallel_loop3A_1063 : vector<16xf32>
      %parallel_loop3A_1067 = vector.broadcast %parallel_loop3A_963 : f32 to vector<16xf32>
      %parallel_loop3A_1068 = arith.mulf %parallel_loop3A_1067, %get3A_102 : vector<16xf32>
      %parallel_loop3A_1069 = arith.divf %parallel_loop3A_1068, %parallel_loop3A_1058 : vector<16xf32>
      %parallel_loop3A_1070 = arith.constant 64 : i32
      %parallel_loop3A_1071 = arith.addi %parallel_loop3A_971, %parallel_loop3A_1070 : i32
      %parallel_loop3A_1072 = arith.mulf %parallel_loop3A_1066, %parallel_loop3A_1069 : vector<16xf32>
      %parallel_loop3A_1073 = arith.index_cast %parallel_loop3A_1071 : i32 to index
      %parallel_loop3A_1074 = tpu.vector_load %arg7[%parallel_loop3A_1073] {strides = array<i32>} : memref<4096xf32, #tpu.memory_space<vmem>>, vector<16xf32>,
      %parallel_loop3A_1075 = vector.shape_cast %parallel_loop3A_1074 : vector<16xf32> to vector<16xf32>
      %parallel_loop3A_1076 = vector.shape_cast %parallel_loop3A_1072 : vector<16xf32> to vector<16xf32>
      tpu.vector_store %arg7[%parallel_loop3A_1073], %parallel_loop3A_1076 {add = true, strides = array<i32>} : memref<4096xf32, #tpu.memory_space<vmem>>, vector<16xf32>,
      %parallel_loop3A_1077 = vector.extract_strided_slice %parallel_loop3A_111 {offsets = [8], sizes = [1], strides = [1]} : vector<16xf32> to vector<1xf32>
      %parallel_loop3A_1078 = vector.extract %parallel_loop3A_1077[0] : f32 from vector<1xf32>
      %parallel_loop3A_1079 = vector.extract_strided_slice %parallel_loop3A_116 {offsets = [8], sizes = [1], strides = [1]} : vector<16xf32> to vector<1xf32>
      %parallel_loop3A_1080 = vector.extract %parallel_loop3A_1079[0] : f32 from vector<1xf32>
      %parallel_loop3A_1081 = vector.extract_strided_slice %parallel_loop3A_121 {offsets = [8], sizes = [1], strides = [1]} : vector<16xf32> to vector<1xf32>
      %parallel_loop3A_1082 = vector.extract %parallel_loop3A_1081[0] : f32 from vector<1xf32>
      %parallel_loop3A_1083 = vector.extract_strided_slice %parallel_loop3A_126 {offsets = [8], sizes = [1], strides = [1]} : vector<16xf32> to vector<1xf32>
      %parallel_loop3A_1084 = vector.extract %parallel_loop3A_1083[0] : f32 from vector<1xf32>
      %parallel_loop3A_1085 = vector.extract_strided_slice %parallel_loop3A_131 {offsets = [8], sizes = [1], strides = [1]} : vector<16xf32> to vector<1xf32>
      %parallel_loop3A_1086 = vector.extract %parallel_loop3A_1085[0] : f32 from vector<1xf32>
      %parallel_loop3A_1087 = vector.extract_strided_slice %parallel_loop3A_140 {offsets = [8], sizes = [1], strides = [1]} : vector<16xi32> to vector<1xi32>
      %parallel_loop3A_1088 = vector.extract %parallel_loop3A_1087[0] : i32 from vector<1xi32>
      %parallel_loop3A_1089 = vector.broadcast %parallel_loop3A_1086 : f32 to vector<16xf32>
      %parallel_loop3A_1090 = arith.addf %get3A_7, %parallel_loop3A_1089 : vector<16xf32>
      %parallel_loop3A_1091 = vector.broadcast %parallel_loop3A_1082 : f32 to vector<16xf32>
      %parallel_loop3A_1092 = arith.mulf %get3A_32, %parallel_loop3A_1091 : vector<16xf32>
      %parallel_loop3A_1093 = vector.broadcast %parallel_loop3A_1084 : f32 to vector<16xf32>
      %parallel_loop3A_1094 = arith.mulf %get3A_57, %parallel_loop3A_1093 : vector<16xf32>
      %parallel_loop3A_1095 = arith.subf %parallel_loop3A_1092, %parallel_loop3A_1094 : vector<16xf32>
      %parallel_loop3A_1096 = arith.constant 5.000000e-01 : f32
      %parallel_loop3A_1097 = vector.broadcast %parallel_loop3A_1096 : f32 to vector<16xf32>
      %parallel_loop3A_1098 = arith.addf %parallel_loop3A_1097, %parallel_loop3A_1095 : vector<16xf32>
      %parallel_loop3A_1099 = vector.broadcast %parallel_loop3A_1080 : f32 to vector<16xf32>
      %parallel_loop3A_1100 = arith.mulf %parallel_loop3A_1099, %get3A_82 : vector<16xf32>
      %parallel_loop3A_1101 = arith.divf %parallel_loop3A_1100, %parallel_loop3A_1090 : vector<16xf32>
      %parallel_loop3A_1102 = arith.constant 0 : i32
      %parallel_loop3A_1103 = arith.addi %parallel_loop3A_1088, %parallel_loop3A_1102 : i32
      %parallel_loop3A_1104 = arith.mulf %parallel_loop3A_1098, %parallel_loop3A_1101 : vector<16xf32>
      %parallel_loop3A_1105 = arith.index_cast %parallel_loop3A_1103 : i32 to index
      %parallel_loop3A_1106 = tpu.vector_load %arg7[%parallel_loop3A_1105] {strides = array<i32>} : memref<4096xf32, #tpu.memory_space<vmem>>, vector<16xf32>,
      %parallel_loop3A_1107 = vector.shape_cast %parallel_loop3A_1106 : vector<16xf32> to vector<16xf32>
      %parallel_loop3A_1108 = vector.shape_cast %parallel_loop3A_1104 : vector<16xf32> to vector<16xf32>
      tpu.vector_store %arg7[%parallel_loop3A_1105], %parallel_loop3A_1108 {add = true, strides = array<i32>} : memref<4096xf32, #tpu.memory_space<vmem>>, vector<16xf32>,
      %parallel_loop3A_1109 = vector.broadcast %parallel_loop3A_1086 : f32 to vector<16xf32>
      %parallel_loop3A_1110 = arith.addf %get3A_12, %parallel_loop3A_1109 : vector<16xf32>
      %parallel_loop3A_1111 = vector.broadcast %parallel_loop3A_1082 : f32 to vector<16xf32>
      %parallel_loop3A_1112 = arith.mulf %get3A_37, %parallel_loop3A_1111 : vector<16xf32>
      %parallel_loop3A_1113 = vector.broadcast %parallel_loop3A_1084 : f32 to vector<16xf32>
      %parallel_loop3A_1114 = arith.mulf %get3A_62, %parallel_loop3A_1113 : vector<16xf32>
      %parallel_loop3A_1115 = arith.subf %parallel_loop3A_1112, %parallel_loop3A_1114 : vector<16xf32>
      %parallel_loop3A_1116 = arith.constant 5.000000e-01 : f32
      %parallel_loop3A_1117 = vector.broadcast %parallel_loop3A_1116 : f32 to vector<16xf32>
      %parallel_loop3A_1118 = arith.addf %parallel_loop3A_1117, %parallel_loop3A_1115 : vector<16xf32>
      %parallel_loop3A_1119 = vector.broadcast %parallel_loop3A_1080 : f32 to vector<16xf32>
      %parallel_loop3A_1120 = arith.mulf %parallel_loop3A_1119, %get3A_87 : vector<16xf32>
      %parallel_loop3A_1121 = arith.divf %parallel_loop3A_1120, %parallel_loop3A_1110 : vector<16xf32>
      %parallel_loop3A_1122 = arith.constant 16 : i32
      %parallel_loop3A_1123 = arith.addi %parallel_loop3A_1088, %parallel_loop3A_1122 : i32
      %parallel_loop3A_1124 = arith.mulf %parallel_loop3A_1118, %parallel_loop3A_1121 : vector<16xf32>
      %parallel_loop3A_1125 = arith.index_cast %parallel_loop3A_1123 : i32 to index
      %parallel_loop3A_1126 = tpu.vector_load %arg7[%parallel_loop3A_1125] {strides = array<i32>} : memref<4096xf32, #tpu.memory_space<vmem>>, vector<16xf32>,
      %parallel_loop3A_1127 = vector.shape_cast %parallel_loop3A_1126 : vector<16xf32> to vector<16xf32>
      %parallel_loop3A_1128 = vector.shape_cast %parallel_loop3A_1124 : vector<16xf32> to vector<16xf32>
      tpu.vector_store %arg7[%parallel_loop3A_1125], %parallel_loop3A_1128 {add = true, strides = array<i32>} : memref<4096xf32, #tpu.memory_space<vmem>>, vector<16xf32>,
      %parallel_loop3A_1129 = vector.broadcast %parallel_loop3A_1086 : f32 to vector<16xf32>
      %parallel_loop3A_1130 = arith.addf %get3A_17, %parallel_loop3A_1129 : vector<16xf32>
      %parallel_loop3A_1131 = vector.broadcast %parallel_loop3A_1082 : f32 to vector<16xf32>
      %parallel_loop3A_1132 = arith.mulf %get3A_42, %parallel_loop3A_1131 : vector<16xf32>
      %parallel_loop3A_1133 = vector.broadcast %parallel_loop3A_1084 : f32 to vector<16xf32>
      %parallel_loop3A_1134 = arith.mulf %get3A_67, %parallel_loop3A_1133 : vector<16xf32>
      %parallel_loop3A_1135 = arith.subf %parallel_loop3A_1132, %parallel_loop3A_1134 : vector<16xf32>
      %parallel_loop3A_1136 = arith.constant 5.000000e-01 : f32
      %parallel_loop3A_1137 = vector.broadcast %parallel_loop3A_1136 : f32 to vector<16xf32>
      %parallel_loop3A_1138 = arith.addf %parallel_loop3A_1137, %parallel_loop3A_1135 : vector<16xf32>
      %parallel_loop3A_1139 = vector.broadcast %parallel_loop3A_1080 : f32 to vector<16xf32>
      %parallel_loop3A_1140 = arith.mulf %parallel_loop3A_1139, %get3A_92 : vector<16xf32>
      %parallel_loop3A_1141 = arith.divf %parallel_loop3A_1140, %parallel_loop3A_1130 : vector<16xf32>
      %parallel_loop3A_1142 = arith.constant 0.000000e+00 : f32
      %parallel_loop3A_1143 = vector.broadcast %parallel_loop3A_1142 : f32 to vector<16xf32>
      %parallel_loop3A_1144 = arith.cmpf oeq, %parallel_loop3A_1130, %parallel_loop3A_1143 : vector<16xf32>
      %parallel_loop3A_1145 = vector.broadcast %parallel_loop3A_1078 : f32 to vector<16xf32>
      %parallel_loop3A_1146 = arith.select %parallel_loop3A_1144, %parallel_loop3A_1145, %parallel_loop3A_1141 : vector<16xi1>, vector<16xf32>
      %parallel_loop3A_1147 = arith.constant 32 : i32
      %parallel_loop3A_1148 = arith.addi %parallel_loop3A_1088, %parallel_loop3A_1147 : i32
      %parallel_loop3A_1149 = arith.mulf %parallel_loop3A_1138, %parallel_loop3A_1146 : vector<16xf32>
      %parallel_loop3A_1150 = arith.index_cast %parallel_loop3A_1148 : i32 to index
      %parallel_loop3A_1151 = tpu.vector_load %arg7[%parallel_loop3A_1150] {strides = array<i32>} : memref<4096xf32, #tpu.memory_space<vmem>>, vector<16xf32>,
      %parallel_loop3A_1152 = vector.shape_cast %parallel_loop3A_1151 : vector<16xf32> to vector<16xf32>
      %parallel_loop3A_1153 = vector.shape_cast %parallel_loop3A_1149 : vector<16xf32> to vector<16xf32>
      tpu.vector_store %arg7[%parallel_loop3A_1150], %parallel_loop3A_1153 {add = true, strides = array<i32>} : memref<4096xf32, #tpu.memory_space<vmem>>, vector<16xf32>,
      %parallel_loop3A_1154 = vector.broadcast %parallel_loop3A_1086 : f32 to vector<16xf32>
      %parallel_loop3A_1155 = arith.addf %get3A_22, %parallel_loop3A_1154 : vector<16xf32>
      %parallel_loop3A_1156 = vector.broadcast %parallel_loop3A_1082 : f32 to vector<16xf32>
      %parallel_loop3A_1157 = arith.mulf %get3A_47, %parallel_loop3A_1156 : vector<16xf32>
      %parallel_loop3A_1158 = vector.broadcast %parallel_loop3A_1084 : f32 to vector<16xf32>
      %parallel_loop3A_1159 = arith.mulf %get3A_72, %parallel_loop3A_1158 : vector<16xf32>
      %parallel_loop3A_1160 = arith.subf %parallel_loop3A_1157, %parallel_loop3A_1159 : vector<16xf32>
      %parallel_loop3A_1161 = arith.constant 5.000000e-01 : f32
      %parallel_loop3A_1162 = vector.broadcast %parallel_loop3A_1161 : f32 to vector<16xf32>
      %parallel_loop3A_1163 = arith.addf %parallel_loop3A_1162, %parallel_loop3A_1160 : vector<16xf32>
      %parallel_loop3A_1164 = vector.broadcast %parallel_loop3A_1080 : f32 to vector<16xf32>
      %parallel_loop3A_1165 = arith.mulf %parallel_loop3A_1164, %get3A_97 : vector<16xf32>
      %parallel_loop3A_1166 = arith.divf %parallel_loop3A_1165, %parallel_loop3A_1155 : vector<16xf32>
      %parallel_loop3A_1167 = arith.constant 48 : i32
      %parallel_loop3A_1168 = arith.addi %parallel_loop3A_1088, %parallel_loop3A_1167 : i32
      %parallel_loop3A_1169 = arith.mulf %parallel_loop3A_1163, %parallel_loop3A_1166 : vector<16xf32>
      %parallel_loop3A_1170 = arith.index_cast %parallel_loop3A_1168 : i32 to index
      %parallel_loop3A_1171 = tpu.vector_load %arg7[%parallel_loop3A_1170] {strides = array<i32>} : memref<4096xf32, #tpu.memory_space<vmem>>, vector<16xf32>,
      %parallel_loop3A_1172 = vector.shape_cast %parallel_loop3A_1171 : vector<16xf32> to vector<16xf32>
      %parallel_loop3A_1173 = vector.shape_cast %parallel_loop3A_1169 : vector<16xf32> to vector<16xf32>
      tpu.vector_store %arg7[%parallel_loop3A_1170], %parallel_loop3A_1173 {add = true, strides = array<i32>} : memref<4096xf32, #tpu.memory_space<vmem>>, vector<16xf32>,
      %parallel_loop3A_1174 = vector.broadcast %parallel_loop3A_1086 : f32 to vector<16xf32>
      %parallel_loop3A_1175 = arith.addf %get3A_27, %parallel_loop3A_1174 : vector<16xf32>
      %parallel_loop3A_1176 = vector.broadcast %parallel_loop3A_1082 : f32 to vector<16xf32>
      %parallel_loop3A_1177 = arith.mulf %get3A_52, %parallel_loop3A_1176 : vector<16xf32>
      %parallel_loop3A_1178 = vector.broadcast %parallel_loop3A_1084 : f32 to vector<16xf32>
      %parallel_loop3A_1179 = arith.mulf %get3A_77, %parallel_loop3A_1178 : vector<16xf32>
      %parallel_loop3A_1180 = arith.subf %parallel_loop3A_1177, %parallel_loop3A_1179 : vector<16xf32>
      %parallel_loop3A_1181 = arith.constant 5.000000e-01 : f32
      %parallel_loop3A_1182 = vector.broadcast %parallel_loop3A_1181 : f32 to vector<16xf32>
      %parallel_loop3A_1183 = arith.addf %parallel_loop3A_1182, %parallel_loop3A_1180 : vector<16xf32>
      %parallel_loop3A_1184 = vector.broadcast %parallel_loop3A_1080 : f32 to vector<16xf32>
      %parallel_loop3A_1185 = arith.mulf %parallel_loop3A_1184, %get3A_102 : vector<16xf32>
      %parallel_loop3A_1186 = arith.divf %parallel_loop3A_1185, %parallel_loop3A_1175 : vector<16xf32>
      %parallel_loop3A_1187 = arith.constant 64 : i32
      %parallel_loop3A_1188 = arith.addi %parallel_loop3A_1088, %parallel_loop3A_1187 : i32
      %parallel_loop3A_1189 = arith.mulf %parallel_loop3A_1183, %parallel_loop3A_1186 : vector<16xf32>
      %parallel_loop3A_1190 = arith.index_cast %parallel_loop3A_1188 : i32 to index
      %parallel_loop3A_1191 = tpu.vector_load %arg7[%parallel_loop3A_1190] {strides = array<i32>} : memref<4096xf32, #tpu.memory_space<vmem>>, vector<16xf32>,
      %parallel_loop3A_1192 = vector.shape_cast %parallel_loop3A_1191 : vector<16xf32> to vector<16xf32>
      %parallel_loop3A_1193 = vector.shape_cast %parallel_loop3A_1189 : vector<16xf32> to vector<16xf32>
      tpu.vector_store %arg7[%parallel_loop3A_1190], %parallel_loop3A_1193 {add = true, strides = array<i32>} : memref<4096xf32, #tpu.memory_space<vmem>>, vector<16xf32>,
      %parallel_loop3A_1194 = vector.extract_strided_slice %parallel_loop3A_111 {offsets = [9], sizes = [1], strides = [1]} : vector<16xf32> to vector<1xf32>
      %parallel_loop3A_1195 = vector.extract %parallel_loop3A_1194[0] : f32 from vector<1xf32>
      %parallel_loop3A_1196 = vector.extract_strided_slice %parallel_loop3A_116 {offsets = [9], sizes = [1], strides = [1]} : vector<16xf32> to vector<1xf32>
      %parallel_loop3A_1197 = vector.extract %parallel_loop3A_1196[0] : f32 from vector<1xf32>
      %parallel_loop3A_1198 = vector.extract_strided_slice %parallel_loop3A_121 {offsets = [9], sizes = [1], strides = [1]} : vector<16xf32> to vector<1xf32>
      %parallel_loop3A_1199 = vector.extract %parallel_loop3A_1198[0] : f32 from vector<1xf32>
      %parallel_loop3A_1200 = vector.extract_strided_slice %parallel_loop3A_126 {offsets = [9], sizes = [1], strides = [1]} : vector<16xf32> to vector<1xf32>
      %parallel_loop3A_1201 = vector.extract %parallel_loop3A_1200[0] : f32 from vector<1xf32>
      %parallel_loop3A_1202 = vector.extract_strided_slice %parallel_loop3A_131 {offsets = [9], sizes = [1], strides = [1]} : vector<16xf32> to vector<1xf32>
      %parallel_loop3A_1203 = vector.extract %parallel_loop3A_1202[0] : f32 from vector<1xf32>
      %parallel_loop3A_1204 = vector.extract_strided_slice %parallel_loop3A_140 {offsets = [9], sizes = [1], strides = [1]} : vector<16xi32> to vector<1xi32>
      %parallel_loop3A_1205 = vector.extract %parallel_loop3A_1204[0] : i32 from vector<1xi32>
      %parallel_loop3A_1206 = vector.broadcast %parallel_loop3A_1203 : f32 to vector<16xf32>
      %parallel_loop3A_1207 = arith.addf %get3A_7, %parallel_loop3A_1206 : vector<16xf32>
      %parallel_loop3A_1208 = vector.broadcast %parallel_loop3A_1199 : f32 to vector<16xf32>
      %parallel_loop3A_1209 = arith.mulf %get3A_32, %parallel_loop3A_1208 : vector<16xf32>
      %parallel_loop3A_1210 = vector.broadcast %parallel_loop3A_1201 : f32 to vector<16xf32>
      %parallel_loop3A_1211 = arith.mulf %get3A_57, %parallel_loop3A_1210 : vector<16xf32>
      %parallel_loop3A_1212 = arith.subf %parallel_loop3A_1209, %parallel_loop3A_1211 : vector<16xf32>
      %parallel_loop3A_1213 = arith.constant 5.000000e-01 : f32
      %parallel_loop3A_1214 = vector.broadcast %parallel_loop3A_1213 : f32 to vector<16xf32>
      %parallel_loop3A_1215 = arith.addf %parallel_loop3A_1214, %parallel_loop3A_1212 : vector<16xf32>
      %parallel_loop3A_1216 = vector.broadcast %parallel_loop3A_1197 : f32 to vector<16xf32>
      %parallel_loop3A_1217 = arith.mulf %parallel_loop3A_1216, %get3A_82 : vector<16xf32>
      %parallel_loop3A_1218 = arith.divf %parallel_loop3A_1217, %parallel_loop3A_1207 : vector<16xf32>
      %parallel_loop3A_1219 = arith.constant 0 : i32
      %parallel_loop3A_1220 = arith.addi %parallel_loop3A_1205, %parallel_loop3A_1219 : i32
      %parallel_loop3A_1221 = arith.mulf %parallel_loop3A_1215, %parallel_loop3A_1218 : vector<16xf32>
      %parallel_loop3A_1222 = arith.index_cast %parallel_loop3A_1220 : i32 to index
      %parallel_loop3A_1223 = tpu.vector_load %arg7[%parallel_loop3A_1222] {strides = array<i32>} : memref<4096xf32, #tpu.memory_space<vmem>>, vector<16xf32>,
      %parallel_loop3A_1224 = vector.shape_cast %parallel_loop3A_1223 : vector<16xf32> to vector<16xf32>
      %parallel_loop3A_1225 = vector.shape_cast %parallel_loop3A_1221 : vector<16xf32> to vector<16xf32>
      tpu.vector_store %arg7[%parallel_loop3A_1222], %parallel_loop3A_1225 {add = true, strides = array<i32>} : memref<4096xf32, #tpu.memory_space<vmem>>, vector<16xf32>,
      %parallel_loop3A_1226 = vector.broadcast %parallel_loop3A_1203 : f32 to vector<16xf32>
      %parallel_loop3A_1227 = arith.addf %get3A_12, %parallel_loop3A_1226 : vector<16xf32>
      %parallel_loop3A_1228 = vector.broadcast %parallel_loop3A_1199 : f32 to vector<16xf32>
      %parallel_loop3A_1229 = arith.mulf %get3A_37, %parallel_loop3A_1228 : vector<16xf32>
      %parallel_loop3A_1230 = vector.broadcast %parallel_loop3A_1201 : f32 to vector<16xf32>
      %parallel_loop3A_1231 = arith.mulf %get3A_62, %parallel_loop3A_1230 : vector<16xf32>
      %parallel_loop3A_1232 = arith.subf %parallel_loop3A_1229, %parallel_loop3A_1231 : vector<16xf32>
      %parallel_loop3A_1233 = arith.constant 5.000000e-01 : f32
      %parallel_loop3A_1234 = vector.broadcast %parallel_loop3A_1233 : f32 to vector<16xf32>
      %parallel_loop3A_1235 = arith.addf %parallel_loop3A_1234, %parallel_loop3A_1232 : vector<16xf32>
      %parallel_loop3A_1236 = vector.broadcast %parallel_loop3A_1197 : f32 to vector<16xf32>
      %parallel_loop3A_1237 = arith.mulf %parallel_loop3A_1236, %get3A_87 : vector<16xf32>
      %parallel_loop3A_1238 = arith.divf %parallel_loop3A_1237, %parallel_loop3A_1227 : vector<16xf32>
      %parallel_loop3A_1239 = arith.constant 16 : i32
      %parallel_loop3A_1240 = arith.addi %parallel_loop3A_1205, %parallel_loop3A_1239 : i32
      %parallel_loop3A_1241 = arith.mulf %parallel_loop3A_1235, %parallel_loop3A_1238 : vector<16xf32>
      %parallel_loop3A_1242 = arith.index_cast %parallel_loop3A_1240 : i32 to index
      %parallel_loop3A_1243 = tpu.vector_load %arg7[%parallel_loop3A_1242] {strides = array<i32>} : memref<4096xf32, #tpu.memory_space<vmem>>, vector<16xf32>,
      %parallel_loop3A_1244 = vector.shape_cast %parallel_loop3A_1243 : vector<16xf32> to vector<16xf32>
      %parallel_loop3A_1245 = vector.shape_cast %parallel_loop3A_1241 : vector<16xf32> to vector<16xf32>
      tpu.vector_store %arg7[%parallel_loop3A_1242], %parallel_loop3A_1245 {add = true, strides = array<i32>} : memref<4096xf32, #tpu.memory_space<vmem>>, vector<16xf32>,
      %parallel_loop3A_1246 = vector.broadcast %parallel_loop3A_1203 : f32 to vector<16xf32>
      %parallel_loop3A_1247 = arith.addf %get3A_17, %parallel_loop3A_1246 : vector<16xf32>
      %parallel_loop3A_1248 = vector.broadcast %parallel_loop3A_1199 : f32 to vector<16xf32>
      %parallel_loop3A_1249 = arith.mulf %get3A_42, %parallel_loop3A_1248 : vector<16xf32>
      %parallel_loop3A_1250 = vector.broadcast %parallel_loop3A_1201 : f32 to vector<16xf32>
      %parallel_loop3A_1251 = arith.mulf %get3A_67, %parallel_loop3A_1250 : vector<16xf32>
      %parallel_loop3A_1252 = arith.subf %parallel_loop3A_1249, %parallel_loop3A_1251 : vector<16xf32>
      %parallel_loop3A_1253 = arith.constant 5.000000e-01 : f32
      %parallel_loop3A_1254 = vector.broadcast %parallel_loop3A_1253 : f32 to vector<16xf32>
      %parallel_loop3A_1255 = arith.addf %parallel_loop3A_1254, %parallel_loop3A_1252 : vector<16xf32>
      %parallel_loop3A_1256 = vector.broadcast %parallel_loop3A_1197 : f32 to vector<16xf32>
      %parallel_loop3A_1257 = arith.mulf %parallel_loop3A_1256, %get3A_92 : vector<16xf32>
      %parallel_loop3A_1258 = arith.divf %parallel_loop3A_1257, %parallel_loop3A_1247 : vector<16xf32>
      %parallel_loop3A_1259 = arith.constant 0.000000e+00 : f32
      %parallel_loop3A_1260 = vector.broadcast %parallel_loop3A_1259 : f32 to vector<16xf32>
      %parallel_loop3A_1261 = arith.cmpf oeq, %parallel_loop3A_1247, %parallel_loop3A_1260 : vector<16xf32>
      %parallel_loop3A_1262 = vector.broadcast %parallel_loop3A_1195 : f32 to vector<16xf32>
      %parallel_loop3A_1263 = arith.select %parallel_loop3A_1261, %parallel_loop3A_1262, %parallel_loop3A_1258 : vector<16xi1>, vector<16xf32>
      %parallel_loop3A_1264 = arith.constant 32 : i32
      %parallel_loop3A_1265 = arith.addi %parallel_loop3A_1205, %parallel_loop3A_1264 : i32
      %parallel_loop3A_1266 = arith.mulf %parallel_loop3A_1255, %parallel_loop3A_1263 : vector<16xf32>
      %parallel_loop3A_1267 = arith.index_cast %parallel_loop3A_1265 : i32 to index
      %parallel_loop3A_1268 = tpu.vector_load %arg7[%parallel_loop3A_1267] {strides = array<i32>} : memref<4096xf32, #tpu.memory_space<vmem>>, vector<16xf32>,
      %parallel_loop3A_1269 = vector.shape_cast %parallel_loop3A_1268 : vector<16xf32> to vector<16xf32>
      %parallel_loop3A_1270 = vector.shape_cast %parallel_loop3A_1266 : vector<16xf32> to vector<16xf32>
      tpu.vector_store %arg7[%parallel_loop3A_1267], %parallel_loop3A_1270 {add = true, strides = array<i32>} : memref<4096xf32, #tpu.memory_space<vmem>>, vector<16xf32>,
      %parallel_loop3A_1271 = vector.broadcast %parallel_loop3A_1203 : f32 to vector<16xf32>
      %parallel_loop3A_1272 = arith.addf %get3A_22, %parallel_loop3A_1271 : vector<16xf32>
      %parallel_loop3A_1273 = vector.broadcast %parallel_loop3A_1199 : f32 to vector<16xf32>
      %parallel_loop3A_1274 = arith.mulf %get3A_47, %parallel_loop3A_1273 : vector<16xf32>
      %parallel_loop3A_1275 = vector.broadcast %parallel_loop3A_1201 : f32 to vector<16xf32>
      %parallel_loop3A_1276 = arith.mulf %get3A_72, %parallel_loop3A_1275 : vector<16xf32>
      %parallel_loop3A_1277 = arith.subf %parallel_loop3A_1274, %parallel_loop3A_1276 : vector<16xf32>
      %parallel_loop3A_1278 = arith.constant 5.000000e-01 : f32
      %parallel_loop3A_1279 = vector.broadcast %parallel_loop3A_1278 : f32 to vector<16xf32>
      %parallel_loop3A_1280 = arith.addf %parallel_loop3A_1279, %parallel_loop3A_1277 : vector<16xf32>
      %parallel_loop3A_1281 = vector.broadcast %parallel_loop3A_1197 : f32 to vector<16xf32>
      %parallel_loop3A_1282 = arith.mulf %parallel_loop3A_1281, %get3A_97 : vector<16xf32>
      %parallel_loop3A_1283 = arith.divf %parallel_loop3A_1282, %parallel_loop3A_1272 : vector<16xf32>
      %parallel_loop3A_1284 = arith.constant 48 : i32
      %parallel_loop3A_1285 = arith.addi %parallel_loop3A_1205, %parallel_loop3A_1284 : i32
      %parallel_loop3A_1286 = arith.mulf %parallel_loop3A_1280, %parallel_loop3A_1283 : vector<16xf32>
      %parallel_loop3A_1287 = arith.index_cast %parallel_loop3A_1285 : i32 to index
      %parallel_loop3A_1288 = tpu.vector_load %arg7[%parallel_loop3A_1287] {strides = array<i32>} : memref<4096xf32, #tpu.memory_space<vmem>>, vector<16xf32>,
      %parallel_loop3A_1289 = vector.shape_cast %parallel_loop3A_1288 : vector<16xf32> to vector<16xf32>
      %parallel_loop3A_1290 = vector.shape_cast %parallel_loop3A_1286 : vector<16xf32> to vector<16xf32>
      tpu.vector_store %arg7[%parallel_loop3A_1287], %parallel_loop3A_1290 {add = true, strides = array<i32>} : memref<4096xf32, #tpu.memory_space<vmem>>, vector<16xf32>,
      %parallel_loop3A_1291 = vector.broadcast %parallel_loop3A_1203 : f32 to vector<16xf32>
      %parallel_loop3A_1292 = arith.addf %get3A_27, %parallel_loop3A_1291 : vector<16xf32>
      %parallel_loop3A_1293 = vector.broadcast %parallel_loop3A_1199 : f32 to vector<16xf32>
      %parallel_loop3A_1294 = arith.mulf %get3A_52, %parallel_loop3A_1293 : vector<16xf32>
      %parallel_loop3A_1295 = vector.broadcast %parallel_loop3A_1201 : f32 to vector<16xf32>
      %parallel_loop3A_1296 = arith.mulf %get3A_77, %parallel_loop3A_1295 : vector<16xf32>
      %parallel_loop3A_1297 = arith.subf %parallel_loop3A_1294, %parallel_loop3A_1296 : vector<16xf32>
      %parallel_loop3A_1298 = arith.constant 5.000000e-01 : f32
      %parallel_loop3A_1299 = vector.broadcast %parallel_loop3A_1298 : f32 to vector<16xf32>
      %parallel_loop3A_1300 = arith.addf %parallel_loop3A_1299, %parallel_loop3A_1297 : vector<16xf32>
      %parallel_loop3A_1301 = vector.broadcast %parallel_loop3A_1197 : f32 to vector<16xf32>
      %parallel_loop3A_1302 = arith.mulf %parallel_loop3A_1301, %get3A_102 : vector<16xf32>
      %parallel_loop3A_1303 = arith.divf %parallel_loop3A_1302, %parallel_loop3A_1292 : vector<16xf32>
      %parallel_loop3A_1304 = arith.constant 64 : i32
      %parallel_loop3A_1305 = arith.addi %parallel_loop3A_1205, %parallel_loop3A_1304 : i32
      %parallel_loop3A_1306 = arith.mulf %parallel_loop3A_1300, %parallel_loop3A_1303 : vector<16xf32>
      %parallel_loop3A_1307 = arith.index_cast %parallel_loop3A_1305 : i32 to index
      %parallel_loop3A_1308 = tpu.vector_load %arg7[%parallel_loop3A_1307] {strides = array<i32>} : memref<4096xf32, #tpu.memory_space<vmem>>, vector<16xf32>,
      %parallel_loop3A_1309 = vector.shape_cast %parallel_loop3A_1308 : vector<16xf32> to vector<16xf32>
      %parallel_loop3A_1310 = vector.shape_cast %parallel_loop3A_1306 : vector<16xf32> to vector<16xf32>
      tpu.vector_store %arg7[%parallel_loop3A_1307], %parallel_loop3A_1310 {add = true, strides = array<i32>} : memref<4096xf32, #tpu.memory_space<vmem>>, vector<16xf32>,
      %parallel_loop3A_1311 = vector.extract_strided_slice %parallel_loop3A_111 {offsets = [10], sizes = [1], strides = [1]} : vector<16xf32> to vector<1xf32>
      %parallel_loop3A_1312 = vector.extract %parallel_loop3A_1311[0] : f32 from vector<1xf32>
      %parallel_loop3A_1313 = vector.extract_strided_slice %parallel_loop3A_116 {offsets = [10], sizes = [1], strides = [1]} : vector<16xf32> to vector<1xf32>
      %parallel_loop3A_1314 = vector.extract %parallel_loop3A_1313[0] : f32 from vector<1xf32>
      %parallel_loop3A_1315 = vector.extract_strided_slice %parallel_loop3A_121 {offsets = [10], sizes = [1], strides = [1]} : vector<16xf32> to vector<1xf32>
      %parallel_loop3A_1316 = vector.extract %parallel_loop3A_1315[0] : f32 from vector<1xf32>
      %parallel_loop3A_1317 = vector.extract_strided_slice %parallel_loop3A_126 {offsets = [10], sizes = [1], strides = [1]} : vector<16xf32> to vector<1xf32>
      %parallel_loop3A_1318 = vector.extract %parallel_loop3A_1317[0] : f32 from vector<1xf32>
      %parallel_loop3A_1319 = vector.extract_strided_slice %parallel_loop3A_131 {offsets = [10], sizes = [1], strides = [1]} : vector<16xf32> to vector<1xf32>
      %parallel_loop3A_1320 = vector.extract %parallel_loop3A_1319[0] : f32 from vector<1xf32>
      %parallel_loop3A_1321 = vector.extract_strided_slice %parallel_loop3A_140 {offsets = [10], sizes = [1], strides = [1]} : vector<16xi32> to vector<1xi32>
      %parallel_loop3A_1322 = vector.extract %parallel_loop3A_1321[0] : i32 from vector<1xi32>
      %parallel_loop3A_1323 = vector.broadcast %parallel_loop3A_1320 : f32 to vector<16xf32>
      %parallel_loop3A_1324 = arith.addf %get3A_7, %parallel_loop3A_1323 : vector<16xf32>
      %parallel_loop3A_1325 = vector.broadcast %parallel_loop3A_1316 : f32 to vector<16xf32>
      %parallel_loop3A_1326 = arith.mulf %get3A_32, %parallel_loop3A_1325 : vector<16xf32>
      %parallel_loop3A_1327 = vector.broadcast %parallel_loop3A_1318 : f32 to vector<16xf32>
      %parallel_loop3A_1328 = arith.mulf %get3A_57, %parallel_loop3A_1327 : vector<16xf32>
      %parallel_loop3A_1329 = arith.subf %parallel_loop3A_1326, %parallel_loop3A_1328 : vector<16xf32>
      %parallel_loop3A_1330 = arith.constant 5.000000e-01 : f32
      %parallel_loop3A_1331 = vector.broadcast %parallel_loop3A_1330 : f32 to vector<16xf32>
      %parallel_loop3A_1332 = arith.addf %parallel_loop3A_1331, %parallel_loop3A_1329 : vector<16xf32>
      %parallel_loop3A_1333 = vector.broadcast %parallel_loop3A_1314 : f32 to vector<16xf32>
      %parallel_loop3A_1334 = arith.mulf %parallel_loop3A_1333, %get3A_82 : vector<16xf32>
      %parallel_loop3A_1335 = arith.divf %parallel_loop3A_1334, %parallel_loop3A_1324 : vector<16xf32>
      %parallel_loop3A_1336 = arith.constant 0 : i32
      %parallel_loop3A_1337 = arith.addi %parallel_loop3A_1322, %parallel_loop3A_1336 : i32
      %parallel_loop3A_1338 = arith.mulf %parallel_loop3A_1332, %parallel_loop3A_1335 : vector<16xf32>
      %parallel_loop3A_1339 = arith.index_cast %parallel_loop3A_1337 : i32 to index
      %parallel_loop3A_1340 = tpu.vector_load %arg7[%parallel_loop3A_1339] {strides = array<i32>} : memref<4096xf32, #tpu.memory_space<vmem>>, vector<16xf32>,
      %parallel_loop3A_1341 = vector.shape_cast %parallel_loop3A_1340 : vector<16xf32> to vector<16xf32>
      %parallel_loop3A_1342 = vector.shape_cast %parallel_loop3A_1338 : vector<16xf32> to vector<16xf32>
      tpu.vector_store %arg7[%parallel_loop3A_1339], %parallel_loop3A_1342 {add = true, strides = array<i32>} : memref<4096xf32, #tpu.memory_space<vmem>>, vector<16xf32>,
      %parallel_loop3A_1343 = vector.broadcast %parallel_loop3A_1320 : f32 to vector<16xf32>
      %parallel_loop3A_1344 = arith.addf %get3A_12, %parallel_loop3A_1343 : vector<16xf32>
      %parallel_loop3A_1345 = vector.broadcast %parallel_loop3A_1316 : f32 to vector<16xf32>
      %parallel_loop3A_1346 = arith.mulf %get3A_37, %parallel_loop3A_1345 : vector<16xf32>
      %parallel_loop3A_1347 = vector.broadcast %parallel_loop3A_1318 : f32 to vector<16xf32>
      %parallel_loop3A_1348 = arith.mulf %get3A_62, %parallel_loop3A_1347 : vector<16xf32>
      %parallel_loop3A_1349 = arith.subf %parallel_loop3A_1346, %parallel_loop3A_1348 : vector<16xf32>
      %parallel_loop3A_1350 = arith.constant 5.000000e-01 : f32
      %parallel_loop3A_1351 = vector.broadcast %parallel_loop3A_1350 : f32 to vector<16xf32>
      %parallel_loop3A_1352 = arith.addf %parallel_loop3A_1351, %parallel_loop3A_1349 : vector<16xf32>
      %parallel_loop3A_1353 = vector.broadcast %parallel_loop3A_1314 : f32 to vector<16xf32>
      %parallel_loop3A_1354 = arith.mulf %parallel_loop3A_1353, %get3A_87 : vector<16xf32>
      %parallel_loop3A_1355 = arith.divf %parallel_loop3A_1354, %parallel_loop3A_1344 : vector<16xf32>
      %parallel_loop3A_1356 = arith.constant 16 : i32
      %parallel_loop3A_1357 = arith.addi %parallel_loop3A_1322, %parallel_loop3A_1356 : i32
      %parallel_loop3A_1358 = arith.mulf %parallel_loop3A_1352, %parallel_loop3A_1355 : vector<16xf32>
      %parallel_loop3A_1359 = arith.index_cast %parallel_loop3A_1357 : i32 to index
      %parallel_loop3A_1360 = tpu.vector_load %arg7[%parallel_loop3A_1359] {strides = array<i32>} : memref<4096xf32, #tpu.memory_space<vmem>>, vector<16xf32>,
      %parallel_loop3A_1361 = vector.shape_cast %parallel_loop3A_1360 : vector<16xf32> to vector<16xf32>
      %parallel_loop3A_1362 = vector.shape_cast %parallel_loop3A_1358 : vector<16xf32> to vector<16xf32>
      tpu.vector_store %arg7[%parallel_loop3A_1359], %parallel_loop3A_1362 {add = true, strides = array<i32>} : memref<4096xf32, #tpu.memory_space<vmem>>, vector<16xf32>,
      %parallel_loop3A_1363 = vector.broadcast %parallel_loop3A_1320 : f32 to vector<16xf32>
      %parallel_loop3A_1364 = arith.addf %get3A_17, %parallel_loop3A_1363 : vector<16xf32>
      %parallel_loop3A_1365 = vector.broadcast %parallel_loop3A_1316 : f32 to vector<16xf32>
      %parallel_loop3A_1366 = arith.mulf %get3A_42, %parallel_loop3A_1365 : vector<16xf32>
      %parallel_loop3A_1367 = vector.broadcast %parallel_loop3A_1318 : f32 to vector<16xf32>
      %parallel_loop3A_1368 = arith.mulf %get3A_67, %parallel_loop3A_1367 : vector<16xf32>
      %parallel_loop3A_1369 = arith.subf %parallel_loop3A_1366, %parallel_loop3A_1368 : vector<16xf32>
      %parallel_loop3A_1370 = arith.constant 5.000000e-01 : f32
      %parallel_loop3A_1371 = vector.broadcast %parallel_loop3A_1370 : f32 to vector<16xf32>
      %parallel_loop3A_1372 = arith.addf %parallel_loop3A_1371, %parallel_loop3A_1369 : vector<16xf32>
      %parallel_loop3A_1373 = vector.broadcast %parallel_loop3A_1314 : f32 to vector<16xf32>
      %parallel_loop3A_1374 = arith.mulf %parallel_loop3A_1373, %get3A_92 : vector<16xf32>
      %parallel_loop3A_1375 = arith.divf %parallel_loop3A_1374, %parallel_loop3A_1364 : vector<16xf32>
      %parallel_loop3A_1376 = arith.constant 0.000000e+00 : f32
      %parallel_loop3A_1377 = vector.broadcast %parallel_loop3A_1376 : f32 to vector<16xf32>
      %parallel_loop3A_1378 = arith.cmpf oeq, %parallel_loop3A_1364, %parallel_loop3A_1377 : vector<16xf32>
      %parallel_loop3A_1379 = vector.broadcast %parallel_loop3A_1312 : f32 to vector<16xf32>
      %parallel_loop3A_1380 = arith.select %parallel_loop3A_1378, %parallel_loop3A_1379, %parallel_loop3A_1375 : vector<16xi1>, vector<16xf32>
      %parallel_loop3A_1381 = arith.constant 32 : i32
      %parallel_loop3A_1382 = arith.addi %parallel_loop3A_1322, %parallel_loop3A_1381 : i32
      %parallel_loop3A_1383 = arith.mulf %parallel_loop3A_1372, %parallel_loop3A_1380 : vector<16xf32>
      %parallel_loop3A_1384 = arith.index_cast %parallel_loop3A_1382 : i32 to index
      %parallel_loop3A_1385 = tpu.vector_load %arg7[%parallel_loop3A_1384] {strides = array<i32>} : memref<4096xf32, #tpu.memory_space<vmem>>, vector<16xf32>,
      %parallel_loop3A_1386 = vector.shape_cast %parallel_loop3A_1385 : vector<16xf32> to vector<16xf32>
      %parallel_loop3A_1387 = vector.shape_cast %parallel_loop3A_1383 : vector<16xf32> to vector<16xf32>
      tpu.vector_store %arg7[%parallel_loop3A_1384], %parallel_loop3A_1387 {add = true, strides = array<i32>} : memref<4096xf32, #tpu.memory_space<vmem>>, vector<16xf32>,
      %parallel_loop3A_1388 = vector.broadcast %parallel_loop3A_1320 : f32 to vector<16xf32>
      %parallel_loop3A_1389 = arith.addf %get3A_22, %parallel_loop3A_1388 : vector<16xf32>
      %parallel_loop3A_1390 = vector.broadcast %parallel_loop3A_1316 : f32 to vector<16xf32>
      %parallel_loop3A_1391 = arith.mulf %get3A_47, %parallel_loop3A_1390 : vector<16xf32>
      %parallel_loop3A_1392 = vector.broadcast %parallel_loop3A_1318 : f32 to vector<16xf32>
      %parallel_loop3A_1393 = arith.mulf %get3A_72, %parallel_loop3A_1392 : vector<16xf32>
      %parallel_loop3A_1394 = arith.subf %parallel_loop3A_1391, %parallel_loop3A_1393 : vector<16xf32>
      %parallel_loop3A_1395 = arith.constant 5.000000e-01 : f32
      %parallel_loop3A_1396 = vector.broadcast %parallel_loop3A_1395 : f32 to vector<16xf32>
      %parallel_loop3A_1397 = arith.addf %parallel_loop3A_1396, %parallel_loop3A_1394 : vector<16xf32>
      %parallel_loop3A_1398 = vector.broadcast %parallel_loop3A_1314 : f32 to vector<16xf32>
      %parallel_loop3A_1399 = arith.mulf %parallel_loop3A_1398, %get3A_97 : vector<16xf32>
      %parallel_loop3A_1400 = arith.divf %parallel_loop3A_1399, %parallel_loop3A_1389 : vector<16xf32>
      %parallel_loop3A_1401 = arith.constant 48 : i32
      %parallel_loop3A_1402 = arith.addi %parallel_loop3A_1322, %parallel_loop3A_1401 : i32
      %parallel_loop3A_1403 = arith.mulf %parallel_loop3A_1397, %parallel_loop3A_1400 : vector<16xf32>
      %parallel_loop3A_1404 = arith.index_cast %parallel_loop3A_1402 : i32 to index
      %parallel_loop3A_1405 = tpu.vector_load %arg7[%parallel_loop3A_1404] {strides = array<i32>} : memref<4096xf32, #tpu.memory_space<vmem>>, vector<16xf32>,
      %parallel_loop3A_1406 = vector.shape_cast %parallel_loop3A_1405 : vector<16xf32> to vector<16xf32>
      %parallel_loop3A_1407 = vector.shape_cast %parallel_loop3A_1403 : vector<16xf32> to vector<16xf32>
      tpu.vector_store %arg7[%parallel_loop3A_1404], %parallel_loop3A_1407 {add = true, strides = array<i32>} : memref<4096xf32, #tpu.memory_space<vmem>>, vector<16xf32>,
      %parallel_loop3A_1408 = vector.broadcast %parallel_loop3A_1320 : f32 to vector<16xf32>
      %parallel_loop3A_1409 = arith.addf %get3A_27, %parallel_loop3A_1408 : vector<16xf32>
      %parallel_loop3A_1410 = vector.broadcast %parallel_loop3A_1316 : f32 to vector<16xf32>
      %parallel_loop3A_1411 = arith.mulf %get3A_52, %parallel_loop3A_1410 : vector<16xf32>
      %parallel_loop3A_1412 = vector.broadcast %parallel_loop3A_1318 : f32 to vector<16xf32>
      %parallel_loop3A_1413 = arith.mulf %get3A_77, %parallel_loop3A_1412 : vector<16xf32>
      %parallel_loop3A_1414 = arith.subf %parallel_loop3A_1411, %parallel_loop3A_1413 : vector<16xf32>
      %parallel_loop3A_1415 = arith.constant 5.000000e-01 : f32
      %parallel_loop3A_1416 = vector.broadcast %parallel_loop3A_1415 : f32 to vector<16xf32>
      %parallel_loop3A_1417 = arith.addf %parallel_loop3A_1416, %parallel_loop3A_1414 : vector<16xf32>
      %parallel_loop3A_1418 = vector.broadcast %parallel_loop3A_1314 : f32 to vector<16xf32>
      %parallel_loop3A_1419 = arith.mulf %parallel_loop3A_1418, %get3A_102 : vector<16xf32>
      %parallel_loop3A_1420 = arith.divf %parallel_loop3A_1419, %parallel_loop3A_1409 : vector<16xf32>
      %parallel_loop3A_1421 = arith.constant 64 : i32
      %parallel_loop3A_1422 = arith.addi %parallel_loop3A_1322, %parallel_loop3A_1421 : i32
      %parallel_loop3A_1423 = arith.mulf %parallel_loop3A_1417, %parallel_loop3A_1420 : vector<16xf32>
      %parallel_loop3A_1424 = arith.index_cast %parallel_loop3A_1422 : i32 to index
      %parallel_loop3A_1425 = tpu.vector_load %arg7[%parallel_loop3A_1424] {strides = array<i32>} : memref<4096xf32, #tpu.memory_space<vmem>>, vector<16xf32>,
      %parallel_loop3A_1426 = vector.shape_cast %parallel_loop3A_1425 : vector<16xf32> to vector<16xf32>
      %parallel_loop3A_1427 = vector.shape_cast %parallel_loop3A_1423 : vector<16xf32> to vector<16xf32>
      tpu.vector_store %arg7[%parallel_loop3A_1424], %parallel_loop3A_1427 {add = true, strides = array<i32>} : memref<4096xf32, #tpu.memory_space<vmem>>, vector<16xf32>,
      %parallel_loop3A_1428 = vector.extract_strided_slice %parallel_loop3A_111 {offsets = [11], sizes = [1], strides = [1]} : vector<16xf32> to vector<1xf32>
      %parallel_loop3A_1429 = vector.extract %parallel_loop3A_1428[0] : f32 from vector<1xf32>
      %parallel_loop3A_1430 = vector.extract_strided_slice %parallel_loop3A_116 {offsets = [11], sizes = [1], strides = [1]} : vector<16xf32> to vector<1xf32>
      %parallel_loop3A_1431 = vector.extract %parallel_loop3A_1430[0] : f32 from vector<1xf32>
      %parallel_loop3A_1432 = vector.extract_strided_slice %parallel_loop3A_121 {offsets = [11], sizes = [1], strides = [1]} : vector<16xf32> to vector<1xf32>
      %parallel_loop3A_1433 = vector.extract %parallel_loop3A_1432[0] : f32 from vector<1xf32>
      %parallel_loop3A_1434 = vector.extract_strided_slice %parallel_loop3A_126 {offsets = [11], sizes = [1], strides = [1]} : vector<16xf32> to vector<1xf32>
      %parallel_loop3A_1435 = vector.extract %parallel_loop3A_1434[0] : f32 from vector<1xf32>
      %parallel_loop3A_1436 = vector.extract_strided_slice %parallel_loop3A_131 {offsets = [11], sizes = [1], strides = [1]} : vector<16xf32> to vector<1xf32>
      %parallel_loop3A_1437 = vector.extract %parallel_loop3A_1436[0] : f32 from vector<1xf32>
      %parallel_loop3A_1438 = vector.extract_strided_slice %parallel_loop3A_140 {offsets = [11], sizes = [1], strides = [1]} : vector<16xi32> to vector<1xi32>
      %parallel_loop3A_1439 = vector.extract %parallel_loop3A_1438[0] : i32 from vector<1xi32>
      %parallel_loop3A_1440 = vector.broadcast %parallel_loop3A_1437 : f32 to vector<16xf32>
      %parallel_loop3A_1441 = arith.addf %get3A_7, %parallel_loop3A_1440 : vector<16xf32>
      %parallel_loop3A_1442 = vector.broadcast %parallel_loop3A_1433 : f32 to vector<16xf32>
      %parallel_loop3A_1443 = arith.mulf %get3A_32, %parallel_loop3A_1442 : vector<16xf32>
      %parallel_loop3A_1444 = vector.broadcast %parallel_loop3A_1435 : f32 to vector<16xf32>
      %parallel_loop3A_1445 = arith.mulf %get3A_57, %parallel_loop3A_1444 : vector<16xf32>
      %parallel_loop3A_1446 = arith.subf %parallel_loop3A_1443, %parallel_loop3A_1445 : vector<16xf32>
      %parallel_loop3A_1447 = arith.constant 5.000000e-01 : f32
      %parallel_loop3A_1448 = vector.broadcast %parallel_loop3A_1447 : f32 to vector<16xf32>
      %parallel_loop3A_1449 = arith.addf %parallel_loop3A_1448, %parallel_loop3A_1446 : vector<16xf32>
      %parallel_loop3A_1450 = vector.broadcast %parallel_loop3A_1431 : f32 to vector<16xf32>
      %parallel_loop3A_1451 = arith.mulf %parallel_loop3A_1450, %get3A_82 : vector<16xf32>
      %parallel_loop3A_1452 = arith.divf %parallel_loop3A_1451, %parallel_loop3A_1441 : vector<16xf32>
      %parallel_loop3A_1453 = arith.constant 0 : i32
      %parallel_loop3A_1454 = arith.addi %parallel_loop3A_1439, %parallel_loop3A_1453 : i32
      %parallel_loop3A_1455 = arith.mulf %parallel_loop3A_1449, %parallel_loop3A_1452 : vector<16xf32>
      %parallel_loop3A_1456 = arith.index_cast %parallel_loop3A_1454 : i32 to index
      %parallel_loop3A_1457 = tpu.vector_load %arg7[%parallel_loop3A_1456] {strides = array<i32>} : memref<4096xf32, #tpu.memory_space<vmem>>, vector<16xf32>,
      %parallel_loop3A_1458 = vector.shape_cast %parallel_loop3A_1457 : vector<16xf32> to vector<16xf32>
      %parallel_loop3A_1459 = vector.shape_cast %parallel_loop3A_1455 : vector<16xf32> to vector<16xf32>
      tpu.vector_store %arg7[%parallel_loop3A_1456], %parallel_loop3A_1459 {add = true, strides = array<i32>} : memref<4096xf32, #tpu.memory_space<vmem>>, vector<16xf32>,
      %parallel_loop3A_1460 = vector.broadcast %parallel_loop3A_1437 : f32 to vector<16xf32>
      %parallel_loop3A_1461 = arith.addf %get3A_12, %parallel_loop3A_1460 : vector<16xf32>
      %parallel_loop3A_1462 = vector.broadcast %parallel_loop3A_1433 : f32 to vector<16xf32>
      %parallel_loop3A_1463 = arith.mulf %get3A_37, %parallel_loop3A_1462 : vector<16xf32>
      %parallel_loop3A_1464 = vector.broadcast %parallel_loop3A_1435 : f32 to vector<16xf32>
      %parallel_loop3A_1465 = arith.mulf %get3A_62, %parallel_loop3A_1464 : vector<16xf32>
      %parallel_loop3A_1466 = arith.subf %parallel_loop3A_1463, %parallel_loop3A_1465 : vector<16xf32>
      %parallel_loop3A_1467 = arith.constant 5.000000e-01 : f32
      %parallel_loop3A_1468 = vector.broadcast %parallel_loop3A_1467 : f32 to vector<16xf32>
      %parallel_loop3A_1469 = arith.addf %parallel_loop3A_1468, %parallel_loop3A_1466 : vector<16xf32>
      %parallel_loop3A_1470 = vector.broadcast %parallel_loop3A_1431 : f32 to vector<16xf32>
      %parallel_loop3A_1471 = arith.mulf %parallel_loop3A_1470, %get3A_87 : vector<16xf32>
      %parallel_loop3A_1472 = arith.divf %parallel_loop3A_1471, %parallel_loop3A_1461 : vector<16xf32>
      %parallel_loop3A_1473 = arith.constant 16 : i32
      %parallel_loop3A_1474 = arith.addi %parallel_loop3A_1439, %parallel_loop3A_1473 : i32
      %parallel_loop3A_1475 = arith.mulf %parallel_loop3A_1469, %parallel_loop3A_1472 : vector<16xf32>
      %parallel_loop3A_1476 = arith.index_cast %parallel_loop3A_1474 : i32 to index
      %parallel_loop3A_1477 = tpu.vector_load %arg7[%parallel_loop3A_1476] {strides = array<i32>} : memref<4096xf32, #tpu.memory_space<vmem>>, vector<16xf32>,
      %parallel_loop3A_1478 = vector.shape_cast %parallel_loop3A_1477 : vector<16xf32> to vector<16xf32>
      %parallel_loop3A_1479 = vector.shape_cast %parallel_loop3A_1475 : vector<16xf32> to vector<16xf32>
      tpu.vector_store %arg7[%parallel_loop3A_1476], %parallel_loop3A_1479 {add = true, strides = array<i32>} : memref<4096xf32, #tpu.memory_space<vmem>>, vector<16xf32>,
      %parallel_loop3A_1480 = vector.broadcast %parallel_loop3A_1437 : f32 to vector<16xf32>
      %parallel_loop3A_1481 = arith.addf %get3A_17, %parallel_loop3A_1480 : vector<16xf32>
      %parallel_loop3A_1482 = vector.broadcast %parallel_loop3A_1433 : f32 to vector<16xf32>
      %parallel_loop3A_1483 = arith.mulf %get3A_42, %parallel_loop3A_1482 : vector<16xf32>
      %parallel_loop3A_1484 = vector.broadcast %parallel_loop3A_1435 : f32 to vector<16xf32>
      %parallel_loop3A_1485 = arith.mulf %get3A_67, %parallel_loop3A_1484 : vector<16xf32>
      %parallel_loop3A_1486 = arith.subf %parallel_loop3A_1483, %parallel_loop3A_1485 : vector<16xf32>
      %parallel_loop3A_1487 = arith.constant 5.000000e-01 : f32
      %parallel_loop3A_1488 = vector.broadcast %parallel_loop3A_1487 : f32 to vector<16xf32>
      %parallel_loop3A_1489 = arith.addf %parallel_loop3A_1488, %parallel_loop3A_1486 : vector<16xf32>
      %parallel_loop3A_1490 = vector.broadcast %parallel_loop3A_1431 : f32 to vector<16xf32>
      %parallel_loop3A_1491 = arith.mulf %parallel_loop3A_1490, %get3A_92 : vector<16xf32>
      %parallel_loop3A_1492 = arith.divf %parallel_loop3A_1491, %parallel_loop3A_1481 : vector<16xf32>
      %parallel_loop3A_1493 = arith.constant 0.000000e+00 : f32
      %parallel_loop3A_1494 = vector.broadcast %parallel_loop3A_1493 : f32 to vector<16xf32>
      %parallel_loop3A_1495 = arith.cmpf oeq, %parallel_loop3A_1481, %parallel_loop3A_1494 : vector<16xf32>
      %parallel_loop3A_1496 = vector.broadcast %parallel_loop3A_1429 : f32 to vector<16xf32>
      %parallel_loop3A_1497 = arith.select %parallel_loop3A_1495, %parallel_loop3A_1496, %parallel_loop3A_1492 : vector<16xi1>, vector<16xf32>
      %parallel_loop3A_1498 = arith.constant 32 : i32
      %parallel_loop3A_1499 = arith.addi %parallel_loop3A_1439, %parallel_loop3A_1498 : i32
      %parallel_loop3A_1500 = arith.mulf %parallel_loop3A_1489, %parallel_loop3A_1497 : vector<16xf32>
      %parallel_loop3A_1501 = arith.index_cast %parallel_loop3A_1499 : i32 to index
      %parallel_loop3A_1502 = tpu.vector_load %arg7[%parallel_loop3A_1501] {strides = array<i32>} : memref<4096xf32, #tpu.memory_space<vmem>>, vector<16xf32>,
      %parallel_loop3A_1503 = vector.shape_cast %parallel_loop3A_1502 : vector<16xf32> to vector<16xf32>
      %parallel_loop3A_1504 = vector.shape_cast %parallel_loop3A_1500 : vector<16xf32> to vector<16xf32>
      tpu.vector_store %arg7[%parallel_loop3A_1501], %parallel_loop3A_1504 {add = true, strides = array<i32>} : memref<4096xf32, #tpu.memory_space<vmem>>, vector<16xf32>,
      %parallel_loop3A_1505 = vector.broadcast %parallel_loop3A_1437 : f32 to vector<16xf32>
      %parallel_loop3A_1506 = arith.addf %get3A_22, %parallel_loop3A_1505 : vector<16xf32>
      %parallel_loop3A_1507 = vector.broadcast %parallel_loop3A_1433 : f32 to vector<16xf32>
      %parallel_loop3A_1508 = arith.mulf %get3A_47, %parallel_loop3A_1507 : vector<16xf32>
      %parallel_loop3A_1509 = vector.broadcast %parallel_loop3A_1435 : f32 to vector<16xf32>
      %parallel_loop3A_1510 = arith.mulf %get3A_72, %parallel_loop3A_1509 : vector<16xf32>
      %parallel_loop3A_1511 = arith.subf %parallel_loop3A_1508, %parallel_loop3A_1510 : vector<16xf32>
      %parallel_loop3A_1512 = arith.constant 5.000000e-01 : f32
      %parallel_loop3A_1513 = vector.broadcast %parallel_loop3A_1512 : f32 to vector<16xf32>
      %parallel_loop3A_1514 = arith.addf %parallel_loop3A_1513, %parallel_loop3A_1511 : vector<16xf32>
      %parallel_loop3A_1515 = vector.broadcast %parallel_loop3A_1431 : f32 to vector<16xf32>
      %parallel_loop3A_1516 = arith.mulf %parallel_loop3A_1515, %get3A_97 : vector<16xf32>
      %parallel_loop3A_1517 = arith.divf %parallel_loop3A_1516, %parallel_loop3A_1506 : vector<16xf32>
      %parallel_loop3A_1518 = arith.constant 48 : i32
      %parallel_loop3A_1519 = arith.addi %parallel_loop3A_1439, %parallel_loop3A_1518 : i32
      %parallel_loop3A_1520 = arith.mulf %parallel_loop3A_1514, %parallel_loop3A_1517 : vector<16xf32>
      %parallel_loop3A_1521 = arith.index_cast %parallel_loop3A_1519 : i32 to index
      %parallel_loop3A_1522 = tpu.vector_load %arg7[%parallel_loop3A_1521] {strides = array<i32>} : memref<4096xf32, #tpu.memory_space<vmem>>, vector<16xf32>,
      %parallel_loop3A_1523 = vector.shape_cast %parallel_loop3A_1522 : vector<16xf32> to vector<16xf32>
      %parallel_loop3A_1524 = vector.shape_cast %parallel_loop3A_1520 : vector<16xf32> to vector<16xf32>
      tpu.vector_store %arg7[%parallel_loop3A_1521], %parallel_loop3A_1524 {add = true, strides = array<i32>} : memref<4096xf32, #tpu.memory_space<vmem>>, vector<16xf32>,
      %parallel_loop3A_1525 = vector.broadcast %parallel_loop3A_1437 : f32 to vector<16xf32>
      %parallel_loop3A_1526 = arith.addf %get3A_27, %parallel_loop3A_1525 : vector<16xf32>
      %parallel_loop3A_1527 = vector.broadcast %parallel_loop3A_1433 : f32 to vector<16xf32>
      %parallel_loop3A_1528 = arith.mulf %get3A_52, %parallel_loop3A_1527 : vector<16xf32>
      %parallel_loop3A_1529 = vector.broadcast %parallel_loop3A_1435 : f32 to vector<16xf32>
      %parallel_loop3A_1530 = arith.mulf %get3A_77, %parallel_loop3A_1529 : vector<16xf32>
      %parallel_loop3A_1531 = arith.subf %parallel_loop3A_1528, %parallel_loop3A_1530 : vector<16xf32>
      %parallel_loop3A_1532 = arith.constant 5.000000e-01 : f32
      %parallel_loop3A_1533 = vector.broadcast %parallel_loop3A_1532 : f32 to vector<16xf32>
      %parallel_loop3A_1534 = arith.addf %parallel_loop3A_1533, %parallel_loop3A_1531 : vector<16xf32>
      %parallel_loop3A_1535 = vector.broadcast %parallel_loop3A_1431 : f32 to vector<16xf32>
      %parallel_loop3A_1536 = arith.mulf %parallel_loop3A_1535, %get3A_102 : vector<16xf32>
      %parallel_loop3A_1537 = arith.divf %parallel_loop3A_1536, %parallel_loop3A_1526 : vector<16xf32>
      %parallel_loop3A_1538 = arith.constant 64 : i32
      %parallel_loop3A_1539 = arith.addi %parallel_loop3A_1439, %parallel_loop3A_1538 : i32
      %parallel_loop3A_1540 = arith.mulf %parallel_loop3A_1534, %parallel_loop3A_1537 : vector<16xf32>
      %parallel_loop3A_1541 = arith.index_cast %parallel_loop3A_1539 : i32 to index
      %parallel_loop3A_1542 = tpu.vector_load %arg7[%parallel_loop3A_1541] {strides = array<i32>} : memref<4096xf32, #tpu.memory_space<vmem>>, vector<16xf32>,
      %parallel_loop3A_1543 = vector.shape_cast %parallel_loop3A_1542 : vector<16xf32> to vector<16xf32>
      %parallel_loop3A_1544 = vector.shape_cast %parallel_loop3A_1540 : vector<16xf32> to vector<16xf32>
      tpu.vector_store %arg7[%parallel_loop3A_1541], %parallel_loop3A_1544 {add = true, strides = array<i32>} : memref<4096xf32, #tpu.memory_space<vmem>>, vector<16xf32>,
      %parallel_loop3A_1545 = vector.extract_strided_slice %parallel_loop3A_111 {offsets = [12], sizes = [1], strides = [1]} : vector<16xf32> to vector<1xf32>
      %parallel_loop3A_1546 = vector.extract %parallel_loop3A_1545[0] : f32 from vector<1xf32>
      %parallel_loop3A_1547 = vector.extract_strided_slice %parallel_loop3A_116 {offsets = [12], sizes = [1], strides = [1]} : vector<16xf32> to vector<1xf32>
      %parallel_loop3A_1548 = vector.extract %parallel_loop3A_1547[0] : f32 from vector<1xf32>
      %parallel_loop3A_1549 = vector.extract_strided_slice %parallel_loop3A_121 {offsets = [12], sizes = [1], strides = [1]} : vector<16xf32> to vector<1xf32>
      %parallel_loop3A_1550 = vector.extract %parallel_loop3A_1549[0] : f32 from vector<1xf32>
      %parallel_loop3A_1551 = vector.extract_strided_slice %parallel_loop3A_126 {offsets = [12], sizes = [1], strides = [1]} : vector<16xf32> to vector<1xf32>
      %parallel_loop3A_1552 = vector.extract %parallel_loop3A_1551[0] : f32 from vector<1xf32>
      %parallel_loop3A_1553 = vector.extract_strided_slice %parallel_loop3A_131 {offsets = [12], sizes = [1], strides = [1]} : vector<16xf32> to vector<1xf32>
      %parallel_loop3A_1554 = vector.extract %parallel_loop3A_1553[0] : f32 from vector<1xf32>
      %parallel_loop3A_1555 = vector.extract_strided_slice %parallel_loop3A_140 {offsets = [12], sizes = [1], strides = [1]} : vector<16xi32> to vector<1xi32>
      %parallel_loop3A_1556 = vector.extract %parallel_loop3A_1555[0] : i32 from vector<1xi32>
      %parallel_loop3A_1557 = vector.broadcast %parallel_loop3A_1554 : f32 to vector<16xf32>
      %parallel_loop3A_1558 = arith.addf %get3A_7, %parallel_loop3A_1557 : vector<16xf32>
      %parallel_loop3A_1559 = vector.broadcast %parallel_loop3A_1550 : f32 to vector<16xf32>
      %parallel_loop3A_1560 = arith.mulf %get3A_32, %parallel_loop3A_1559 : vector<16xf32>
      %parallel_loop3A_1561 = vector.broadcast %parallel_loop3A_1552 : f32 to vector<16xf32>
      %parallel_loop3A_1562 = arith.mulf %get3A_57, %parallel_loop3A_1561 : vector<16xf32>
      %parallel_loop3A_1563 = arith.subf %parallel_loop3A_1560, %parallel_loop3A_1562 : vector<16xf32>
      %parallel_loop3A_1564 = arith.constant 5.000000e-01 : f32
      %parallel_loop3A_1565 = vector.broadcast %parallel_loop3A_1564 : f32 to vector<16xf32>
      %parallel_loop3A_1566 = arith.addf %parallel_loop3A_1565, %parallel_loop3A_1563 : vector<16xf32>
      %parallel_loop3A_1567 = vector.broadcast %parallel_loop3A_1548 : f32 to vector<16xf32>
      %parallel_loop3A_1568 = arith.mulf %parallel_loop3A_1567, %get3A_82 : vector<16xf32>
      %parallel_loop3A_1569 = arith.divf %parallel_loop3A_1568, %parallel_loop3A_1558 : vector<16xf32>
      %parallel_loop3A_1570 = arith.constant 0 : i32
      %parallel_loop3A_1571 = arith.addi %parallel_loop3A_1556, %parallel_loop3A_1570 : i32
      %parallel_loop3A_1572 = arith.mulf %parallel_loop3A_1566, %parallel_loop3A_1569 : vector<16xf32>
      %parallel_loop3A_1573 = arith.index_cast %parallel_loop3A_1571 : i32 to index
      %parallel_loop3A_1574 = tpu.vector_load %arg7[%parallel_loop3A_1573] {strides = array<i32>} : memref<4096xf32, #tpu.memory_space<vmem>>, vector<16xf32>,
      %parallel_loop3A_1575 = vector.shape_cast %parallel_loop3A_1574 : vector<16xf32> to vector<16xf32>
      %parallel_loop3A_1576 = vector.shape_cast %parallel_loop3A_1572 : vector<16xf32> to vector<16xf32>
      tpu.vector_store %arg7[%parallel_loop3A_1573], %parallel_loop3A_1576 {add = true, strides = array<i32>} : memref<4096xf32, #tpu.memory_space<vmem>>, vector<16xf32>,
      %parallel_loop3A_1577 = vector.broadcast %parallel_loop3A_1554 : f32 to vector<16xf32>
      %parallel_loop3A_1578 = arith.addf %get3A_12, %parallel_loop3A_1577 : vector<16xf32>
      %parallel_loop3A_1579 = vector.broadcast %parallel_loop3A_1550 : f32 to vector<16xf32>
      %parallel_loop3A_1580 = arith.mulf %get3A_37, %parallel_loop3A_1579 : vector<16xf32>
      %parallel_loop3A_1581 = vector.broadcast %parallel_loop3A_1552 : f32 to vector<16xf32>
      %parallel_loop3A_1582 = arith.mulf %get3A_62, %parallel_loop3A_1581 : vector<16xf32>
      %parallel_loop3A_1583 = arith.subf %parallel_loop3A_1580, %parallel_loop3A_1582 : vector<16xf32>
      %parallel_loop3A_1584 = arith.constant 5.000000e-01 : f32
      %parallel_loop3A_1585 = vector.broadcast %parallel_loop3A_1584 : f32 to vector<16xf32>
      %parallel_loop3A_1586 = arith.addf %parallel_loop3A_1585, %parallel_loop3A_1583 : vector<16xf32>
      %parallel_loop3A_1587 = vector.broadcast %parallel_loop3A_1548 : f32 to vector<16xf32>
      %parallel_loop3A_1588 = arith.mulf %parallel_loop3A_1587, %get3A_87 : vector<16xf32>
      %parallel_loop3A_1589 = arith.divf %parallel_loop3A_1588, %parallel_loop3A_1578 : vector<16xf32>
      %parallel_loop3A_1590 = arith.constant 16 : i32
      %parallel_loop3A_1591 = arith.addi %parallel_loop3A_1556, %parallel_loop3A_1590 : i32
      %parallel_loop3A_1592 = arith.mulf %parallel_loop3A_1586, %parallel_loop3A_1589 : vector<16xf32>
      %parallel_loop3A_1593 = arith.index_cast %parallel_loop3A_1591 : i32 to index
      %parallel_loop3A_1594 = tpu.vector_load %arg7[%parallel_loop3A_1593] {strides = array<i32>} : memref<4096xf32, #tpu.memory_space<vmem>>, vector<16xf32>,
      %parallel_loop3A_1595 = vector.shape_cast %parallel_loop3A_1594 : vector<16xf32> to vector<16xf32>
      %parallel_loop3A_1596 = vector.shape_cast %parallel_loop3A_1592 : vector<16xf32> to vector<16xf32>
      tpu.vector_store %arg7[%parallel_loop3A_1593], %parallel_loop3A_1596 {add = true, strides = array<i32>} : memref<4096xf32, #tpu.memory_space<vmem>>, vector<16xf32>,
      %parallel_loop3A_1597 = vector.broadcast %parallel_loop3A_1554 : f32 to vector<16xf32>
      %parallel_loop3A_1598 = arith.addf %get3A_17, %parallel_loop3A_1597 : vector<16xf32>
      %parallel_loop3A_1599 = vector.broadcast %parallel_loop3A_1550 : f32 to vector<16xf32>
      %parallel_loop3A_1600 = arith.mulf %get3A_42, %parallel_loop3A_1599 : vector<16xf32>
      %parallel_loop3A_1601 = vector.broadcast %parallel_loop3A_1552 : f32 to vector<16xf32>
      %parallel_loop3A_1602 = arith.mulf %get3A_67, %parallel_loop3A_1601 : vector<16xf32>
      %parallel_loop3A_1603 = arith.subf %parallel_loop3A_1600, %parallel_loop3A_1602 : vector<16xf32>
      %parallel_loop3A_1604 = arith.constant 5.000000e-01 : f32
      %parallel_loop3A_1605 = vector.broadcast %parallel_loop3A_1604 : f32 to vector<16xf32>
      %parallel_loop3A_1606 = arith.addf %parallel_loop3A_1605, %parallel_loop3A_1603 : vector<16xf32>
      %parallel_loop3A_1607 = vector.broadcast %parallel_loop3A_1548 : f32 to vector<16xf32>
      %parallel_loop3A_1608 = arith.mulf %parallel_loop3A_1607, %get3A_92 : vector<16xf32>
      %parallel_loop3A_1609 = arith.divf %parallel_loop3A_1608, %parallel_loop3A_1598 : vector<16xf32>
      %parallel_loop3A_1610 = arith.constant 0.000000e+00 : f32
      %parallel_loop3A_1611 = vector.broadcast %parallel_loop3A_1610 : f32 to vector<16xf32>
      %parallel_loop3A_1612 = arith.cmpf oeq, %parallel_loop3A_1598, %parallel_loop3A_1611 : vector<16xf32>
      %parallel_loop3A_1613 = vector.broadcast %parallel_loop3A_1546 : f32 to vector<16xf32>
      %parallel_loop3A_1614 = arith.select %parallel_loop3A_1612, %parallel_loop3A_1613, %parallel_loop3A_1609 : vector<16xi1>, vector<16xf32>
      %parallel_loop3A_1615 = arith.constant 32 : i32
      %parallel_loop3A_1616 = arith.addi %parallel_loop3A_1556, %parallel_loop3A_1615 : i32
      %parallel_loop3A_1617 = arith.mulf %parallel_loop3A_1606, %parallel_loop3A_1614 : vector<16xf32>
      %parallel_loop3A_1618 = arith.index_cast %parallel_loop3A_1616 : i32 to index
      %parallel_loop3A_1619 = tpu.vector_load %arg7[%parallel_loop3A_1618] {strides = array<i32>} : memref<4096xf32, #tpu.memory_space<vmem>>, vector<16xf32>,
      %parallel_loop3A_1620 = vector.shape_cast %parallel_loop3A_1619 : vector<16xf32> to vector<16xf32>
      %parallel_loop3A_1621 = vector.shape_cast %parallel_loop3A_1617 : vector<16xf32> to vector<16xf32>
      tpu.vector_store %arg7[%parallel_loop3A_1618], %parallel_loop3A_1621 {add = true, strides = array<i32>} : memref<4096xf32, #tpu.memory_space<vmem>>, vector<16xf32>,
      %parallel_loop3A_1622 = vector.broadcast %parallel_loop3A_1554 : f32 to vector<16xf32>
      %parallel_loop3A_1623 = arith.addf %get3A_22, %parallel_loop3A_1622 : vector<16xf32>
      %parallel_loop3A_1624 = vector.broadcast %parallel_loop3A_1550 : f32 to vector<16xf32>
      %parallel_loop3A_1625 = arith.mulf %get3A_47, %parallel_loop3A_1624 : vector<16xf32>
      %parallel_loop3A_1626 = vector.broadcast %parallel_loop3A_1552 : f32 to vector<16xf32>
      %parallel_loop3A_1627 = arith.mulf %get3A_72, %parallel_loop3A_1626 : vector<16xf32>
      %parallel_loop3A_1628 = arith.subf %parallel_loop3A_1625, %parallel_loop3A_1627 : vector<16xf32>
      %parallel_loop3A_1629 = arith.constant 5.000000e-01 : f32
      %parallel_loop3A_1630 = vector.broadcast %parallel_loop3A_1629 : f32 to vector<16xf32>
      %parallel_loop3A_1631 = arith.addf %parallel_loop3A_1630, %parallel_loop3A_1628 : vector<16xf32>
      %parallel_loop3A_1632 = vector.broadcast %parallel_loop3A_1548 : f32 to vector<16xf32>
      %parallel_loop3A_1633 = arith.mulf %parallel_loop3A_1632, %get3A_97 : vector<16xf32>
      %parallel_loop3A_1634 = arith.divf %parallel_loop3A_1633, %parallel_loop3A_1623 : vector<16xf32>
      %parallel_loop3A_1635 = arith.constant 48 : i32
      %parallel_loop3A_1636 = arith.addi %parallel_loop3A_1556, %parallel_loop3A_1635 : i32
      %parallel_loop3A_1637 = arith.mulf %parallel_loop3A_1631, %parallel_loop3A_1634 : vector<16xf32>
      %parallel_loop3A_1638 = arith.index_cast %parallel_loop3A_1636 : i32 to index
      %parallel_loop3A_1639 = tpu.vector_load %arg7[%parallel_loop3A_1638] {strides = array<i32>} : memref<4096xf32, #tpu.memory_space<vmem>>, vector<16xf32>,
      %parallel_loop3A_1640 = vector.shape_cast %parallel_loop3A_1639 : vector<16xf32> to vector<16xf32>
      %parallel_loop3A_1641 = vector.shape_cast %parallel_loop3A_1637 : vector<16xf32> to vector<16xf32>
      tpu.vector_store %arg7[%parallel_loop3A_1638], %parallel_loop3A_1641 {add = true, strides = array<i32>} : memref<4096xf32, #tpu.memory_space<vmem>>, vector<16xf32>,
      %parallel_loop3A_1642 = vector.broadcast %parallel_loop3A_1554 : f32 to vector<16xf32>
      %parallel_loop3A_1643 = arith.addf %get3A_27, %parallel_loop3A_1642 : vector<16xf32>
      %parallel_loop3A_1644 = vector.broadcast %parallel_loop3A_1550 : f32 to vector<16xf32>
      %parallel_loop3A_1645 = arith.mulf %get3A_52, %parallel_loop3A_1644 : vector<16xf32>
      %parallel_loop3A_1646 = vector.broadcast %parallel_loop3A_1552 : f32 to vector<16xf32>
      %parallel_loop3A_1647 = arith.mulf %get3A_77, %parallel_loop3A_1646 : vector<16xf32>
      %parallel_loop3A_1648 = arith.subf %parallel_loop3A_1645, %parallel_loop3A_1647 : vector<16xf32>
      %parallel_loop3A_1649 = arith.constant 5.000000e-01 : f32
      %parallel_loop3A_1650 = vector.broadcast %parallel_loop3A_1649 : f32 to vector<16xf32>
      %parallel_loop3A_1651 = arith.addf %parallel_loop3A_1650, %parallel_loop3A_1648 : vector<16xf32>
      %parallel_loop3A_1652 = vector.broadcast %parallel_loop3A_1548 : f32 to vector<16xf32>
      %parallel_loop3A_1653 = arith.mulf %parallel_loop3A_1652, %get3A_102 : vector<16xf32>
      %parallel_loop3A_1654 = arith.divf %parallel_loop3A_1653, %parallel_loop3A_1643 : vector<16xf32>
      %parallel_loop3A_1655 = arith.constant 64 : i32
      %parallel_loop3A_1656 = arith.addi %parallel_loop3A_1556, %parallel_loop3A_1655 : i32
      %parallel_loop3A_1657 = arith.mulf %parallel_loop3A_1651, %parallel_loop3A_1654 : vector<16xf32>
      %parallel_loop3A_1658 = arith.index_cast %parallel_loop3A_1656 : i32 to index
      %parallel_loop3A_1659 = tpu.vector_load %arg7[%parallel_loop3A_1658] {strides = array<i32>} : memref<4096xf32, #tpu.memory_space<vmem>>, vector<16xf32>,
      %parallel_loop3A_1660 = vector.shape_cast %parallel_loop3A_1659 : vector<16xf32> to vector<16xf32>
      %parallel_loop3A_1661 = vector.shape_cast %parallel_loop3A_1657 : vector<16xf32> to vector<16xf32>
      tpu.vector_store %arg7[%parallel_loop3A_1658], %parallel_loop3A_1661 {add = true, strides = array<i32>} : memref<4096xf32, #tpu.memory_space<vmem>>, vector<16xf32>,
      %parallel_loop3A_1662 = vector.extract_strided_slice %parallel_loop3A_111 {offsets = [13], sizes = [1], strides = [1]} : vector<16xf32> to vector<1xf32>
      %parallel_loop3A_1663 = vector.extract %parallel_loop3A_1662[0] : f32 from vector<1xf32>
      %parallel_loop3A_1664 = vector.extract_strided_slice %parallel_loop3A_116 {offsets = [13], sizes = [1], strides = [1]} : vector<16xf32> to vector<1xf32>
      %parallel_loop3A_1665 = vector.extract %parallel_loop3A_1664[0] : f32 from vector<1xf32>
      %parallel_loop3A_1666 = vector.extract_strided_slice %parallel_loop3A_121 {offsets = [13], sizes = [1], strides = [1]} : vector<16xf32> to vector<1xf32>
      %parallel_loop3A_1667 = vector.extract %parallel_loop3A_1666[0] : f32 from vector<1xf32>
      %parallel_loop3A_1668 = vector.extract_strided_slice %parallel_loop3A_126 {offsets = [13], sizes = [1], strides = [1]} : vector<16xf32> to vector<1xf32>
      %parallel_loop3A_1669 = vector.extract %parallel_loop3A_1668[0] : f32 from vector<1xf32>
      %parallel_loop3A_1670 = vector.extract_strided_slice %parallel_loop3A_131 {offsets = [13], sizes = [1], strides = [1]} : vector<16xf32> to vector<1xf32>
      %parallel_loop3A_1671 = vector.extract %parallel_loop3A_1670[0] : f32 from vector<1xf32>
      %parallel_loop3A_1672 = vector.extract_strided_slice %parallel_loop3A_140 {offsets = [13], sizes = [1], strides = [1]} : vector<16xi32> to vector<1xi32>
      %parallel_loop3A_1673 = vector.extract %parallel_loop3A_1672[0] : i32 from vector<1xi32>
      %parallel_loop3A_1674 = vector.broadcast %parallel_loop3A_1671 : f32 to vector<16xf32>
      %parallel_loop3A_1675 = arith.addf %get3A_7, %parallel_loop3A_1674 : vector<16xf32>
      %parallel_loop3A_1676 = vector.broadcast %parallel_loop3A_1667 : f32 to vector<16xf32>
      %parallel_loop3A_1677 = arith.mulf %get3A_32, %parallel_loop3A_1676 : vector<16xf32>
      %parallel_loop3A_1678 = vector.broadcast %parallel_loop3A_1669 : f32 to vector<16xf32>
      %parallel_loop3A_1679 = arith.mulf %get3A_57, %parallel_loop3A_1678 : vector<16xf32>
      %parallel_loop3A_1680 = arith.subf %parallel_loop3A_1677, %parallel_loop3A_1679 : vector<16xf32>
      %parallel_loop3A_1681 = arith.constant 5.000000e-01 : f32
      %parallel_loop3A_1682 = vector.broadcast %parallel_loop3A_1681 : f32 to vector<16xf32>
      %parallel_loop3A_1683 = arith.addf %parallel_loop3A_1682, %parallel_loop3A_1680 : vector<16xf32>
      %parallel_loop3A_1684 = vector.broadcast %parallel_loop3A_1665 : f32 to vector<16xf32>
      %parallel_loop3A_1685 = arith.mulf %parallel_loop3A_1684, %get3A_82 : vector<16xf32>
      %parallel_loop3A_1686 = arith.divf %parallel_loop3A_1685, %parallel_loop3A_1675 : vector<16xf32>
      %parallel_loop3A_1687 = arith.constant 0 : i32
      %parallel_loop3A_1688 = arith.addi %parallel_loop3A_1673, %parallel_loop3A_1687 : i32
      %parallel_loop3A_1689 = arith.mulf %parallel_loop3A_1683, %parallel_loop3A_1686 : vector<16xf32>
      %parallel_loop3A_1690 = arith.index_cast %parallel_loop3A_1688 : i32 to index
      %parallel_loop3A_1691 = tpu.vector_load %arg7[%parallel_loop3A_1690] {strides = array<i32>} : memref<4096xf32, #tpu.memory_space<vmem>>, vector<16xf32>,
      %parallel_loop3A_1692 = vector.shape_cast %parallel_loop3A_1691 : vector<16xf32> to vector<16xf32>
      %parallel_loop3A_1693 = vector.shape_cast %parallel_loop3A_1689 : vector<16xf32> to vector<16xf32>
      tpu.vector_store %arg7[%parallel_loop3A_1690], %parallel_loop3A_1693 {add = true, strides = array<i32>} : memref<4096xf32, #tpu.memory_space<vmem>>, vector<16xf32>,
      %parallel_loop3A_1694 = vector.broadcast %parallel_loop3A_1671 : f32 to vector<16xf32>
      %parallel_loop3A_1695 = arith.addf %get3A_12, %parallel_loop3A_1694 : vector<16xf32>
      %parallel_loop3A_1696 = vector.broadcast %parallel_loop3A_1667 : f32 to vector<16xf32>
      %parallel_loop3A_1697 = arith.mulf %get3A_37, %parallel_loop3A_1696 : vector<16xf32>
      %parallel_loop3A_1698 = vector.broadcast %parallel_loop3A_1669 : f32 to vector<16xf32>
      %parallel_loop3A_1699 = arith.mulf %get3A_62, %parallel_loop3A_1698 : vector<16xf32>
      %parallel_loop3A_1700 = arith.subf %parallel_loop3A_1697, %parallel_loop3A_1699 : vector<16xf32>
      %parallel_loop3A_1701 = arith.constant 5.000000e-01 : f32
      %parallel_loop3A_1702 = vector.broadcast %parallel_loop3A_1701 : f32 to vector<16xf32>
      %parallel_loop3A_1703 = arith.addf %parallel_loop3A_1702, %parallel_loop3A_1700 : vector<16xf32>
      %parallel_loop3A_1704 = vector.broadcast %parallel_loop3A_1665 : f32 to vector<16xf32>
      %parallel_loop3A_1705 = arith.mulf %parallel_loop3A_1704, %get3A_87 : vector<16xf32>
      %parallel_loop3A_1706 = arith.divf %parallel_loop3A_1705, %parallel_loop3A_1695 : vector<16xf32>
      %parallel_loop3A_1707 = arith.constant 16 : i32
      %parallel_loop3A_1708 = arith.addi %parallel_loop3A_1673, %parallel_loop3A_1707 : i32
      %parallel_loop3A_1709 = arith.mulf %parallel_loop3A_1703, %parallel_loop3A_1706 : vector<16xf32>
      %parallel_loop3A_1710 = arith.index_cast %parallel_loop3A_1708 : i32 to index
      %parallel_loop3A_1711 = tpu.vector_load %arg7[%parallel_loop3A_1710] {strides = array<i32>} : memref<4096xf32, #tpu.memory_space<vmem>>, vector<16xf32>,
      %parallel_loop3A_1712 = vector.shape_cast %parallel_loop3A_1711 : vector<16xf32> to vector<16xf32>
      %parallel_loop3A_1713 = vector.shape_cast %parallel_loop3A_1709 : vector<16xf32> to vector<16xf32>
      tpu.vector_store %arg7[%parallel_loop3A_1710], %parallel_loop3A_1713 {add = true, strides = array<i32>} : memref<4096xf32, #tpu.memory_space<vmem>>, vector<16xf32>,
      %parallel_loop3A_1714 = vector.broadcast %parallel_loop3A_1671 : f32 to vector<16xf32>
      %parallel_loop3A_1715 = arith.addf %get3A_17, %parallel_loop3A_1714 : vector<16xf32>
      %parallel_loop3A_1716 = vector.broadcast %parallel_loop3A_1667 : f32 to vector<16xf32>
      %parallel_loop3A_1717 = arith.mulf %get3A_42, %parallel_loop3A_1716 : vector<16xf32>
      %parallel_loop3A_1718 = vector.broadcast %parallel_loop3A_1669 : f32 to vector<16xf32>
      %parallel_loop3A_1719 = arith.mulf %get3A_67, %parallel_loop3A_1718 : vector<16xf32>
      %parallel_loop3A_1720 = arith.subf %parallel_loop3A_1717, %parallel_loop3A_1719 : vector<16xf32>
      %parallel_loop3A_1721 = arith.constant 5.000000e-01 : f32
      %parallel_loop3A_1722 = vector.broadcast %parallel_loop3A_1721 : f32 to vector<16xf32>
      %parallel_loop3A_1723 = arith.addf %parallel_loop3A_1722, %parallel_loop3A_1720 : vector<16xf32>
      %parallel_loop3A_1724 = vector.broadcast %parallel_loop3A_1665 : f32 to vector<16xf32>
      %parallel_loop3A_1725 = arith.mulf %parallel_loop3A_1724, %get3A_92 : vector<16xf32>
      %parallel_loop3A_1726 = arith.divf %parallel_loop3A_1725, %parallel_loop3A_1715 : vector<16xf32>
      %parallel_loop3A_1727 = arith.constant 0.000000e+00 : f32
      %parallel_loop3A_1728 = vector.broadcast %parallel_loop3A_1727 : f32 to vector<16xf32>
      %parallel_loop3A_1729 = arith.cmpf oeq, %parallel_loop3A_1715, %parallel_loop3A_1728 : vector<16xf32>
      %parallel_loop3A_1730 = vector.broadcast %parallel_loop3A_1663 : f32 to vector<16xf32>
      %parallel_loop3A_1731 = arith.select %parallel_loop3A_1729, %parallel_loop3A_1730, %parallel_loop3A_1726 : vector<16xi1>, vector<16xf32>
      %parallel_loop3A_1732 = arith.constant 32 : i32
      %parallel_loop3A_1733 = arith.addi %parallel_loop3A_1673, %parallel_loop3A_1732 : i32
      %parallel_loop3A_1734 = arith.mulf %parallel_loop3A_1723, %parallel_loop3A_1731 : vector<16xf32>
      %parallel_loop3A_1735 = arith.index_cast %parallel_loop3A_1733 : i32 to index
      %parallel_loop3A_1736 = tpu.vector_load %arg7[%parallel_loop3A_1735] {strides = array<i32>} : memref<4096xf32, #tpu.memory_space<vmem>>, vector<16xf32>,
      %parallel_loop3A_1737 = vector.shape_cast %parallel_loop3A_1736 : vector<16xf32> to vector<16xf32>
      %parallel_loop3A_1738 = vector.shape_cast %parallel_loop3A_1734 : vector<16xf32> to vector<16xf32>
      tpu.vector_store %arg7[%parallel_loop3A_1735], %parallel_loop3A_1738 {add = true, strides = array<i32>} : memref<4096xf32, #tpu.memory_space<vmem>>, vector<16xf32>,
      %parallel_loop3A_1739 = vector.broadcast %parallel_loop3A_1671 : f32 to vector<16xf32>
      %parallel_loop3A_1740 = arith.addf %get3A_22, %parallel_loop3A_1739 : vector<16xf32>
      %parallel_loop3A_1741 = vector.broadcast %parallel_loop3A_1667 : f32 to vector<16xf32>
      %parallel_loop3A_1742 = arith.mulf %get3A_47, %parallel_loop3A_1741 : vector<16xf32>
      %parallel_loop3A_1743 = vector.broadcast %parallel_loop3A_1669 : f32 to vector<16xf32>
      %parallel_loop3A_1744 = arith.mulf %get3A_72, %parallel_loop3A_1743 : vector<16xf32>
      %parallel_loop3A_1745 = arith.subf %parallel_loop3A_1742, %parallel_loop3A_1744 : vector<16xf32>
      %parallel_loop3A_1746 = arith.constant 5.000000e-01 : f32
      %parallel_loop3A_1747 = vector.broadcast %parallel_loop3A_1746 : f32 to vector<16xf32>
      %parallel_loop3A_1748 = arith.addf %parallel_loop3A_1747, %parallel_loop3A_1745 : vector<16xf32>
      %parallel_loop3A_1749 = vector.broadcast %parallel_loop3A_1665 : f32 to vector<16xf32>
      %parallel_loop3A_1750 = arith.mulf %parallel_loop3A_1749, %get3A_97 : vector<16xf32>
      %parallel_loop3A_1751 = arith.divf %parallel_loop3A_1750, %parallel_loop3A_1740 : vector<16xf32>
      %parallel_loop3A_1752 = arith.constant 48 : i32
      %parallel_loop3A_1753 = arith.addi %parallel_loop3A_1673, %parallel_loop3A_1752 : i32
      %parallel_loop3A_1754 = arith.mulf %parallel_loop3A_1748, %parallel_loop3A_1751 : vector<16xf32>
      %parallel_loop3A_1755 = arith.index_cast %parallel_loop3A_1753 : i32 to index
      %parallel_loop3A_1756 = tpu.vector_load %arg7[%parallel_loop3A_1755] {strides = array<i32>} : memref<4096xf32, #tpu.memory_space<vmem>>, vector<16xf32>,
      %parallel_loop3A_1757 = vector.shape_cast %parallel_loop3A_1756 : vector<16xf32> to vector<16xf32>
      %parallel_loop3A_1758 = vector.shape_cast %parallel_loop3A_1754 : vector<16xf32> to vector<16xf32>
      tpu.vector_store %arg7[%parallel_loop3A_1755], %parallel_loop3A_1758 {add = true, strides = array<i32>} : memref<4096xf32, #tpu.memory_space<vmem>>, vector<16xf32>,
      %parallel_loop3A_1759 = vector.broadcast %parallel_loop3A_1671 : f32 to vector<16xf32>
      %parallel_loop3A_1760 = arith.addf %get3A_27, %parallel_loop3A_1759 : vector<16xf32>
      %parallel_loop3A_1761 = vector.broadcast %parallel_loop3A_1667 : f32 to vector<16xf32>
      %parallel_loop3A_1762 = arith.mulf %get3A_52, %parallel_loop3A_1761 : vector<16xf32>
      %parallel_loop3A_1763 = vector.broadcast %parallel_loop3A_1669 : f32 to vector<16xf32>
      %parallel_loop3A_1764 = arith.mulf %get3A_77, %parallel_loop3A_1763 : vector<16xf32>
      %parallel_loop3A_1765 = arith.subf %parallel_loop3A_1762, %parallel_loop3A_1764 : vector<16xf32>
      %parallel_loop3A_1766 = arith.constant 5.000000e-01 : f32
      %parallel_loop3A_1767 = vector.broadcast %parallel_loop3A_1766 : f32 to vector<16xf32>
      %parallel_loop3A_1768 = arith.addf %parallel_loop3A_1767, %parallel_loop3A_1765 : vector<16xf32>
      %parallel_loop3A_1769 = vector.broadcast %parallel_loop3A_1665 : f32 to vector<16xf32>
      %parallel_loop3A_1770 = arith.mulf %parallel_loop3A_1769, %get3A_102 : vector<16xf32>
      %parallel_loop3A_1771 = arith.divf %parallel_loop3A_1770, %parallel_loop3A_1760 : vector<16xf32>
      %parallel_loop3A_1772 = arith.constant 64 : i32
      %parallel_loop3A_1773 = arith.addi %parallel_loop3A_1673, %parallel_loop3A_1772 : i32
      %parallel_loop3A_1774 = arith.mulf %parallel_loop3A_1768, %parallel_loop3A_1771 : vector<16xf32>
      %parallel_loop3A_1775 = arith.index_cast %parallel_loop3A_1773 : i32 to index
      %parallel_loop3A_1776 = tpu.vector_load %arg7[%parallel_loop3A_1775] {strides = array<i32>} : memref<4096xf32, #tpu.memory_space<vmem>>, vector<16xf32>,
      %parallel_loop3A_1777 = vector.shape_cast %parallel_loop3A_1776 : vector<16xf32> to vector<16xf32>
      %parallel_loop3A_1778 = vector.shape_cast %parallel_loop3A_1774 : vector<16xf32> to vector<16xf32>
      tpu.vector_store %arg7[%parallel_loop3A_1775], %parallel_loop3A_1778 {add = true, strides = array<i32>} : memref<4096xf32, #tpu.memory_space<vmem>>, vector<16xf32>,
      %parallel_loop3A_1779 = vector.extract_strided_slice %parallel_loop3A_111 {offsets = [14], sizes = [1], strides = [1]} : vector<16xf32> to vector<1xf32>
      %parallel_loop3A_1780 = vector.extract %parallel_loop3A_1779[0] : f32 from vector<1xf32>
      %parallel_loop3A_1781 = vector.extract_strided_slice %parallel_loop3A_116 {offsets = [14], sizes = [1], strides = [1]} : vector<16xf32> to vector<1xf32>
      %parallel_loop3A_1782 = vector.extract %parallel_loop3A_1781[0] : f32 from vector<1xf32>
      %parallel_loop3A_1783 = vector.extract_strided_slice %parallel_loop3A_121 {offsets = [14], sizes = [1], strides = [1]} : vector<16xf32> to vector<1xf32>
      %parallel_loop3A_1784 = vector.extract %parallel_loop3A_1783[0] : f32 from vector<1xf32>
      %parallel_loop3A_1785 = vector.extract_strided_slice %parallel_loop3A_126 {offsets = [14], sizes = [1], strides = [1]} : vector<16xf32> to vector<1xf32>
      %parallel_loop3A_1786 = vector.extract %parallel_loop3A_1785[0] : f32 from vector<1xf32>
      %parallel_loop3A_1787 = vector.extract_strided_slice %parallel_loop3A_131 {offsets = [14], sizes = [1], strides = [1]} : vector<16xf32> to vector<1xf32>
      %parallel_loop3A_1788 = vector.extract %parallel_loop3A_1787[0] : f32 from vector<1xf32>
      %parallel_loop3A_1789 = vector.extract_strided_slice %parallel_loop3A_140 {offsets = [14], sizes = [1], strides = [1]} : vector<16xi32> to vector<1xi32>
      %parallel_loop3A_1790 = vector.extract %parallel_loop3A_1789[0] : i32 from vector<1xi32>
      %parallel_loop3A_1791 = vector.broadcast %parallel_loop3A_1788 : f32 to vector<16xf32>
      %parallel_loop3A_1792 = arith.addf %get3A_7, %parallel_loop3A_1791 : vector<16xf32>
      %parallel_loop3A_1793 = vector.broadcast %parallel_loop3A_1784 : f32 to vector<16xf32>
      %parallel_loop3A_1794 = arith.mulf %get3A_32, %parallel_loop3A_1793 : vector<16xf32>
      %parallel_loop3A_1795 = vector.broadcast %parallel_loop3A_1786 : f32 to vector<16xf32>
      %parallel_loop3A_1796 = arith.mulf %get3A_57, %parallel_loop3A_1795 : vector<16xf32>
      %parallel_loop3A_1797 = arith.subf %parallel_loop3A_1794, %parallel_loop3A_1796 : vector<16xf32>
      %parallel_loop3A_1798 = arith.constant 5.000000e-01 : f32
      %parallel_loop3A_1799 = vector.broadcast %parallel_loop3A_1798 : f32 to vector<16xf32>
      %parallel_loop3A_1800 = arith.addf %parallel_loop3A_1799, %parallel_loop3A_1797 : vector<16xf32>
      %parallel_loop3A_1801 = vector.broadcast %parallel_loop3A_1782 : f32 to vector<16xf32>
      %parallel_loop3A_1802 = arith.mulf %parallel_loop3A_1801, %get3A_82 : vector<16xf32>
      %parallel_loop3A_1803 = arith.divf %parallel_loop3A_1802, %parallel_loop3A_1792 : vector<16xf32>
      %parallel_loop3A_1804 = arith.constant 0 : i32
      %parallel_loop3A_1805 = arith.addi %parallel_loop3A_1790, %parallel_loop3A_1804 : i32
      %parallel_loop3A_1806 = arith.mulf %parallel_loop3A_1800, %parallel_loop3A_1803 : vector<16xf32>
      %parallel_loop3A_1807 = arith.index_cast %parallel_loop3A_1805 : i32 to index
      %parallel_loop3A_1808 = tpu.vector_load %arg7[%parallel_loop3A_1807] {strides = array<i32>} : memref<4096xf32, #tpu.memory_space<vmem>>, vector<16xf32>,
      %parallel_loop3A_1809 = vector.shape_cast %parallel_loop3A_1808 : vector<16xf32> to vector<16xf32>
      %parallel_loop3A_1810 = vector.shape_cast %parallel_loop3A_1806 : vector<16xf32> to vector<16xf32>
      tpu.vector_store %arg7[%parallel_loop3A_1807], %parallel_loop3A_1810 {add = true, strides = array<i32>} : memref<4096xf32, #tpu.memory_space<vmem>>, vector<16xf32>,
      %parallel_loop3A_1811 = vector.broadcast %parallel_loop3A_1788 : f32 to vector<16xf32>
      %parallel_loop3A_1812 = arith.addf %get3A_12, %parallel_loop3A_1811 : vector<16xf32>
      %parallel_loop3A_1813 = vector.broadcast %parallel_loop3A_1784 : f32 to vector<16xf32>
      %parallel_loop3A_1814 = arith.mulf %get3A_37, %parallel_loop3A_1813 : vector<16xf32>
      %parallel_loop3A_1815 = vector.broadcast %parallel_loop3A_1786 : f32 to vector<16xf32>
      %parallel_loop3A_1816 = arith.mulf %get3A_62, %parallel_loop3A_1815 : vector<16xf32>
      %parallel_loop3A_1817 = arith.subf %parallel_loop3A_1814, %parallel_loop3A_1816 : vector<16xf32>
      %parallel_loop3A_1818 = arith.constant 5.000000e-01 : f32
      %parallel_loop3A_1819 = vector.broadcast %parallel_loop3A_1818 : f32 to vector<16xf32>
      %parallel_loop3A_1820 = arith.addf %parallel_loop3A_1819, %parallel_loop3A_1817 : vector<16xf32>
      %parallel_loop3A_1821 = vector.broadcast %parallel_loop3A_1782 : f32 to vector<16xf32>
      %parallel_loop3A_1822 = arith.mulf %parallel_loop3A_1821, %get3A_87 : vector<16xf32>
      %parallel_loop3A_1823 = arith.divf %parallel_loop3A_1822, %parallel_loop3A_1812 : vector<16xf32>
      %parallel_loop3A_1824 = arith.constant 16 : i32
      %parallel_loop3A_1825 = arith.addi %parallel_loop3A_1790, %parallel_loop3A_1824 : i32
      %parallel_loop3A_1826 = arith.mulf %parallel_loop3A_1820, %parallel_loop3A_1823 : vector<16xf32>
      %parallel_loop3A_1827 = arith.index_cast %parallel_loop3A_1825 : i32 to index
      %parallel_loop3A_1828 = tpu.vector_load %arg7[%parallel_loop3A_1827] {strides = array<i32>} : memref<4096xf32, #tpu.memory_space<vmem>>, vector<16xf32>,
      %parallel_loop3A_1829 = vector.shape_cast %parallel_loop3A_1828 : vector<16xf32> to vector<16xf32>
      %parallel_loop3A_1830 = vector.shape_cast %parallel_loop3A_1826 : vector<16xf32> to vector<16xf32>
      tpu.vector_store %arg7[%parallel_loop3A_1827], %parallel_loop3A_1830 {add = true, strides = array<i32>} : memref<4096xf32, #tpu.memory_space<vmem>>, vector<16xf32>,
      %parallel_loop3A_1831 = vector.broadcast %parallel_loop3A_1788 : f32 to vector<16xf32>
      %parallel_loop3A_1832 = arith.addf %get3A_17, %parallel_loop3A_1831 : vector<16xf32>
      %parallel_loop3A_1833 = vector.broadcast %parallel_loop3A_1784 : f32 to vector<16xf32>
      %parallel_loop3A_1834 = arith.mulf %get3A_42, %parallel_loop3A_1833 : vector<16xf32>
      %parallel_loop3A_1835 = vector.broadcast %parallel_loop3A_1786 : f32 to vector<16xf32>
      %parallel_loop3A_1836 = arith.mulf %get3A_67, %parallel_loop3A_1835 : vector<16xf32>
      %parallel_loop3A_1837 = arith.subf %parallel_loop3A_1834, %parallel_loop3A_1836 : vector<16xf32>
      %parallel_loop3A_1838 = arith.constant 5.000000e-01 : f32
      %parallel_loop3A_1839 = vector.broadcast %parallel_loop3A_1838 : f32 to vector<16xf32>
      %parallel_loop3A_1840 = arith.addf %parallel_loop3A_1839, %parallel_loop3A_1837 : vector<16xf32>
      %parallel_loop3A_1841 = vector.broadcast %parallel_loop3A_1782 : f32 to vector<16xf32>
      %parallel_loop3A_1842 = arith.mulf %parallel_loop3A_1841, %get3A_92 : vector<16xf32>
      %parallel_loop3A_1843 = arith.divf %parallel_loop3A_1842, %parallel_loop3A_1832 : vector<16xf32>
      %parallel_loop3A_1844 = arith.constant 0.000000e+00 : f32
      %parallel_loop3A_1845 = vector.broadcast %parallel_loop3A_1844 : f32 to vector<16xf32>
      %parallel_loop3A_1846 = arith.cmpf oeq, %parallel_loop3A_1832, %parallel_loop3A_1845 : vector<16xf32>
      %parallel_loop3A_1847 = vector.broadcast %parallel_loop3A_1780 : f32 to vector<16xf32>
      %parallel_loop3A_1848 = arith.select %parallel_loop3A_1846, %parallel_loop3A_1847, %parallel_loop3A_1843 : vector<16xi1>, vector<16xf32>
      %parallel_loop3A_1849 = arith.constant 32 : i32
      %parallel_loop3A_1850 = arith.addi %parallel_loop3A_1790, %parallel_loop3A_1849 : i32
      %parallel_loop3A_1851 = arith.mulf %parallel_loop3A_1840, %parallel_loop3A_1848 : vector<16xf32>
      %parallel_loop3A_1852 = arith.index_cast %parallel_loop3A_1850 : i32 to index
      %parallel_loop3A_1853 = tpu.vector_load %arg7[%parallel_loop3A_1852] {strides = array<i32>} : memref<4096xf32, #tpu.memory_space<vmem>>, vector<16xf32>,
      %parallel_loop3A_1854 = vector.shape_cast %parallel_loop3A_1853 : vector<16xf32> to vector<16xf32>
      %parallel_loop3A_1855 = vector.shape_cast %parallel_loop3A_1851 : vector<16xf32> to vector<16xf32>
      tpu.vector_store %arg7[%parallel_loop3A_1852], %parallel_loop3A_1855 {add = true, strides = array<i32>} : memref<4096xf32, #tpu.memory_space<vmem>>, vector<16xf32>,
      %parallel_loop3A_1856 = vector.broadcast %parallel_loop3A_1788 : f32 to vector<16xf32>
      %parallel_loop3A_1857 = arith.addf %get3A_22, %parallel_loop3A_1856 : vector<16xf32>
      %parallel_loop3A_1858 = vector.broadcast %parallel_loop3A_1784 : f32 to vector<16xf32>
      %parallel_loop3A_1859 = arith.mulf %get3A_47, %parallel_loop3A_1858 : vector<16xf32>
      %parallel_loop3A_1860 = vector.broadcast %parallel_loop3A_1786 : f32 to vector<16xf32>
      %parallel_loop3A_1861 = arith.mulf %get3A_72, %parallel_loop3A_1860 : vector<16xf32>
      %parallel_loop3A_1862 = arith.subf %parallel_loop3A_1859, %parallel_loop3A_1861 : vector<16xf32>
      %parallel_loop3A_1863 = arith.constant 5.000000e-01 : f32
      %parallel_loop3A_1864 = vector.broadcast %parallel_loop3A_1863 : f32 to vector<16xf32>
      %parallel_loop3A_1865 = arith.addf %parallel_loop3A_1864, %parallel_loop3A_1862 : vector<16xf32>
      %parallel_loop3A_1866 = vector.broadcast %parallel_loop3A_1782 : f32 to vector<16xf32>
      %parallel_loop3A_1867 = arith.mulf %parallel_loop3A_1866, %get3A_97 : vector<16xf32>
      %parallel_loop3A_1868 = arith.divf %parallel_loop3A_1867, %parallel_loop3A_1857 : vector<16xf32>
      %parallel_loop3A_1869 = arith.constant 48 : i32
      %parallel_loop3A_1870 = arith.addi %parallel_loop3A_1790, %parallel_loop3A_1869 : i32
      %parallel_loop3A_1871 = arith.mulf %parallel_loop3A_1865, %parallel_loop3A_1868 : vector<16xf32>
      %parallel_loop3A_1872 = arith.index_cast %parallel_loop3A_1870 : i32 to index
      %parallel_loop3A_1873 = tpu.vector_load %arg7[%parallel_loop3A_1872] {strides = array<i32>} : memref<4096xf32, #tpu.memory_space<vmem>>, vector<16xf32>,
      %parallel_loop3A_1874 = vector.shape_cast %parallel_loop3A_1873 : vector<16xf32> to vector<16xf32>
      %parallel_loop3A_1875 = vector.shape_cast %parallel_loop3A_1871 : vector<16xf32> to vector<16xf32>
      tpu.vector_store %arg7[%parallel_loop3A_1872], %parallel_loop3A_1875 {add = true, strides = array<i32>} : memref<4096xf32, #tpu.memory_space<vmem>>, vector<16xf32>,
      %parallel_loop3A_1876 = vector.broadcast %parallel_loop3A_1788 : f32 to vector<16xf32>
      %parallel_loop3A_1877 = arith.addf %get3A_27, %parallel_loop3A_1876 : vector<16xf32>
      %parallel_loop3A_1878 = vector.broadcast %parallel_loop3A_1784 : f32 to vector<16xf32>
      %parallel_loop3A_1879 = arith.mulf %get3A_52, %parallel_loop3A_1878 : vector<16xf32>
      %parallel_loop3A_1880 = vector.broadcast %parallel_loop3A_1786 : f32 to vector<16xf32>
      %parallel_loop3A_1881 = arith.mulf %get3A_77, %parallel_loop3A_1880 : vector<16xf32>
      %parallel_loop3A_1882 = arith.subf %parallel_loop3A_1879, %parallel_loop3A_1881 : vector<16xf32>
      %parallel_loop3A_1883 = arith.constant 5.000000e-01 : f32
      %parallel_loop3A_1884 = vector.broadcast %parallel_loop3A_1883 : f32 to vector<16xf32>
      %parallel_loop3A_1885 = arith.addf %parallel_loop3A_1884, %parallel_loop3A_1882 : vector<16xf32>
      %parallel_loop3A_1886 = vector.broadcast %parallel_loop3A_1782 : f32 to vector<16xf32>
      %parallel_loop3A_1887 = arith.mulf %parallel_loop3A_1886, %get3A_102 : vector<16xf32>
      %parallel_loop3A_1888 = arith.divf %parallel_loop3A_1887, %parallel_loop3A_1877 : vector<16xf32>
      %parallel_loop3A_1889 = arith.constant 64 : i32
      %parallel_loop3A_1890 = arith.addi %parallel_loop3A_1790, %parallel_loop3A_1889 : i32
      %parallel_loop3A_1891 = arith.mulf %parallel_loop3A_1885, %parallel_loop3A_1888 : vector<16xf32>
      %parallel_loop3A_1892 = arith.index_cast %parallel_loop3A_1890 : i32 to index
      %parallel_loop3A_1893 = tpu.vector_load %arg7[%parallel_loop3A_1892] {strides = array<i32>} : memref<4096xf32, #tpu.memory_space<vmem>>, vector<16xf32>,
      %parallel_loop3A_1894 = vector.shape_cast %parallel_loop3A_1893 : vector<16xf32> to vector<16xf32>
      %parallel_loop3A_1895 = vector.shape_cast %parallel_loop3A_1891 : vector<16xf32> to vector<16xf32>
      tpu.vector_store %arg7[%parallel_loop3A_1892], %parallel_loop3A_1895 {add = true, strides = array<i32>} : memref<4096xf32, #tpu.memory_space<vmem>>, vector<16xf32>,
      %parallel_loop3A_1896 = vector.extract_strided_slice %parallel_loop3A_111 {offsets = [15], sizes = [1], strides = [1]} : vector<16xf32> to vector<1xf32>
      %parallel_loop3A_1897 = vector.extract %parallel_loop3A_1896[0] : f32 from vector<1xf32>
      %parallel_loop3A_1898 = vector.extract_strided_slice %parallel_loop3A_116 {offsets = [15], sizes = [1], strides = [1]} : vector<16xf32> to vector<1xf32>
      %parallel_loop3A_1899 = vector.extract %parallel_loop3A_1898[0] : f32 from vector<1xf32>
      %parallel_loop3A_1900 = vector.extract_strided_slice %parallel_loop3A_121 {offsets = [15], sizes = [1], strides = [1]} : vector<16xf32> to vector<1xf32>
      %parallel_loop3A_1901 = vector.extract %parallel_loop3A_1900[0] : f32 from vector<1xf32>
      %parallel_loop3A_1902 = vector.extract_strided_slice %parallel_loop3A_126 {offsets = [15], sizes = [1], strides = [1]} : vector<16xf32> to vector<1xf32>
      %parallel_loop3A_1903 = vector.extract %parallel_loop3A_1902[0] : f32 from vector<1xf32>
      %parallel_loop3A_1904 = vector.extract_strided_slice %parallel_loop3A_131 {offsets = [15], sizes = [1], strides = [1]} : vector<16xf32> to vector<1xf32>
      %parallel_loop3A_1905 = vector.extract %parallel_loop3A_1904[0] : f32 from vector<1xf32>
      %parallel_loop3A_1906 = vector.extract_strided_slice %parallel_loop3A_140 {offsets = [15], sizes = [1], strides = [1]} : vector<16xi32> to vector<1xi32>
      %parallel_loop3A_1907 = vector.extract %parallel_loop3A_1906[0] : i32 from vector<1xi32>
      %parallel_loop3A_1908 = vector.broadcast %parallel_loop3A_1905 : f32 to vector<16xf32>
      %parallel_loop3A_1909 = arith.addf %get3A_7, %parallel_loop3A_1908 : vector<16xf32>
      %parallel_loop3A_1910 = vector.broadcast %parallel_loop3A_1901 : f32 to vector<16xf32>
      %parallel_loop3A_1911 = arith.mulf %get3A_32, %parallel_loop3A_1910 : vector<16xf32>
      %parallel_loop3A_1912 = vector.broadcast %parallel_loop3A_1903 : f32 to vector<16xf32>
      %parallel_loop3A_1913 = arith.mulf %get3A_57, %parallel_loop3A_1912 : vector<16xf32>
      %parallel_loop3A_1914 = arith.subf %parallel_loop3A_1911, %parallel_loop3A_1913 : vector<16xf32>
      %parallel_loop3A_1915 = arith.constant 5.000000e-01 : f32
      %parallel_loop3A_1916 = vector.broadcast %parallel_loop3A_1915 : f32 to vector<16xf32>
      %parallel_loop3A_1917 = arith.addf %parallel_loop3A_1916, %parallel_loop3A_1914 : vector<16xf32>
      %parallel_loop3A_1918 = vector.broadcast %parallel_loop3A_1899 : f32 to vector<16xf32>
      %parallel_loop3A_1919 = arith.mulf %parallel_loop3A_1918, %get3A_82 : vector<16xf32>
      %parallel_loop3A_1920 = arith.divf %parallel_loop3A_1919, %parallel_loop3A_1909 : vector<16xf32>
      %parallel_loop3A_1921 = arith.constant 0 : i32
      %parallel_loop3A_1922 = arith.addi %parallel_loop3A_1907, %parallel_loop3A_1921 : i32
      %parallel_loop3A_1923 = arith.mulf %parallel_loop3A_1917, %parallel_loop3A_1920 : vector<16xf32>
      %parallel_loop3A_1924 = arith.index_cast %parallel_loop3A_1922 : i32 to index
      %parallel_loop3A_1925 = tpu.vector_load %arg7[%parallel_loop3A_1924] {strides = array<i32>} : memref<4096xf32, #tpu.memory_space<vmem>>, vector<16xf32>,
      %parallel_loop3A_1926 = vector.shape_cast %parallel_loop3A_1925 : vector<16xf32> to vector<16xf32>
      %parallel_loop3A_1927 = vector.shape_cast %parallel_loop3A_1923 : vector<16xf32> to vector<16xf32>
      tpu.vector_store %arg7[%parallel_loop3A_1924], %parallel_loop3A_1927 {add = true, strides = array<i32>} : memref<4096xf32, #tpu.memory_space<vmem>>, vector<16xf32>,
      %parallel_loop3A_1928 = vector.broadcast %parallel_loop3A_1905 : f32 to vector<16xf32>
      %parallel_loop3A_1929 = arith.addf %get3A_12, %parallel_loop3A_1928 : vector<16xf32>
      %parallel_loop3A_1930 = vector.broadcast %parallel_loop3A_1901 : f32 to vector<16xf32>
      %parallel_loop3A_1931 = arith.mulf %get3A_37, %parallel_loop3A_1930 : vector<16xf32>
      %parallel_loop3A_1932 = vector.broadcast %parallel_loop3A_1903 : f32 to vector<16xf32>
      %parallel_loop3A_1933 = arith.mulf %get3A_62, %parallel_loop3A_1932 : vector<16xf32>
      %parallel_loop3A_1934 = arith.subf %parallel_loop3A_1931, %parallel_loop3A_1933 : vector<16xf32>
      %parallel_loop3A_1935 = arith.constant 5.000000e-01 : f32
      %parallel_loop3A_1936 = vector.broadcast %parallel_loop3A_1935 : f32 to vector<16xf32>
      %parallel_loop3A_1937 = arith.addf %parallel_loop3A_1936, %parallel_loop3A_1934 : vector<16xf32>
      %parallel_loop3A_1938 = vector.broadcast %parallel_loop3A_1899 : f32 to vector<16xf32>
      %parallel_loop3A_1939 = arith.mulf %parallel_loop3A_1938, %get3A_87 : vector<16xf32>
      %parallel_loop3A_1940 = arith.divf %parallel_loop3A_1939, %parallel_loop3A_1929 : vector<16xf32>
      %parallel_loop3A_1941 = arith.constant 16 : i32
      %parallel_loop3A_1942 = arith.addi %parallel_loop3A_1907, %parallel_loop3A_1941 : i32
      %parallel_loop3A_1943 = arith.mulf %parallel_loop3A_1937, %parallel_loop3A_1940 : vector<16xf32>
      %parallel_loop3A_1944 = arith.index_cast %parallel_loop3A_1942 : i32 to index
      %parallel_loop3A_1945 = tpu.vector_load %arg7[%parallel_loop3A_1944] {strides = array<i32>} : memref<4096xf32, #tpu.memory_space<vmem>>, vector<16xf32>,
      %parallel_loop3A_1946 = vector.shape_cast %parallel_loop3A_1945 : vector<16xf32> to vector<16xf32>
      %parallel_loop3A_1947 = vector.shape_cast %parallel_loop3A_1943 : vector<16xf32> to vector<16xf32>
      tpu.vector_store %arg7[%parallel_loop3A_1944], %parallel_loop3A_1947 {add = true, strides = array<i32>} : memref<4096xf32, #tpu.memory_space<vmem>>, vector<16xf32>,
      %parallel_loop3A_1948 = vector.broadcast %parallel_loop3A_1905 : f32 to vector<16xf32>
      %parallel_loop3A_1949 = arith.addf %get3A_17, %parallel_loop3A_1948 : vector<16xf32>
      %parallel_loop3A_1950 = vector.broadcast %parallel_loop3A_1901 : f32 to vector<16xf32>
      %parallel_loop3A_1951 = arith.mulf %get3A_42, %parallel_loop3A_1950 : vector<16xf32>
      %parallel_loop3A_1952 = vector.broadcast %parallel_loop3A_1903 : f32 to vector<16xf32>
      %parallel_loop3A_1953 = arith.mulf %get3A_67, %parallel_loop3A_1952 : vector<16xf32>
      %parallel_loop3A_1954 = arith.subf %parallel_loop3A_1951, %parallel_loop3A_1953 : vector<16xf32>
      %parallel_loop3A_1955 = arith.constant 5.000000e-01 : f32
      %parallel_loop3A_1956 = vector.broadcast %parallel_loop3A_1955 : f32 to vector<16xf32>
      %parallel_loop3A_1957 = arith.addf %parallel_loop3A_1956, %parallel_loop3A_1954 : vector<16xf32>
      %parallel_loop3A_1958 = vector.broadcast %parallel_loop3A_1899 : f32 to vector<16xf32>
      %parallel_loop3A_1959 = arith.mulf %parallel_loop3A_1958, %get3A_92 : vector<16xf32>
      %parallel_loop3A_1960 = arith.divf %parallel_loop3A_1959, %parallel_loop3A_1949 : vector<16xf32>
      %parallel_loop3A_1961 = arith.constant 0.000000e+00 : f32
      %parallel_loop3A_1962 = vector.broadcast %parallel_loop3A_1961 : f32 to vector<16xf32>
      %parallel_loop3A_1963 = arith.cmpf oeq, %parallel_loop3A_1949, %parallel_loop3A_1962 : vector<16xf32>
      %parallel_loop3A_1964 = vector.broadcast %parallel_loop3A_1897 : f32 to vector<16xf32>
      %parallel_loop3A_1965 = arith.select %parallel_loop3A_1963, %parallel_loop3A_1964, %parallel_loop3A_1960 : vector<16xi1>, vector<16xf32>
      %parallel_loop3A_1966 = arith.constant 32 : i32
      %parallel_loop3A_1967 = arith.addi %parallel_loop3A_1907, %parallel_loop3A_1966 : i32
      %parallel_loop3A_1968 = arith.mulf %parallel_loop3A_1957, %parallel_loop3A_1965 : vector<16xf32>
      %parallel_loop3A_1969 = arith.index_cast %parallel_loop3A_1967 : i32 to index
      %parallel_loop3A_1970 = tpu.vector_load %arg7[%parallel_loop3A_1969] {strides = array<i32>} : memref<4096xf32, #tpu.memory_space<vmem>>, vector<16xf32>,
      %parallel_loop3A_1971 = vector.shape_cast %parallel_loop3A_1970 : vector<16xf32> to vector<16xf32>
      %parallel_loop3A_1972 = vector.shape_cast %parallel_loop3A_1968 : vector<16xf32> to vector<16xf32>
      tpu.vector_store %arg7[%parallel_loop3A_1969], %parallel_loop3A_1972 {add = true, strides = array<i32>} : memref<4096xf32, #tpu.memory_space<vmem>>, vector<16xf32>,
      %parallel_loop3A_1973 = vector.broadcast %parallel_loop3A_1905 : f32 to vector<16xf32>
      %parallel_loop3A_1974 = arith.addf %get3A_22, %parallel_loop3A_1973 : vector<16xf32>
      %parallel_loop3A_1975 = vector.broadcast %parallel_loop3A_1901 : f32 to vector<16xf32>
      %parallel_loop3A_1976 = arith.mulf %get3A_47, %parallel_loop3A_1975 : vector<16xf32>
      %parallel_loop3A_1977 = vector.broadcast %parallel_loop3A_1903 : f32 to vector<16xf32>
      %parallel_loop3A_1978 = arith.mulf %get3A_72, %parallel_loop3A_1977 : vector<16xf32>
      %parallel_loop3A_1979 = arith.subf %parallel_loop3A_1976, %parallel_loop3A_1978 : vector<16xf32>
      %parallel_loop3A_1980 = arith.constant 5.000000e-01 : f32
      %parallel_loop3A_1981 = vector.broadcast %parallel_loop3A_1980 : f32 to vector<16xf32>
      %parallel_loop3A_1982 = arith.addf %parallel_loop3A_1981, %parallel_loop3A_1979 : vector<16xf32>
      %parallel_loop3A_1983 = vector.broadcast %parallel_loop3A_1899 : f32 to vector<16xf32>
      %parallel_loop3A_1984 = arith.mulf %parallel_loop3A_1983, %get3A_97 : vector<16xf32>
      %parallel_loop3A_1985 = arith.divf %parallel_loop3A_1984, %parallel_loop3A_1974 : vector<16xf32>
      %parallel_loop3A_1986 = arith.constant 48 : i32
      %parallel_loop3A_1987 = arith.addi %parallel_loop3A_1907, %parallel_loop3A_1986 : i32
      %parallel_loop3A_1988 = arith.mulf %parallel_loop3A_1982, %parallel_loop3A_1985 : vector<16xf32>
      %parallel_loop3A_1989 = arith.index_cast %parallel_loop3A_1987 : i32 to index
      %parallel_loop3A_1990 = tpu.vector_load %arg7[%parallel_loop3A_1989] {strides = array<i32>} : memref<4096xf32, #tpu.memory_space<vmem>>, vector<16xf32>,
      %parallel_loop3A_1991 = vector.shape_cast %parallel_loop3A_1990 : vector<16xf32> to vector<16xf32>
      %parallel_loop3A_1992 = vector.shape_cast %parallel_loop3A_1988 : vector<16xf32> to vector<16xf32>
      tpu.vector_store %arg7[%parallel_loop3A_1989], %parallel_loop3A_1992 {add = true, strides = array<i32>} : memref<4096xf32, #tpu.memory_space<vmem>>, vector<16xf32>,
      %parallel_loop3A_1993 = vector.broadcast %parallel_loop3A_1905 : f32 to vector<16xf32>
      %parallel_loop3A_1994 = arith.addf %get3A_27, %parallel_loop3A_1993 : vector<16xf32>
      %parallel_loop3A_1995 = vector.broadcast %parallel_loop3A_1901 : f32 to vector<16xf32>
      %parallel_loop3A_1996 = arith.mulf %get3A_52, %parallel_loop3A_1995 : vector<16xf32>
      %parallel_loop3A_1997 = vector.broadcast %parallel_loop3A_1903 : f32 to vector<16xf32>
      %parallel_loop3A_1998 = arith.mulf %get3A_77, %parallel_loop3A_1997 : vector<16xf32>
      %parallel_loop3A_1999 = arith.subf %parallel_loop3A_1996, %parallel_loop3A_1998 : vector<16xf32>
      %parallel_loop3A_2000 = arith.constant 5.000000e-01 : f32
      %parallel_loop3A_2001 = vector.broadcast %parallel_loop3A_2000 : f32 to vector<16xf32>
      %parallel_loop3A_2002 = arith.addf %parallel_loop3A_2001, %parallel_loop3A_1999 : vector<16xf32>
      %parallel_loop3A_2003 = vector.broadcast %parallel_loop3A_1899 : f32 to vector<16xf32>
      %parallel_loop3A_2004 = arith.mulf %parallel_loop3A_2003, %get3A_102 : vector<16xf32>
      %parallel_loop3A_2005 = arith.divf %parallel_loop3A_2004, %parallel_loop3A_1994 : vector<16xf32>
      %parallel_loop3A_2006 = arith.constant 64 : i32
      %parallel_loop3A_2007 = arith.addi %parallel_loop3A_1907, %parallel_loop3A_2006 : i32
      %parallel_loop3A_2008 = arith.mulf %parallel_loop3A_2002, %parallel_loop3A_2005 : vector<16xf32>
      %parallel_loop3A_2009 = arith.index_cast %parallel_loop3A_2007 : i32 to index
      %parallel_loop3A_2010 = tpu.vector_load %arg7[%parallel_loop3A_2009] {strides = array<i32>} : memref<4096xf32, #tpu.memory_space<vmem>>, vector<16xf32>,
      %parallel_loop3A_2011 = vector.shape_cast %parallel_loop3A_2010 : vector<16xf32> to vector<16xf32>
      %parallel_loop3A_2012 = vector.shape_cast %parallel_loop3A_2008 : vector<16xf32> to vector<16xf32>
      tpu.vector_store %arg7[%parallel_loop3A_2009], %parallel_loop3A_2012 {add = true, strides = array<i32>} : memref<4096xf32, #tpu.memory_space<vmem>>, vector<16xf32>,
    } {sc.loop_unroll_factor = 2 : i64, sc.parallel_access}
    "tpu.region"() ({
      %run_scoped3A = tpu.sem_alloc : memref<!tpu.dma_semaphore, #tpu.memory_space<semaphore_mem>>
      %dma_start3A = arith.constant 0 : i32
      %dma_start3A_106 = tpu.memref_slice %arg7[%dma_start3A] : memref<4096xf32, #tpu.memory_space<vmem>> -> memref<3968xf32, #tpu.memory_space<vmem>>
      %dma_start3A_107 = arith.constant 0 : i32
      %dma_start3A_108 = tpu.memref_slice %arg4[%add3A, %dma_start3A_107] : memref<32x3968xf32, #tpu.memory_space<hbm>> -> memref<1x3968xf32, #tpu.memory_space<hbm>>
      %dma_start3A_109 = tpu.memref_squeeze %dma_start3A_108 : memref<1x3968xf32, #tpu.memory_space<hbm>> -> memref<3968xf32, #tpu.memory_space<hbm>>
      %dma_start3A_110 = arith.constant 0 : i32
      %dma_start3A_111 = tpu.memref_slice %arg4[%add3A, %dma_start3A_110] : memref<32x3968xf32, #tpu.memory_space<hbm>> -> memref<1x3968xf32, #tpu.memory_space<hbm>>
      %dma_start3A_112 = tpu.memref_squeeze %dma_start3A_111 : memref<1x3968xf32, #tpu.memory_space<hbm>> -> memref<3968xf32, #tpu.memory_space<hbm>>
      %dma_start3A_113 = arith.constant 0 : i32
      %dma_start3A_114 = tpu.memref_slice %arg7[%dma_start3A_113] : memref<4096xf32, #tpu.memory_space<vmem>> -> memref<3968xf32, #tpu.memory_space<vmem>>
      tpu.enqueue_dma source(%dma_start3A_114 : memref<3968xf32, #tpu.memory_space<vmem>>) target(%dma_start3A_112 : memref<3968xf32, #tpu.memory_space<hbm>>) target_semaphore(%run_scoped3A : memref<!tpu.dma_semaphore, #tpu.memory_space<semaphore_mem>>)
      %dma_wait3A = arith.constant 0 : i32
      %dma_wait3A_115 = tpu.memref_slice %arg7[%dma_wait3A] : memref<4096xf32, #tpu.memory_space<vmem>> -> memref<3968xf32, #tpu.memory_space<vmem>>
      %dma_wait3A_116 = arith.constant 0 : i32
      %dma_wait3A_117 = tpu.memref_slice %arg4[%add3A, %dma_wait3A_116] : memref<32x3968xf32, #tpu.memory_space<hbm>> -> memref<1x3968xf32, #tpu.memory_space<hbm>>
      %dma_wait3A_118 = tpu.memref_squeeze %dma_wait3A_117 : memref<1x3968xf32, #tpu.memory_space<hbm>> -> memref<3968xf32, #tpu.memory_space<hbm>>
      %dma_wait3A_119 = arith.constant 0 : i32
      %dma_wait3A_120 = tpu.memref_slice %arg4[%add3A, %dma_wait3A_119] : memref<32x3968xf32, #tpu.memory_space<hbm>> -> memref<1x3968xf32, #tpu.memory_space<hbm>>
      %dma_wait3A_121 = tpu.memref_squeeze %dma_wait3A_120 : memref<1x3968xf32, #tpu.memory_space<hbm>> -> memref<3968xf32, #tpu.memory_space<hbm>>
      %dma_wait3A_122 = arith.constant 0 : i32
      %dma_wait3A_123 = tpu.memref_slice %arg7[%dma_wait3A_122] : memref<4096xf32, #tpu.memory_space<vmem>> -> memref<3968xf32, #tpu.memory_space<vmem>>
      tpu.wait_dma2 semaphore(%run_scoped3A : memref<!tpu.dma_semaphore, #tpu.memory_space<semaphore_mem>>) src(%dma_wait3A_123 : memref<3968xf32, #tpu.memory_space<vmem>>) dst(%dma_wait3A_121 : memref<3968xf32, #tpu.memory_space<hbm>>)
      tpu.yield
    }) : () -> ()
    return
  }
}

module attributes {stable_mosaic.version = 14 : i64} {
  func.func @_tc_dense_kernel(%arg0: i32, %arg1: memref<32x16xf32, #tpu.memory_space<smem>>, %arg2: memref<16x5120xf32, #tpu.memory_space<vmem>>, %arg3: memref<256x128xf32, #tpu.memory_space<vmem>>, %arg4: memref<256x128xf32, #tpu.memory_space<vmem>>, %arg5: memref<1x31x128xf32, #tpu.memory_space<vmem>>) attributes {dimension_semantics = [#tpu.dimension_semantics<arbitrary>], iteration_bounds = array<i64: 32>, scalar_prefetch = 0 : i64, scratch_operands = 0 : i64, tpu.core_type = #tpu.core_type<tc>, window_params = [{transform_indices = @transform_0, window_bounds = array<i64: 32, 16>}, {pipeline_mode = #tpu.pipeline_mode<synchronous>, transform_indices = @transform_1, window_bounds = array<i64: 16, 5120>}, {pipeline_mode = #tpu.pipeline_mode<synchronous>, transform_indices = @transform_2, window_bounds = array<i64: 256, 128>}, {pipeline_mode = #tpu.pipeline_mode<synchronous>, transform_indices = @transform_3, window_bounds = array<i64: 256, 128>}, {transform_indices = @transform_4, window_bounds = array<i64: 1, 31, 128>}]} {
    %get3A = arith.constant 0 : index
    %get3A_0 = arith.constant 0 : index
    %get3A_1 = vector.load %arg3[%get3A, %get3A_0] : memref<256x128xf32, #tpu.memory_space<vmem>>, vector<256x1xf32>
    %get3A_2 = arith.constant 0 : index
    %get3A_3 = arith.constant 0 : index
    %get3A_4 = vector.load %arg4[%get3A_2, %get3A_3] : memref<256x128xf32, #tpu.memory_space<vmem>>, vector<256x1xf32>
    %iota3A = tpu.iota {dimensions = array<i32: 0>} : vector<256x1024xi32>
    %convert_element_type3A = arith.sitofp %iota3A : vector<256x1024xi32> to vector<256x1024xf32>
    %and3A = arith.constant 1 : i32
    %and3A_5 = vector.broadcast %and3A : i32 to vector<256x1024xi32>
    %and3A_6 = arith.andi %iota3A, %and3A_5 : vector<256x1024xi32>
    %mul3A = arith.constant 2 : i32
    %mul3A_7 = vector.broadcast %mul3A : i32 to vector<256x1024xi32>
    %mul3A_8 = arith.muli %mul3A_7, %and3A_6 : vector<256x1024xi32>
    %sub3A = arith.constant 1 : i32
    %sub3A_9 = vector.broadcast %sub3A : i32 to vector<256x1024xi32>
    %sub3A_10 = arith.subi %sub3A_9, %mul3A_8 : vector<256x1024xi32>
    %convert_element_type3A_11 = arith.sitofp %sub3A_10 : vector<256x1024xi32> to vector<256x1024xf32>
    %broadcast_in_dim3A = arith.constant 0.000000e+00 : f32
    %broadcast_in_dim3A_12 = vector.broadcast %broadcast_in_dim3A : f32 to vector<32x256xf32>
    %get3A_13 = arith.index_cast %arg0 : i32 to index
    %get3A_14 = arith.constant 0 : index
    %get3A_15 = memref.load %arg1[%get3A_13, %get3A_14] : memref<32x16xf32, #tpu.memory_space<smem>>
    %get3A_16 = arith.index_cast %arg0 : i32 to index
    %get3A_17 = arith.constant 1 : index
    %get3A_18 = memref.load %arg1[%get3A_16, %get3A_17] : memref<32x16xf32, #tpu.memory_space<smem>>
    %get3A_19 = arith.index_cast %arg0 : i32 to index
    %get3A_20 = arith.constant 2 : index
    %get3A_21 = memref.load %arg1[%get3A_19, %get3A_20] : memref<32x16xf32, #tpu.memory_space<smem>>
    %get3A_22 = arith.index_cast %arg0 : i32 to index
    %get3A_23 = arith.constant 3 : index
    %get3A_24 = memref.load %arg1[%get3A_22, %get3A_23] : memref<32x16xf32, #tpu.memory_space<smem>>
    %get3A_25 = arith.index_cast %arg0 : i32 to index
    %get3A_26 = arith.constant 4 : index
    %get3A_27 = memref.load %arg1[%get3A_25, %get3A_26] : memref<32x16xf32, #tpu.memory_space<smem>>
    %get3A_28 = arith.index_cast %arg0 : i32 to index
    %get3A_29 = arith.constant 5 : index
    %get3A_30 = memref.load %arg1[%get3A_28, %get3A_29] : memref<32x16xf32, #tpu.memory_space<smem>>
    %get3A_31 = arith.index_cast %arg0 : i32 to index
    %get3A_32 = arith.constant 6 : index
    %get3A_33 = memref.load %arg1[%get3A_31, %get3A_32] : memref<32x16xf32, #tpu.memory_space<smem>>
    %get3A_34 = arith.index_cast %arg0 : i32 to index
    %get3A_35 = arith.constant 7 : index
    %get3A_36 = memref.load %arg1[%get3A_34, %get3A_35] : memref<32x16xf32, #tpu.memory_space<smem>>
    %get3A_37 = arith.index_cast %arg0 : i32 to index
    %get3A_38 = arith.constant 8 : index
    %get3A_39 = memref.load %arg1[%get3A_37, %get3A_38] : memref<32x16xf32, #tpu.memory_space<smem>>
    %get3A_40 = arith.index_cast %arg0 : i32 to index
    %get3A_41 = arith.constant 9 : index
    %get3A_42 = memref.load %arg1[%get3A_40, %get3A_41] : memref<32x16xf32, #tpu.memory_space<smem>>
    %get3A_43 = arith.index_cast %arg0 : i32 to index
    %get3A_44 = arith.constant 10 : index
    %get3A_45 = memref.load %arg1[%get3A_43, %get3A_44] : memref<32x16xf32, #tpu.memory_space<smem>>
    %get3A_46 = arith.index_cast %arg0 : i32 to index
    %get3A_47 = arith.constant 11 : index
    %get3A_48 = memref.load %arg1[%get3A_46, %get3A_47] : memref<32x16xf32, #tpu.memory_space<smem>>
    %get3A_49 = arith.index_cast %arg0 : i32 to index
    %get3A_50 = arith.constant 12 : index
    %get3A_51 = memref.load %arg1[%get3A_49, %get3A_50] : memref<32x16xf32, #tpu.memory_space<smem>>
    %get3A_52 = arith.index_cast %arg0 : i32 to index
    %get3A_53 = arith.constant 13 : index
    %get3A_54 = memref.load %arg1[%get3A_52, %get3A_53] : memref<32x16xf32, #tpu.memory_space<smem>>
    %get3A_55 = arith.index_cast %arg0 : i32 to index
    %get3A_56 = arith.constant 14 : index
    %get3A_57 = memref.load %arg1[%get3A_55, %get3A_56] : memref<32x16xf32, #tpu.memory_space<smem>>
    %get3A_58 = arith.constant 0 : index
    %get3A_59 = arith.constant 3072 : index
    %get3A_60 = vector.load %arg2[%get3A_58, %get3A_59] : memref<16x5120xf32, #tpu.memory_space<vmem>>, vector<1x1024xf32>
    %mul3A_61 = vector.broadcast %get3A_15 : f32 to vector<1x1024xf32>
    %mul3A_62 = arith.mulf %mul3A_61, %get3A_60 : vector<1x1024xf32>
    %get3A_63 = arith.constant 3 : index
    %get3A_64 = arith.constant 3072 : index
    %get3A_65 = vector.load %arg2[%get3A_63, %get3A_64] : memref<16x5120xf32, #tpu.memory_space<vmem>>, vector<1x1024xf32>
    %mul3A_66 = vector.broadcast %get3A_33 : f32 to vector<1x1024xf32>
    %mul3A_67 = arith.mulf %mul3A_66, %get3A_65 : vector<1x1024xf32>
    %add3A = arith.addf %mul3A_62, %mul3A_67 : vector<1x1024xf32>
    %sub3A_68 = vector.broadcast %get3A_24 : f32 to vector<1x1024xf32>
    %sub3A_69 = arith.subf %add3A, %sub3A_68 : vector<1x1024xf32>
    %mul3A_70 = arith.mulf %sub3A_69, %sub3A_69 : vector<1x1024xf32>
    %get3A_71 = arith.constant 1 : index
    %get3A_72 = arith.constant 3072 : index
    %get3A_73 = vector.load %arg2[%get3A_71, %get3A_72] : memref<16x5120xf32, #tpu.memory_space<vmem>>, vector<1x1024xf32>
    %mul3A_74 = vector.broadcast %get3A_18 : f32 to vector<1x1024xf32>
    %mul3A_75 = arith.mulf %mul3A_74, %get3A_73 : vector<1x1024xf32>
    %get3A_76 = arith.constant 4 : index
    %get3A_77 = arith.constant 3072 : index
    %get3A_78 = vector.load %arg2[%get3A_76, %get3A_77] : memref<16x5120xf32, #tpu.memory_space<vmem>>, vector<1x1024xf32>
    %mul3A_79 = vector.broadcast %get3A_36 : f32 to vector<1x1024xf32>
    %mul3A_80 = arith.mulf %mul3A_79, %get3A_78 : vector<1x1024xf32>
    %add3A_81 = arith.addf %mul3A_75, %mul3A_80 : vector<1x1024xf32>
    %sub3A_82 = vector.broadcast %get3A_27 : f32 to vector<1x1024xf32>
    %sub3A_83 = arith.subf %add3A_81, %sub3A_82 : vector<1x1024xf32>
    %mul3A_84 = arith.mulf %sub3A_83, %sub3A_83 : vector<1x1024xf32>
    %add3A_85 = arith.addf %mul3A_70, %mul3A_84 : vector<1x1024xf32>
    %get3A_86 = arith.constant 2 : index
    %get3A_87 = arith.constant 3072 : index
    %get3A_88 = vector.load %arg2[%get3A_86, %get3A_87] : memref<16x5120xf32, #tpu.memory_space<vmem>>, vector<1x1024xf32>
    %mul3A_89 = vector.broadcast %get3A_21 : f32 to vector<1x1024xf32>
    %mul3A_90 = arith.mulf %mul3A_89, %get3A_88 : vector<1x1024xf32>
    %get3A_91 = arith.constant 5 : index
    %get3A_92 = arith.constant 3072 : index
    %get3A_93 = vector.load %arg2[%get3A_91, %get3A_92] : memref<16x5120xf32, #tpu.memory_space<vmem>>, vector<1x1024xf32>
    %mul3A_94 = vector.broadcast %get3A_39 : f32 to vector<1x1024xf32>
    %mul3A_95 = arith.mulf %mul3A_94, %get3A_93 : vector<1x1024xf32>
    %add3A_96 = arith.addf %mul3A_90, %mul3A_95 : vector<1x1024xf32>
    %sub3A_97 = vector.broadcast %get3A_30 : f32 to vector<1x1024xf32>
    %sub3A_98 = arith.subf %add3A_96, %sub3A_97 : vector<1x1024xf32>
    %mul3A_99 = arith.mulf %sub3A_98, %sub3A_98 : vector<1x1024xf32>
    %add3A_100 = arith.addf %add3A_85, %mul3A_99 : vector<1x1024xf32>
    %sqrt3A = math.sqrt %add3A_100 : vector<1x1024xf32>
    %mul3A_101 = arith.constant 1.600000e+04 : f32
    %mul3A_102 = vector.broadcast %mul3A_101 : f32 to vector<1x1024xf32>
    %mul3A_103 = arith.mulf %sqrt3A, %mul3A_102 : vector<1x1024xf32>
    %div3A = arith.constant 3.430000e+02 : f32
    %div3A_104 = vector.broadcast %div3A : f32 to vector<1x1024xf32>
    %div3A_105 = arith.divf %mul3A_103, %div3A_104 : vector<1x1024xf32>
    %ceil3A = math.ceil %div3A_105 : vector<1x1024xf32>
    %sub3A_106 = arith.subf %ceil3A, %div3A_105 : vector<1x1024xf32>
    %get3A_107 = arith.constant 6 : index
    %get3A_108 = arith.constant 3072 : index
    %get3A_109 = vector.load %arg2[%get3A_107, %get3A_108] : memref<16x5120xf32, #tpu.memory_space<vmem>>, vector<1x1024xf32>
    %mul3A_110 = vector.broadcast %get3A_42 : f32 to vector<1x1024xf32>
    %mul3A_111 = arith.mulf %mul3A_110, %get3A_109 : vector<1x1024xf32>
    %get3A_112 = arith.constant 7 : index
    %get3A_113 = arith.constant 3072 : index
    %get3A_114 = vector.load %arg2[%get3A_112, %get3A_113] : memref<16x5120xf32, #tpu.memory_space<vmem>>, vector<1x1024xf32>
    %mul3A_115 = vector.broadcast %get3A_45 : f32 to vector<1x1024xf32>
    %mul3A_116 = arith.mulf %mul3A_115, %get3A_114 : vector<1x1024xf32>
    %add3A_117 = arith.addf %mul3A_111, %mul3A_116 : vector<1x1024xf32>
    %get3A_118 = arith.constant 8 : index
    %get3A_119 = arith.constant 3072 : index
    %get3A_120 = vector.load %arg2[%get3A_118, %get3A_119] : memref<16x5120xf32, #tpu.memory_space<vmem>>, vector<1x1024xf32>
    %mul3A_121 = vector.broadcast %get3A_48 : f32 to vector<1x1024xf32>
    %mul3A_122 = arith.mulf %mul3A_121, %get3A_120 : vector<1x1024xf32>
    %add3A_123 = arith.addf %add3A_117, %mul3A_122 : vector<1x1024xf32>
    %get3A_124 = arith.constant 9 : index
    %get3A_125 = arith.constant 3072 : index
    %get3A_126 = vector.load %arg2[%get3A_124, %get3A_125] : memref<16x5120xf32, #tpu.memory_space<vmem>>, vector<1x1024xf32>
    %mul3A_127 = vector.broadcast %get3A_51 : f32 to vector<1x1024xf32>
    %mul3A_128 = arith.mulf %mul3A_127, %get3A_126 : vector<1x1024xf32>
    %add3A_129 = arith.addf %add3A_123, %mul3A_128 : vector<1x1024xf32>
    %get3A_130 = arith.constant 10 : index
    %get3A_131 = arith.constant 3072 : index
    %get3A_132 = vector.load %arg2[%get3A_130, %get3A_131] : memref<16x5120xf32, #tpu.memory_space<vmem>>, vector<1x1024xf32>
    %mul3A_133 = vector.broadcast %get3A_54 : f32 to vector<1x1024xf32>
    %mul3A_134 = arith.mulf %mul3A_133, %get3A_132 : vector<1x1024xf32>
    %add3A_135 = arith.addf %add3A_129, %mul3A_134 : vector<1x1024xf32>
    %get3A_136 = arith.constant 11 : index
    %get3A_137 = arith.constant 3072 : index
    %get3A_138 = vector.load %arg2[%get3A_136, %get3A_137] : memref<16x5120xf32, #tpu.memory_space<vmem>>, vector<1x1024xf32>
    %mul3A_139 = vector.broadcast %get3A_57 : f32 to vector<1x1024xf32>
    %mul3A_140 = arith.mulf %mul3A_139, %get3A_138 : vector<1x1024xf32>
    %add3A_141 = arith.addf %add3A_135, %mul3A_140 : vector<1x1024xf32>
    %exp3A = math.exp %add3A_141 : vector<1x1024xf32>
    %get3A_142 = arith.constant 12 : index
    %get3A_143 = arith.constant 3072 : index
    %get3A_144 = vector.load %arg2[%get3A_142, %get3A_143] : memref<16x5120xf32, #tpu.memory_space<vmem>>, vector<1x1024xf32>
    %gt3A = arith.constant 0.000000e+00 : f32
    %gt3A_145 = vector.broadcast %gt3A : f32 to vector<1x1024xf32>
    %gt3A_146 = arith.cmpf ogt, %get3A_144, %gt3A_145 : vector<1x1024xf32>
    %div3A_147 = arith.divf %exp3A, %sqrt3A : vector<1x1024xf32>
    %jit3A = arith.constant 0.000000e+00 : f32
    %broadcast_in_dim3A_148 = vector.broadcast %jit3A : f32 to vector<1x1024xf32>
    %select_n3A = arith.select %gt3A_146, %div3A_147, %broadcast_in_dim3A_148 : vector<1x1024xi1>, vector<1x1024xf32>
    %mul3A_149 = arith.constant 7.812500e-03 : f32
    %mul3A_150 = vector.broadcast %mul3A_149 : f32 to vector<1x1024xf32>
    %mul3A_151 = arith.mulf %ceil3A, %mul3A_150 : vector<1x1024xf32>
    %floor3A = math.floor %mul3A_151 : vector<1x1024xf32>
    %mul3A_152 = arith.constant 1.280000e+02 : f32
    %mul3A_153 = vector.broadcast %mul3A_152 : f32 to vector<1x1024xf32>
    %mul3A_154 = arith.mulf %floor3A, %mul3A_153 : vector<1x1024xf32>
    %sub3A_155 = arith.subf %ceil3A, %mul3A_154 : vector<1x1024xf32>
    %mul3A_156 = arith.constant 3.14159274 : f32
    %mul3A_157 = vector.broadcast %mul3A_156 : f32 to vector<1x1024xf32>
    %mul3A_158 = arith.mulf %mul3A_157, %sub3A_106 : vector<1x1024xf32>
    %sin3A = math.sin %mul3A_158 : vector<1x1024xf32>
    %mul3A_159 = arith.constant 0.318309873 : f32
    %mul3A_160 = vector.broadcast %mul3A_159 : f32 to vector<1x1024xf32>
    %mul3A_161 = arith.mulf %sin3A, %mul3A_160 : vector<1x1024xf32>
    %mul3A_162 = arith.constant 5.000000e-01 : f32
    %mul3A_163 = vector.broadcast %mul3A_162 : f32 to vector<1x1024xf32>
    %mul3A_164 = arith.mulf %sub3A_155, %mul3A_163 : vector<1x1024xf32>
    %floor3A_165 = math.floor %mul3A_164 : vector<1x1024xf32>
    %mul3A_166 = arith.constant 2.000000e+00 : f32
    %mul3A_167 = vector.broadcast %mul3A_166 : f32 to vector<1x1024xf32>
    %mul3A_168 = arith.mulf %mul3A_167, %floor3A_165 : vector<1x1024xf32>
    %sub3A_169 = arith.subf %sub3A_155, %mul3A_168 : vector<1x1024xf32>
    %mul3A_170 = arith.constant 2.000000e+00 : f32
    %mul3A_171 = vector.broadcast %mul3A_170 : f32 to vector<1x1024xf32>
    %mul3A_172 = arith.mulf %mul3A_171, %sub3A_169 : vector<1x1024xf32>
    %sub3A_173 = arith.constant 1.000000e+00 : f32
    %sub3A_174 = vector.broadcast %sub3A_173 : f32 to vector<1x1024xf32>
    %sub3A_175 = arith.subf %sub3A_174, %mul3A_172 : vector<1x1024xf32>
    %sub3A_176 = arith.subf %sub3A_106, %sub3A_155 : vector<1x1024xf32>
    %sub3A_177 = arith.constant 4.000000e+01 : f32
    %sub3A_178 = vector.broadcast %sub3A_177 : f32 to vector<1x1024xf32>
    %sub3A_179 = arith.subf %sub3A_176, %sub3A_178 : vector<1x1024xf32>
    %mul3A_180 = arith.constant 0.0785398185 : f32
    %mul3A_181 = vector.broadcast %mul3A_180 : f32 to vector<1x1024xf32>
    %mul3A_182 = arith.mulf %sub3A_179, %mul3A_181 : vector<1x1024xf32>
    %cos3A = math.cos %mul3A_182 : vector<1x1024xf32>
    %sin3A_183 = math.sin %mul3A_182 : vector<1x1024xf32>
    %add3A_184 = vector.broadcast %sub3A_179 : vector<1x1024xf32> to vector<256x1024xf32>
    %add3A_185 = arith.addf %convert_element_type3A, %add3A_184 : vector<256x1024xf32>
    %abs3A = math.absf %add3A_185 : vector<256x1024xf32>
    %le3A = arith.constant 4.000000e+01 : f32
    %le3A_186 = vector.broadcast %le3A : f32 to vector<256x1024xf32>
    %le3A_187 = arith.cmpf ole, %abs3A, %le3A_186 : vector<256x1024xf32>
    %mul3A_188 = vector.broadcast %get3A_1 : vector<256x1xf32> to vector<256x1024xf32>
    %mul3A_189 = vector.broadcast %cos3A : vector<1x1024xf32> to vector<256x1024xf32>
    %mul3A_190 = arith.mulf %mul3A_188, %mul3A_189 : vector<256x1024xf32>
    %mul3A_191 = vector.broadcast %get3A_4 : vector<256x1xf32> to vector<256x1024xf32>
    %mul3A_192 = vector.broadcast %sin3A_183 : vector<1x1024xf32> to vector<256x1024xf32>
    %mul3A_193 = arith.mulf %mul3A_191, %mul3A_192 : vector<256x1024xf32>
    %sub3A_194 = arith.subf %mul3A_190, %mul3A_193 : vector<256x1024xf32>
    %mul3A_195 = arith.constant 5.000000e-01 : f32
    %mul3A_196 = vector.broadcast %mul3A_195 : f32 to vector<256x1024xf32>
    %mul3A_197 = arith.mulf %mul3A_196, %sub3A_194 : vector<256x1024xf32>
    %add3A_198 = arith.constant 5.000000e-01 : f32
    %add3A_199 = vector.broadcast %add3A_198 : f32 to vector<256x1024xf32>
    %add3A_200 = arith.addf %add3A_199, %mul3A_197 : vector<256x1024xf32>
    %mul3A_201 = arith.mulf %mul3A_161, %sub3A_175 : vector<1x1024xf32>
    %mul3A_202 = vector.broadcast %mul3A_201 : vector<1x1024xf32> to vector<256x1024xf32>
    %mul3A_203 = arith.mulf %convert_element_type3A_11, %mul3A_202 : vector<256x1024xf32>
    %eq3A = arith.constant 0.000000e+00 : f32
    %eq3A_204 = vector.broadcast %eq3A : f32 to vector<256x1024xf32>
    %eq3A_205 = arith.cmpf oeq, %add3A_185, %eq3A_204 : vector<256x1024xf32>
    %div3A_206 = arith.divf %mul3A_203, %add3A_185 : vector<256x1024xf32>
    %jit3A_207 = arith.constant 1.000000e+00 : f32
    %broadcast_in_dim3A_208 = vector.broadcast %jit3A_207 : f32 to vector<256x1024xf32>
    %select_n3A_209 = arith.select %eq3A_205, %broadcast_in_dim3A_208, %div3A_206 : vector<256x1024xi1>, vector<256x1024xf32>
    %mul3A_210 = arith.mulf %add3A_200, %select_n3A_209 : vector<256x1024xf32>
    %mul3A_211 = vector.broadcast %select_n3A : vector<1x1024xf32> to vector<256x1024xf32>
    %mul3A_212 = arith.mulf %mul3A_210, %mul3A_211 : vector<256x1024xf32>
    %jit3A_213 = arith.constant 0.000000e+00 : f32
    %broadcast_in_dim3A_214 = vector.broadcast %jit3A_213 : f32 to vector<256x1024xf32>
    %select_n3A_215 = arith.select %le3A_187, %mul3A_212, %broadcast_in_dim3A_214 : vector<256x1024xi1>, vector<256x1024xf32>
    %iota3A_216 = tpu.iota {dimensions = array<i32: 0>} : vector<32x1024xi32>
    %convert_element_type3A_217 = arith.sitofp %iota3A_216 : vector<32x1024xi32> to vector<32x1024xf32>
    %eq3A_218 = vector.broadcast %floor3A : vector<1x1024xf32> to vector<32x1024xf32>
    %eq3A_219 = arith.cmpf oeq, %convert_element_type3A_217, %eq3A_218 : vector<32x1024xf32>
    %jit3A_220 = arith.constant 1.000000e+00 : f32
    %jit3A_221 = arith.constant 0.000000e+00 : f32
    %broadcast_in_dim3A_222 = vector.broadcast %jit3A_220 : f32 to vector<32x1024xf32>
    %broadcast_in_dim3A_223 = vector.broadcast %jit3A_221 : f32 to vector<32x1024xf32>
    %select_n3A_224 = arith.select %eq3A_219, %broadcast_in_dim3A_222, %broadcast_in_dim3A_223 : vector<32x1024xi1>, vector<32x1024xf32>
    %dot_general3A = arith.constant dense<0.000000e+00> : vector<32x256xf32>
    %dot_general3A_225 = tpu.matmul %select_n3A_224, %select_n3A_215, %dot_general3A {dimension_numbers = #tpu.dot_dimension_numbers<[1], [1], [0], [0], [0, 0, 1, 0], [], []>, transpose_lhs_hint = false} : vector<32x1024xf32>, vector<256x1024xf32>, vector<32x256xf32> -> vector<32x256xf32>
    %add3A_226 = arith.addf %broadcast_in_dim3A_12, %dot_general3A_225 : vector<32x256xf32>
    %get3A_227 = arith.index_cast %arg0 : i32 to index
    %get3A_228 = arith.constant 0 : index
    %get3A_229 = memref.load %arg1[%get3A_227, %get3A_228] : memref<32x16xf32, #tpu.memory_space<smem>>
    %get3A_230 = arith.index_cast %arg0 : i32 to index
    %get3A_231 = arith.constant 1 : index
    %get3A_232 = memref.load %arg1[%get3A_230, %get3A_231] : memref<32x16xf32, #tpu.memory_space<smem>>
    %get3A_233 = arith.index_cast %arg0 : i32 to index
    %get3A_234 = arith.constant 2 : index
    %get3A_235 = memref.load %arg1[%get3A_233, %get3A_234] : memref<32x16xf32, #tpu.memory_space<smem>>
    %get3A_236 = arith.index_cast %arg0 : i32 to index
    %get3A_237 = arith.constant 3 : index
    %get3A_238 = memref.load %arg1[%get3A_236, %get3A_237] : memref<32x16xf32, #tpu.memory_space<smem>>
    %get3A_239 = arith.index_cast %arg0 : i32 to index
    %get3A_240 = arith.constant 4 : index
    %get3A_241 = memref.load %arg1[%get3A_239, %get3A_240] : memref<32x16xf32, #tpu.memory_space<smem>>
    %get3A_242 = arith.index_cast %arg0 : i32 to index
    %get3A_243 = arith.constant 5 : index
    %get3A_244 = memref.load %arg1[%get3A_242, %get3A_243] : memref<32x16xf32, #tpu.memory_space<smem>>
    %get3A_245 = arith.index_cast %arg0 : i32 to index
    %get3A_246 = arith.constant 6 : index
    %get3A_247 = memref.load %arg1[%get3A_245, %get3A_246] : memref<32x16xf32, #tpu.memory_space<smem>>
    %get3A_248 = arith.index_cast %arg0 : i32 to index
    %get3A_249 = arith.constant 7 : index
    %get3A_250 = memref.load %arg1[%get3A_248, %get3A_249] : memref<32x16xf32, #tpu.memory_space<smem>>
    %get3A_251 = arith.index_cast %arg0 : i32 to index
    %get3A_252 = arith.constant 8 : index
    %get3A_253 = memref.load %arg1[%get3A_251, %get3A_252] : memref<32x16xf32, #tpu.memory_space<smem>>
    %get3A_254 = arith.index_cast %arg0 : i32 to index
    %get3A_255 = arith.constant 9 : index
    %get3A_256 = memref.load %arg1[%get3A_254, %get3A_255] : memref<32x16xf32, #tpu.memory_space<smem>>
    %get3A_257 = arith.index_cast %arg0 : i32 to index
    %get3A_258 = arith.constant 10 : index
    %get3A_259 = memref.load %arg1[%get3A_257, %get3A_258] : memref<32x16xf32, #tpu.memory_space<smem>>
    %get3A_260 = arith.index_cast %arg0 : i32 to index
    %get3A_261 = arith.constant 11 : index
    %get3A_262 = memref.load %arg1[%get3A_260, %get3A_261] : memref<32x16xf32, #tpu.memory_space<smem>>
    %get3A_263 = arith.index_cast %arg0 : i32 to index
    %get3A_264 = arith.constant 12 : index
    %get3A_265 = memref.load %arg1[%get3A_263, %get3A_264] : memref<32x16xf32, #tpu.memory_space<smem>>
    %get3A_266 = arith.index_cast %arg0 : i32 to index
    %get3A_267 = arith.constant 13 : index
    %get3A_268 = memref.load %arg1[%get3A_266, %get3A_267] : memref<32x16xf32, #tpu.memory_space<smem>>
    %get3A_269 = arith.index_cast %arg0 : i32 to index
    %get3A_270 = arith.constant 14 : index
    %get3A_271 = memref.load %arg1[%get3A_269, %get3A_270] : memref<32x16xf32, #tpu.memory_space<smem>>
    %get3A_272 = arith.constant 0 : index
    %get3A_273 = arith.constant 4096 : index
    %get3A_274 = vector.load %arg2[%get3A_272, %get3A_273] : memref<16x5120xf32, #tpu.memory_space<vmem>>, vector<1x1024xf32>
    %mul3A_275 = vector.broadcast %get3A_229 : f32 to vector<1x1024xf32>
    %mul3A_276 = arith.mulf %mul3A_275, %get3A_274 : vector<1x1024xf32>
    %get3A_277 = arith.constant 3 : index
    %get3A_278 = arith.constant 4096 : index
    %get3A_279 = vector.load %arg2[%get3A_277, %get3A_278] : memref<16x5120xf32, #tpu.memory_space<vmem>>, vector<1x1024xf32>
    %mul3A_280 = vector.broadcast %get3A_247 : f32 to vector<1x1024xf32>
    %mul3A_281 = arith.mulf %mul3A_280, %get3A_279 : vector<1x1024xf32>
    %add3A_282 = arith.addf %mul3A_276, %mul3A_281 : vector<1x1024xf32>
    %sub3A_283 = vector.broadcast %get3A_238 : f32 to vector<1x1024xf32>
    %sub3A_284 = arith.subf %add3A_282, %sub3A_283 : vector<1x1024xf32>
    %mul3A_285 = arith.mulf %sub3A_284, %sub3A_284 : vector<1x1024xf32>
    %get3A_286 = arith.constant 1 : index
    %get3A_287 = arith.constant 4096 : index
    %get3A_288 = vector.load %arg2[%get3A_286, %get3A_287] : memref<16x5120xf32, #tpu.memory_space<vmem>>, vector<1x1024xf32>
    %mul3A_289 = vector.broadcast %get3A_232 : f32 to vector<1x1024xf32>
    %mul3A_290 = arith.mulf %mul3A_289, %get3A_288 : vector<1x1024xf32>
    %get3A_291 = arith.constant 4 : index
    %get3A_292 = arith.constant 4096 : index
    %get3A_293 = vector.load %arg2[%get3A_291, %get3A_292] : memref<16x5120xf32, #tpu.memory_space<vmem>>, vector<1x1024xf32>
    %mul3A_294 = vector.broadcast %get3A_250 : f32 to vector<1x1024xf32>
    %mul3A_295 = arith.mulf %mul3A_294, %get3A_293 : vector<1x1024xf32>
    %add3A_296 = arith.addf %mul3A_290, %mul3A_295 : vector<1x1024xf32>
    %sub3A_297 = vector.broadcast %get3A_241 : f32 to vector<1x1024xf32>
    %sub3A_298 = arith.subf %add3A_296, %sub3A_297 : vector<1x1024xf32>
    %mul3A_299 = arith.mulf %sub3A_298, %sub3A_298 : vector<1x1024xf32>
    %add3A_300 = arith.addf %mul3A_285, %mul3A_299 : vector<1x1024xf32>
    %get3A_301 = arith.constant 2 : index
    %get3A_302 = arith.constant 4096 : index
    %get3A_303 = vector.load %arg2[%get3A_301, %get3A_302] : memref<16x5120xf32, #tpu.memory_space<vmem>>, vector<1x1024xf32>
    %mul3A_304 = vector.broadcast %get3A_235 : f32 to vector<1x1024xf32>
    %mul3A_305 = arith.mulf %mul3A_304, %get3A_303 : vector<1x1024xf32>
    %get3A_306 = arith.constant 5 : index
    %get3A_307 = arith.constant 4096 : index
    %get3A_308 = vector.load %arg2[%get3A_306, %get3A_307] : memref<16x5120xf32, #tpu.memory_space<vmem>>, vector<1x1024xf32>
    %mul3A_309 = vector.broadcast %get3A_253 : f32 to vector<1x1024xf32>
    %mul3A_310 = arith.mulf %mul3A_309, %get3A_308 : vector<1x1024xf32>
    %add3A_311 = arith.addf %mul3A_305, %mul3A_310 : vector<1x1024xf32>
    %sub3A_312 = vector.broadcast %get3A_244 : f32 to vector<1x1024xf32>
    %sub3A_313 = arith.subf %add3A_311, %sub3A_312 : vector<1x1024xf32>
    %mul3A_314 = arith.mulf %sub3A_313, %sub3A_313 : vector<1x1024xf32>
    %add3A_315 = arith.addf %add3A_300, %mul3A_314 : vector<1x1024xf32>
    %sqrt3A_316 = math.sqrt %add3A_315 : vector<1x1024xf32>
    %mul3A_317 = arith.constant 1.600000e+04 : f32
    %mul3A_318 = vector.broadcast %mul3A_317 : f32 to vector<1x1024xf32>
    %mul3A_319 = arith.mulf %sqrt3A_316, %mul3A_318 : vector<1x1024xf32>
    %div3A_320 = arith.constant 3.430000e+02 : f32
    %div3A_321 = vector.broadcast %div3A_320 : f32 to vector<1x1024xf32>
    %div3A_322 = arith.divf %mul3A_319, %div3A_321 : vector<1x1024xf32>
    %ceil3A_323 = math.ceil %div3A_322 : vector<1x1024xf32>
    %sub3A_324 = arith.subf %ceil3A_323, %div3A_322 : vector<1x1024xf32>
    %get3A_325 = arith.constant 6 : index
    %get3A_326 = arith.constant 4096 : index
    %get3A_327 = vector.load %arg2[%get3A_325, %get3A_326] : memref<16x5120xf32, #tpu.memory_space<vmem>>, vector<1x1024xf32>
    %mul3A_328 = vector.broadcast %get3A_256 : f32 to vector<1x1024xf32>
    %mul3A_329 = arith.mulf %mul3A_328, %get3A_327 : vector<1x1024xf32>
    %get3A_330 = arith.constant 7 : index
    %get3A_331 = arith.constant 4096 : index
    %get3A_332 = vector.load %arg2[%get3A_330, %get3A_331] : memref<16x5120xf32, #tpu.memory_space<vmem>>, vector<1x1024xf32>
    %mul3A_333 = vector.broadcast %get3A_259 : f32 to vector<1x1024xf32>
    %mul3A_334 = arith.mulf %mul3A_333, %get3A_332 : vector<1x1024xf32>
    %add3A_335 = arith.addf %mul3A_329, %mul3A_334 : vector<1x1024xf32>
    %get3A_336 = arith.constant 8 : index
    %get3A_337 = arith.constant 4096 : index
    %get3A_338 = vector.load %arg2[%get3A_336, %get3A_337] : memref<16x5120xf32, #tpu.memory_space<vmem>>, vector<1x1024xf32>
    %mul3A_339 = vector.broadcast %get3A_262 : f32 to vector<1x1024xf32>
    %mul3A_340 = arith.mulf %mul3A_339, %get3A_338 : vector<1x1024xf32>
    %add3A_341 = arith.addf %add3A_335, %mul3A_340 : vector<1x1024xf32>
    %get3A_342 = arith.constant 9 : index
    %get3A_343 = arith.constant 4096 : index
    %get3A_344 = vector.load %arg2[%get3A_342, %get3A_343] : memref<16x5120xf32, #tpu.memory_space<vmem>>, vector<1x1024xf32>
    %mul3A_345 = vector.broadcast %get3A_265 : f32 to vector<1x1024xf32>
    %mul3A_346 = arith.mulf %mul3A_345, %get3A_344 : vector<1x1024xf32>
    %add3A_347 = arith.addf %add3A_341, %mul3A_346 : vector<1x1024xf32>
    %get3A_348 = arith.constant 10 : index
    %get3A_349 = arith.constant 4096 : index
    %get3A_350 = vector.load %arg2[%get3A_348, %get3A_349] : memref<16x5120xf32, #tpu.memory_space<vmem>>, vector<1x1024xf32>
    %mul3A_351 = vector.broadcast %get3A_268 : f32 to vector<1x1024xf32>
    %mul3A_352 = arith.mulf %mul3A_351, %get3A_350 : vector<1x1024xf32>
    %add3A_353 = arith.addf %add3A_347, %mul3A_352 : vector<1x1024xf32>
    %get3A_354 = arith.constant 11 : index
    %get3A_355 = arith.constant 4096 : index
    %get3A_356 = vector.load %arg2[%get3A_354, %get3A_355] : memref<16x5120xf32, #tpu.memory_space<vmem>>, vector<1x1024xf32>
    %mul3A_357 = vector.broadcast %get3A_271 : f32 to vector<1x1024xf32>
    %mul3A_358 = arith.mulf %mul3A_357, %get3A_356 : vector<1x1024xf32>
    %add3A_359 = arith.addf %add3A_353, %mul3A_358 : vector<1x1024xf32>
    %exp3A_360 = math.exp %add3A_359 : vector<1x1024xf32>
    %get3A_361 = arith.constant 12 : index
    %get3A_362 = arith.constant 4096 : index
    %get3A_363 = vector.load %arg2[%get3A_361, %get3A_362] : memref<16x5120xf32, #tpu.memory_space<vmem>>, vector<1x1024xf32>
    %gt3A_364 = arith.constant 0.000000e+00 : f32
    %gt3A_365 = vector.broadcast %gt3A_364 : f32 to vector<1x1024xf32>
    %gt3A_366 = arith.cmpf ogt, %get3A_363, %gt3A_365 : vector<1x1024xf32>
    %div3A_367 = arith.divf %exp3A_360, %sqrt3A_316 : vector<1x1024xf32>
    %jit3A_368 = arith.constant 0.000000e+00 : f32
    %broadcast_in_dim3A_369 = vector.broadcast %jit3A_368 : f32 to vector<1x1024xf32>
    %select_n3A_370 = arith.select %gt3A_366, %div3A_367, %broadcast_in_dim3A_369 : vector<1x1024xi1>, vector<1x1024xf32>
    %mul3A_371 = arith.constant 7.812500e-03 : f32
    %mul3A_372 = vector.broadcast %mul3A_371 : f32 to vector<1x1024xf32>
    %mul3A_373 = arith.mulf %ceil3A_323, %mul3A_372 : vector<1x1024xf32>
    %floor3A_374 = math.floor %mul3A_373 : vector<1x1024xf32>
    %mul3A_375 = arith.constant 1.280000e+02 : f32
    %mul3A_376 = vector.broadcast %mul3A_375 : f32 to vector<1x1024xf32>
    %mul3A_377 = arith.mulf %floor3A_374, %mul3A_376 : vector<1x1024xf32>
    %sub3A_378 = arith.subf %ceil3A_323, %mul3A_377 : vector<1x1024xf32>
    %mul3A_379 = arith.constant 3.14159274 : f32
    %mul3A_380 = vector.broadcast %mul3A_379 : f32 to vector<1x1024xf32>
    %mul3A_381 = arith.mulf %mul3A_380, %sub3A_324 : vector<1x1024xf32>
    %sin3A_382 = math.sin %mul3A_381 : vector<1x1024xf32>
    %mul3A_383 = arith.constant 0.318309873 : f32
    %mul3A_384 = vector.broadcast %mul3A_383 : f32 to vector<1x1024xf32>
    %mul3A_385 = arith.mulf %sin3A_382, %mul3A_384 : vector<1x1024xf32>
    %mul3A_386 = arith.constant 5.000000e-01 : f32
    %mul3A_387 = vector.broadcast %mul3A_386 : f32 to vector<1x1024xf32>
    %mul3A_388 = arith.mulf %sub3A_378, %mul3A_387 : vector<1x1024xf32>
    %floor3A_389 = math.floor %mul3A_388 : vector<1x1024xf32>
    %mul3A_390 = arith.constant 2.000000e+00 : f32
    %mul3A_391 = vector.broadcast %mul3A_390 : f32 to vector<1x1024xf32>
    %mul3A_392 = arith.mulf %mul3A_391, %floor3A_389 : vector<1x1024xf32>
    %sub3A_393 = arith.subf %sub3A_378, %mul3A_392 : vector<1x1024xf32>
    %mul3A_394 = arith.constant 2.000000e+00 : f32
    %mul3A_395 = vector.broadcast %mul3A_394 : f32 to vector<1x1024xf32>
    %mul3A_396 = arith.mulf %mul3A_395, %sub3A_393 : vector<1x1024xf32>
    %sub3A_397 = arith.constant 1.000000e+00 : f32
    %sub3A_398 = vector.broadcast %sub3A_397 : f32 to vector<1x1024xf32>
    %sub3A_399 = arith.subf %sub3A_398, %mul3A_396 : vector<1x1024xf32>
    %sub3A_400 = arith.subf %sub3A_324, %sub3A_378 : vector<1x1024xf32>
    %sub3A_401 = arith.constant 4.000000e+01 : f32
    %sub3A_402 = vector.broadcast %sub3A_401 : f32 to vector<1x1024xf32>
    %sub3A_403 = arith.subf %sub3A_400, %sub3A_402 : vector<1x1024xf32>
    %mul3A_404 = arith.constant 0.0785398185 : f32
    %mul3A_405 = vector.broadcast %mul3A_404 : f32 to vector<1x1024xf32>
    %mul3A_406 = arith.mulf %sub3A_403, %mul3A_405 : vector<1x1024xf32>
    %cos3A_407 = math.cos %mul3A_406 : vector<1x1024xf32>
    %sin3A_408 = math.sin %mul3A_406 : vector<1x1024xf32>
    %add3A_409 = vector.broadcast %sub3A_403 : vector<1x1024xf32> to vector<256x1024xf32>
    %add3A_410 = arith.addf %convert_element_type3A, %add3A_409 : vector<256x1024xf32>
    %abs3A_411 = math.absf %add3A_410 : vector<256x1024xf32>
    %le3A_412 = arith.constant 4.000000e+01 : f32
    %le3A_413 = vector.broadcast %le3A_412 : f32 to vector<256x1024xf32>
    %le3A_414 = arith.cmpf ole, %abs3A_411, %le3A_413 : vector<256x1024xf32>
    %mul3A_415 = vector.broadcast %get3A_1 : vector<256x1xf32> to vector<256x1024xf32>
    %mul3A_416 = vector.broadcast %cos3A_407 : vector<1x1024xf32> to vector<256x1024xf32>
    %mul3A_417 = arith.mulf %mul3A_415, %mul3A_416 : vector<256x1024xf32>
    %mul3A_418 = vector.broadcast %get3A_4 : vector<256x1xf32> to vector<256x1024xf32>
    %mul3A_419 = vector.broadcast %sin3A_408 : vector<1x1024xf32> to vector<256x1024xf32>
    %mul3A_420 = arith.mulf %mul3A_418, %mul3A_419 : vector<256x1024xf32>
    %sub3A_421 = arith.subf %mul3A_417, %mul3A_420 : vector<256x1024xf32>
    %mul3A_422 = arith.constant 5.000000e-01 : f32
    %mul3A_423 = vector.broadcast %mul3A_422 : f32 to vector<256x1024xf32>
    %mul3A_424 = arith.mulf %mul3A_423, %sub3A_421 : vector<256x1024xf32>
    %add3A_425 = arith.constant 5.000000e-01 : f32
    %add3A_426 = vector.broadcast %add3A_425 : f32 to vector<256x1024xf32>
    %add3A_427 = arith.addf %add3A_426, %mul3A_424 : vector<256x1024xf32>
    %mul3A_428 = arith.mulf %mul3A_385, %sub3A_399 : vector<1x1024xf32>
    %mul3A_429 = vector.broadcast %mul3A_428 : vector<1x1024xf32> to vector<256x1024xf32>
    %mul3A_430 = arith.mulf %convert_element_type3A_11, %mul3A_429 : vector<256x1024xf32>
    %eq3A_431 = arith.constant 0.000000e+00 : f32
    %eq3A_432 = vector.broadcast %eq3A_431 : f32 to vector<256x1024xf32>
    %eq3A_433 = arith.cmpf oeq, %add3A_410, %eq3A_432 : vector<256x1024xf32>
    %div3A_434 = arith.divf %mul3A_430, %add3A_410 : vector<256x1024xf32>
    %jit3A_435 = arith.constant 1.000000e+00 : f32
    %broadcast_in_dim3A_436 = vector.broadcast %jit3A_435 : f32 to vector<256x1024xf32>
    %select_n3A_437 = arith.select %eq3A_433, %broadcast_in_dim3A_436, %div3A_434 : vector<256x1024xi1>, vector<256x1024xf32>
    %mul3A_438 = arith.mulf %add3A_427, %select_n3A_437 : vector<256x1024xf32>
    %mul3A_439 = vector.broadcast %select_n3A_370 : vector<1x1024xf32> to vector<256x1024xf32>
    %mul3A_440 = arith.mulf %mul3A_438, %mul3A_439 : vector<256x1024xf32>
    %jit3A_441 = arith.constant 0.000000e+00 : f32
    %broadcast_in_dim3A_442 = vector.broadcast %jit3A_441 : f32 to vector<256x1024xf32>
    %select_n3A_443 = arith.select %le3A_414, %mul3A_440, %broadcast_in_dim3A_442 : vector<256x1024xi1>, vector<256x1024xf32>
    %iota3A_444 = tpu.iota {dimensions = array<i32: 0>} : vector<32x1024xi32>
    %convert_element_type3A_445 = arith.sitofp %iota3A_444 : vector<32x1024xi32> to vector<32x1024xf32>
    %eq3A_446 = vector.broadcast %floor3A_374 : vector<1x1024xf32> to vector<32x1024xf32>
    %eq3A_447 = arith.cmpf oeq, %convert_element_type3A_445, %eq3A_446 : vector<32x1024xf32>
    %jit3A_448 = arith.constant 1.000000e+00 : f32
    %jit3A_449 = arith.constant 0.000000e+00 : f32
    %broadcast_in_dim3A_450 = vector.broadcast %jit3A_448 : f32 to vector<32x1024xf32>
    %broadcast_in_dim3A_451 = vector.broadcast %jit3A_449 : f32 to vector<32x1024xf32>
    %select_n3A_452 = arith.select %eq3A_447, %broadcast_in_dim3A_450, %broadcast_in_dim3A_451 : vector<32x1024xi1>, vector<32x1024xf32>
    %dot_general3A_453 = arith.constant dense<0.000000e+00> : vector<32x256xf32>
    %dot_general3A_454 = tpu.matmul %select_n3A_452, %select_n3A_443, %dot_general3A_453 {dimension_numbers = #tpu.dot_dimension_numbers<[1], [1], [0], [0], [0, 0, 1, 0], [], []>, transpose_lhs_hint = false} : vector<32x1024xf32>, vector<256x1024xf32>, vector<32x256xf32> -> vector<32x256xf32>
    %add3A_455 = arith.addf %add3A_226, %dot_general3A_454 : vector<32x256xf32>
    %slice3A = vector.extract_strided_slice %add3A_455 {offsets = [0, 0], sizes = [31, 128], strides = [1, 1]} : vector<32x256xf32> to vector<31x128xf32>
    %broadcast_in_dim3A_456 = arith.constant 0.000000e+00 : f32
    %broadcast_in_dim3A_457 = vector.broadcast %broadcast_in_dim3A_456 : f32 to vector<1x128xf32>
    %slice3A_458 = vector.extract_strided_slice %add3A_455 {offsets = [0, 128], sizes = [30, 128], strides = [1, 1]} : vector<32x256xf32> to vector<30x128xf32>
    %concatenate3A = tpu.concatenate %broadcast_in_dim3A_457, %slice3A_458 in 0 : vector<1x128xf32>, vector<30x128xf32> -> vector<31x128xf32>
    %add3A_459 = arith.addf %slice3A, %concatenate3A : vector<31x128xf32>
    %swap3A = arith.constant 0 : index
    %swap3A_460 = arith.constant 0 : index
    %swap3A_461 = arith.constant 0 : index
    %swap3A_462 = vector.load %arg5[%swap3A, %swap3A_460, %swap3A_461] : memref<1x31x128xf32, #tpu.memory_space<vmem>>, vector<1x31x128xf32>
    %swap3A_463 = vector.shape_cast %swap3A_462 : vector<1x31x128xf32> to vector<31x128xf32>
    %swap3A_464 = vector.shape_cast %add3A_459 : vector<31x128xf32> to vector<1x31x128xf32>
    tpu.vector_store %arg5[%swap3A, %swap3A_460, %swap3A_461], %swap3A_464 {strides = array<i32>} : memref<1x31x128xf32, #tpu.memory_space<vmem>>, vector<1x31x128xf32>,
    return
  }
  func.func @transform_0(%arg0: i32) -> (i32, i32) {
    %c0_i32 = arith.constant 0 : i32
    %c0_i32_0 = arith.constant 0 : i32
    %c0_i32_1 = arith.constant 0 : i32
    return %c0_i32, %c0_i32_0 : i32, i32
  }
  func.func @transform_1(%arg0: i32) -> (i32, i32) {
    %c0_i32 = arith.constant 0 : i32
    %c0_i32_0 = arith.constant 0 : i32
    %c0_i32_1 = arith.constant 0 : i32
    return %c0_i32, %c0_i32_0 : i32, i32
  }
  func.func @transform_2(%arg0: i32) -> (i32, i32) {
    %c0_i32 = arith.constant 0 : i32
    %c0_i32_0 = arith.constant 0 : i32
    %c0_i32_1 = arith.constant 0 : i32
    return %c0_i32, %c0_i32_0 : i32, i32
  }
  func.func @transform_3(%arg0: i32) -> (i32, i32) {
    %c0_i32 = arith.constant 0 : i32
    %c0_i32_0 = arith.constant 0 : i32
    %c0_i32_1 = arith.constant 0 : i32
    return %c0_i32, %c0_i32_0 : i32, i32
  }
  func.func @transform_4(%arg0: i32) -> (i32, i32, i32) {
    %c0_i32 = arith.constant 0 : i32
    %c0_i32_0 = arith.constant 0 : i32
    %c0_i32_1 = arith.constant 0 : i32
    return %arg0, %c0_i32, %c0_i32_0 : i32, i32, i32
  }
}

module attributes {stable_mosaic.version = 14 : i64} {
  func.func @_params_kernel(%arg0: i32, %arg1: memref<32x16xf32, #tpu.memory_space<smem>>, %arg2: memref<16x5120xf32, #tpu.memory_space<vmem>>, %arg3: memref<1x8x3072xf32, #tpu.memory_space<vmem>>) attributes {dimension_semantics = [#tpu.dimension_semantics<arbitrary>], iteration_bounds = array<i64: 32>, scalar_prefetch = 0 : i64, scratch_operands = 0 : i64, tpu.core_type = #tpu.core_type<tc>, window_params = [{transform_indices = @transform_0, window_bounds = array<i64: 32, 16>}, {pipeline_mode = #tpu.pipeline_mode<synchronous>, transform_indices = @transform_1, window_bounds = array<i64: 16, 5120>}, {transform_indices = @transform_2, window_bounds = array<i64: 1, 8, 3072>}]} {
    %get3A = arith.index_cast %arg0 : i32 to index
    %get3A_0 = arith.constant 0 : index
    %get3A_1 = memref.load %arg1[%get3A, %get3A_0] : memref<32x16xf32, #tpu.memory_space<smem>>
    %get3A_2 = arith.index_cast %arg0 : i32 to index
    %get3A_3 = arith.constant 1 : index
    %get3A_4 = memref.load %arg1[%get3A_2, %get3A_3] : memref<32x16xf32, #tpu.memory_space<smem>>
    %get3A_5 = arith.index_cast %arg0 : i32 to index
    %get3A_6 = arith.constant 2 : index
    %get3A_7 = memref.load %arg1[%get3A_5, %get3A_6] : memref<32x16xf32, #tpu.memory_space<smem>>
    %get3A_8 = arith.index_cast %arg0 : i32 to index
    %get3A_9 = arith.constant 3 : index
    %get3A_10 = memref.load %arg1[%get3A_8, %get3A_9] : memref<32x16xf32, #tpu.memory_space<smem>>
    %get3A_11 = arith.index_cast %arg0 : i32 to index
    %get3A_12 = arith.constant 4 : index
    %get3A_13 = memref.load %arg1[%get3A_11, %get3A_12] : memref<32x16xf32, #tpu.memory_space<smem>>
    %get3A_14 = arith.index_cast %arg0 : i32 to index
    %get3A_15 = arith.constant 5 : index
    %get3A_16 = memref.load %arg1[%get3A_14, %get3A_15] : memref<32x16xf32, #tpu.memory_space<smem>>
    %get3A_17 = arith.index_cast %arg0 : i32 to index
    %get3A_18 = arith.constant 6 : index
    %get3A_19 = memref.load %arg1[%get3A_17, %get3A_18] : memref<32x16xf32, #tpu.memory_space<smem>>
    %get3A_20 = arith.index_cast %arg0 : i32 to index
    %get3A_21 = arith.constant 7 : index
    %get3A_22 = memref.load %arg1[%get3A_20, %get3A_21] : memref<32x16xf32, #tpu.memory_space<smem>>
    %get3A_23 = arith.index_cast %arg0 : i32 to index
    %get3A_24 = arith.constant 8 : index
    %get3A_25 = memref.load %arg1[%get3A_23, %get3A_24] : memref<32x16xf32, #tpu.memory_space<smem>>
    %get3A_26 = arith.index_cast %arg0 : i32 to index
    %get3A_27 = arith.constant 9 : index
    %get3A_28 = memref.load %arg1[%get3A_26, %get3A_27] : memref<32x16xf32, #tpu.memory_space<smem>>
    %get3A_29 = arith.index_cast %arg0 : i32 to index
    %get3A_30 = arith.constant 10 : index
    %get3A_31 = memref.load %arg1[%get3A_29, %get3A_30] : memref<32x16xf32, #tpu.memory_space<smem>>
    %get3A_32 = arith.index_cast %arg0 : i32 to index
    %get3A_33 = arith.constant 11 : index
    %get3A_34 = memref.load %arg1[%get3A_32, %get3A_33] : memref<32x16xf32, #tpu.memory_space<smem>>
    %get3A_35 = arith.index_cast %arg0 : i32 to index
    %get3A_36 = arith.constant 12 : index
    %get3A_37 = memref.load %arg1[%get3A_35, %get3A_36] : memref<32x16xf32, #tpu.memory_space<smem>>
    %get3A_38 = arith.index_cast %arg0 : i32 to index
    %get3A_39 = arith.constant 13 : index
    %get3A_40 = memref.load %arg1[%get3A_38, %get3A_39] : memref<32x16xf32, #tpu.memory_space<smem>>
    %get3A_41 = arith.index_cast %arg0 : i32 to index
    %get3A_42 = arith.constant 14 : index
    %get3A_43 = memref.load %arg1[%get3A_41, %get3A_42] : memref<32x16xf32, #tpu.memory_space<smem>>
    %get3A_44 = arith.constant 0 : index
    %get3A_45 = arith.constant 0 : index
    %get3A_46 = vector.load %arg2[%get3A_44, %get3A_45] : memref<16x5120xf32, #tpu.memory_space<vmem>>, vector<1x1024xf32>
    %mul3A = vector.broadcast %get3A_1 : f32 to vector<1x1024xf32>
    %mul3A_47 = arith.mulf %mul3A, %get3A_46 : vector<1x1024xf32>
    %get3A_48 = arith.constant 3 : index
    %get3A_49 = arith.constant 0 : index
    %get3A_50 = vector.load %arg2[%get3A_48, %get3A_49] : memref<16x5120xf32, #tpu.memory_space<vmem>>, vector<1x1024xf32>
    %mul3A_51 = vector.broadcast %get3A_19 : f32 to vector<1x1024xf32>
    %mul3A_52 = arith.mulf %mul3A_51, %get3A_50 : vector<1x1024xf32>
    %add3A = arith.addf %mul3A_47, %mul3A_52 : vector<1x1024xf32>
    %sub3A = vector.broadcast %get3A_10 : f32 to vector<1x1024xf32>
    %sub3A_53 = arith.subf %add3A, %sub3A : vector<1x1024xf32>
    %mul3A_54 = arith.mulf %sub3A_53, %sub3A_53 : vector<1x1024xf32>
    %get3A_55 = arith.constant 1 : index
    %get3A_56 = arith.constant 0 : index
    %get3A_57 = vector.load %arg2[%get3A_55, %get3A_56] : memref<16x5120xf32, #tpu.memory_space<vmem>>, vector<1x1024xf32>
    %mul3A_58 = vector.broadcast %get3A_4 : f32 to vector<1x1024xf32>
    %mul3A_59 = arith.mulf %mul3A_58, %get3A_57 : vector<1x1024xf32>
    %get3A_60 = arith.constant 4 : index
    %get3A_61 = arith.constant 0 : index
    %get3A_62 = vector.load %arg2[%get3A_60, %get3A_61] : memref<16x5120xf32, #tpu.memory_space<vmem>>, vector<1x1024xf32>
    %mul3A_63 = vector.broadcast %get3A_22 : f32 to vector<1x1024xf32>
    %mul3A_64 = arith.mulf %mul3A_63, %get3A_62 : vector<1x1024xf32>
    %add3A_65 = arith.addf %mul3A_59, %mul3A_64 : vector<1x1024xf32>
    %sub3A_66 = vector.broadcast %get3A_13 : f32 to vector<1x1024xf32>
    %sub3A_67 = arith.subf %add3A_65, %sub3A_66 : vector<1x1024xf32>
    %mul3A_68 = arith.mulf %sub3A_67, %sub3A_67 : vector<1x1024xf32>
    %add3A_69 = arith.addf %mul3A_54, %mul3A_68 : vector<1x1024xf32>
    %get3A_70 = arith.constant 2 : index
    %get3A_71 = arith.constant 0 : index
    %get3A_72 = vector.load %arg2[%get3A_70, %get3A_71] : memref<16x5120xf32, #tpu.memory_space<vmem>>, vector<1x1024xf32>
    %mul3A_73 = vector.broadcast %get3A_7 : f32 to vector<1x1024xf32>
    %mul3A_74 = arith.mulf %mul3A_73, %get3A_72 : vector<1x1024xf32>
    %get3A_75 = arith.constant 5 : index
    %get3A_76 = arith.constant 0 : index
    %get3A_77 = vector.load %arg2[%get3A_75, %get3A_76] : memref<16x5120xf32, #tpu.memory_space<vmem>>, vector<1x1024xf32>
    %mul3A_78 = vector.broadcast %get3A_25 : f32 to vector<1x1024xf32>
    %mul3A_79 = arith.mulf %mul3A_78, %get3A_77 : vector<1x1024xf32>
    %add3A_80 = arith.addf %mul3A_74, %mul3A_79 : vector<1x1024xf32>
    %sub3A_81 = vector.broadcast %get3A_16 : f32 to vector<1x1024xf32>
    %sub3A_82 = arith.subf %add3A_80, %sub3A_81 : vector<1x1024xf32>
    %mul3A_83 = arith.mulf %sub3A_82, %sub3A_82 : vector<1x1024xf32>
    %add3A_84 = arith.addf %add3A_69, %mul3A_83 : vector<1x1024xf32>
    %sqrt3A = math.sqrt %add3A_84 : vector<1x1024xf32>
    %mul3A_85 = arith.constant 1.600000e+04 : f32
    %mul3A_86 = vector.broadcast %mul3A_85 : f32 to vector<1x1024xf32>
    %mul3A_87 = arith.mulf %sqrt3A, %mul3A_86 : vector<1x1024xf32>
    %div3A = arith.constant 3.430000e+02 : f32
    %div3A_88 = vector.broadcast %div3A : f32 to vector<1x1024xf32>
    %div3A_89 = arith.divf %mul3A_87, %div3A_88 : vector<1x1024xf32>
    %ceil3A = math.ceil %div3A_89 : vector<1x1024xf32>
    %sub3A_90 = arith.subf %ceil3A, %div3A_89 : vector<1x1024xf32>
    %get3A_91 = arith.constant 6 : index
    %get3A_92 = arith.constant 0 : index
    %get3A_93 = vector.load %arg2[%get3A_91, %get3A_92] : memref<16x5120xf32, #tpu.memory_space<vmem>>, vector<1x1024xf32>
    %mul3A_94 = vector.broadcast %get3A_28 : f32 to vector<1x1024xf32>
    %mul3A_95 = arith.mulf %mul3A_94, %get3A_93 : vector<1x1024xf32>
    %get3A_96 = arith.constant 7 : index
    %get3A_97 = arith.constant 0 : index
    %get3A_98 = vector.load %arg2[%get3A_96, %get3A_97] : memref<16x5120xf32, #tpu.memory_space<vmem>>, vector<1x1024xf32>
    %mul3A_99 = vector.broadcast %get3A_31 : f32 to vector<1x1024xf32>
    %mul3A_100 = arith.mulf %mul3A_99, %get3A_98 : vector<1x1024xf32>
    %add3A_101 = arith.addf %mul3A_95, %mul3A_100 : vector<1x1024xf32>
    %get3A_102 = arith.constant 8 : index
    %get3A_103 = arith.constant 0 : index
    %get3A_104 = vector.load %arg2[%get3A_102, %get3A_103] : memref<16x5120xf32, #tpu.memory_space<vmem>>, vector<1x1024xf32>
    %mul3A_105 = vector.broadcast %get3A_34 : f32 to vector<1x1024xf32>
    %mul3A_106 = arith.mulf %mul3A_105, %get3A_104 : vector<1x1024xf32>
    %add3A_107 = arith.addf %add3A_101, %mul3A_106 : vector<1x1024xf32>
    %get3A_108 = arith.constant 9 : index
    %get3A_109 = arith.constant 0 : index
    %get3A_110 = vector.load %arg2[%get3A_108, %get3A_109] : memref<16x5120xf32, #tpu.memory_space<vmem>>, vector<1x1024xf32>
    %mul3A_111 = vector.broadcast %get3A_37 : f32 to vector<1x1024xf32>
    %mul3A_112 = arith.mulf %mul3A_111, %get3A_110 : vector<1x1024xf32>
    %add3A_113 = arith.addf %add3A_107, %mul3A_112 : vector<1x1024xf32>
    %get3A_114 = arith.constant 10 : index
    %get3A_115 = arith.constant 0 : index
    %get3A_116 = vector.load %arg2[%get3A_114, %get3A_115] : memref<16x5120xf32, #tpu.memory_space<vmem>>, vector<1x1024xf32>
    %mul3A_117 = vector.broadcast %get3A_40 : f32 to vector<1x1024xf32>
    %mul3A_118 = arith.mulf %mul3A_117, %get3A_116 : vector<1x1024xf32>
    %add3A_119 = arith.addf %add3A_113, %mul3A_118 : vector<1x1024xf32>
    %get3A_120 = arith.constant 11 : index
    %get3A_121 = arith.constant 0 : index
    %get3A_122 = vector.load %arg2[%get3A_120, %get3A_121] : memref<16x5120xf32, #tpu.memory_space<vmem>>, vector<1x1024xf32>
    %mul3A_123 = vector.broadcast %get3A_43 : f32 to vector<1x1024xf32>
    %mul3A_124 = arith.mulf %mul3A_123, %get3A_122 : vector<1x1024xf32>
    %add3A_125 = arith.addf %add3A_119, %mul3A_124 : vector<1x1024xf32>
    %exp3A = math.exp %add3A_125 : vector<1x1024xf32>
    %get3A_126 = arith.constant 12 : index
    %get3A_127 = arith.constant 0 : index
    %get3A_128 = vector.load %arg2[%get3A_126, %get3A_127] : memref<16x5120xf32, #tpu.memory_space<vmem>>, vector<1x1024xf32>
    %gt3A = arith.constant 0.000000e+00 : f32
    %gt3A_129 = vector.broadcast %gt3A : f32 to vector<1x1024xf32>
    %gt3A_130 = arith.cmpf ogt, %get3A_128, %gt3A_129 : vector<1x1024xf32>
    %div3A_131 = arith.divf %exp3A, %sqrt3A : vector<1x1024xf32>
    %jit3A = arith.constant 0.000000e+00 : f32
    %broadcast_in_dim3A = vector.broadcast %jit3A : f32 to vector<1x1024xf32>
    %select_n3A = arith.select %gt3A_130, %div3A_131, %broadcast_in_dim3A : vector<1x1024xi1>, vector<1x1024xf32>
    %mul3A_132 = arith.constant 3.14159274 : f32
    %mul3A_133 = vector.broadcast %mul3A_132 : f32 to vector<1x1024xf32>
    %mul3A_134 = arith.mulf %mul3A_133, %sub3A_90 : vector<1x1024xf32>
    %sin3A = math.sin %mul3A_134 : vector<1x1024xf32>
    %mul3A_135 = arith.mulf %select_n3A, %sin3A : vector<1x1024xf32>
    %mul3A_136 = arith.constant 0.318309873 : f32
    %mul3A_137 = vector.broadcast %mul3A_136 : f32 to vector<1x1024xf32>
    %mul3A_138 = arith.mulf %mul3A_135, %mul3A_137 : vector<1x1024xf32>
    %sub3A_139 = arith.constant 4.000000e+01 : f32
    %sub3A_140 = vector.broadcast %sub3A_139 : f32 to vector<1x1024xf32>
    %sub3A_141 = arith.subf %sub3A_90, %sub3A_140 : vector<1x1024xf32>
    %mul3A_142 = arith.constant 0.0785398185 : f32
    %mul3A_143 = vector.broadcast %mul3A_142 : f32 to vector<1x1024xf32>
    %mul3A_144 = arith.mulf %sub3A_141, %mul3A_143 : vector<1x1024xf32>
    %swap3A = arith.constant 0 : index
    %swap3A_145 = arith.constant 0 : index
    %swap3A_146 = arith.constant 0 : index
    %swap3A_147 = vector.load %arg3[%swap3A, %swap3A_145, %swap3A_146] : memref<1x8x3072xf32, #tpu.memory_space<vmem>>, vector<1x1x1024xf32>
    %swap3A_148 = vector.shape_cast %swap3A_147 : vector<1x1x1024xf32> to vector<1x1024xf32>
    %swap3A_149 = vector.shape_cast %select_n3A : vector<1x1024xf32> to vector<1x1x1024xf32>
    tpu.vector_store %arg3[%swap3A, %swap3A_145, %swap3A_146], %swap3A_149 {strides = array<i32>} : memref<1x8x3072xf32, #tpu.memory_space<vmem>>, vector<1x1x1024xf32>,
    %swap3A_150 = arith.constant 0 : index
    %swap3A_151 = arith.constant 1 : index
    %swap3A_152 = arith.constant 0 : index
    %swap3A_153 = vector.load %arg3[%swap3A_150, %swap3A_151, %swap3A_152] : memref<1x8x3072xf32, #tpu.memory_space<vmem>>, vector<1x1x1024xf32>
    %swap3A_154 = vector.shape_cast %swap3A_153 : vector<1x1x1024xf32> to vector<1x1024xf32>
    %swap3A_155 = vector.shape_cast %mul3A_138 : vector<1x1024xf32> to vector<1x1x1024xf32>
    tpu.vector_store %arg3[%swap3A_150, %swap3A_151, %swap3A_152], %swap3A_155 {strides = array<i32>} : memref<1x8x3072xf32, #tpu.memory_space<vmem>>, vector<1x1x1024xf32>,
    %cos3A = math.cos %mul3A_144 : vector<1x1024xf32>
    %swap3A_156 = arith.constant 0 : index
    %swap3A_157 = arith.constant 2 : index
    %swap3A_158 = arith.constant 0 : index
    %swap3A_159 = vector.load %arg3[%swap3A_156, %swap3A_157, %swap3A_158] : memref<1x8x3072xf32, #tpu.memory_space<vmem>>, vector<1x1x1024xf32>
    %swap3A_160 = vector.shape_cast %swap3A_159 : vector<1x1x1024xf32> to vector<1x1024xf32>
    %swap3A_161 = vector.shape_cast %cos3A : vector<1x1024xf32> to vector<1x1x1024xf32>
    tpu.vector_store %arg3[%swap3A_156, %swap3A_157, %swap3A_158], %swap3A_161 {strides = array<i32>} : memref<1x8x3072xf32, #tpu.memory_space<vmem>>, vector<1x1x1024xf32>,
    %sin3A_162 = math.sin %mul3A_144 : vector<1x1024xf32>
    %swap3A_163 = arith.constant 0 : index
    %swap3A_164 = arith.constant 3 : index
    %swap3A_165 = arith.constant 0 : index
    %swap3A_166 = vector.load %arg3[%swap3A_163, %swap3A_164, %swap3A_165] : memref<1x8x3072xf32, #tpu.memory_space<vmem>>, vector<1x1x1024xf32>
    %swap3A_167 = vector.shape_cast %swap3A_166 : vector<1x1x1024xf32> to vector<1x1024xf32>
    %swap3A_168 = vector.shape_cast %sin3A_162 : vector<1x1024xf32> to vector<1x1x1024xf32>
    tpu.vector_store %arg3[%swap3A_163, %swap3A_164, %swap3A_165], %swap3A_168 {strides = array<i32>} : memref<1x8x3072xf32, #tpu.memory_space<vmem>>, vector<1x1x1024xf32>,
    %swap3A_169 = arith.constant 0 : index
    %swap3A_170 = arith.constant 4 : index
    %swap3A_171 = arith.constant 0 : index
    %swap3A_172 = vector.load %arg3[%swap3A_169, %swap3A_170, %swap3A_171] : memref<1x8x3072xf32, #tpu.memory_space<vmem>>, vector<1x1x1024xf32>
    %swap3A_173 = vector.shape_cast %swap3A_172 : vector<1x1x1024xf32> to vector<1x1024xf32>
    %swap3A_174 = vector.shape_cast %sub3A_141 : vector<1x1024xf32> to vector<1x1x1024xf32>
    tpu.vector_store %arg3[%swap3A_169, %swap3A_170, %swap3A_171], %swap3A_174 {strides = array<i32>} : memref<1x8x3072xf32, #tpu.memory_space<vmem>>, vector<1x1x1024xf32>,
    %swap3A_175 = arith.constant 0 : index
    %swap3A_176 = arith.constant 5 : index
    %swap3A_177 = arith.constant 0 : index
    %swap3A_178 = vector.load %arg3[%swap3A_175, %swap3A_176, %swap3A_177] : memref<1x8x3072xf32, #tpu.memory_space<vmem>>, vector<1x1x1024xf32>
    %swap3A_179 = vector.shape_cast %swap3A_178 : vector<1x1x1024xf32> to vector<1x1024xf32>
    %swap3A_180 = vector.shape_cast %ceil3A : vector<1x1024xf32> to vector<1x1x1024xf32>
    tpu.vector_store %arg3[%swap3A_175, %swap3A_176, %swap3A_177], %swap3A_180 {strides = array<i32>} : memref<1x8x3072xf32, #tpu.memory_space<vmem>>, vector<1x1x1024xf32>,
    %get3A_181 = arith.index_cast %arg0 : i32 to index
    %get3A_182 = arith.constant 0 : index
    %get3A_183 = memref.load %arg1[%get3A_181, %get3A_182] : memref<32x16xf32, #tpu.memory_space<smem>>
    %get3A_184 = arith.index_cast %arg0 : i32 to index
    %get3A_185 = arith.constant 1 : index
    %get3A_186 = memref.load %arg1[%get3A_184, %get3A_185] : memref<32x16xf32, #tpu.memory_space<smem>>
    %get3A_187 = arith.index_cast %arg0 : i32 to index
    %get3A_188 = arith.constant 2 : index
    %get3A_189 = memref.load %arg1[%get3A_187, %get3A_188] : memref<32x16xf32, #tpu.memory_space<smem>>
    %get3A_190 = arith.index_cast %arg0 : i32 to index
    %get3A_191 = arith.constant 3 : index
    %get3A_192 = memref.load %arg1[%get3A_190, %get3A_191] : memref<32x16xf32, #tpu.memory_space<smem>>
    %get3A_193 = arith.index_cast %arg0 : i32 to index
    %get3A_194 = arith.constant 4 : index
    %get3A_195 = memref.load %arg1[%get3A_193, %get3A_194] : memref<32x16xf32, #tpu.memory_space<smem>>
    %get3A_196 = arith.index_cast %arg0 : i32 to index
    %get3A_197 = arith.constant 5 : index
    %get3A_198 = memref.load %arg1[%get3A_196, %get3A_197] : memref<32x16xf32, #tpu.memory_space<smem>>
    %get3A_199 = arith.index_cast %arg0 : i32 to index
    %get3A_200 = arith.constant 6 : index
    %get3A_201 = memref.load %arg1[%get3A_199, %get3A_200] : memref<32x16xf32, #tpu.memory_space<smem>>
    %get3A_202 = arith.index_cast %arg0 : i32 to index
    %get3A_203 = arith.constant 7 : index
    %get3A_204 = memref.load %arg1[%get3A_202, %get3A_203] : memref<32x16xf32, #tpu.memory_space<smem>>
    %get3A_205 = arith.index_cast %arg0 : i32 to index
    %get3A_206 = arith.constant 8 : index
    %get3A_207 = memref.load %arg1[%get3A_205, %get3A_206] : memref<32x16xf32, #tpu.memory_space<smem>>
    %get3A_208 = arith.index_cast %arg0 : i32 to index
    %get3A_209 = arith.constant 9 : index
    %get3A_210 = memref.load %arg1[%get3A_208, %get3A_209] : memref<32x16xf32, #tpu.memory_space<smem>>
    %get3A_211 = arith.index_cast %arg0 : i32 to index
    %get3A_212 = arith.constant 10 : index
    %get3A_213 = memref.load %arg1[%get3A_211, %get3A_212] : memref<32x16xf32, #tpu.memory_space<smem>>
    %get3A_214 = arith.index_cast %arg0 : i32 to index
    %get3A_215 = arith.constant 11 : index
    %get3A_216 = memref.load %arg1[%get3A_214, %get3A_215] : memref<32x16xf32, #tpu.memory_space<smem>>
    %get3A_217 = arith.index_cast %arg0 : i32 to index
    %get3A_218 = arith.constant 12 : index
    %get3A_219 = memref.load %arg1[%get3A_217, %get3A_218] : memref<32x16xf32, #tpu.memory_space<smem>>
    %get3A_220 = arith.index_cast %arg0 : i32 to index
    %get3A_221 = arith.constant 13 : index
    %get3A_222 = memref.load %arg1[%get3A_220, %get3A_221] : memref<32x16xf32, #tpu.memory_space<smem>>
    %get3A_223 = arith.index_cast %arg0 : i32 to index
    %get3A_224 = arith.constant 14 : index
    %get3A_225 = memref.load %arg1[%get3A_223, %get3A_224] : memref<32x16xf32, #tpu.memory_space<smem>>
    %get3A_226 = arith.constant 0 : index
    %get3A_227 = arith.constant 1024 : index
    %get3A_228 = vector.load %arg2[%get3A_226, %get3A_227] : memref<16x5120xf32, #tpu.memory_space<vmem>>, vector<1x1024xf32>
    %mul3A_229 = vector.broadcast %get3A_183 : f32 to vector<1x1024xf32>
    %mul3A_230 = arith.mulf %mul3A_229, %get3A_228 : vector<1x1024xf32>
    %get3A_231 = arith.constant 3 : index
    %get3A_232 = arith.constant 1024 : index
    %get3A_233 = vector.load %arg2[%get3A_231, %get3A_232] : memref<16x5120xf32, #tpu.memory_space<vmem>>, vector<1x1024xf32>
    %mul3A_234 = vector.broadcast %get3A_201 : f32 to vector<1x1024xf32>
    %mul3A_235 = arith.mulf %mul3A_234, %get3A_233 : vector<1x1024xf32>
    %add3A_236 = arith.addf %mul3A_230, %mul3A_235 : vector<1x1024xf32>
    %sub3A_237 = vector.broadcast %get3A_192 : f32 to vector<1x1024xf32>
    %sub3A_238 = arith.subf %add3A_236, %sub3A_237 : vector<1x1024xf32>
    %mul3A_239 = arith.mulf %sub3A_238, %sub3A_238 : vector<1x1024xf32>
    %get3A_240 = arith.constant 1 : index
    %get3A_241 = arith.constant 1024 : index
    %get3A_242 = vector.load %arg2[%get3A_240, %get3A_241] : memref<16x5120xf32, #tpu.memory_space<vmem>>, vector<1x1024xf32>
    %mul3A_243 = vector.broadcast %get3A_186 : f32 to vector<1x1024xf32>
    %mul3A_244 = arith.mulf %mul3A_243, %get3A_242 : vector<1x1024xf32>
    %get3A_245 = arith.constant 4 : index
    %get3A_246 = arith.constant 1024 : index
    %get3A_247 = vector.load %arg2[%get3A_245, %get3A_246] : memref<16x5120xf32, #tpu.memory_space<vmem>>, vector<1x1024xf32>
    %mul3A_248 = vector.broadcast %get3A_204 : f32 to vector<1x1024xf32>
    %mul3A_249 = arith.mulf %mul3A_248, %get3A_247 : vector<1x1024xf32>
    %add3A_250 = arith.addf %mul3A_244, %mul3A_249 : vector<1x1024xf32>
    %sub3A_251 = vector.broadcast %get3A_195 : f32 to vector<1x1024xf32>
    %sub3A_252 = arith.subf %add3A_250, %sub3A_251 : vector<1x1024xf32>
    %mul3A_253 = arith.mulf %sub3A_252, %sub3A_252 : vector<1x1024xf32>
    %add3A_254 = arith.addf %mul3A_239, %mul3A_253 : vector<1x1024xf32>
    %get3A_255 = arith.constant 2 : index
    %get3A_256 = arith.constant 1024 : index
    %get3A_257 = vector.load %arg2[%get3A_255, %get3A_256] : memref<16x5120xf32, #tpu.memory_space<vmem>>, vector<1x1024xf32>
    %mul3A_258 = vector.broadcast %get3A_189 : f32 to vector<1x1024xf32>
    %mul3A_259 = arith.mulf %mul3A_258, %get3A_257 : vector<1x1024xf32>
    %get3A_260 = arith.constant 5 : index
    %get3A_261 = arith.constant 1024 : index
    %get3A_262 = vector.load %arg2[%get3A_260, %get3A_261] : memref<16x5120xf32, #tpu.memory_space<vmem>>, vector<1x1024xf32>
    %mul3A_263 = vector.broadcast %get3A_207 : f32 to vector<1x1024xf32>
    %mul3A_264 = arith.mulf %mul3A_263, %get3A_262 : vector<1x1024xf32>
    %add3A_265 = arith.addf %mul3A_259, %mul3A_264 : vector<1x1024xf32>
    %sub3A_266 = vector.broadcast %get3A_198 : f32 to vector<1x1024xf32>
    %sub3A_267 = arith.subf %add3A_265, %sub3A_266 : vector<1x1024xf32>
    %mul3A_268 = arith.mulf %sub3A_267, %sub3A_267 : vector<1x1024xf32>
    %add3A_269 = arith.addf %add3A_254, %mul3A_268 : vector<1x1024xf32>
    %sqrt3A_270 = math.sqrt %add3A_269 : vector<1x1024xf32>
    %mul3A_271 = arith.constant 1.600000e+04 : f32
    %mul3A_272 = vector.broadcast %mul3A_271 : f32 to vector<1x1024xf32>
    %mul3A_273 = arith.mulf %sqrt3A_270, %mul3A_272 : vector<1x1024xf32>
    %div3A_274 = arith.constant 3.430000e+02 : f32
    %div3A_275 = vector.broadcast %div3A_274 : f32 to vector<1x1024xf32>
    %div3A_276 = arith.divf %mul3A_273, %div3A_275 : vector<1x1024xf32>
    %ceil3A_277 = math.ceil %div3A_276 : vector<1x1024xf32>
    %sub3A_278 = arith.subf %ceil3A_277, %div3A_276 : vector<1x1024xf32>
    %get3A_279 = arith.constant 6 : index
    %get3A_280 = arith.constant 1024 : index
    %get3A_281 = vector.load %arg2[%get3A_279, %get3A_280] : memref<16x5120xf32, #tpu.memory_space<vmem>>, vector<1x1024xf32>
    %mul3A_282 = vector.broadcast %get3A_210 : f32 to vector<1x1024xf32>
    %mul3A_283 = arith.mulf %mul3A_282, %get3A_281 : vector<1x1024xf32>
    %get3A_284 = arith.constant 7 : index
    %get3A_285 = arith.constant 1024 : index
    %get3A_286 = vector.load %arg2[%get3A_284, %get3A_285] : memref<16x5120xf32, #tpu.memory_space<vmem>>, vector<1x1024xf32>
    %mul3A_287 = vector.broadcast %get3A_213 : f32 to vector<1x1024xf32>
    %mul3A_288 = arith.mulf %mul3A_287, %get3A_286 : vector<1x1024xf32>
    %add3A_289 = arith.addf %mul3A_283, %mul3A_288 : vector<1x1024xf32>
    %get3A_290 = arith.constant 8 : index
    %get3A_291 = arith.constant 1024 : index
    %get3A_292 = vector.load %arg2[%get3A_290, %get3A_291] : memref<16x5120xf32, #tpu.memory_space<vmem>>, vector<1x1024xf32>
    %mul3A_293 = vector.broadcast %get3A_216 : f32 to vector<1x1024xf32>
    %mul3A_294 = arith.mulf %mul3A_293, %get3A_292 : vector<1x1024xf32>
    %add3A_295 = arith.addf %add3A_289, %mul3A_294 : vector<1x1024xf32>
    %get3A_296 = arith.constant 9 : index
    %get3A_297 = arith.constant 1024 : index
    %get3A_298 = vector.load %arg2[%get3A_296, %get3A_297] : memref<16x5120xf32, #tpu.memory_space<vmem>>, vector<1x1024xf32>
    %mul3A_299 = vector.broadcast %get3A_219 : f32 to vector<1x1024xf32>
    %mul3A_300 = arith.mulf %mul3A_299, %get3A_298 : vector<1x1024xf32>
    %add3A_301 = arith.addf %add3A_295, %mul3A_300 : vector<1x1024xf32>
    %get3A_302 = arith.constant 10 : index
    %get3A_303 = arith.constant 1024 : index
    %get3A_304 = vector.load %arg2[%get3A_302, %get3A_303] : memref<16x5120xf32, #tpu.memory_space<vmem>>, vector<1x1024xf32>
    %mul3A_305 = vector.broadcast %get3A_222 : f32 to vector<1x1024xf32>
    %mul3A_306 = arith.mulf %mul3A_305, %get3A_304 : vector<1x1024xf32>
    %add3A_307 = arith.addf %add3A_301, %mul3A_306 : vector<1x1024xf32>
    %get3A_308 = arith.constant 11 : index
    %get3A_309 = arith.constant 1024 : index
    %get3A_310 = vector.load %arg2[%get3A_308, %get3A_309] : memref<16x5120xf32, #tpu.memory_space<vmem>>, vector<1x1024xf32>
    %mul3A_311 = vector.broadcast %get3A_225 : f32 to vector<1x1024xf32>
    %mul3A_312 = arith.mulf %mul3A_311, %get3A_310 : vector<1x1024xf32>
    %add3A_313 = arith.addf %add3A_307, %mul3A_312 : vector<1x1024xf32>
    %exp3A_314 = math.exp %add3A_313 : vector<1x1024xf32>
    %get3A_315 = arith.constant 12 : index
    %get3A_316 = arith.constant 1024 : index
    %get3A_317 = vector.load %arg2[%get3A_315, %get3A_316] : memref<16x5120xf32, #tpu.memory_space<vmem>>, vector<1x1024xf32>
    %gt3A_318 = arith.constant 0.000000e+00 : f32
    %gt3A_319 = vector.broadcast %gt3A_318 : f32 to vector<1x1024xf32>
    %gt3A_320 = arith.cmpf ogt, %get3A_317, %gt3A_319 : vector<1x1024xf32>
    %div3A_321 = arith.divf %exp3A_314, %sqrt3A_270 : vector<1x1024xf32>
    %jit3A_322 = arith.constant 0.000000e+00 : f32
    %broadcast_in_dim3A_323 = vector.broadcast %jit3A_322 : f32 to vector<1x1024xf32>
    %select_n3A_324 = arith.select %gt3A_320, %div3A_321, %broadcast_in_dim3A_323 : vector<1x1024xi1>, vector<1x1024xf32>
    %mul3A_325 = arith.constant 3.14159274 : f32
    %mul3A_326 = vector.broadcast %mul3A_325 : f32 to vector<1x1024xf32>
    %mul3A_327 = arith.mulf %mul3A_326, %sub3A_278 : vector<1x1024xf32>
    %sin3A_328 = math.sin %mul3A_327 : vector<1x1024xf32>
    %mul3A_329 = arith.mulf %select_n3A_324, %sin3A_328 : vector<1x1024xf32>
    %mul3A_330 = arith.constant 0.318309873 : f32
    %mul3A_331 = vector.broadcast %mul3A_330 : f32 to vector<1x1024xf32>
    %mul3A_332 = arith.mulf %mul3A_329, %mul3A_331 : vector<1x1024xf32>
    %sub3A_333 = arith.constant 4.000000e+01 : f32
    %sub3A_334 = vector.broadcast %sub3A_333 : f32 to vector<1x1024xf32>
    %sub3A_335 = arith.subf %sub3A_278, %sub3A_334 : vector<1x1024xf32>
    %mul3A_336 = arith.constant 0.0785398185 : f32
    %mul3A_337 = vector.broadcast %mul3A_336 : f32 to vector<1x1024xf32>
    %mul3A_338 = arith.mulf %sub3A_335, %mul3A_337 : vector<1x1024xf32>
    %swap3A_339 = arith.constant 0 : index
    %swap3A_340 = arith.constant 0 : index
    %swap3A_341 = arith.constant 1024 : index
    %swap3A_342 = vector.load %arg3[%swap3A_339, %swap3A_340, %swap3A_341] : memref<1x8x3072xf32, #tpu.memory_space<vmem>>, vector<1x1x1024xf32>
    %swap3A_343 = vector.shape_cast %swap3A_342 : vector<1x1x1024xf32> to vector<1x1024xf32>
    %swap3A_344 = vector.shape_cast %select_n3A_324 : vector<1x1024xf32> to vector<1x1x1024xf32>
    tpu.vector_store %arg3[%swap3A_339, %swap3A_340, %swap3A_341], %swap3A_344 {strides = array<i32>} : memref<1x8x3072xf32, #tpu.memory_space<vmem>>, vector<1x1x1024xf32>,
    %swap3A_345 = arith.constant 0 : index
    %swap3A_346 = arith.constant 1 : index
    %swap3A_347 = arith.constant 1024 : index
    %swap3A_348 = vector.load %arg3[%swap3A_345, %swap3A_346, %swap3A_347] : memref<1x8x3072xf32, #tpu.memory_space<vmem>>, vector<1x1x1024xf32>
    %swap3A_349 = vector.shape_cast %swap3A_348 : vector<1x1x1024xf32> to vector<1x1024xf32>
    %swap3A_350 = vector.shape_cast %mul3A_332 : vector<1x1024xf32> to vector<1x1x1024xf32>
    tpu.vector_store %arg3[%swap3A_345, %swap3A_346, %swap3A_347], %swap3A_350 {strides = array<i32>} : memref<1x8x3072xf32, #tpu.memory_space<vmem>>, vector<1x1x1024xf32>,
    %cos3A_351 = math.cos %mul3A_338 : vector<1x1024xf32>
    %swap3A_352 = arith.constant 0 : index
    %swap3A_353 = arith.constant 2 : index
    %swap3A_354 = arith.constant 1024 : index
    %swap3A_355 = vector.load %arg3[%swap3A_352, %swap3A_353, %swap3A_354] : memref<1x8x3072xf32, #tpu.memory_space<vmem>>, vector<1x1x1024xf32>
    %swap3A_356 = vector.shape_cast %swap3A_355 : vector<1x1x1024xf32> to vector<1x1024xf32>
    %swap3A_357 = vector.shape_cast %cos3A_351 : vector<1x1024xf32> to vector<1x1x1024xf32>
    tpu.vector_store %arg3[%swap3A_352, %swap3A_353, %swap3A_354], %swap3A_357 {strides = array<i32>} : memref<1x8x3072xf32, #tpu.memory_space<vmem>>, vector<1x1x1024xf32>,
    %sin3A_358 = math.sin %mul3A_338 : vector<1x1024xf32>
    %swap3A_359 = arith.constant 0 : index
    %swap3A_360 = arith.constant 3 : index
    %swap3A_361 = arith.constant 1024 : index
    %swap3A_362 = vector.load %arg3[%swap3A_359, %swap3A_360, %swap3A_361] : memref<1x8x3072xf32, #tpu.memory_space<vmem>>, vector<1x1x1024xf32>
    %swap3A_363 = vector.shape_cast %swap3A_362 : vector<1x1x1024xf32> to vector<1x1024xf32>
    %swap3A_364 = vector.shape_cast %sin3A_358 : vector<1x1024xf32> to vector<1x1x1024xf32>
    tpu.vector_store %arg3[%swap3A_359, %swap3A_360, %swap3A_361], %swap3A_364 {strides = array<i32>} : memref<1x8x3072xf32, #tpu.memory_space<vmem>>, vector<1x1x1024xf32>,
    %swap3A_365 = arith.constant 0 : index
    %swap3A_366 = arith.constant 4 : index
    %swap3A_367 = arith.constant 1024 : index
    %swap3A_368 = vector.load %arg3[%swap3A_365, %swap3A_366, %swap3A_367] : memref<1x8x3072xf32, #tpu.memory_space<vmem>>, vector<1x1x1024xf32>
    %swap3A_369 = vector.shape_cast %swap3A_368 : vector<1x1x1024xf32> to vector<1x1024xf32>
    %swap3A_370 = vector.shape_cast %sub3A_335 : vector<1x1024xf32> to vector<1x1x1024xf32>
    tpu.vector_store %arg3[%swap3A_365, %swap3A_366, %swap3A_367], %swap3A_370 {strides = array<i32>} : memref<1x8x3072xf32, #tpu.memory_space<vmem>>, vector<1x1x1024xf32>,
    %swap3A_371 = arith.constant 0 : index
    %swap3A_372 = arith.constant 5 : index
    %swap3A_373 = arith.constant 1024 : index
    %swap3A_374 = vector.load %arg3[%swap3A_371, %swap3A_372, %swap3A_373] : memref<1x8x3072xf32, #tpu.memory_space<vmem>>, vector<1x1x1024xf32>
    %swap3A_375 = vector.shape_cast %swap3A_374 : vector<1x1x1024xf32> to vector<1x1024xf32>
    %swap3A_376 = vector.shape_cast %ceil3A_277 : vector<1x1024xf32> to vector<1x1x1024xf32>
    tpu.vector_store %arg3[%swap3A_371, %swap3A_372, %swap3A_373], %swap3A_376 {strides = array<i32>} : memref<1x8x3072xf32, #tpu.memory_space<vmem>>, vector<1x1x1024xf32>,
    %get3A_377 = arith.index_cast %arg0 : i32 to index
    %get3A_378 = arith.constant 0 : index
    %get3A_379 = memref.load %arg1[%get3A_377, %get3A_378] : memref<32x16xf32, #tpu.memory_space<smem>>
    %get3A_380 = arith.index_cast %arg0 : i32 to index
    %get3A_381 = arith.constant 1 : index
    %get3A_382 = memref.load %arg1[%get3A_380, %get3A_381] : memref<32x16xf32, #tpu.memory_space<smem>>
    %get3A_383 = arith.index_cast %arg0 : i32 to index
    %get3A_384 = arith.constant 2 : index
    %get3A_385 = memref.load %arg1[%get3A_383, %get3A_384] : memref<32x16xf32, #tpu.memory_space<smem>>
    %get3A_386 = arith.index_cast %arg0 : i32 to index
    %get3A_387 = arith.constant 3 : index
    %get3A_388 = memref.load %arg1[%get3A_386, %get3A_387] : memref<32x16xf32, #tpu.memory_space<smem>>
    %get3A_389 = arith.index_cast %arg0 : i32 to index
    %get3A_390 = arith.constant 4 : index
    %get3A_391 = memref.load %arg1[%get3A_389, %get3A_390] : memref<32x16xf32, #tpu.memory_space<smem>>
    %get3A_392 = arith.index_cast %arg0 : i32 to index
    %get3A_393 = arith.constant 5 : index
    %get3A_394 = memref.load %arg1[%get3A_392, %get3A_393] : memref<32x16xf32, #tpu.memory_space<smem>>
    %get3A_395 = arith.index_cast %arg0 : i32 to index
    %get3A_396 = arith.constant 6 : index
    %get3A_397 = memref.load %arg1[%get3A_395, %get3A_396] : memref<32x16xf32, #tpu.memory_space<smem>>
    %get3A_398 = arith.index_cast %arg0 : i32 to index
    %get3A_399 = arith.constant 7 : index
    %get3A_400 = memref.load %arg1[%get3A_398, %get3A_399] : memref<32x16xf32, #tpu.memory_space<smem>>
    %get3A_401 = arith.index_cast %arg0 : i32 to index
    %get3A_402 = arith.constant 8 : index
    %get3A_403 = memref.load %arg1[%get3A_401, %get3A_402] : memref<32x16xf32, #tpu.memory_space<smem>>
    %get3A_404 = arith.index_cast %arg0 : i32 to index
    %get3A_405 = arith.constant 9 : index
    %get3A_406 = memref.load %arg1[%get3A_404, %get3A_405] : memref<32x16xf32, #tpu.memory_space<smem>>
    %get3A_407 = arith.index_cast %arg0 : i32 to index
    %get3A_408 = arith.constant 10 : index
    %get3A_409 = memref.load %arg1[%get3A_407, %get3A_408] : memref<32x16xf32, #tpu.memory_space<smem>>
    %get3A_410 = arith.index_cast %arg0 : i32 to index
    %get3A_411 = arith.constant 11 : index
    %get3A_412 = memref.load %arg1[%get3A_410, %get3A_411] : memref<32x16xf32, #tpu.memory_space<smem>>
    %get3A_413 = arith.index_cast %arg0 : i32 to index
    %get3A_414 = arith.constant 12 : index
    %get3A_415 = memref.load %arg1[%get3A_413, %get3A_414] : memref<32x16xf32, #tpu.memory_space<smem>>
    %get3A_416 = arith.index_cast %arg0 : i32 to index
    %get3A_417 = arith.constant 13 : index
    %get3A_418 = memref.load %arg1[%get3A_416, %get3A_417] : memref<32x16xf32, #tpu.memory_space<smem>>
    %get3A_419 = arith.index_cast %arg0 : i32 to index
    %get3A_420 = arith.constant 14 : index
    %get3A_421 = memref.load %arg1[%get3A_419, %get3A_420] : memref<32x16xf32, #tpu.memory_space<smem>>
    %get3A_422 = arith.constant 0 : index
    %get3A_423 = arith.constant 2048 : index
    %get3A_424 = vector.load %arg2[%get3A_422, %get3A_423] : memref<16x5120xf32, #tpu.memory_space<vmem>>, vector<1x1024xf32>
    %mul3A_425 = vector.broadcast %get3A_379 : f32 to vector<1x1024xf32>
    %mul3A_426 = arith.mulf %mul3A_425, %get3A_424 : vector<1x1024xf32>
    %get3A_427 = arith.constant 3 : index
    %get3A_428 = arith.constant 2048 : index
    %get3A_429 = vector.load %arg2[%get3A_427, %get3A_428] : memref<16x5120xf32, #tpu.memory_space<vmem>>, vector<1x1024xf32>
    %mul3A_430 = vector.broadcast %get3A_397 : f32 to vector<1x1024xf32>
    %mul3A_431 = arith.mulf %mul3A_430, %get3A_429 : vector<1x1024xf32>
    %add3A_432 = arith.addf %mul3A_426, %mul3A_431 : vector<1x1024xf32>
    %sub3A_433 = vector.broadcast %get3A_388 : f32 to vector<1x1024xf32>
    %sub3A_434 = arith.subf %add3A_432, %sub3A_433 : vector<1x1024xf32>
    %mul3A_435 = arith.mulf %sub3A_434, %sub3A_434 : vector<1x1024xf32>
    %get3A_436 = arith.constant 1 : index
    %get3A_437 = arith.constant 2048 : index
    %get3A_438 = vector.load %arg2[%get3A_436, %get3A_437] : memref<16x5120xf32, #tpu.memory_space<vmem>>, vector<1x1024xf32>
    %mul3A_439 = vector.broadcast %get3A_382 : f32 to vector<1x1024xf32>
    %mul3A_440 = arith.mulf %mul3A_439, %get3A_438 : vector<1x1024xf32>
    %get3A_441 = arith.constant 4 : index
    %get3A_442 = arith.constant 2048 : index
    %get3A_443 = vector.load %arg2[%get3A_441, %get3A_442] : memref<16x5120xf32, #tpu.memory_space<vmem>>, vector<1x1024xf32>
    %mul3A_444 = vector.broadcast %get3A_400 : f32 to vector<1x1024xf32>
    %mul3A_445 = arith.mulf %mul3A_444, %get3A_443 : vector<1x1024xf32>
    %add3A_446 = arith.addf %mul3A_440, %mul3A_445 : vector<1x1024xf32>
    %sub3A_447 = vector.broadcast %get3A_391 : f32 to vector<1x1024xf32>
    %sub3A_448 = arith.subf %add3A_446, %sub3A_447 : vector<1x1024xf32>
    %mul3A_449 = arith.mulf %sub3A_448, %sub3A_448 : vector<1x1024xf32>
    %add3A_450 = arith.addf %mul3A_435, %mul3A_449 : vector<1x1024xf32>
    %get3A_451 = arith.constant 2 : index
    %get3A_452 = arith.constant 2048 : index
    %get3A_453 = vector.load %arg2[%get3A_451, %get3A_452] : memref<16x5120xf32, #tpu.memory_space<vmem>>, vector<1x1024xf32>
    %mul3A_454 = vector.broadcast %get3A_385 : f32 to vector<1x1024xf32>
    %mul3A_455 = arith.mulf %mul3A_454, %get3A_453 : vector<1x1024xf32>
    %get3A_456 = arith.constant 5 : index
    %get3A_457 = arith.constant 2048 : index
    %get3A_458 = vector.load %arg2[%get3A_456, %get3A_457] : memref<16x5120xf32, #tpu.memory_space<vmem>>, vector<1x1024xf32>
    %mul3A_459 = vector.broadcast %get3A_403 : f32 to vector<1x1024xf32>
    %mul3A_460 = arith.mulf %mul3A_459, %get3A_458 : vector<1x1024xf32>
    %add3A_461 = arith.addf %mul3A_455, %mul3A_460 : vector<1x1024xf32>
    %sub3A_462 = vector.broadcast %get3A_394 : f32 to vector<1x1024xf32>
    %sub3A_463 = arith.subf %add3A_461, %sub3A_462 : vector<1x1024xf32>
    %mul3A_464 = arith.mulf %sub3A_463, %sub3A_463 : vector<1x1024xf32>
    %add3A_465 = arith.addf %add3A_450, %mul3A_464 : vector<1x1024xf32>
    %sqrt3A_466 = math.sqrt %add3A_465 : vector<1x1024xf32>
    %mul3A_467 = arith.constant 1.600000e+04 : f32
    %mul3A_468 = vector.broadcast %mul3A_467 : f32 to vector<1x1024xf32>
    %mul3A_469 = arith.mulf %sqrt3A_466, %mul3A_468 : vector<1x1024xf32>
    %div3A_470 = arith.constant 3.430000e+02 : f32
    %div3A_471 = vector.broadcast %div3A_470 : f32 to vector<1x1024xf32>
    %div3A_472 = arith.divf %mul3A_469, %div3A_471 : vector<1x1024xf32>
    %ceil3A_473 = math.ceil %div3A_472 : vector<1x1024xf32>
    %sub3A_474 = arith.subf %ceil3A_473, %div3A_472 : vector<1x1024xf32>
    %get3A_475 = arith.constant 6 : index
    %get3A_476 = arith.constant 2048 : index
    %get3A_477 = vector.load %arg2[%get3A_475, %get3A_476] : memref<16x5120xf32, #tpu.memory_space<vmem>>, vector<1x1024xf32>
    %mul3A_478 = vector.broadcast %get3A_406 : f32 to vector<1x1024xf32>
    %mul3A_479 = arith.mulf %mul3A_478, %get3A_477 : vector<1x1024xf32>
    %get3A_480 = arith.constant 7 : index
    %get3A_481 = arith.constant 2048 : index
    %get3A_482 = vector.load %arg2[%get3A_480, %get3A_481] : memref<16x5120xf32, #tpu.memory_space<vmem>>, vector<1x1024xf32>
    %mul3A_483 = vector.broadcast %get3A_409 : f32 to vector<1x1024xf32>
    %mul3A_484 = arith.mulf %mul3A_483, %get3A_482 : vector<1x1024xf32>
    %add3A_485 = arith.addf %mul3A_479, %mul3A_484 : vector<1x1024xf32>
    %get3A_486 = arith.constant 8 : index
    %get3A_487 = arith.constant 2048 : index
    %get3A_488 = vector.load %arg2[%get3A_486, %get3A_487] : memref<16x5120xf32, #tpu.memory_space<vmem>>, vector<1x1024xf32>
    %mul3A_489 = vector.broadcast %get3A_412 : f32 to vector<1x1024xf32>
    %mul3A_490 = arith.mulf %mul3A_489, %get3A_488 : vector<1x1024xf32>
    %add3A_491 = arith.addf %add3A_485, %mul3A_490 : vector<1x1024xf32>
    %get3A_492 = arith.constant 9 : index
    %get3A_493 = arith.constant 2048 : index
    %get3A_494 = vector.load %arg2[%get3A_492, %get3A_493] : memref<16x5120xf32, #tpu.memory_space<vmem>>, vector<1x1024xf32>
    %mul3A_495 = vector.broadcast %get3A_415 : f32 to vector<1x1024xf32>
    %mul3A_496 = arith.mulf %mul3A_495, %get3A_494 : vector<1x1024xf32>
    %add3A_497 = arith.addf %add3A_491, %mul3A_496 : vector<1x1024xf32>
    %get3A_498 = arith.constant 10 : index
    %get3A_499 = arith.constant 2048 : index
    %get3A_500 = vector.load %arg2[%get3A_498, %get3A_499] : memref<16x5120xf32, #tpu.memory_space<vmem>>, vector<1x1024xf32>
    %mul3A_501 = vector.broadcast %get3A_418 : f32 to vector<1x1024xf32>
    %mul3A_502 = arith.mulf %mul3A_501, %get3A_500 : vector<1x1024xf32>
    %add3A_503 = arith.addf %add3A_497, %mul3A_502 : vector<1x1024xf32>
    %get3A_504 = arith.constant 11 : index
    %get3A_505 = arith.constant 2048 : index
    %get3A_506 = vector.load %arg2[%get3A_504, %get3A_505] : memref<16x5120xf32, #tpu.memory_space<vmem>>, vector<1x1024xf32>
    %mul3A_507 = vector.broadcast %get3A_421 : f32 to vector<1x1024xf32>
    %mul3A_508 = arith.mulf %mul3A_507, %get3A_506 : vector<1x1024xf32>
    %add3A_509 = arith.addf %add3A_503, %mul3A_508 : vector<1x1024xf32>
    %exp3A_510 = math.exp %add3A_509 : vector<1x1024xf32>
    %get3A_511 = arith.constant 12 : index
    %get3A_512 = arith.constant 2048 : index
    %get3A_513 = vector.load %arg2[%get3A_511, %get3A_512] : memref<16x5120xf32, #tpu.memory_space<vmem>>, vector<1x1024xf32>
    %gt3A_514 = arith.constant 0.000000e+00 : f32
    %gt3A_515 = vector.broadcast %gt3A_514 : f32 to vector<1x1024xf32>
    %gt3A_516 = arith.cmpf ogt, %get3A_513, %gt3A_515 : vector<1x1024xf32>
    %div3A_517 = arith.divf %exp3A_510, %sqrt3A_466 : vector<1x1024xf32>
    %jit3A_518 = arith.constant 0.000000e+00 : f32
    %broadcast_in_dim3A_519 = vector.broadcast %jit3A_518 : f32 to vector<1x1024xf32>
    %select_n3A_520 = arith.select %gt3A_516, %div3A_517, %broadcast_in_dim3A_519 : vector<1x1024xi1>, vector<1x1024xf32>
    %mul3A_521 = arith.constant 3.14159274 : f32
    %mul3A_522 = vector.broadcast %mul3A_521 : f32 to vector<1x1024xf32>
    %mul3A_523 = arith.mulf %mul3A_522, %sub3A_474 : vector<1x1024xf32>
    %sin3A_524 = math.sin %mul3A_523 : vector<1x1024xf32>
    %mul3A_525 = arith.mulf %select_n3A_520, %sin3A_524 : vector<1x1024xf32>
    %mul3A_526 = arith.constant 0.318309873 : f32
    %mul3A_527 = vector.broadcast %mul3A_526 : f32 to vector<1x1024xf32>
    %mul3A_528 = arith.mulf %mul3A_525, %mul3A_527 : vector<1x1024xf32>
    %sub3A_529 = arith.constant 4.000000e+01 : f32
    %sub3A_530 = vector.broadcast %sub3A_529 : f32 to vector<1x1024xf32>
    %sub3A_531 = arith.subf %sub3A_474, %sub3A_530 : vector<1x1024xf32>
    %mul3A_532 = arith.constant 0.0785398185 : f32
    %mul3A_533 = vector.broadcast %mul3A_532 : f32 to vector<1x1024xf32>
    %mul3A_534 = arith.mulf %sub3A_531, %mul3A_533 : vector<1x1024xf32>
    %swap3A_535 = arith.constant 0 : index
    %swap3A_536 = arith.constant 0 : index
    %swap3A_537 = arith.constant 2048 : index
    %swap3A_538 = vector.load %arg3[%swap3A_535, %swap3A_536, %swap3A_537] : memref<1x8x3072xf32, #tpu.memory_space<vmem>>, vector<1x1x1024xf32>
    %swap3A_539 = vector.shape_cast %swap3A_538 : vector<1x1x1024xf32> to vector<1x1024xf32>
    %swap3A_540 = vector.shape_cast %select_n3A_520 : vector<1x1024xf32> to vector<1x1x1024xf32>
    tpu.vector_store %arg3[%swap3A_535, %swap3A_536, %swap3A_537], %swap3A_540 {strides = array<i32>} : memref<1x8x3072xf32, #tpu.memory_space<vmem>>, vector<1x1x1024xf32>,
    %swap3A_541 = arith.constant 0 : index
    %swap3A_542 = arith.constant 1 : index
    %swap3A_543 = arith.constant 2048 : index
    %swap3A_544 = vector.load %arg3[%swap3A_541, %swap3A_542, %swap3A_543] : memref<1x8x3072xf32, #tpu.memory_space<vmem>>, vector<1x1x1024xf32>
    %swap3A_545 = vector.shape_cast %swap3A_544 : vector<1x1x1024xf32> to vector<1x1024xf32>
    %swap3A_546 = vector.shape_cast %mul3A_528 : vector<1x1024xf32> to vector<1x1x1024xf32>
    tpu.vector_store %arg3[%swap3A_541, %swap3A_542, %swap3A_543], %swap3A_546 {strides = array<i32>} : memref<1x8x3072xf32, #tpu.memory_space<vmem>>, vector<1x1x1024xf32>,
    %cos3A_547 = math.cos %mul3A_534 : vector<1x1024xf32>
    %swap3A_548 = arith.constant 0 : index
    %swap3A_549 = arith.constant 2 : index
    %swap3A_550 = arith.constant 2048 : index
    %swap3A_551 = vector.load %arg3[%swap3A_548, %swap3A_549, %swap3A_550] : memref<1x8x3072xf32, #tpu.memory_space<vmem>>, vector<1x1x1024xf32>
    %swap3A_552 = vector.shape_cast %swap3A_551 : vector<1x1x1024xf32> to vector<1x1024xf32>
    %swap3A_553 = vector.shape_cast %cos3A_547 : vector<1x1024xf32> to vector<1x1x1024xf32>
    tpu.vector_store %arg3[%swap3A_548, %swap3A_549, %swap3A_550], %swap3A_553 {strides = array<i32>} : memref<1x8x3072xf32, #tpu.memory_space<vmem>>, vector<1x1x1024xf32>,
    %sin3A_554 = math.sin %mul3A_534 : vector<1x1024xf32>
    %swap3A_555 = arith.constant 0 : index
    %swap3A_556 = arith.constant 3 : index
    %swap3A_557 = arith.constant 2048 : index
    %swap3A_558 = vector.load %arg3[%swap3A_555, %swap3A_556, %swap3A_557] : memref<1x8x3072xf32, #tpu.memory_space<vmem>>, vector<1x1x1024xf32>
    %swap3A_559 = vector.shape_cast %swap3A_558 : vector<1x1x1024xf32> to vector<1x1024xf32>
    %swap3A_560 = vector.shape_cast %sin3A_554 : vector<1x1024xf32> to vector<1x1x1024xf32>
    tpu.vector_store %arg3[%swap3A_555, %swap3A_556, %swap3A_557], %swap3A_560 {strides = array<i32>} : memref<1x8x3072xf32, #tpu.memory_space<vmem>>, vector<1x1x1024xf32>,
    %swap3A_561 = arith.constant 0 : index
    %swap3A_562 = arith.constant 4 : index
    %swap3A_563 = arith.constant 2048 : index
    %swap3A_564 = vector.load %arg3[%swap3A_561, %swap3A_562, %swap3A_563] : memref<1x8x3072xf32, #tpu.memory_space<vmem>>, vector<1x1x1024xf32>
    %swap3A_565 = vector.shape_cast %swap3A_564 : vector<1x1x1024xf32> to vector<1x1024xf32>
    %swap3A_566 = vector.shape_cast %sub3A_531 : vector<1x1024xf32> to vector<1x1x1024xf32>
    tpu.vector_store %arg3[%swap3A_561, %swap3A_562, %swap3A_563], %swap3A_566 {strides = array<i32>} : memref<1x8x3072xf32, #tpu.memory_space<vmem>>, vector<1x1x1024xf32>,
    %swap3A_567 = arith.constant 0 : index
    %swap3A_568 = arith.constant 5 : index
    %swap3A_569 = arith.constant 2048 : index
    %swap3A_570 = vector.load %arg3[%swap3A_567, %swap3A_568, %swap3A_569] : memref<1x8x3072xf32, #tpu.memory_space<vmem>>, vector<1x1x1024xf32>
    %swap3A_571 = vector.shape_cast %swap3A_570 : vector<1x1x1024xf32> to vector<1x1024xf32>
    %swap3A_572 = vector.shape_cast %ceil3A_473 : vector<1x1024xf32> to vector<1x1x1024xf32>
    tpu.vector_store %arg3[%swap3A_567, %swap3A_568, %swap3A_569], %swap3A_572 {strides = array<i32>} : memref<1x8x3072xf32, #tpu.memory_space<vmem>>, vector<1x1x1024xf32>,
    return
  }
  func.func @transform_0(%arg0: i32) -> (i32, i32) {
    %c0_i32 = arith.constant 0 : i32
    %c0_i32_0 = arith.constant 0 : i32
    %c0_i32_1 = arith.constant 0 : i32
    return %c0_i32, %c0_i32_0 : i32, i32
  }
  func.func @transform_1(%arg0: i32) -> (i32, i32) {
    %c0_i32 = arith.constant 0 : i32
    %c0_i32_0 = arith.constant 0 : i32
    %c0_i32_1 = arith.constant 0 : i32
    return %c0_i32, %c0_i32_0 : i32, i32
  }
  func.func @transform_2(%arg0: i32) -> (i32, i32, i32) {
    %c0_i32 = arith.constant 0 : i32
    %c0_i32_0 = arith.constant 0 : i32
    %c0_i32_1 = arith.constant 0 : i32
    return %arg0, %c0_i32, %c0_i32_0 : i32, i32, i32
  }
}

</mosaic_0001>

<sc_bundles>
// kernel: kernel.5.cloned.1.call-start
scs
__scs_entry_jumppad:
0x0: {  	(pc) =	sbr.rel $0x88, $3  }
0x1: {  	(tag) =	ssettag $0x0;
	lr =	simm.s32 $0x1  }
0x2: {  	[smem:$0x3FA0] =	sst lr;
	_ =	strace $0xD0000000  }
0x3: {  	_ = 	snop  }
0x4: {  	_ = 	snop  }
0x5: {  	_ = 	snop  }
0x6: {  	_ = 	snop  }
0x7: {  	_ = 	snop  }
__scs_overlays_trampoline_lowered:
0x8: {  	[smem:$0x3FAF] =	sst s0  }
0x9: {  	[smem:$0x3FB0] =	sst s1  }
0xa: {  	[smem:$0x3FB1] =	sst s2  }
0xb: {  	[smem:$0x3FB2] =	sst s3  }
0xc: {  	[smem:$0x3FB3] =	sst s4  }
0xd: {  	[smem:$0x3FB4] =	sst s5  }
0xe: {  	[smem:$0x3FB5] =	sst s6  }
0xf: {  	[smem:$0x3FB6] =	sst s7  }
0x10: {  	[smem:$0x3FB7] =	sst s8  }
0x11: {  	[smem:$0x3FB8] =	sst s9;
	s0 =	simm.s32 @!p0 $0x0  }
0x12: {  	s1 =	sld [smem:$0x3F9E];
	s0 =	simm.s32 @p0 $0x1  }
0x13: {  	[smem:$0x3FB9] =	sst s0;
	s0 =	simm.s32 @!p1 $0x0  }
0x14: {  	s2 =	sld [smem:$0x3F9D];
	s0 =	simm.s32 @p1 $0x1  }
0x15: {  	[smem:$0x3FBA] =	sst s0;
	s0 =	simm.s32 @!p2 $0x0  }
0x16: {  	s3 =	sld [smem:$0x3FDB];
	s0 =	simm.s32 @p2 $0x1  }
0x17: {  	s4 =	simm.s32 $0x1BF5;
	[smem:$0x3FBC] =	sst s0  }
0x18: {  	s0 =	sld [smem:$0x3F9F];
	_ =	swait.ge [sflag:s4], $0x0  }
0x19: {  	s7 =	sld [smem:$0x3FA0]  }
0x1a: {  	s8 =	sadd.s32 $0xFFFFE003, lr  }
0x1b: {  	s9 =	sadd.s32 $0xFFFFFEF7, lr;
	s5 =	simm.s32 $0xFFFFFFFF;
	p2 =	slt.u32 s8, $0xFFFFF086  }
0x1c: {  	p1 =	slt.u32 s9, $0xF7A;
	s5 =	simm.s32 @!p2 $0x0  }
0x1d: {  	s5 =	simm.s32 @p1 $0x1;
	p0 =	seq.s32 s7, s2  }
0x1e: {  	s7 =	smul.u32 @!p0 $0xF7A, s2;
	p2 =	seq.s32 @!p0 s5, $0x0  }
0x1f: {  	s9 =	smul.u32 $0xF7A, s1;
	s8 =	simm.s32 @!p0 $0x1BF5;
	p2 =	por !p2, p0  }
0x20: {  	[sflag:s8] =	ssyncset.s32 @!p0 $0xFFFFF086;
	s6 =	sadd.s32 @!p0 s3, s7;
	s7 =	simm.s32 @!p0 $0x108  }
0x21: {  	s3 =	sadd.s32 s3, s9;
	s6 =	sadd.s32 @!p0 $0x88, s6;
	s7 =	simm.s32 @p2 $0x1082  }
0x22: {  	[simem:s7], [sflag:s8] =	dma.local @!p0 [hbm:s6], $0xF7A  }
0x23: {  	s9 =	sor.u32 $0xD0000000, s2;
	s6 =	simm.s32 $0x108;
	_ =	swait.ge @!p0 [sflag:s8], $0x0  }
0x24: {  	s3 =	sadd.s32 $0x88, s3;
	s6 =	simm.s32 @!p1 $0x1082;
	[sflag:s4] =	ssyncset.s32 $0xFFFFF086  }
0x25: {  	[simem:s6], [sflag:s4] =	dma.local [hbm:s3], $0xF7A  }
0x26: {  	[smem:$0x3FA0] =	sst s1;
	(tag) =	ssettag s2;
	_ =	strace s9  }
0x27: {  	s1 =	sld [smem:$0x3FB0]  }
0x28: {  	s2 =	sld [smem:$0x3FB1]  }
0x29: {  	s4 =	sld [smem:$0x3FB3]  }
0x2a: {  	p0 =	seq.s32 s5, $0x0;
	s5 =	sld [smem:$0x3FB4]  }
0x2b: {  	s6 =	sld [smem:$0x3FB5]  }
0x2c: {  	s7 =	sld [smem:$0x3FB6]  }
0x2d: {  	s3 =	simm.s32 $0x108;
	s8 =	sld [smem:$0x3FB7]  }
0x2e: {  	s3 =	simm.s32 @!p0 $0x1082;
	s9 =	sld [smem:$0x3FB8]  }
0x2f: {  	lr =	sadd.s32 s0, s3;
	s0 =	sld [smem:$0x3FAF]  }
0x30: {  	s3 =	sld [smem:$0x3FB2]  }
0x31: {  	[smem:$0x3FBB] =	sst s10  }
0x32: {  	s10 =	sld [smem:$0x3FB9];
	_ =	sdelay $0x3  }
0x33: {  	p0 =	seq.s32 s10, $0x1;
	s10 =	sld [smem:$0x3FBB];
	_ =	sdelay $0x3  }
0x34: {  	[smem:$0x3FBB] =	sst s10  }
0x35: {  	s10 =	sld [smem:$0x3FBA];
	_ =	sdelay $0x3  }
0x36: {  	p1 =	seq.s32 s10, $0x1;
	s10 =	sld [smem:$0x3FBB];
	_ =	sdelay $0x3  }
0x37: {  	[smem:$0x3FBB] =	sst s10  }
0x38: {  	s10 =	sld [smem:$0x3FBC]  }
0x39: {  	_ = 	snop;
	(pc) =	sbr.ind lr, $3  }
0x3a: {  	_ = 	snop  }
0x3b: {  	_ = 	snop  }
0x3c: {  	p2 =	seq.s32 s10, $0x1;
	s10 =	sld [smem:$0x3FBB]  }
0x3d: {  	_ =	shalt  }
0x3e: {  	_ =	shalt  }
0x3f: {  	_ =	shalt  }
0x40: {  	_ =	shalt  }
0x41: {  	_ =	shalt  }
0x42: {  	_ =	shalt  }
0x43: {  	_ =	shalt  }
0x44: {  	_ =	shalt  }
0x45: {  	_ =	shalt  }
0x46: {  	_ =	shalt  }
0x47: {  	_ =	shalt  }
0x48: {  	_ =	shalt  }
0x49: {  	_ =	shalt  }
0x4a: {  	_ =	shalt  }
0x4b: {  	_ =	shalt  }
0x4c: {  	_ =	shalt  }
0x4d: {  	_ =	shalt  }
0x4e: {  	_ =	shalt  }
0x4f: {  	_ =	shalt  }
0x50: {  	_ =	shalt  }
0x51: {  	_ =	shalt  }
0x52: {  	_ =	shalt  }
0x53: {  	_ =	shalt  }
0x54: {  	_ =	shalt  }
0x55: {  	_ =	shalt  }
0x56: {  	_ =	shalt  }
0x57: {  	_ =	shalt  }
0x58: {  	_ =	shalt  }
0x59: {  	_ =	shalt  }
0x5a: {  	_ =	shalt  }
0x5b: {  	_ =	shalt  }
0x5c: {  	_ =	shalt  }
0x5d: {  	_ =	shalt  }
0x5e: {  	_ =	shalt  }
0x5f: {  	_ =	shalt  }
0x60: {  	_ =	shalt  }
0x61: {  	_ =	shalt  }
0x62: {  	_ =	shalt  }
0x63: {  	_ =	shalt  }
0x64: {  	_ =	shalt  }
0x65: {  	_ =	shalt  }
0x66: {  	_ =	shalt  }
0x67: {  	_ =	shalt  }
0x68: {  	_ =	shalt  }
0x69: {  	_ =	shalt  }
0x6a: {  	_ =	shalt  }
0x6b: {  	_ =	shalt  }
0x6c: {  	_ =	shalt  }
0x6d: {  	_ =	shalt  }
0x6e: {  	_ =	shalt  }
0x6f: {  	_ =	shalt  }
0x70: {  	_ =	shalt  }
0x71: {  	_ =	shalt  }
0x72: {  	_ =	shalt  }
0x73: {  	_ =	shalt  }
0x74: {  	_ =	shalt  }
0x75: {  	_ =	shalt  }
0x76: {  	_ =	shalt  }
0x77: {  	_ =	shalt  }
0x78: {  	_ =	shalt  }
0x79: {  	_ =	shalt  }
0x7a: {  	_ =	shalt  }
0x7b: {  	_ =	shalt  }
0x7c: {  	_ =	shalt  }
0x7d: {  	_ =	shalt  }
0x7e: {  	_ =	shalt  }
0x7f: {  	_ =	shalt  }
0x80: {  	_ =	shalt  }
0x81: {  	_ =	shalt  }
0x82: {  	_ =	shalt  }
0x83: {  	_ =	shalt  }
0x84: {  	_ =	shalt  }
0x85: {  	_ =	shalt  }
0x86: {  	_ =	shalt  }
0x87: {  	_ =	shalt  }
.Lfunc_end0:
.L_simem_size_0:
called_computation_lowered:
.L_overlay_start_0:
0x88: {  	s2 =	sld [smem:$0x3FD9]  }
0x89: {  	s3 =	sld [smem:$0x3FFE];
	_ =	sdelay $0x1  }
0x8a: {  	s1 =	srdreg.scid  }
0x8b: {  	s0 =	sand.u32 $0x1, s1  }
0x8c: {  	s14 =	sshll.u32 s0, $0xA;
	s2 =	sadd.s32 s3, s2  }
0x8d: {  	s2 =	sadd.s32 s2, s14  }
0x8e: {  	[smem:$0x3FC7] =	sst s2  }
0x8f: {  	_ = 	snop  }
0x90: {  	s2 =	sld [smem:$0x3FD0];
	_ =	sdelay $0x2  }
0x91: {  	s15 =	simm.s32 $0xA;
	s4 =	simm.s32 $0x10  }
0x92: {  	[smem:s4], [sflag:s15] =	dma.local [hbm:s2], $0x1  }
0x93: {  	_ =	swait.eq [sflag:s15], $0x1  }
0x94: {  	[sflag:s15] =	ssyncset.done $0x0  }
0x95: {  	[sflag:s15] =	ssyncadd.s32 $0xFFFFFFFF  }
0x96: {  	s16 =	sld [smem:$0x10];
	(tm) =	ssettm $0x1  }
0x97: {  	s17 =	sld [smem:$0x3FFB];
	_ =	sdelay $0x3  }
0x98: {  	_ =	strace s17  }
0x99: {  	s3 =	sld [smem:$0x3FFC];
	_ =	sdelay $0x3  }
0x9a: {  	_ =	strace s3  }
0x9b: {  	s3 =	sld [smem:$0x3FFD];
	_ =	sdelay $0x3  }
0x9c: {  	_ =	strace s3  }
0x9d: {  	_ =	strace $0x8FFFFFFF  }
0x9e: {  	s18 =	sld [smem:$0x3FDB];
	_ =	sdelay $0x1  }
0x9f: {  	s19 =	simm.s32 $_scs_section_size  }
0xa0: {  	s5 =	simm.s32 $_size__tile_overlayer_lowered;
	s6 =	simm.s32 $_tile_overlayer_lowered  }
0xa1: {  	s22 =	simm.s32 $0x1BFF;
	s21 =	sshll.u32 s6, $0x1;
	s3 =	sadd.s32 s19, s18  }
0xa2: {  	s7 =	simm.s32 $0x0;
	s20 =	sshll.u32 s5, $0x1;
	s5 =	sadd.s32 s21, s3  }
0xa3: {  	[timem:s7], [sflag:s22] =	dma.local [hbm:s5], s20  }
0xa4: {  	_ =	swait.ge [sflag:s22], s20  }
0xa5: {  	s4 =	ssub.s32 $0x0, s20;
	[sflag:s22] =	ssyncset.done $0x0  }
0xa6: {  	[sflag:s22] =	ssyncadd.s32 s4;
	_ =	sdelay $0x1  }
0xa7: {  	s23 =	simm.s32 $0x1B8B  }
0xa8: {  	_ =	swait.ge [sflag:s23], $0x1  }
0xa9: {  	[sflag:s23] =	ssyncset.done $0x0  }
0xaa: {  	s25 =	simm.s32 $0x1B8E;
	s24 =	sld [smem:$0x3FFE];
	[sflag:s23] =	ssyncadd.s32 $0xFFFFFFFF  }
0xab: {  	s26 =	simm.s32 $execute0_lowered;
	[smem:$0x3FD2] =	sst s25  }
0xac: {  	s5 =	sshll.u32 s26, $0x1;
	_ =	strace $0x80000046;
	[dreg:$0x1] =	wrdreg $0xFFFFFFFF  }
0xad: {  	s28 =	simm.s32 $_size_execute0_lowered;
	s3 =	sadd.s32 s3, s5;
	[dreg:$0x0] =	wrdreg $0x0  }
0xae: {  	s5 =	sshll.u32 s28, $0x1;
	[dreg:$0x2] =	wrdreg s3  }
0xaf: {  	[dreg:$0x3] =	wrdreg s5  }
0xb0: {  	[dreg:$0x4] =	wrdreg $0xC0  }
0xb1: {  	_ =	task [dreg:s7], $0x5FFFF  }
0xb2: {  	[dreg:$0x1] =	wrdreg $0xFFFFFFFF  }
0xb3: {  	[dreg:$0x0] =	wrdreg $0x60  }
0xb4: {  	[dreg:$0x2] =	wrdreg s24  }
0xb5: {  	[dreg:$0x3] =	wrdreg s16  }
0xb6: {  	[dreg:$0x4] =	wrdreg $0x9  }
0xb7: {  	_ =	task.clear_ibuf [dreg:s7], $0x5FFFF;
	_ =	strace $0x90000046  }
0xb8: {  	s29 =	simm.s32 $0x9;
	_ =	strace $0x80000048  }
0xb9: {  	_ =	swait.ge [sflag:s29], $0x1  }
0xba: {  	[sflag:s29] =	ssyncadd.s32 $0xFFFFFFFF  }
0xbb: {  	_ =	strace $0x90000048  }
0xbc: {  	_ =	sfence  }
0xbd: {  	s30 =	sld [smem:$0x0];
	_ =	sdelay $0x2  }
0xbe: {  	s31 =	sshll.u32 s1, $0xD;
	s1 =	sshrl.u32 s1, $0x2  }
0xbf: {  	s3 =	sand.u32 $0x4000, s31;
	s1 =	sadd.s32 s1, s30  }
0xc0: {  	s0 =	sor.u32 s3, s0;
	s1 =	sshll.u32 s1, $0x11  }
0xc1: {  	s0 =	sor.u32 s1, s0  }
0xc2: {  	s0 =	sadd.s32 $0x8F2B, s0  }
0xc3: {  	[sflag:s0] =	ssyncadd.remote.s32 $0x1  }
0xc4: {  	_ =	sfence.sel $0xFFFF  }
0xc5: {  	[dreg:$0x0] =	wrdreg $0xFFFFFFFF;
	(pc) =	sbr.abs _section_cstart, $3  }
0xc6: {  	[dreg:$0x1] =	wrdreg $0xFFFFFFFF  }
0xc7: {  	_ =	task.clear_ibuf [dreg:s7], $0x2FFFF;
	_ =	strace $0x9FFFFFFF  }
0xc8: {  	(tm) =	ssettm $0x7FFFFFFF  }
0xc9: {  	_ =	shalt  }
tec
execute0_lowered:
.L_overlay_start_1:
0x0: {  	(tag) =	ssettag $0x1  }
0x1: {  	s3 =	rddreg [dreg:$0x0];
	s1 =	srdreg.scid  }
0x2: {  	s0 =	stileid.u32;
	s5 =	rddreg [dreg:$0x1];
	s10 =	simm.s32 $0x400  }
0x3: {  	s11 =	simm.s32 $0x6200;
	s12 =	simm.s32 $0x0;
	s4 =	sand.u32 $0x1, s1  }
0x4: {  	s2 =	sshll.u32 s0, $0x1;
	s1 =	rddreg [dreg:$0x2];
	s8 =	sshrl.u32 s0, $0x2  }
0x5: {  	s6 =	sor.u32 s4, s2;
	s2 =	simm.s32 $0x0;
	s8 =	smul.u32 $0x7C00, s8  }
0x6: {  	s4 =	ssub.s32 $0x2, s4;
	s7 =	smul.u32 $0xC00, s6;
	[smem:$0x7FF] =	sst s2  }
0x7: {  	s6 =	sshll.u32 s6, $0x7;
	s9 =	sshrl.u32 s4, $0x1;
	_ =	strace $0x80000047  }
0x8: {  	s6 =	sand.u32 $0x380, s6;
	s31 =	ssub.s32 s4, s9;
	s9 =	simm.s32 $0x80  }
0x9: {  	s7 =	sadd.s32 s7, s3;
	s6 =	sor.u32 s8, s6;
	s3 =	sadd.s32 $0x18E00, s3  }
0xa: {  	s8 =	simm.s32 $0x6000;
	s6 =	sshrl.u32 s6, $0x3;
	s4 =	sadd.s32 $0xE00, s7  }
0xb: {  	v0 =	vimm.f32 $0.0e+00;
	s7 =	simm.s32 $0x1;
	s5 =	sadd.s32 s5, s6;
	s6 =	smax.u32 s31, $0x1  }
.LBB2_1:
0xc: {  	[tilespmem:s2], [sflag:$0x1] =	stream.linear.gather [hbm4b:s4+s2], $0x6000, $0x38;
	[tilespmem:$0x7200] =	vst v63  }
0xd: {  	_ =	swait.ge [sflag:s7], $0x6000  }
0xe: {  	[sflag:s7] =	ssyncset.done $0x0  }
0xf: {  	[sflag:s7] =	ssyncadd.s32 $0xFFFFA000  }
0x10: {  	[tilespmem:s8], [sflag:$0x1] =	stream.linear.gather [hbm4b:s3+s2], $0x200, $0x38;
	[tilespmem:$0x7200] =	vst v63  }
0x11: {  	_ =	swait.ge [sflag:s7], $0x200  }
0x12: {  	[sflag:s7] =	ssyncset.done $0x0  }
0x13: {  	[sflag:s7] =	ssyncadd.s32 $0xFFFFFE00  }
0x14: {  	s13 =	simm.s32 $0x0;
	s14 =	simm.s32 $0x6200;
	[tilespmem:s11+$0x0] =	vst v0  }
.LBB2_2:
0x15: {  	s13 =	sadd.s32 $0x10, s13  }
0x16: {  	p0 =	slt.u32 s13, $0xFF0  }
.Ltmp0:
0x17: {  	_ = 	snop;
	(pc) =	sbr.rel @p0 .LBB2_2-.Ltmp0, $3  }
0x18: {  	_ =	sdelay $0x1  }
0x19: {  	s14 =	sadd.s32 $0x10, s14  }
0x1a: {  	[tilespmem:s14+$0x0] =	vst v0  }
0x1b: {  	v0 =	vld [tilespmem:$0x6000]  }
0x1c: {  	v45 =	vld [tilespmem:$0x6010]  }
0x1d: {  	v46 =	vld [tilespmem:$0x6020]  }
0x1e: {  	v47 =	vld [tilespmem:$0x6030]  }
0x1f: {  	v48 =	vld [tilespmem:$0x6040]  }
0x20: {  	v49 =	vld [tilespmem:$0x6080];
	[tilespmem:$0x1FEC0] =	vst v0  }
0x21: {  	v50 =	vld [tilespmem:$0x6090];
	[tilespmem:$0x1FED0] =	vst v45  }
0x22: {  	v51 =	vld [tilespmem:$0x60A0];
	[tilespmem:$0x1FEE0] =	vst v46  }
0x23: {  	v52 =	vld [tilespmem:$0x60B0];
	[tilespmem:$0x1FEF0] =	vst v47  }
0x24: {  	v53 =	vld [tilespmem:$0x60C0];
	[tilespmem:$0x1FF00] =	vst v48  }
0x25: {  	v54 =	vld [tilespmem:$0x6100];
	[tilespmem:$0x1FF10] =	vst v49  }
0x26: {  	v55 =	vld [tilespmem:$0x6110];
	[tilespmem:$0x1FF20] =	vst v50  }
0x27: {  	v56 =	vld [tilespmem:$0x6120];
	[tilespmem:$0x1FF30] =	vst v51  }
0x28: {  	v57 =	vld [tilespmem:$0x6130];
	[tilespmem:$0x1FF40] =	vst v52  }
0x29: {  	v58 =	vld [tilespmem:$0x6140];
	[tilespmem:$0x1FF50] =	vst v53  }
0x2a: {  	v59 =	vld [tilespmem:$0x6180];
	[tilespmem:$0x1FF60] =	vst v54  }
0x2b: {  	v60 =	vld [tilespmem:$0x6190];
	[tilespmem:$0x1FF70] =	vst v55  }
0x2c: {  	v61 =	vld [tilespmem:$0x61A0];
	[tilespmem:$0x1FF80] =	vst v56  }
0x2d: {  	v62 =	vld [tilespmem:$0x61B0];
	[tilespmem:$0x1FF90] =	vst v57  }
0x2e: {  	v63 =	vld [tilespmem:$0x61C0];
	[tilespmem:$0x1FFA0] =	vst v58  }
0x2f: {  	[tilespmem:$0x1FFB0] =	vst v59  }
0x30: {  	[tilespmem:$0x1FFC0] =	vst v60  }
0x31: {  	[tilespmem:$0x1FFD0] =	vst v61  }
0x32: {  	[tilespmem:$0x1FFE0] =	vst v62  }
0x33: {  	s13 =	simm.s32 $0xFFFFFFE0;
	s14 =	simm.s32 $0x0;
	[tilespmem:$0x1FFF0] =	vst v63  }
.LBB2_4:
0x34: {  	v3 =	vld [tilespmem:$0x1FEC0]  }
0x35: {  	v4 =	vld [tilespmem:$0x1FED0]  }
0x36: {  	v13 =	vld [tilespmem:$0x1FF10]  }
0x37: {  	v5 =	vld [tilespmem:$0x1FEE0]  }
0x38: {  	v15 =	vld [tilespmem:$0x1FF60]  }
0x39: {  	v18 =	vld [tilespmem:$0x1FFB0]  }
0x3a: {  	v10 =	vld [tilespmem:$0x1FF20]  }
0x3b: {  	v14 =	vld [tilespmem:$0x1FF70]  }
0x3c: {  	s13 =	sadd.s32 $0x20, s13;
	v19 =	vld [tilespmem:$0x1FFC0]  }
0x3d: {  	s16 =	sand.u32 $0x7C00, s14;
	v20 =	vld [tilespmem:$0x1FF30];
	s15 =	sand.u32 $0x60, s13  }
0x3e: {  	v2 =	vld [tilespmem:$0x1FF80];
	s15 =	sor.u32 s15, s16  }
0x3f: {  	v52 =	vld [tilespmem:s15+$0x200]  }
0x40: {  	v48 =	vld [tilespmem:s15+$0x100]  }
0x41: {  	v50 =	vld [tilespmem:s15+$0x180]  }
0x42: {  	v47 =	vld [tilespmem:s15+$0x80]  }
0x43: {  	v44 =	vld [tilespmem:s15+$0x0]  }
0x44: {  	v1 =	vld [tilespmem:$0x1FFD0]  }
0x45: {  	v6 =	vld [tilespmem:$0x1FEF0];
	v0 =	vbroadcast v52, $0x0  }
0x46: {  	v7 =	vld [tilespmem:$0x1FF00];
	v22 =	vbroadcast v48, $0x0;
	v23 =	vbroadcast v50, $0x0  }
0x47: {  	v11 =	vld [tilespmem:$0x1FF40];
	v63 =	vbroadcast v47, $0x0;
	v34 =	vbroadcast v52, $0x1  }
0x48: {  	v16 =	vld [tilespmem:$0x1FF90];
	v46 =	vbroadcast v44, $0x0;
	v35 =	vbroadcast v47, $0x1  }
0x49: {  	v12 =	vld [tilespmem:$0x1FF50];
	v21 =	vadd.f32 v0, v3;
	v25 =	vmul.f32 v22, v13;
	v27 =	vmul.f32 v23, v15  }
0x4a: {  	v17 =	vld [tilespmem:$0x1FFA0];
	v24 =	vadd.f32 v0, v4;
	v39 =	vmul.f32 v63, v18;
	v40 =	vmul.f32 v22, v10  }
0x4b: {  	v8 =	vld [tilespmem:$0x1FFE0];
	v29 =	vmul.f32 v23, v14;
	(erf) = vrcp.f32 v21  }
0x4c: {  	v9 =	vld [tilespmem:$0x1FFF0];
	v26 =	vadd.f32 v0, v5;
	v41 =	vmul.f32 v63, v19;
	(erf) = vrcp.f32 v24  }
0x4d: {  	v62 =	vld [tilespmem:s15+$0x280];
	v42 =	vmul.f32 v22, v20;
	v30 =	vmul.f32 v23, v2  }
0x4e: {  	v32 =	vmul.f32 v63, v1;
	v33 =	vadd.f32 v0, v6;
	(erf) = vrcp.f32 v26  }
0x4f: {  	v0 =	vadd.f32 v0, v7;
	v51 =	vmul.f32 v22, v11;
	v53 =	vmul.f32 v23, v16  }
0x50: {  	v45 =	vadd.f32 v34, v3;
	v22 =	vmul.f32 v22, v12;
	v23 =	vmul.f32 v23, v17  }
0x51: {  	v55 =	vadd.f32 v34, v4;
	v58 =	vadd.f32 v34, v5;
	v59 =	vmul.f32 v63, v8  }
0x52: {  	v60 =	vmul.f32 v63, v9;
	v21 =	vmin.f32 v62, $4.016000000e+03;
	v25 =	vsub.f32 v25, v27  }
0x53: {  	v37 =	vadd.f32 v34, v6;
	v34 =	vadd.f32 v34, v7;
	v21 =	vtrunc.f32 v21  }
0x54: {  	v62 =	vmul.f32 v35, v18;
	v21 =	vcvt.f32.s32 v21;
	v25 =	vadd.f32 $5.000000000e-01, v25;
	v28 =	vpop (erf)  }
0x55: {  	v27 =	vmul.f32 v28, v39;
	v28 =	vsub.f32 v40, v29;
	v31 =	vpop (erf);
	(erf) = vrcp.f32 v33  }
0x56: {  	v29 =	vsub.f32 v42, v30;
	v42 =	vmul.f32 v35, v19;
	v33 =	vbroadcast v48, $0x2  }
0x57: {  	vm0 =	veq.f32 v26, $0.0e+00;
	v43 =	vpop (erf);
	(erf) = vrcp.f32 v0;
	v25 =	vmul.f32 v27, v25  }
0x58: {  	v27 =	vmul.f32 v31, v41;
	v30 =	vmul.f32 v43, v32;
	v28 =	vadd.f32 $5.000000000e-01, v28  }
0x59: {  	v49 =	vadd.f32 $5.000000000e-01, v29;
	(erf) = vrcp.f32 v45;
	v29 =	vbroadcast v50, $0x1  }
0x5a: {  	v54 =	vsub.f32 v51, v53;
	(erf) = vrcp.f32 v55;
	v27 =	vmul.f32 v27, v28  }
0x5b: {  	v22 =	vsub.f32 v22, v23;
	v28 =	vbroadcast v48, $0x1;
	v57 =	vmul.f32 v29, v15  }
0x5c: {  	vm9 =	veq.f32 v58, $0.0e+00;
	(erf) = vrcp.f32 v58;
	v41 =	vmul.f32 v29, v14  }
0x5d: {  	v26 =	vsel vm0, v46, v30;
	v46 =	vmul.f32 v29, v2;
	v55 =	vmul.f32 v29, v16  }
0x5e: {  	v22 =	vadd.f32 $5.000000000e-01, v22;
	v29 =	vmul.f32 v29, v17;
	v0 =	vmul.f32 v26, v49  }
0x5f: {  	v26 =	vadd.f32 $5.000000000e-01, v54;
	v54 =	vbroadcast v52, $0x2;
	v56 =	vmul.f32 v28, v13  }
0x60: {  	(v2sf) =	vpush v21, $0x0;
	v40 =	vmul.f32 v28, v10;
	v43 =	vmul.f32 v28, v20  }
0x61: {  	(v2sf) =	vpush v21, $0x1;
	v53 =	vmul.f32 v28, v11;
	v28 =	vmul.f32 v28, v12  }
0x62: {  	v31 =	vsub.f32 v56, v57;
	v56 =	vmul.f32 v35, v8;
	v57 =	vbroadcast v44, $0x1;
	v36 =	vpop (erf)  }
0x63: {  	v24 =	vsub.f32 v40, v41;
	v41 =	vmul.f32 v33, v10;
	v61 =	vpop (erf);
	v30 =	vmul.f32 v36, v59  }
0x64: {  	(v2sf) =	vpush v21, $0x2;
	v63 =	vpop (erf);
	v23 =	vmul.f32 v61, v60;
	(erf) = vrcp.f32 v37  }
0x65: {  	v36 =	vsub.f32 v53, v55;
	v61 =	vmul.f32 v35, v9;
	v37 =	vbroadcast v47, $0x2  }
0x66: {  	v32 =	vsub.f32 v43, v46;
	v39 =	vmul.f32 v63, v62;
	v26 =	vmul.f32 v30, v26  }
0x67: {  	v45 =	vpop (erf);
	v60 =	vadd.f32 $5.000000000e-01, v36;
	v36 =	vbroadcast v50, $0x2;
	v63 =	vmul.f32 v33, v13  }
0x68: {  	v38 =	vadd.f32 $5.000000000e-01, v31;
	v22 =	vmul.f32 v23, v22;
	v49 =	vmul.f32 v45, v42  }
0x69: {  	v40 =	vadd.f32 v54, v3;
	v51 =	vpop (erf);
	(erf) = vrcp.f32 v34;
	v46 =	vmul.f32 v37, v18  }
0x6a: {  	v24 =	vadd.f32 $5.000000000e-01, v24;
	v23 =	vmul.f32 v39, v38;
	v38 =	vmul.f32 v35, v1  }
0x6b: {  	v32 =	vadd.f32 $5.000000000e-01, v32;
	v43 =	vmul.f32 v37, v19;
	(erf) = vrcp.f32 v40  }
0x6c: {  	v59 =	vadd.f32 v54, v4;
	v45 =	vmul.f32 v36, v15;
	v31 =	vmul.f32 v51, v38  }
0x6d: {  	v34 =	vadd.f32 v54, v7;
	v42 =	vmul.f32 v36, v14;
	v40 =	vmul.f32 v33, v11  }
0x6e: {  	v24 =	vmul.f32 v49, v24;
	v49 =	vadd.f32 v54, v6;
	v31 =	vsel vm9, v57, v31  }
0x6f: {  	v35 =	vsub.f32 v63, v45;
	v45 =	vbroadcast v44, $0x2;
	v30 =	vmul.f32 v31, v32  }
0x70: {  	v31 =	vadd.f32 v54, v5;
	v54 =	vsub.f32 v41, v42;
	v41 =	vmul.f32 v36, v16  }
0x71: {  	s29 =	spop (v2sf);
	v42 =	vmul.f32 v33, v12;
	v39 =	vpop (erf);
	(erf) = vrcp.f32 v59  }
0x72: {  	v28 =	vsub.f32 v28, v29;
	[tilespmem:s29+$0x6200] =	vst.add.f32.msk $0xffff, v25;
	v58 =	vmul.f32 v39, v56;
	(erf) = vrcp.f32 v31  }
0x73: {  	[tilespmem:s29+$0x6210] =	vst.add.f32.msk $0xffff, v27;
	vm10 =	veq.f32 v31, $0.0e+00;
	v31 =	vbroadcast v48, $0x4;
	v62 =	vpop (erf);
	(erf) = vrcp.f32 v49  }
0x74: {  	[tilespmem:s29+$0x6220] =	vst.add.f32.msk $0xffff, v0;
	v32 =	vmul.f32 v58, v60;
	v29 =	vmul.f32 v62, v61  }
0x75: {  	v28 =	vadd.f32 $5.000000000e-01, v28;
	[tilespmem:s29+$0x6230] =	vst.add.f32.msk $0xffff, v26;
	v51 =	vpop (erf);
	v58 =	vmul.f32 v33, v20;
	v60 =	vmul.f32 v36, v2  }
0x76: {  	s30 =	spop (v2sf);
	[tilespmem:s29+$0x6240] =	vst.add.f32.msk $0xffff, v22;
	v56 =	vadd.f32 $5.000000000e-01, v35;
	v61 =	vmul.f32 v37, v1;
	v53 =	vmul.f32 v51, v46  }
0x77: {  	[tilespmem:s30+$0x6200] =	vst.add.f32.msk $0xffff, v23;
	v59 =	vadd.f32 $5.000000000e-01, v54;
	v46 =	vmul.f32 v37, v8;
	v51 =	vmul.f32 v37, v9  }
0x78: {  	v23 =	vsub.f32 v40, v41;
	v62 =	vmul.f32 v29, v28;
	[tilespmem:s30+$0x6230] =	vst.add.f32.msk $0xffff, v32;
	v32 =	vbroadcast v50, $0x4  }
0x79: {  	v38 =	vsub.f32 v58, v60;
	v58 =	vbroadcast v52, $0x3;
	v25 =	vmul.f32 v53, v56  }
0x7a: {  	v23 =	vadd.f32 $5.000000000e-01, v23;
	v37 =	vmul.f32 v32, v15;
	v55 =	vpop (erf);
	(erf) = vrcp.f32 v34  }
0x7b: {  	v60 =	vadd.f32 v58, v3;
	v57 =	vmul.f32 v55, v43;
	v63 =	vpop (erf);
	v43 =	vmul.f32 v36, v17  }
0x7c: {  	v36 =	vmul.f32 v31, v13;
	v27 =	vmul.f32 v63, v61;
	v61 =	vadd.f32 v58, v4  }
0x7d: {  	[tilespmem:s30+$0x6210] =	vst.add.f32.msk $0xffff, v24;
	v22 =	vadd.f32 $5.000000000e-01, v38;
	v49 =	vpop (erf);
	(erf) = vrcp.f32 v60;
	v0 =	vmul.f32 v57, v59  }
0x7e: {  	[tilespmem:s30+$0x6220] =	vst.add.f32.msk $0xffff, v30;
	v54 =	vmul.f32 v49, v46;
	v53 =	vsel vm10, v45, v27;
	(erf) = vrcp.f32 v61  }
0x7f: {  	s31 =	spop (v2sf);
	[tilespmem:s30+$0x6240] =	vst.add.f32.msk $0xffff, v62;
	v63 =	vadd.f32 v58, v5;
	v27 =	vbroadcast v47, $0x3;
	v22 =	vmul.f32 v53, v22  }
0x80: {  	[tilespmem:s31+$0x6210] =	vst.add.f32.msk $0xffff, v0;
	v57 =	vmul.f32 v54, v23;
	v0 =	vbroadcast v48, $0x3  }
0x81: {  	v24 =	vsub.f32 v42, v43;
	(erf) = vrcp.f32 v63;
	v42 =	vmul.f32 v27, v18  }
0x82: {  	v45 =	vmul.f32 v27, v19;
	[tilespmem:s31+$0x6220] =	vst.add.f32.msk $0xffff, v22;
	v22 =	vbroadcast v50, $0x3  }
0x83: {  	v39 =	vadd.f32 v58, v6;
	v60 =	vmul.f32 v27, v8;
	v62 =	vmul.f32 v0, v13  }
0x84: {  	v40 =	vmul.f32 v0, v10;
	v38 =	vmul.f32 v22, v15  }
0x85: {  	v55 =	vpop (erf);
	v41 =	vmul.f32 v22, v14;
	(erf) = vrcp.f32 v39  }
0x86: {  	v23 =	vadd.f32 v58, v7;
	v53 =	vmul.f32 v22, v2;
	v56 =	vmul.f32 v55, v51  }
0x87: {  	v24 =	vadd.f32 $5.000000000e-01, v24;
	v51 =	vmul.f32 v0, v20;
	v55 =	vmul.f32 v27, v1  }
0x88: {  	vm11 =	veq.f32 v63, $0.0e+00;
	v27 =	vmul.f32 v27, v9;
	v43 =	vpop (erf);
	(erf) = vrcp.f32 v23  }
0x89: {  	v29 =	vsub.f32 v40, v41;
	v59 =	vmul.f32 v56, v24;
	v26 =	vmul.f32 v43, v42  }
0x8a: {  	v24 =	vsub.f32 v62, v38;
	v56 =	vmul.f32 v0, v11;
	v62 =	vbroadcast v44, $0x3  }
0x8b: {  	v54 =	vsub.f32 v51, v53;
	v0 =	vmul.f32 v0, v12;
	v51 =	vmul.f32 v32, v14;
	v46 =	vpop (erf)  }
0x8c: {  	[tilespmem:s31+$0x6240] =	vst.add.f32.msk $0xffff, v59;
	v24 =	vadd.f32 $5.000000000e-01, v24;
	v49 =	vmul.f32 v46, v45;
	v58 =	vpop (erf);
	v59 =	vmul.f32 v22, v16  }
0x8d: {  	v29 =	vadd.f32 $5.000000000e-01, v29;
	v22 =	vmul.f32 v22, v17;
	v28 =	vmul.f32 v58, v55  }
0x8e: {  	v39 =	vmul.f32 v26, v24;
	v24 =	vbroadcast v52, $0x4;
	v26 =	vadd.f32 $5.000000000e-01, v54  }
0x8f: {  	v38 =	vmul.f32 v49, v29;
	v29 =	vsub.f32 v56, v59;
	v0 =	vsub.f32 v0, v22  }
0x90: {  	[tilespmem:s31+$0x6230] =	vst.add.f32.msk $0xffff, v57;
	v58 =	vmul.f32 v31, v20;
	v22 =	vsub.f32 v36, v37;
	v57 =	vadd.f32 v24, v3  }
0x91: {  	v49 =	vmul.f32 v31, v10;
	v59 =	vmul.f32 v32, v2;
	v63 =	vadd.f32 v24, v4  }
0x92: {  	v36 =	vbroadcast v44, $0x4;
	v23 =	vsel vm11, v62, v28;
	(erf) = vrcp.f32 v57  }
0x93: {  	v28 =	vbroadcast v47, $0x4;
	v30 =	vadd.f32 v24, v5;
	(erf) = vrcp.f32 v63  }
0x94: {  	v61 =	vpop (erf);
	v29 =	vadd.f32 $5.000000000e-01, v29;
	v45 =	vmul.f32 v23, v26;
	v26 =	vbroadcast v48, $0x7  }
0x95: {  	[tilespmem:s31+$0x6200] =	vst.add.f32.msk $0xffff, v25;
	v56 =	vsub.f32 v49, v51;
	v25 =	vmul.f32 v61, v60;
	(erf) = vrcp.f32 v30  }
0x96: {  	v53 =	vadd.f32 v24, v6;
	v42 =	vmul.f32 v28, v18;
	v57 =	vmul.f32 v28, v19  }
0x97: {  	v41 =	vpop (erf);
	v60 =	vadd.f32 $5.000000000e-01, v56;
	v56 =	vmul.f32 v28, v8;
	v40 =	vmul.f32 v25, v29  }
0x98: {  	v0 =	vadd.f32 $5.000000000e-01, v0;
	v23 =	vmul.f32 v41, v27;
	v29 =	vmul.f32 v28, v1  }
0x99: {  	v41 =	vmul.f32 v31, v11;
	(erf) = vrcp.f32 v53  }
0x9a: {  	v62 =	vadd.f32 v24, v7;
	v46 =	vmul.f32 v23, v0;
	v23 =	vbroadcast v52, $0x5  }
0x9b: {  	v63 =	vsub.f32 v58, v59;
	v59 =	vmul.f32 v31, v12;
	v31 =	vbroadcast v47, $0x5;
	v43 =	vpop (erf)  }
0x9c: {  	v37 =	vadd.f32 v23, v3;
	v55 =	vmul.f32 v43, v42;
	v61 =	vpop (erf);
	(erf) = vrcp.f32 v62  }
0x9d: {  	v54 =	vadd.f32 $5.000000000e-01, v22;
	v42 =	vmul.f32 v32, v16;
	v22 =	vmul.f32 v61, v57  }
0x9e: {  	v43 =	vadd.f32 v23, v4;
	v33 =	vpop (erf);
	(erf) = vrcp.f32 v37;
	v61 =	vmul.f32 v28, v9  }
0x9f: {  	v28 =	vbroadcast v48, $0x5;
	v49 =	vmul.f32 v55, v54  }
0xa0: {  	vm12 =	veq.f32 v30, $0.0e+00;
	v35 =	vmul.f32 v33, v29;
	(erf) = vrcp.f32 v43  }
0xa1: {  	v27 =	vadd.f32 v23, v5;
	v29 =	vbroadcast v50, $0x5;
	v43 =	vmul.f32 v31, v18  }
0xa2: {  	v34 =	vadd.f32 $5.000000000e-01, v63;
	v57 =	vpop (erf);
	v33 =	vbroadcast v52, $0x6;
	v51 =	vmul.f32 v22, v60  }
0xa3: {  	vm13 =	veq.f32 v27, $0.0e+00;
	v0 =	vmul.f32 v57, v56;
	v60 =	vmul.f32 v32, v17  }
0xa4: {  	v58 =	vsub.f32 v41, v42;
	v41 =	vmul.f32 v28, v13;
	v57 =	vmul.f32 v28, v10  }
0xa5: {  	v22 =	vsel vm12, v36, v35;
	v42 =	vmul.f32 v29, v15;
	v36 =	vmul.f32 v28, v20  }
0xa6: {  	v56 =	vadd.f32 v23, v6;
	v37 =	vmul.f32 v29, v2;
	v30 =	vmul.f32 v29, v16  }
0xa7: {  	v53 =	vmul.f32 v22, v34;
	v22 =	vadd.f32 $5.000000000e-01, v58;
	v24 =	vsub.f32 v59, v60  }
0xa8: {  	v23 =	vadd.f32 v23, v7;
	v58 =	vmul.f32 v29, v14;
	v60 =	vmul.f32 v31, v19  }
0xa9: {  	v24 =	vadd.f32 $5.000000000e-01, v24;
	v55 =	vmul.f32 v0, v22;
	v62 =	vpop (erf);
	(erf) = vrcp.f32 v27  }
0xaa: {  	v35 =	vsub.f32 v57, v58;
	v27 =	vbroadcast v50, $0x7;
	v63 =	vmul.f32 v62, v61  }
0xab: {  	v59 =	vpop (erf);
	(erf) = vrcp.f32 v56;
	v61 =	vsub.f32 v41, v42;
	v41 =	vmul.f32 v31, v1  }
0xac: {  	v42 =	vsub.f32 v36, v37;
	v36 =	vmul.f32 v28, v12;
	v37 =	vmul.f32 v29, v17  }
0xad: {  	v29 =	vbroadcast v50, $0x6;
	v62 =	vpop (erf);
	(erf) = vrcp.f32 v23  }
0xae: {  	v25 =	vadd.f32 $5.000000000e-01, v35;
	v54 =	vmul.f32 v63, v24;
	v63 =	vmul.f32 v59, v43  }
0xaf: {  	v22 =	vmul.f32 v62, v60;
	v0 =	vadd.f32 $5.000000000e-01, v61;
	v61 =	vbroadcast v44, $0x5  }
0xb0: {  	v60 =	vadd.f32 v33, v3;
	v62 =	vmul.f32 v31, v8;
	v24 =	vbroadcast v48, $0x6  }
0xb1: {  	v56 =	vmul.f32 v63, v0;
	v57 =	vmul.f32 v22, v25;
	v0 =	vadd.f32 $5.000000000e-01, v42  }
0xb2: {  	(erf) = vrcp.f32 v60;
	v63 =	vmul.f32 v28, v11;
	v42 =	vadd.f32 v33, v4  }
0xb3: {  	v60 =	vmul.f32 v29, v15;
	v28 =	vbroadcast v52, $0x7  }
0xb4: {  	v35 =	vsub.f32 v63, v30;
	v43 =	vpop (erf);
	(erf) = vrcp.f32 v42;
	v42 =	vmul.f32 v29, v2  }
0xb5: {  	v30 =	vadd.f32 v33, v5;
	v59 =	vmul.f32 v43, v41;
	v41 =	vmul.f32 v31, v9  }
0xb6: {  	v43 =	vmul.f32 v24, v13;
	v31 =	vbroadcast v47, $0x6  }
0xb7: {  	vm14 =	veq.f32 v30, $0.0e+00;
	v32 =	vpop (erf);
	(erf) = vrcp.f32 v30;
	v30 =	vmul.f32 v26, v12  }
0xb8: {  	v34 =	vmul.f32 v32, v62;
	v22 =	vsel vm13, v61, v59;
	v63 =	vmul.f32 v31, v18  }
0xb9: {  	v61 =	vsub.f32 v36, v37;
	v36 =	vmul.f32 v24, v10;
	v37 =	vmul.f32 v29, v14  }
0xba: {  	v32 =	vsub.f32 v43, v60;
	v58 =	vmul.f32 v22, v0;
	v22 =	vadd.f32 $5.000000000e-01, v35  }
0xbb: {  	v62 =	vpop (erf);
	v35 =	vadd.f32 v33, v6;
	v43 =	vsub.f32 v36, v37;
	v37 =	vbroadcast v44, $0x6  }
0xbc: {  	v59 =	vmul.f32 v34, v22;
	v22 =	vmul.f32 v62, v41  }
0xbd: {  	v0 =	vadd.f32 $5.000000000e-01, v61;
	v34 =	vpop (erf);
	(erf) = vrcp.f32 v35;
	v41 =	vmul.f32 v24, v20  }
0xbe: {  	v25 =	vadd.f32 $5.000000000e-01, v32;
	v62 =	vmul.f32 v31, v19;
	v23 =	vmul.f32 v34, v63  }
0xbf: {  	v32 =	vadd.f32 v33, v7;
	v34 =	vmul.f32 v31, v1;
	v61 =	vmul.f32 v22, v0  }
0xc0: {  	v63 =	vsub.f32 v41, v42;
	v0 =	vadd.f32 $5.000000000e-01, v43;
	v42 =	vmul.f32 v24, v11  }
0xc1: {  	v41 =	vadd.f32 v28, v3;
	v43 =	vmul.f32 v29, v16;
	v60 =	vmul.f32 v23, v25;
	v33 =	vpop (erf)  }
0xc2: {  	(erf) = vrcp.f32 v32;
	v22 =	vmul.f32 v33, v62  }
0xc3: {  	v35 =	vpop (erf);
	v33 =	vmul.f32 v31, v8;
	(erf) = vrcp.f32 v41  }
0xc4: {  	v32 =	vadd.f32 v28, v5;
	v41 =	vmul.f32 v29, v17;
	v36 =	vmul.f32 v35, v34  }
0xc5: {  	v34 =	vsub.f32 v42, v43;
	v42 =	vmul.f32 v31, v9;
	v43 =	vmul.f32 v26, v13  }
0xc6: {  	v23 =	vadd.f32 $5.000000000e-01, v63;
	v31 =	vbroadcast v47, $0x7;
	v63 =	vmul.f32 v22, v0  }
0xc7: {  	v25 =	vsel vm14, v37, v36;
	v36 =	vmul.f32 v24, v12;
	v37 =	vadd.f32 v28, v4  }
0xc8: {  	v0 =	vadd.f32 $5.000000000e-01, v34;
	v34 =	vmul.f32 v26, v10;
	v62 =	vmul.f32 v25, v23  }
0xc9: {  	v35 =	vpop (erf);
	(erf) = vrcp.f32 v37;
	v37 =	vmul.f32 v27, v15  }
0xca: {  	vm15 =	veq.f32 v32, $0.0e+00;
	v22 =	vmul.f32 v35, v33;
	v35 =	vmul.f32 v27, v14  }
0xcb: {  	v23 =	vsub.f32 v36, v41;
	v25 =	vsub.f32 v43, v37;
	v36 =	vpop (erf);
	(erf) = vrcp.f32 v32  }
0xcc: {  	v0 =	vmul.f32 v22, v0;
	v37 =	vsub.f32 v34, v35;
	v34 =	vmul.f32 v26, v11  }
0xcd: {  	v41 =	vadd.f32 v28, v6;
	v35 =	vmul.f32 v27, v16;
	v32 =	vmul.f32 v27, v17  }
0xce: {  	v23 =	vadd.f32 $5.000000000e-01, v23;
	v24 =	vmul.f32 v36, v42;
	v42 =	vmul.f32 v31, v18  }
0xcf: {  	v43 =	vpop (erf);
	(erf) = vrcp.f32 v41;
	v36 =	vmul.f32 v31, v19  }
0xd0: {  	v22 =	vadd.f32 $5.000000000e-01, v37;
	v37 =	vmul.f32 v31, v8;
	v29 =	vmul.f32 v24, v23  }
0xd1: {  	v33 =	vadd.f32 $5.000000000e-01, v25;
	[tilespmem:$0x1F950] =	vst v0;
	v0 =	vmul.f32 v43, v42;
	v42 =	vmul.f32 v26, v20  }
0xd2: {  	v28 =	vadd.f32 v28, v7;
	v43 =	vmul.f32 v27, v2;
	v26 =	vbroadcast v50, $0x8  }
0xd3: {  	v27 =	vbroadcast v47, $0x8;
	v0 =	vmul.f32 v0, v33  }
0xd4: {  	v41 =	vpop (erf);
	(erf) = vrcp.f32 v28;
	v28 =	vbroadcast v52, $0x8  }
0xd5: {  	v33 =	vmul.f32 v31, v1;
	[tilespmem:$0x1F970] =	vst v0;
	v0 =	vmul.f32 v41, v36  }
0xd6: {  	v24 =	vsub.f32 v42, v43;
	v41 =	vbroadcast v44, $0x7;
	v43 =	vadd.f32 v28, v3  }
0xd7: {  	v25 =	vsub.f32 v34, v35;
	v36 =	vpop (erf);
	v0 =	vmul.f32 v0, v22;
	v22 =	vbroadcast v48, $0x8  }
0xd8: {  	v34 =	vsub.f32 v30, v32;
	v23 =	vmul.f32 v36, v33;
	v42 =	vpop (erf);
	(erf) = vrcp.f32 v43  }
0xd9: {  	v25 =	vadd.f32 $5.000000000e-01, v25;
	[tilespmem:$0x1F960] =	vst v29;
	v33 =	vmul.f32 v31, v9;
	v29 =	vmul.f32 v42, v37  }
0xda: {  	v24 =	vadd.f32 $5.000000000e-01, v24;
	v36 =	vmul.f32 v26, v15;
	v43 =	vmul.f32 v26, v14  }
0xdb: {  	v31 =	vbroadcast v47, $0x9;
	v25 =	vmul.f32 v29, v25;
	v29 =	vadd.f32 v28, v4  }
0xdc: {  	v37 =	vmul.f32 v27, v18;
	v42 =	vmul.f32 v22, v10;
	v23 =	vsel vm15, v41, v23  }
0xdd: {  	[tilespmem:$0x1F980] =	vst v0;
	v0 =	vmul.f32 v23, v24;
	v24 =	vadd.f32 v28, v5;
	(erf) = vrcp.f32 v29  }
0xde: {  	v41 =	vadd.f32 v28, v6;
	[tilespmem:$0x1F9A0] =	vst v25;
	v35 =	vpop (erf);
	v25 =	vmul.f32 v22, v13;
	v29 =	vmul.f32 v27, v19  }
0xdf: {  	[tilespmem:$0x1F990] =	vst v0;
	v0 =	vadd.f32 $5.000000000e-01, v34;
	(erf) = vrcp.f32 v24;
	v23 =	vmul.f32 v35, v33  }
0xe0: {  	vm4 =	veq.f32 v24, $0.0e+00;
	v33 =	vmul.f32 v26, v16;
	v24 =	vbroadcast v48, $0x9  }
0xe1: {  	v34 =	vsub.f32 v25, v36;
	(erf) = vrcp.f32 v41;
	v41 =	vmul.f32 v26, v2  }
0xe2: {  	v36 =	vsub.f32 v42, v43;
	v43 =	vmul.f32 v27, v1;
	v0 =	vmul.f32 v23, v0;
	v35 =	vpop (erf)  }
0xe3: {  	v28 =	vadd.f32 v28, v7;
	v32 =	vmul.f32 v24, v20;
	v23 =	vmul.f32 v35, v37  }
0xe4: {  	[tilespmem:$0x1F9B0] =	vst v0;
	v0 =	vadd.f32 $5.000000000e-01, v34;
	v37 =	vmul.f32 v22, v20;
	v34 =	vbroadcast v52, $0x9  }
0xe5: {  	v25 =	vadd.f32 $5.000000000e-01, v36;
	(erf) = vrcp.f32 v28;
	v28 =	vmul.f32 v24, v13  }
0xe6: {  	v35 =	vmul.f32 v27, v8;
	v36 =	vsub.f32 v37, v41;
	v41 =	vadd.f32 v34, v3;
	v42 =	vpop (erf)  }
0xe7: {  	v0 =	vmul.f32 v23, v0;
	v29 =	vmul.f32 v42, v29  }
0xe8: {  	v37 =	vpop (erf);
	v42 =	vbroadcast v44, $0x8;
	(erf) = vrcp.f32 v41  }
0xe9: {  	v41 =	vmul.f32 v26, v17;
	v23 =	vmul.f32 v37, v43  }
0xea: {  	[tilespmem:$0x1F9C0] =	vst v0;
	v0 =	vadd.f32 $5.000000000e-01, v36;
	v43 =	vmul.f32 v22, v11;
	v22 =	vmul.f32 v22, v12  }
0xeb: {  	v25 =	vmul.f32 v29, v25;
	v29 =	vbroadcast v50, $0x9;
	v23 =	vsel vm4, v42, v23  }
0xec: {  	v37 =	vsub.f32 v43, v33;
	v42 =	vadd.f32 v34, v4;
	v0 =	vmul.f32 v23, v0  }
0xed: {  	v30 =	vadd.f32 v34, v5;
	v26 =	vbroadcast v52, $0xB;
	v36 =	vpop (erf);
	v43 =	vmul.f32 v29, v15  }
0xee: {  	v22 =	vsub.f32 v22, v41;
	(erf) = vrcp.f32 v42;
	[tilespmem:$0x1F9E0] =	vst v0;
	v0 =	vmul.f32 v36, v35  }
0xef: {  	v23 =	vadd.f32 $5.000000000e-01, v37;
	(erf) = vrcp.f32 v30;
	v36 =	vmul.f32 v27, v9  }
0xf0: {  	v41 =	vmul.f32 v31, v18;
	v42 =	vadd.f32 $5.000000000e-01, v22;
	v27 =	vbroadcast v48, $0xA;
	v37 =	vpop (erf)  }
0xf1: {  	v43 =	vsub.f32 v28, v43;
	v0 =	vmul.f32 v0, v23;
	v33 =	vmul.f32 v37, v36  }
0xf2: {  	v35 =	vadd.f32 v34, v6;
	v36 =	vmul.f32 v24, v10;
	v37 =	vmul.f32 v29, v14;
	v28 =	vpop (erf)  }
0xf3: {  	v22 =	vadd.f32 $5.000000000e-01, v43;
	v43 =	vmul.f32 v31, v19;
	v23 =	vmul.f32 v28, v41  }
0xf4: {  	(erf) = vrcp.f32 v35;
	[tilespmem:$0x1F9F0] =	vst v0;
	v0 =	vmul.f32 v33, v42  }
0xf5: {  	v42 =	vsub.f32 v36, v37;
	v33 =	vmul.f32 v29, v2;
	v41 =	vmul.f32 v23, v22  }
0xf6: {  	v36 =	vmul.f32 v31, v1;
	v28 =	vbroadcast v52, $0xA;
	[tilespmem:$0x1FA00] =	vst v0  }
0xf7: {  	v0 =	vadd.f32 $5.000000000e-01, v42;
	v42 =	vbroadcast v44, $0x9;
	[tilespmem:$0x1FA10] =	vst v41;
	v35 =	vpop (erf);
	v41 =	vadd.f32 v34, v7  }
0xf8: {  	v22 =	vmul.f32 v35, v43;
	v37 =	vpop (erf);
	v35 =	vmul.f32 v31, v8  }
0xf9: {  	[tilespmem:$0x1F9D0] =	vst v25;
	v43 =	vadd.f32 v28, v3;
	v25 =	vmul.f32 v37, v36;
	(erf) = vrcp.f32 v41  }
0xfa: {  	v23 =	vsub.f32 v32, v33;
	v36 =	vmul.f32 v24, v11;
	v37 =	vmul.f32 v29, v16  }
0xfb: {  	vm5 =	veq.f32 v30, $0.0e+00;
	v24 =	vmul.f32 v24, v12;
	(erf) = vrcp.f32 v43  }
0xfc: {  	v23 =	vadd.f32 $5.000000000e-01, v23;
	v0 =	vmul.f32 v22, v0;
	v43 =	vmul.f32 v29, v17  }
0xfd: {  	v29 =	vbroadcast v47, $0xA;
	v34 =	vsel vm5, v42, v25;
	v42 =	vadd.f32 v28, v4  }
0xfe: {  	v22 =	vsub.f32 v36, v37;
	v25 =	vmul.f32 v31, v9;
	v36 =	vmul.f32 v27, v13  }
0xff: {  	[tilespmem:$0x1FA20] =	vst v0;
	v0 =	vmul.f32 v34, v23;
	v23 =	vbroadcast v50, $0xA  }
0x100: {  	v30 =	vadd.f32 v28, v5;
	v41 =	vpop (erf);
	v31 =	vbroadcast v47, $0xB;
	(erf) = vrcp.f32 v42  }
0x101: {  	v22 =	vadd.f32 $5.000000000e-01, v22;
	[tilespmem:$0x1FA30] =	vst v0;
	v0 =	vmul.f32 v41, v35;
	v37 =	vmul.f32 v23, v15  }
0x102: {  	v43 =	vsub.f32 v24, v43;
	v33 =	vmul.f32 v29, v19;
	(erf) = vrcp.f32 v30  }
0x103: {  	v42 =	vmul.f32 v29, v18;
	v0 =	vmul.f32 v0, v22;
	v36 =	vsub.f32 v36, v37;
	v41 =	vpop (erf)  }
0x104: {  	v37 =	vadd.f32 v28, v6;
	v22 =	vmul.f32 v41, v25;
	v35 =	vpop (erf);
	v41 =	vmul.f32 v27, v10  }
0x105: {  	[tilespmem:$0x1FA40] =	vst v0;
	v0 =	vadd.f32 $5.000000000e-01, v43;
	v24 =	vmul.f32 v35, v42;
	v42 =	vmul.f32 v23, v14  }
0x106: {  	v25 =	vadd.f32 $5.000000000e-01, v36;
	(erf) = vrcp.f32 v37;
	v36 =	vmul.f32 v27, v20  }
0x107: {  	v37 =	vmul.f32 v23, v2;
	v35 =	vadd.f32 v28, v7;
	v0 =	vmul.f32 v22, v0  }
0x108: {  	v28 =	vmul.f32 v29, v9;
	v43 =	vsub.f32 v41, v42;
	v41 =	vmul.f32 v24, v25  }
0x109: {  	v32 =	vsub.f32 v36, v37;
	v36 =	vbroadcast v44, $0xA;
	v25 =	vbroadcast v48, $0xB;
	[tilespmem:$0x1FA50] =	vst v0;
	v42 =	vpop (erf)  }
0x10a: {  	v37 =	vadd.f32 v26, v3;
	[tilespmem:$0x1FA60] =	vst v41;
	v41 =	vmul.f32 v27, v11;
	v0 =	vmul.f32 v42, v33  }
0x10b: {  	v43 =	vadd.f32 $5.000000000e-01, v43;
	v33 =	vmul.f32 v29, v1;
	v34 =	vpop (erf);
	(erf) = vrcp.f32 v35  }
0x10c: {  	(erf) = vrcp.f32 v37;
	v37 =	vmul.f32 v25, v13  }
0x10d: {  	v42 =	vadd.f32 v26, v4;
	v0 =	vmul.f32 v0, v43;
	v22 =	vmul.f32 v34, v33  }
0x10e: {  	vm6 =	veq.f32 v30, $0.0e+00;
	v43 =	vmul.f32 v29, v8;
	v33 =	vmul.f32 v23, v16  }
0x10f: {  	v23 =	vmul.f32 v23, v17;
	v34 =	vpop (erf);
	(erf) = vrcp.f32 v42;
	[tilespmem:$0x1FA70] =	vst v0;
	v0 =	vadd.f32 $5.000000000e-01, v32  }
0x110: {  	v22 =	vsel vm6, v36, v22;
	v36 =	vmul.f32 v27, v12;
	v27 =	vbroadcast v50, $0xB  }
0x111: {  	v42 =	vmul.f32 v25, v10;
	v35 =	vsub.f32 v41, v33;
	v0 =	vmul.f32 v22, v0  }
0x112: {  	v32 =	vadd.f32 v26, v5;
	v33 =	vmul.f32 v31, v1;
	v41 =	vmul.f32 v27, v15  }
0x113: {  	v22 =	vadd.f32 $5.000000000e-01, v35;
	[tilespmem:$0x1FA80] =	vst v0;
	v0 =	vmul.f32 v34, v43;
	v43 =	vmul.f32 v27, v14  }
0x114: {  	v23 =	vsub.f32 v36, v23;
	v29 =	vsub.f32 v37, v41;
	v37 =	vmul.f32 v31, v18  }
0x115: {  	v36 =	vpop (erf);
	(erf) = vrcp.f32 v32;
	v24 =	vsub.f32 v42, v43;
	v42 =	vmul.f32 v31, v19  }
0x116: {  	v23 =	vadd.f32 $5.000000000e-01, v23;
	v41 =	vpop (erf);
	v28 =	vmul.f32 v36, v28;
	v0 =	vmul.f32 v0, v22  }
0x117: {  	v29 =	vadd.f32 $5.000000000e-01, v29;
	v22 =	vbroadcast v52, $0xC;
	v30 =	vmul.f32 v41, v37  }
0x118: {  	v43 =	vpop (erf);
	v23 =	vmul.f32 v28, v23;
	v28 =	vbroadcast v48, $0xC  }
0x119: {  	v41 =	vadd.f32 v26, v6;
	v36 =	vmul.f32 v43, v42;
	v37 =	vmul.f32 v30, v29  }
0x11a: {  	v26 =	vadd.f32 v26, v7;
	v42 =	vmul.f32 v25, v20;
	v43 =	vmul.f32 v27, v2  }
0x11b: {  	v35 =	vadd.f32 $5.000000000e-01, v24;
	(erf) = vrcp.f32 v41;
	v29 =	vbroadcast v50, $0xC  }
0x11c: {  	v34 =	vadd.f32 v22, v3;
	v30 =	vbroadcast v47, $0xC;
	(erf) = vrcp.f32 v26  }
0x11d: {  	[tilespmem:$0x1FA90] =	vst v0;
	v0 =	vmul.f32 v36, v35;
	v35 =	vmul.f32 v25, v11  }
0x11e: {  	vm7 =	veq.f32 v32, $0.0e+00;
	[tilespmem:$0x1FAB0] =	vst v37;
	v37 =	vmul.f32 v27, v16;
	(erf) = vrcp.f32 v34  }
0x11f: {  	[tilespmem:$0x1FAA0] =	vst v23;
	v23 =	vsub.f32 v42, v43;
	v42 =	vbroadcast v44, $0xB;
	v25 =	vmul.f32 v25, v12  }
0x120: {  	v43 =	vadd.f32 v22, v4;
	v27 =	vmul.f32 v27, v17;
	v34 =	vmul.f32 v31, v8  }
0x121: {  	v32 =	vmul.f32 v30, v19;
	[tilespmem:$0x1FAC0] =	vst v0;
	v0 =	vadd.f32 $5.000000000e-01, v23;
	v24 =	vsub.f32 v35, v37;
	v36 =	vpop (erf)  }
0x122: {  	(erf) = vrcp.f32 v43;
	v41 =	vmul.f32 v36, v33;
	v33 =	vadd.f32 v22, v5  }
0x123: {  	v37 =	vmul.f32 v29, v15;
	v25 =	vsub.f32 v25, v27;
	v27 =	vmul.f32 v31, v9  }
0x124: {  	v43 =	vadd.f32 v22, v6;
	v36 =	vmul.f32 v28, v13;
	(erf) = vrcp.f32 v33  }
0x125: {  	v24 =	vadd.f32 $5.000000000e-01, v24;
	v23 =	vsel vm7, v42, v41;
	v42 =	vmul.f32 v30, v18;
	v35 =	vpop (erf)  }
0x126: {  	v26 =	vsub.f32 v36, v37;
	v36 =	vmul.f32 v30, v1;
	v41 =	vpop (erf);
	v34 =	vmul.f32 v35, v34  }
0x127: {  	v25 =	vadd.f32 $5.000000000e-01, v25;
	(erf) = vrcp.f32 v43;
	v27 =	vmul.f32 v41, v27;
	v35 =	vpop (erf)  }
0x128: {  	v22 =	vadd.f32 v22, v7;
	v0 =	vmul.f32 v23, v0;
	v31 =	vmul.f32 v35, v42  }
0x129: {  	v26 =	vadd.f32 $5.000000000e-01, v26;
	v37 =	vmul.f32 v34, v24;
	v41 =	vmul.f32 v27, v25  }
0x12a: {  	v43 =	vmul.f32 v28, v10;
	[tilespmem:$0x1FAD0] =	vst v0;
	v34 =	vmul.f32 v29, v14  }
0x12b: {  	(erf) = vrcp.f32 v22;
	v35 =	vpop (erf);
	[tilespmem:$0x1FAE0] =	vst v37;
	v42 =	vmul.f32 v31, v26  }
0x12c: {  	v23 =	vmul.f32 v35, v32;
	v37 =	vmul.f32 v28, v20;
	v0 =	vsub.f32 v43, v34;
	[tilespmem:$0x1FAF0] =	vst v41  }
0x12d: {  	vm8 =	veq.f32 v33, $0.0e+00;
	v43 =	vmul.f32 v28, v11;
	[tilespmem:$0x1FB00] =	vst v42;
	v42 =	vmul.f32 v29, v2;
	v41 =	vpop (erf)  }
0x12e: {  	v32 =	vbroadcast v52, $0xD;
	v0 =	vadd.f32 $5.000000000e-01, v0;
	v26 =	vmul.f32 v41, v36  }
0x12f: {  	v36 =	vmul.f32 v29, v16;
	v25 =	vsub.f32 v37, v42;
	v37 =	vmul.f32 v30, v8  }
0x130: {  	v42 =	vadd.f32 v32, v3;
	v0 =	vmul.f32 v23, v0;
	v23 =	vadd.f32 v32, v5;
	v41 =	vpop (erf)  }
0x131: {  	v24 =	vsub.f32 v43, v36;
	v27 =	vmul.f32 v41, v37;
	v43 =	vbroadcast v44, $0xC  }
0x132: {  	v36 =	vadd.f32 v32, v4;
	(erf) = vrcp.f32 v42;
	v25 =	vadd.f32 $5.000000000e-01, v25  }
0x133: {  	v42 =	vmul.f32 v28, v12;
	v28 =	vbroadcast v47, $0xD;
	v24 =	vadd.f32 $5.000000000e-01, v24  }
0x134: {  	v37 =	vsel vm8, v43, v26;
	(erf) = vrcp.f32 v36;
	v43 =	vmul.f32 v29, v17  }
0x135: {  	[tilespmem:$0x1FB10] =	vst v0;
	v0 =	vmul.f32 v37, v25;
	v25 =	vbroadcast v48, $0xD  }
0x136: {  	v35 =	vadd.f32 v32, v6;
	(erf) = vrcp.f32 v23;
	v41 =	vmul.f32 v27, v24  }
0x137: {  	v24 =	vmul.f32 v30, v9;
	v27 =	vbroadcast v50, $0xD  }
0x138: {  	(erf) = vrcp.f32 v35;
	v30 =	vadd.f32 v32, v7;
	v32 =	vmul.f32 v28, v18  }
0x139: {  	v26 =	vmul.f32 v25, v13;
	v29 =	vmul.f32 v27, v15  }
0x13a: {  	[tilespmem:$0x1FB20] =	vst v0;
	v37 =	vmul.f32 v25, v10;
	v0 =	vsub.f32 v42, v43;
	v42 =	vmul.f32 v27, v14  }
0x13b: {  	v36 =	vpop (erf);
	v43 =	vmul.f32 v28, v19;
	v33 =	vmul.f32 v25, v11;
	v26 =	vsub.f32 v26, v29  }
0x13c: {  	v24 =	vmul.f32 v36, v24;
	v0 =	vadd.f32 $5.000000000e-01, v0;
	v37 =	vsub.f32 v37, v42  }
0x13d: {  	[tilespmem:$0x1FB30] =	vst v41;
	v42 =	vmul.f32 v27, v2;
	v41 =	vpop (erf);
	(erf) = vrcp.f32 v30;
	v26 =	vadd.f32 $5.000000000e-01, v26  }
0x13e: {  	v0 =	vmul.f32 v24, v0;
	v22 =	vmul.f32 v41, v32  }
0x13f: {  	v41 =	vmul.f32 v25, v20;
	v30 =	vadd.f32 $5.000000000e-01, v37;
	v37 =	vmul.f32 v28, v8;
	v36 =	vpop (erf)  }
0x140: {  	v29 =	vmul.f32 v36, v43;
	v43 =	vmul.f32 v28, v1  }
0x141: {  	v24 =	vmul.f32 v22, v26;
	v36 =	vbroadcast v44, $0xD;
	v26 =	vpop (erf)  }
0x142: {  	[tilespmem:$0x1FB40] =	vst v0;
	v35 =	vsub.f32 v41, v42;
	v0 =	vmul.f32 v26, v43;
	v26 =	vbroadcast v52, $0xE  }
0x143: {  	v41 =	vmul.f32 v28, v9;
	v34 =	vmul.f32 v29, v30  }
0x144: {  	v22 =	vadd.f32 $5.000000000e-01, v35;
	v35 =	vmul.f32 v27, v16;
	v43 =	vadd.f32 v26, v3  }
0x145: {  	v27 =	vmul.f32 v27, v17;
	v29 =	vbroadcast v48, $0xE;
	v42 =	vpop (erf);
	v32 =	vadd.f32 v26, v4  }
0x146: {  	vm9 =	veq.f32 v23, $0.0e+00;
	v30 =	vbroadcast v47, $0xE;
	v31 =	vpop (erf);
	(erf) = vrcp.f32 v43  }
0x147: {  	[tilespmem:$0x1FB60] =	vst v34;
	v34 =	vmul.f32 v25, v12;
	v0 =	vsel vm9, v36, v0;
	(erf) = vrcp.f32 v32  }
0x148: {  	v23 =	vsub.f32 v33, v35;
	v28 =	vadd.f32 v26, v5;
	v0 =	vmul.f32 v0, v22  }
0x149: {  	[tilespmem:$0x1FB50] =	vst v24;
	v36 =	vadd.f32 v26, v6;
	v22 =	vmul.f32 v31, v41;
	v31 =	vbroadcast v50, $0xE  }
0x14a: {  	v24 =	vsub.f32 v34, v27;
	[tilespmem:$0x1FB70] =	vst v0;
	v0 =	vmul.f32 v42, v37;
	(erf) = vrcp.f32 v28  }
0x14b: {  	v23 =	vadd.f32 $5.000000000e-01, v23;
	v37 =	vmul.f32 v29, v13;
	v41 =	vmul.f32 v31, v15  }
0x14c: {  	v42 =	vmul.f32 v29, v10;
	v24 =	vadd.f32 $5.000000000e-01, v24;
	(erf) = vrcp.f32 v36  }
0x14d: {  	v35 =	vadd.f32 v26, v7;
	v43 =	vmul.f32 v31, v14;
	v36 =	vmul.f32 v30, v18  }
0x14e: {  	v0 =	vmul.f32 v0, v23;
	v22 =	vmul.f32 v22, v24;
	v25 =	vsub.f32 v37, v41  }
0x14f: {  	v37 =	vsub.f32 v42, v43;
	v42 =	vmul.f32 v30, v19;
	v41 =	vpop (erf);
	(erf) = vrcp.f32 v35  }
0x150: {  	v33 =	vadd.f32 $5.000000000e-01, v25;
	v35 =	vbroadcast v44, $0xE;
	v43 =	vmul.f32 v41, v36;
	v34 =	vpop (erf)  }
0x151: {  	[tilespmem:$0x1FB80] =	vst v0;
	v0 =	vadd.f32 $5.000000000e-01, v37;
	v36 =	vmul.f32 v30, v1;
	v24 =	vmul.f32 v34, v42  }
0x152: {  	[tilespmem:$0x1FB90] =	vst v22;
	v41 =	vmul.f32 v31, v2;
	v22 =	vmul.f32 v43, v33  }
0x153: {  	v42 =	vpop (erf);
	v43 =	vmul.f32 v30, v8;
	v0 =	vmul.f32 v24, v0  }
0x154: {  	v23 =	vmul.f32 v42, v36;
	[tilespmem:$0x1FBA0] =	vst v22;
	v22 =	vbroadcast v52, $0xF  }
0x155: {  	v34 =	vpop (erf);
	v36 =	vmul.f32 v29, v11;
	[tilespmem:$0x1FBB0] =	vst v0;
	v0 =	vmul.f32 v29, v20  }
0x156: {  	v42 =	vmul.f32 v31, v17;
	v24 =	vmul.f32 v34, v43;
	v37 =	vadd.f32 v22, v3  }
0x157: {  	v43 =	vmul.f32 v30, v9;
	v0 =	vsub.f32 v0, v41;
	v41 =	vmul.f32 v31, v16  }
0x158: {  	v52 =	vadd.f32 v22, v4;
	v31 =	vbroadcast v50, $0xF;
	(erf) = vrcp.f32 v37  }
0x159: {  	vm10 =	veq.f32 v28, $0.0e+00;
	v37 =	vmul.f32 v29, v12;
	v29 =	vbroadcast v48, $0xF  }
0x15a: {  	v30 =	vbroadcast v47, $0xF;
	v27 =	vadd.f32 v22, v5;
	(erf) = vrcp.f32 v52  }
0x15b: {  	v0 =	vadd.f32 $5.000000000e-01, v0;
	v50 =	vmul.f32 v31, v15;
	v48 =	vmul.f32 v29, v13  }
0x15c: {  	v23 =	vsel vm10, v35, v23;
	(erf) = vrcp.f32 v27  }
0x15d: {  	v32 =	vmul.f32 v30, v18;
	v47 =	vpop (erf);
	v0 =	vmul.f32 v23, v0;
	v52 =	vsub.f32 v48, v50  }
0x15e: {  	v35 =	vadd.f32 v22, v6;
	v26 =	vsub.f32 v36, v41;
	v28 =	vmul.f32 v47, v43  }
0x15f: {  	v36 =	vmul.f32 v30, v19;
	v41 =	vmul.f32 v30, v1;
	[tilespmem:$0x1FBC0] =	vst v0;
	v0 =	vadd.f32 $5.000000000e-01, v52;
	v52 =	vld [tilespmem:s15+$0x210]  }
0x160: {  	v43 =	vbroadcast v44, $0xF;
	v47 =	vmul.f32 v31, v14;
	v25 =	vsub.f32 v37, v42  }
0x161: {  	v44 =	vmul.f32 v29, v10;
	v26 =	vadd.f32 $5.000000000e-01, v26;
	v48 =	vmul.f32 v29, v20;
	v34 =	vpop (erf)  }
0x162: {  	v22 =	vadd.f32 v22, v7;
	v50 =	vmul.f32 v31, v2;
	v23 =	vmul.f32 v34, v32  }
0x163: {  	v25 =	vadd.f32 $5.000000000e-01, v25;
	v24 =	vmul.f32 v24, v26;
	v37 =	vpop (erf);
	(erf) = vrcp.f32 v35  }
0x164: {  	v34 =	vbroadcast v52, $0x0;
	v0 =	vmul.f32 v23, v0  }
0x165: {  	v33 =	vmul.f32 v28, v25;
	v25 =	vsub.f32 v44, v47;
	[tilespmem:$0x1FBD0] =	vst v24;
	v42 =	vpop (erf);
	(erf) = vrcp.f32 v22  }
0x166: {  	v47 =	vld [tilespmem:s15+$0x110];
	v23 =	vmul.f32 v37, v36;
	[tilespmem:$0x1FBF0] =	vst v0;
	v0 =	vmul.f32 v42, v41;
	v42 =	vadd.f32 v34, v3  }
0x167: {  	[tilespmem:$0x1FBE0] =	vst v33;
	v25 =	vadd.f32 $5.000000000e-01, v25;
	v36 =	vmul.f32 v29, v11;
	v37 =	vmul.f32 v31, v16  }
0x168: {  	vm11 =	veq.f32 v27, $0.0e+00;
	v28 =	vsub.f32 v48, v50;
	(erf) = vrcp.f32 v42  }
0x169: {  	v44 =	vadd.f32 v34, v4;
	v41 =	vsub.f32 v36, v37;
	v23 =	vmul.f32 v23, v25;
	v48 =	vld [tilespmem:s15+$0x190]  }
0x16a: {  	v36 =	vmul.f32 v29, v12;
	v37 =	vmul.f32 v31, v17;
	v50 =	vld [tilespmem:s15+$0x90];
	(v2sf) =	vpush v21, $0x3  }
0x16b: {  	v32 =	vadd.f32 $5.000000000e-01, v28;
	v25 =	vbroadcast v47, $0x0;
	(erf) = vrcp.f32 v44  }
0x16c: {  	v0 =	vsel vm11, v43, v0;
	v43 =	vmul.f32 v30, v8;
	[tilespmem:$0x1FC00] =	vst v23;
	v23 =	vmul.f32 v30, v9  }
0x16d: {  	v28 =	vmul.f32 v25, v13;
	v0 =	vmul.f32 v0, v32;
	v33 =	vpop (erf)  }
0x16e: {  	v24 =	vadd.f32 $5.000000000e-01, v41;
	v22 =	vmul.f32 v33, v43;
	v26 =	vbroadcast v48, $0x0  }
0x16f: {  	(v2sf) =	vpush v21, $0x4;
	v41 =	vpop (erf);
	v43 =	vmul.f32 v25, v10;
	v27 =	vbroadcast v50, $0x0  }
0x170: {  	[tilespmem:$0x1FC10] =	vst v0;
	v0 =	vsub.f32 v36, v37;
	v23 =	vmul.f32 v41, v23;
	v29 =	vmul.f32 v26, v15  }
0x171: {  	(v2sf) =	vpush v21, $0x5;
	v42 =	vmul.f32 v27, v18;
	v36 =	vmul.f32 v26, v14  }
0x172: {  	v0 =	vadd.f32 $5.000000000e-01, v0;
	v35 =	vmul.f32 v22, v24;
	v44 =	vpop (erf);
	v28 =	vsub.f32 v28, v29  }
0x173: {  	v37 =	vmul.f32 v27, v19;
	v22 =	vmul.f32 v44, v42;
	v42 =	vsub.f32 v43, v36  }
0x174: {  	v24 =	vadd.f32 v34, v5;
	v41 =	vpop (erf);
	v28 =	vadd.f32 $5.000000000e-01, v28  }
0x175: {  	v0 =	vmul.f32 v23, v0;
	v29 =	vmul.f32 v41, v37;
	v30 =	vadd.f32 $5.000000000e-01, v42  }
0x176: {  	[tilespmem:$0x1FC20] =	vst v35;
	v43 =	vadd.f32 v34, v6;
	v23 =	vmul.f32 v22, v28  }
0x177: {  	(erf) = vrcp.f32 v24;
	[tilespmem:$0x1FC30] =	vst v0;
	v44 =	vadd.f32 v34, v7;
	v33 =	vmul.f32 v29, v30  }
0x178: {  	(erf) = vrcp.f32 v43;
	[tilespmem:$0x1FC40] =	vst v23  }
0x179: {  	(v2sf) =	vpush v21, $0x6;
	(erf) = vrcp.f32 v44;
	v44 =	vld [tilespmem:s15+$0x10];
	[tilespmem:$0x1FC50] =	vst v33;
	s17 =	spop (v2sf)  }
0x17a: {  	[tilespmem:s17+$0x6200] =	vst.add.f32.msk $0xffff, v39  }
0x17b: {  	[tilespmem:s17+$0x6210] =	vst.add.f32.msk $0xffff, v38  }
0x17c: {  	[tilespmem:s17+$0x6220] =	vst.add.f32.msk $0xffff, v45  }
0x17d: {  	v32 =	vbroadcast v52, $0x1;
	[tilespmem:s17+$0x6230] =	vst.add.f32.msk $0xffff, v40  }
0x17e: {  	v31 =	vbroadcast v47, $0x1;
	[tilespmem:s17+$0x6240] =	vst.add.f32.msk $0xffff, v46;
	s18 =	spop (v2sf)  }
0x17f: {  	v35 =	vadd.f32 v32, v4;
	v36 =	vmul.f32 v25, v20;
	v37 =	vmul.f32 v26, v2;
	[tilespmem:s18+$0x6200] =	vst.add.f32.msk $0xffff, v49  }
0x180: {  	v34 =	vmul.f32 v27, v1;
	v42 =	vmul.f32 v25, v11;
	v28 =	vadd.f32 v32, v3;
	[tilespmem:s18+$0x6210] =	vst.add.f32.msk $0xffff, v51  }
0x181: {  	v25 =	vmul.f32 v25, v12;
	v22 =	vsub.f32 v36, v37;
	v37 =	vmul.f32 v27, v9;
	[tilespmem:s18+$0x6220] =	vst.add.f32.msk $0xffff, v53  }
0x182: {  	(erf) = vrcp.f32 v28;
	v33 =	vmul.f32 v26, v16;
	[tilespmem:s18+$0x6230] =	vst.add.f32.msk $0xffff, v55  }
0x183: {  	v28 =	vbroadcast v48, $0x1;
	(erf) = vrcp.f32 v35;
	[tilespmem:s18+$0x6240] =	vst.add.f32.msk $0xffff, v54;
	s19 =	spop (v2sf)  }
0x184: {  	v30 =	vadd.f32 v32, v5;
	v41 =	vpop (erf);
	v35 =	vmul.f32 v27, v8;
	v27 =	vbroadcast v50, $0x2;
	[tilespmem:s19+$0x6200] =	vst.add.f32.msk $0xffff, v56  }
0x185: {  	vm12 =	veq.f32 v24, $0.0e+00;
	v0 =	vmul.f32 v41, v34;
	v43 =	vbroadcast v44, $0x0;
	[tilespmem:s19+$0x6210] =	vst.add.f32.msk $0xffff, v57  }
0x186: {  	v22 =	vadd.f32 $5.000000000e-01, v22;
	v34 =	vmul.f32 v26, v17;
	(erf) = vrcp.f32 v30;
	[tilespmem:s19+$0x6220] =	vst.add.f32.msk $0xffff, v58  }
0x187: {  	v23 =	vsub.f32 v42, v33;
	v41 =	vmul.f32 v31, v13;
	[tilespmem:s19+$0x6230] =	vst.add.f32.msk $0xffff, v59;
	v0 =	vsel vm12, v43, v0  }
0x188: {  	[tilespmem:s19+$0x6240] =	vst.add.f32.msk $0xffff, v61;
	s20 =	spop (v2sf);
	v24 =	vsub.f32 v25, v34;
	v43 =	vmul.f32 v28, v15;
	v34 =	vbroadcast v50, $0x1  }
0x189: {  	v23 =	vadd.f32 $5.000000000e-01, v23;
	[tilespmem:s20+$0x6200] =	vst.add.f32.msk $0xffff, v60;
	v60 =	vbroadcast v44, $0x9;
	v36 =	vpop (erf);
	v0 =	vmul.f32 v0, v22  }
0x18a: {  	v26 =	vmul.f32 v36, v35;
	v42 =	vpop (erf);
	v33 =	vsub.f32 v41, v43;
	v35 =	vmul.f32 v34, v18  }
0x18b: {  	v41 =	vadd.f32 v32, v6;
	v29 =	vmul.f32 v34, v1;
	v25 =	vmul.f32 v42, v37  }
0x18c: {  	v24 =	vadd.f32 $5.000000000e-01, v24;
	v42 =	vmul.f32 v34, v19;
	v23 =	vmul.f32 v26, v23  }
0x18d: {  	(erf) = vrcp.f32 v41;
	v41 =	vmul.f32 v28, v2;
	v37 =	vpop (erf)  }
0x18e: {  	[tilespmem:$0x1FC60] =	vst v0;
	v0 =	vadd.f32 $5.000000000e-01, v33;
	v36 =	vmul.f32 v25, v24;
	v22 =	vmul.f32 v37, v35  }
0x18f: {  	v35 =	vmul.f32 v31, v10;
	v37 =	vmul.f32 v31, v20  }
0x190: {  	v43 =	vpop (erf);
	[tilespmem:$0x1FC80] =	vst v36;
	v36 =	vmul.f32 v28, v14;
	v0 =	vmul.f32 v22, v0  }
0x191: {  	v22 =	vmul.f32 v43, v42;
	v42 =	vbroadcast v44, $0x1  }
0x192: {  	[tilespmem:$0x1FC70] =	vst v23;
	v33 =	vpop (erf);
	v43 =	vmul.f32 v31, v11;
	v25 =	vsub.f32 v37, v41;
	v37 =	vadd.f32 v32, v7  }
0x193: {  	v23 =	vsub.f32 v35, v36;
	v36 =	vmul.f32 v28, v16;
	[tilespmem:$0x1FC90] =	vst v0;
	v0 =	vmul.f32 v33, v29  }
0x194: {  	vm13 =	veq.f32 v30, $0.0e+00;
	v33 =	vbroadcast v52, $0x2;
	(erf) = vrcp.f32 v37  }
0x195: {  	v25 =	vadd.f32 $5.000000000e-01, v25;
	v37 =	vmul.f32 v28, v17;
	v24 =	vsub.f32 v43, v36  }
0x196: {  	v23 =	vadd.f32 $5.000000000e-01, v23;
	v36 =	vmul.f32 v31, v12;
	v41 =	vadd.f32 v33, v3  }
0x197: {  	v31 =	vmul.f32 v27, v18;
	v0 =	vsel vm13, v42, v0;
	v42 =	vmul.f32 v34, v8  }
0x198: {  	v43 =	vadd.f32 v33, v4;
	v22 =	vmul.f32 v22, v23;
	(erf) = vrcp.f32 v41  }
0x199: {  	v32 =	vpop (erf);
	v0 =	vmul.f32 v0, v25;
	v25 =	vbroadcast v48, $0x2  }
0x19a: {  	v24 =	vadd.f32 $5.000000000e-01, v24;
	v26 =	vmul.f32 v32, v42;
	(erf) = vrcp.f32 v43  }
0x19b: {  	[tilespmem:$0x1FCB0] =	vst v0;
	v0 =	vadd.f32 v33, v5;
	v29 =	vmul.f32 v25, v15;
	v42 =	vmul.f32 v25, v14  }
0x19c: {  	[tilespmem:$0x1FCA0] =	vst v22;
	v22 =	vsub.f32 v36, v37;
	v35 =	vmul.f32 v26, v24;
	v26 =	vmul.f32 v34, v9  }
0x19d: {  	v24 =	vbroadcast v47, $0x2;
	(erf) = vrcp.f32 v0;
	v30 =	vpop (erf)  }
0x19e: {  	v43 =	vmul.f32 v27, v19;
	v22 =	vadd.f32 $5.000000000e-01, v22;
	v26 =	vmul.f32 v30, v26  }
0x19f: {  	v34 =	vadd.f32 v33, v6;
	v28 =	vmul.f32 v24, v13;
	v32 =	vmul.f32 v24, v10  }
0x1a0: {  	[tilespmem:$0x1FCC0] =	vst v35;
	v35 =	vmul.f32 v27, v8;
	v22 =	vmul.f32 v26, v22  }
0x1a1: {  	v28 =	vsub.f32 v28, v29;
	v26 =	vbroadcast v47, $0x3;
	v41 =	vpop (erf);
	(erf) = vrcp.f32 v34  }
0x1a2: {  	v34 =	vadd.f32 v33, v7;
	v33 =	vbroadcast v50, $0x3;
	v23 =	vmul.f32 v41, v31  }
0x1a3: {  	v37 =	vpop (erf);
	v41 =	vsub.f32 v32, v42;
	v31 =	vmul.f32 v24, v20;
	v42 =	vmul.f32 v25, v2  }
0x1a4: {  	v28 =	vadd.f32 $5.000000000e-01, v28;
	v29 =	vmul.f32 v37, v43;
	v43 =	vmul.f32 v27, v1  }
0x1a5: {  	(erf) = vrcp.f32 v34;
	v27 =	vmul.f32 v27, v9  }
0x1a6: {  	v30 =	vadd.f32 $5.000000000e-01, v41;
	v36 =	vmul.f32 v23, v28;
	v37 =	vpop (erf);
	v28 =	vbroadcast v52, $0x3  }
0x1a7: {  	[tilespmem:$0x1FCD0] =	vst v22;
	v42 =	vsub.f32 v31, v42;
	v23 =	vmul.f32 v24, v12;
	v22 =	vmul.f32 v37, v43  }
0x1a8: {  	vm14 =	veq.f32 v0, $0.0e+00;
	v43 =	vbroadcast v44, $0x2;
	v41 =	vmul.f32 v29, v30  }
0x1a9: {  	[tilespmem:$0x1FCE0] =	vst v36;
	v32 =	vadd.f32 $5.000000000e-01, v42;
	v36 =	vadd.f32 v28, v3;
	v42 =	vmul.f32 v24, v11  }
0x1aa: {  	v30 =	vbroadcast v48, $0x3;
	v22 =	vsel vm14, v43, v22;
	v43 =	vmul.f32 v25, v16  }
0x1ab: {  	v25 =	vmul.f32 v25, v17;
	[tilespmem:$0x1FCF0] =	vst v41;
	v41 =	vadd.f32 v28, v4;
	(erf) = vrcp.f32 v36  }
0x1ac: {  	v29 =	vadd.f32 v28, v5;
	v0 =	vmul.f32 v22, v32;
	v36 =	vmul.f32 v26, v13  }
0x1ad: {  	v22 =	vsub.f32 v42, v43;
	v42 =	vmul.f32 v30, v14;
	v37 =	vpop (erf);
	(erf) = vrcp.f32 v41  }
0x1ae: {  	vm15 =	veq.f32 v29, $0.0e+00;
	[tilespmem:$0x1FD00] =	vst v0;
	v41 =	vmul.f32 v26, v10;
	v0 =	vmul.f32 v37, v35  }
0x1af: {  	v23 =	vsub.f32 v23, v25;
	(erf) = vrcp.f32 v29;
	v37 =	vmul.f32 v30, v15  }
0x1b0: {  	v22 =	vadd.f32 $5.000000000e-01, v22;
	v29 =	vbroadcast v50, $0x4;
	v24 =	vsub.f32 v41, v42  }
0x1b1: {  	v42 =	vadd.f32 v28, v6;
	v43 =	vsub.f32 v36, v37;
	v36 =	vpop (erf);
	v37 =	vmul.f32 v33, v18  }
0x1b2: {  	v23 =	vadd.f32 $5.000000000e-01, v23;
	v0 =	vmul.f32 v0, v22;
	v27 =	vmul.f32 v36, v27  }
0x1b3: {  	(erf) = vrcp.f32 v42;
	v42 =	vmul.f32 v33, v1  }
0x1b4: {  	v25 =	vadd.f32 $5.000000000e-01, v43;
	v43 =	vmul.f32 v33, v19;
	v27 =	vmul.f32 v27, v23;
	v41 =	vpop (erf)  }
0x1b5: {  	v31 =	vmul.f32 v41, v37;
	v37 =	vmul.f32 v26, v20  }
0x1b6: {  	[tilespmem:$0x1FD20] =	vst v27;
	v41 =	vmul.f32 v30, v2;
	v27 =	vbroadcast v52, $0x4;
	v34 =	vpop (erf)  }
0x1b7: {  	v36 =	vadd.f32 $5.000000000e-01, v24;
	[tilespmem:$0x1FD10] =	vst v0;
	v35 =	vmul.f32 v31, v25;
	v0 =	vmul.f32 v34, v43  }
0x1b8: {  	v43 =	vsub.f32 v37, v41;
	v34 =	vmul.f32 v26, v11;
	v37 =	vbroadcast v44, $0x3  }
0x1b9: {  	v41 =	vmul.f32 v33, v8;
	v0 =	vmul.f32 v0, v36  }
0x1ba: {  	v32 =	vpop (erf);
	v25 =	vbroadcast v48, $0x4;
	[tilespmem:$0x1FD30] =	vst v35;
	v35 =	vmul.f32 v30, v16;
	v36 =	vadd.f32 v28, v7  }
0x1bb: {  	v22 =	vadd.f32 $5.000000000e-01, v43;
	[tilespmem:$0x1FD40] =	vst v0;
	v0 =	vmul.f32 v32, v42;
	v42 =	vadd.f32 v27, v3  }
0x1bc: {  	v24 =	vsub.f32 v34, v35;
	(erf) = vrcp.f32 v36;
	v43 =	vpop (erf);
	v32 =	vadd.f32 v27, v4  }
0x1bd: {  	v23 =	vmul.f32 v43, v41;
	v0 =	vsel vm15, v37, v0;
	(erf) = vrcp.f32 v42  }
0x1be: {  	v24 =	vadd.f32 $5.000000000e-01, v24;
	v0 =	vmul.f32 v0, v22;
	(erf) = vrcp.f32 v32  }
0x1bf: {  	v35 =	vmul.f32 v26, v12;
	v36 =	vmul.f32 v30, v17  }
0x1c0: {  	v34 =	vmul.f32 v23, v24;
	v23 =	vbroadcast v47, $0x4;
	[tilespmem:$0x1FD50] =	vst v0;
	v0 =	vadd.f32 v27, v5  }
0x1c1: {  	v26 =	vmul.f32 v33, v9;
	v33 =	vmul.f32 v25, v2  }
0x1c2: {  	v22 =	vsub.f32 v35, v36;
	v42 =	vmul.f32 v23, v10;
	(erf) = vrcp.f32 v0  }
0x1c3: {  	v37 =	vmul.f32 v25, v15;
	v36 =	vadd.f32 v27, v6;
	v28 =	vmul.f32 v23, v13  }
0x1c4: {  	v43 =	vmul.f32 v25, v14;
	v22 =	vadd.f32 $5.000000000e-01, v22;
	[tilespmem:$0x1FD60] =	vst v34;
	v34 =	vbroadcast v44, $0x4  }
0x1c5: {  	v24 =	vsub.f32 v28, v37;
	v37 =	vmul.f32 v29, v18;
	v41 =	vpop (erf);
	(erf) = vrcp.f32 v36  }
0x1c6: {  	v26 =	vmul.f32 v41, v26;
	v41 =	vsub.f32 v42, v43;
	v43 =	vmul.f32 v29, v19;
	v42 =	vpop (erf)  }
0x1c7: {  	v36 =	vmul.f32 v29, v1;
	v24 =	vadd.f32 $5.000000000e-01, v24;
	v28 =	vmul.f32 v42, v37;
	v35 =	vpop (erf)  }
0x1c8: {  	v30 =	vadd.f32 $5.000000000e-01, v41;
	v22 =	vmul.f32 v26, v22;
	v31 =	vmul.f32 v35, v43  }
0x1c9: {  	v43 =	vmul.f32 v23, v20;
	v37 =	vmul.f32 v28, v24  }
0x1ca: {  	vm4 =	veq.f32 v0, $0.0e+00;
	v42 =	vmul.f32 v31, v30;
	v31 =	vbroadcast v52, $0x5  }
0x1cb: {  	v35 =	vmul.f32 v23, v11;
	v24 =	vsub.f32 v43, v33;
	[tilespmem:$0x1FD80] =	vst v37;
	v41 =	vpop (erf);
	v37 =	vadd.f32 v27, v7  }
0x1cc: {  	[tilespmem:$0x1FD70] =	vst v22;
	v22 =	vmul.f32 v41, v36;
	v36 =	vmul.f32 v25, v16;
	v43 =	vadd.f32 v31, v3  }
0x1cd: {  	v41 =	vmul.f32 v29, v8;
	v33 =	vadd.f32 v31, v4;
	(erf) = vrcp.f32 v37  }
0x1ce: {  	v24 =	vadd.f32 $5.000000000e-01, v24;
	v28 =	vadd.f32 v31, v5;
	(erf) = vrcp.f32 v43  }
0x1cf: {  	[tilespmem:$0x1FD90] =	vst v42;
	v26 =	vsub.f32 v35, v36;
	v42 =	vpop (erf);
	v36 =	vmul.f32 v25, v17;
	v25 =	vmul.f32 v29, v9  }
0x1d0: {  	v22 =	vsel vm4, v34, v22;
	v29 =	vbroadcast v50, $0x5;
	v27 =	vmul.f32 v42, v41  }
0x1d1: {  	v35 =	vadd.f32 v31, v6;
	(erf) = vrcp.f32 v33;
	v22 =	vmul.f32 v22, v24  }
0x1d2: {  	v24 =	vbroadcast v48, $0x5;
	v34 =	vadd.f32 $5.000000000e-01, v26;
	(erf) = vrcp.f32 v28  }
0x1d3: {  	[tilespmem:$0x1FDA0] =	vst v22;
	(erf) = vrcp.f32 v35;
	v22 =	vbroadcast v47, $0x5  }
0x1d4: {  	v41 =	vmul.f32 v24, v15;
	v0 =	vmul.f32 v27, v34  }
0x1d5: {  	v37 =	vmul.f32 v22, v13;
	v42 =	vmul.f32 v22, v10  }
0x1d6: {  	v43 =	vmul.f32 v24, v14;
	[tilespmem:$0x1FDB0] =	vst v0;
	v0 =	vmul.f32 v23, v12  }
0x1d7: {  	v32 =	vbroadcast v52, $0x6;
	v33 =	vmul.f32 v29, v8;
	v23 =	vsub.f32 v37, v41  }
0x1d8: {  	v37 =	vmul.f32 v29, v18;
	v41 =	vsub.f32 v42, v43;
	v0 =	vsub.f32 v0, v36;
	v36 =	vpop (erf)  }
0x1d9: {  	v43 =	vmul.f32 v29, v19;
	v25 =	vmul.f32 v36, v25;
	v42 =	vpop (erf)  }
0x1da: {  	v26 =	vadd.f32 $5.000000000e-01, v41;
	v41 =	vadd.f32 v31, v7;
	v27 =	vmul.f32 v42, v37;
	v36 =	vpop (erf)  }
0x1db: {  	v23 =	vadd.f32 $5.000000000e-01, v23;
	v30 =	vmul.f32 v36, v43;
	v43 =	vmul.f32 v29, v1  }
0x1dc: {  	v0 =	vadd.f32 $5.000000000e-01, v0;
	(erf) = vrcp.f32 v41;
	v36 =	vmul.f32 v22, v20  }
0x1dd: {  	v31 =	vpop (erf);
	v41 =	vmul.f32 v22, v11;
	v22 =	vmul.f32 v22, v12  }
0x1de: {  	v0 =	vmul.f32 v25, v0;
	v37 =	vmul.f32 v27, v23;
	v35 =	vpop (erf)  }
0x1df: {  	v42 =	vmul.f32 v30, v26;
	v23 =	vmul.f32 v35, v33  }
0x1e0: {  	v35 =	vbroadcast v50, $0x6;
	[tilespmem:$0x1FDC0] =	vst v0;
	v0 =	vmul.f32 v31, v43  }
0x1e1: {  	v30 =	vadd.f32 v32, v3;
	[tilespmem:$0x1FDD0] =	vst v37;
	v37 =	vmul.f32 v24, v2;
	v43 =	vmul.f32 v24, v16  }
0x1e2: {  	v31 =	vbroadcast v48, $0x6;
	v24 =	vmul.f32 v24, v17  }
0x1e3: {  	v34 =	vadd.f32 v32, v4;
	[tilespmem:$0x1FDE0] =	vst v42;
	(erf) = vrcp.f32 v30;
	v42 =	vbroadcast v44, $0x5  }
0x1e4: {  	vm5 =	veq.f32 v28, $0.0e+00;
	v30 =	vbroadcast v47, $0x6;
	v33 =	vmul.f32 v35, v18  }
0x1e5: {  	(erf) = vrcp.f32 v34;
	v25 =	vsub.f32 v36, v37;
	v27 =	vsub.f32 v41, v43  }
0x1e6: {  	v34 =	vadd.f32 v32, v5;
	v37 =	vmul.f32 v31, v15;
	v41 =	vmul.f32 v29, v9  }
0x1e7: {  	v36 =	vmul.f32 v30, v13;
	v25 =	vadd.f32 $5.000000000e-01, v25;
	v27 =	vadd.f32 $5.000000000e-01, v27  }
0x1e8: {  	v22 =	vsub.f32 v22, v24;
	v0 =	vsel vm5, v42, v0;
	(erf) = vrcp.f32 v34  }
0x1e9: {  	v42 =	vsub.f32 v36, v37;
	v43 =	vpop (erf);
	v0 =	vmul.f32 v0, v25;
	v37 =	vmul.f32 v23, v27  }
0x1ea: {  	v22 =	vadd.f32 $5.000000000e-01, v22;
	v27 =	vbroadcast v48, $0x7;
	v26 =	vmul.f32 v43, v41  }
0x1eb: {  	vm6 =	veq.f32 v34, $0.0e+00;
	v43 =	vmul.f32 v31, v14;
	[tilespmem:$0x1FDF0] =	vst v0;
	v0 =	vmul.f32 v30, v10  }
0x1ec: {  	v34 =	vadd.f32 v32, v7;
	v41 =	vmul.f32 v26, v22;
	v26 =	vbroadcast v52, $0x7;
	v36 =	vpop (erf)  }
0x1ed: {  	v24 =	vadd.f32 $5.000000000e-01, v42;
	[tilespmem:$0x1FE00] =	vst v37;
	v28 =	vmul.f32 v36, v33;
	v33 =	vmul.f32 v35, v19  }
0x1ee: {  	v0 =	vsub.f32 v0, v43;
	[tilespmem:$0x1FE10] =	vst v41;
	v36 =	vmul.f32 v30, v20;
	v37 =	vpop (erf);
	v41 =	vmul.f32 v31, v2  }
0x1ef: {  	v42 =	vmul.f32 v28, v24;
	v43 =	vmul.f32 v37, v33;
	v33 =	vadd.f32 v32, v6  }
0x1f0: {  	v0 =	vadd.f32 $5.000000000e-01, v0;
	v24 =	vsub.f32 v36, v41;
	v36 =	vbroadcast v44, $0x6  }
0x1f1: {  	v37 =	vadd.f32 v26, v3;
	[tilespmem:$0x1FE20] =	vst v42;
	v42 =	vmul.f32 v35, v1;
	(erf) = vrcp.f32 v33  }
0x1f2: {  	v0 =	vmul.f32 v43, v0;
	(erf) = vrcp.f32 v34  }
0x1f3: {  	v29 =	vpop (erf);
	v43 =	vmul.f32 v30, v11;
	(erf) = vrcp.f32 v37  }
0x1f4: {  	v41 =	vadd.f32 v26, v4;
	v33 =	vmul.f32 v30, v12;
	v23 =	vmul.f32 v29, v42  }
0x1f5: {  	v24 =	vadd.f32 $5.000000000e-01, v24;
	v34 =	vmul.f32 v31, v16;
	v37 =	vmul.f32 v35, v8  }
0x1f6: {  	(erf) = vrcp.f32 v41;
	v42 =	vsel vm6, v36, v23;
	v36 =	vmul.f32 v31, v17  }
0x1f7: {  	v30 =	vadd.f32 v26, v5;
	[tilespmem:$0x1FE30] =	vst v0;
	v0 =	vmul.f32 v42, v24;
	v24 =	vbroadcast v47, $0x7  }
0x1f8: {  	v31 =	vbroadcast v50, $0x7;
	v42 =	vmul.f32 v27, v15  }
0x1f9: {  	(erf) = vrcp.f32 v30;
	v41 =	vmul.f32 v24, v13  }
0x1fa: {  	v22 =	vsub.f32 v33, v36;
	[tilespmem:$0x1FE40] =	vst v0;
	v0 =	vsub.f32 v43, v34;
	v43 =	vmul.f32 v35, v9;
	v36 =	vpop (erf)  }
0x1fb: {  	v23 =	vsub.f32 v41, v42;
	v41 =	vmul.f32 v31, v18;
	v28 =	vmul.f32 v36, v37;
	v37 =	vpop (erf)  }
0x1fc: {  	v33 =	vmul.f32 v24, v11;
	v34 =	vmul.f32 v24, v12;
	v0 =	vadd.f32 $5.000000000e-01, v0;
	v42 =	vpop (erf)  }
0x1fd: {  	v22 =	vadd.f32 $5.000000000e-01, v22;
	v25 =	vmul.f32 v37, v43;
	v29 =	vmul.f32 v42, v41  }
0x1fe: {  	v43 =	vadd.f32 v26, v6;
	v0 =	vmul.f32 v28, v0;
	v41 =	vmul.f32 v24, v20  }
0x1ff: {  	v28 =	vbroadcast v48, $0x8;
	v35 =	vmul.f32 v25, v22  }
0x200: {  	v23 =	vadd.f32 $5.000000000e-01, v23;
	(erf) = vrcp.f32 v43;
	v22 =	vmul.f32 v27, v14  }
0x201: {  	v37 =	vadd.f32 v26, v7;
	v25 =	vmul.f32 v31, v19;
	v43 =	vmul.f32 v27, v2  }
0x202: {  	[tilespmem:$0x1FE50] =	vst v0;
	v36 =	vmul.f32 v29, v23;
	v0 =	vmul.f32 v24, v10  }
0x203: {  	v42 =	vpop (erf);
	(erf) = vrcp.f32 v37;
	v23 =	vbroadcast v52, $0x8  }
0x204: {  	vm7 =	veq.f32 v30, $0.0e+00;
	v29 =	vbroadcast v50, $0x8;
	v25 =	vmul.f32 v42, v25  }
0x205: {  	[tilespmem:$0x1FE70] =	vst v36;
	v36 =	vmul.f32 v31, v1;
	v0 =	vsub.f32 v0, v22;
	v42 =	vadd.f32 v23, v3  }
0x206: {  	v24 =	vmul.f32 v28, v14;
	v37 =	vpop (erf);
	v26 =	vsub.f32 v41, v43;
	v41 =	vbroadcast v44, $0x7  }
0x207: {  	v22 =	vmul.f32 v37, v36;
	v0 =	vadd.f32 $5.000000000e-01, v0;
	(erf) = vrcp.f32 v42  }
0x208: {  	v43 =	vadd.f32 v23, v4;
	v36 =	vmul.f32 v27, v16;
	v37 =	vmul.f32 v31, v8  }
0x209: {  	v26 =	vadd.f32 $5.000000000e-01, v26;
	v27 =	vmul.f32 v27, v17;
	v0 =	vmul.f32 v25, v0  }
0x20a: {  	(erf) = vrcp.f32 v43;
	v32 =	vsel vm7, v41, v22;
	v41 =	vmul.f32 v31, v9  }
0x20b: {  	v22 =	vsub.f32 v34, v27;
	[tilespmem:$0x1FE80] =	vst v0;
	v0 =	vmul.f32 v32, v26;
	v26 =	vadd.f32 v23, v5  }
0x20c: {  	v27 =	vbroadcast v47, $0x8;
	v31 =	vmul.f32 v28, v15  }
0x20d: {  	v42 =	vpop (erf);
	v22 =	vadd.f32 $5.000000000e-01, v22;
	[tilespmem:$0x1FE90] =	vst v0;
	v0 =	vsub.f32 v33, v36;
	(erf) = vrcp.f32 v26  }
0x20e: {  	[tilespmem:$0x1FE60] =	vst v35;
	v30 =	vmul.f32 v27, v13;
	v43 =	vmul.f32 v42, v37;
	v35 =	vpop (erf);
	v37 =	vadd.f32 v23, v6  }
0x20f: {  	v32 =	vmul.f32 v29, v8;
	v25 =	vmul.f32 v35, v41;
	v0 =	vadd.f32 $5.000000000e-01, v0  }
0x210: {  	(v2sf) =	vpush v21, $0x7;
	v36 =	vmul.f32 v29, v18;
	v34 =	vpop (erf);
	(erf) = vrcp.f32 v37  }
0x211: {  	v42 =	vmul.f32 v43, v0;
	v43 =	vmul.f32 v25, v22;
	v25 =	vadd.f32 v23, v7  }
0x212: {  	v35 =	vsub.f32 v30, v31;
	v30 =	vmul.f32 v29, v1;
	v31 =	vmul.f32 v27, v20  }
0x213: {  	vm8 =	veq.f32 v26, $0.0e+00;
	v26 =	vmul.f32 v27, v12;
	v22 =	vmul.f32 v34, v36  }
0x214: {  	v0 =	vmul.f32 v27, v10;
	v23 =	vadd.f32 $5.000000000e-01, v35;
	v36 =	vmul.f32 v28, v2  }
0x215: {  	v35 =	vbroadcast v44, $0x8;
	(erf) = vrcp.f32 v25;
	v25 =	vpop (erf)  }
0x216: {  	v41 =	vmul.f32 v22, v23;
	v23 =	vsub.f32 v31, v36;
	v36 =	vmul.f32 v29, v19;
	v37 =	vpop (erf)  }
0x217: {  	v0 =	vsub.f32 v0, v24;
	v31 =	vbroadcast v52, $0x9;
	v34 =	vmul.f32 v37, v30  }
0x218: {  	v30 =	vmul.f32 v27, v11;
	v37 =	vmul.f32 v28, v16  }
0x219: {  	v29 =	vmul.f32 v29, v9;
	v0 =	vadd.f32 $5.000000000e-01, v0;
	v23 =	vadd.f32 $5.000000000e-01, v23  }
0x21a: {  	v25 =	vmul.f32 v25, v36;
	v24 =	vsub.f32 v30, v37;
	v36 =	vpop (erf);
	v37 =	vadd.f32 v31, v3  }
0x21b: {  	v28 =	vmul.f32 v28, v17;
	v22 =	vsel vm8, v35, v34;
	v27 =	vmul.f32 v36, v32  }
0x21c: {  	v59 =	vld [tilespmem:$0x1F950];
	v39 =	vadd.f32 v31, v4;
	v38 =	vmul.f32 v22, v23;
	(erf) = vrcp.f32 v37  }
0x21d: {  	v61 =	vld [tilespmem:$0x1F960];
	v22 =	vbroadcast v47, $0x9;
	v37 =	vmul.f32 v25, v0;
	v0 =	vadd.f32 v31, v5  }
0x21e: {  	[tilespmem:s20+$0x6220] =	vst.add.f32.msk $0xffff, v62;
	v23 =	vbroadcast v48, $0x9;
	(erf) = vrcp.f32 v39  }
0x21f: {  	v62 =	vld [tilespmem:$0x1F970];
	v46 =	vmul.f32 v22, v13;
	(erf) = vrcp.f32 v0  }
0x220: {  	[tilespmem:s20+$0x6210] =	vst.add.f32.msk $0xffff, v63;
	v24 =	vadd.f32 $5.000000000e-01, v24;
	v49 =	vmul.f32 v23, v15;
	v53 =	vmul.f32 v22, v10  }
0x221: {  	v33 =	vld [tilespmem:$0x1F980];
	v26 =	vsub.f32 v26, v28;
	v55 =	vmul.f32 v23, v14;
	v63 =	vmul.f32 v22, v11  }
0x222: {  	(v2sf) =	vpush v21, $0x8;
	[tilespmem:s20+$0x6230] =	vst.add.f32.msk $0xffff, v59;
	v45 =	vpop (erf);
	v39 =	vmul.f32 v27, v24;
	v24 =	vbroadcast v50, $0x9  }
0x223: {  	[tilespmem:s20+$0x6240] =	vst.add.f32.msk $0xffff, v61;
	s21 =	spop (v2sf);
	v26 =	vadd.f32 $5.000000000e-01, v26;
	v34 =	vmul.f32 v23, v16;
	v28 =	vmul.f32 v45, v29  }
0x224: {  	[tilespmem:s21+$0x6200] =	vst.add.f32.msk $0xffff, v62;
	v25 =	vsub.f32 v46, v49;
	v51 =	vmul.f32 v24, v18;
	v56 =	vmul.f32 v24, v19  }
0x225: {  	v62 =	vld [tilespmem:$0x1FA10];
	v40 =	vmul.f32 v28, v26;
	v28 =	vsub.f32 v53, v55;
	v53 =	vmul.f32 v22, v20;
	v54 =	vpop (erf)  }
0x226: {  	[tilespmem:s21+$0x6210] =	vst.add.f32.msk $0xffff, v33;
	v57 =	vadd.f32 v31, v6;
	v36 =	vmul.f32 v54, v51;
	v54 =	vmul.f32 v23, v2  }
0x227: {  	v46 =	vadd.f32 v31, v7;
	v31 =	vld [tilespmem:$0x1FA20];
	v55 =	vmul.f32 v24, v1;
	v25 =	vadd.f32 $5.000000000e-01, v25;
	v49 =	vpop (erf)  }
0x228: {  	v51 =	vadd.f32 $5.000000000e-01, v28;
	v29 =	vmul.f32 v49, v56;
	v56 =	vpop (erf);
	v27 =	vsub.f32 v53, v54;
	v54 =	vld [tilespmem:$0x1F9A0]  }
0x229: {  	vm9 =	veq.f32 v0, $0.0e+00;
	v35 =	vmul.f32 v36, v25;
	v25 =	vmul.f32 v56, v55;
	v56 =	vld [tilespmem:$0x1F9B0]  }
0x22a: {  	(erf) = vrcp.f32 v57;
	v36 =	vmul.f32 v29, v51;
	v51 =	vld [tilespmem:$0x1F990];
	v27 =	vadd.f32 $5.000000000e-01, v27  }
0x22b: {  	(v2sf) =	vpush v21, $0x9;
	v0 =	vsel vm9, v60, v25;
	v25 =	vsub.f32 v63, v34;
	v34 =	vld [tilespmem:$0x1F9C0]  }
0x22c: {  	(erf) = vrcp.f32 v46;
	v32 =	vmul.f32 v0, v27;
	v27 =	vld [tilespmem:$0x1FAA0]  }
0x22d: {  	[tilespmem:s21+$0x6230] =	vst.add.f32.msk $0xffff, v54  }
0x22e: {  	v58 =	vbroadcast v52, $0xA;
	[tilespmem:s21+$0x6240] =	vst.add.f32.msk $0xffff, v56  }
0x22f: {  	v54 =	vld [tilespmem:$0x1F9F0]  }
0x230: {  	v57 =	vadd.f32 v58, v3;
	v56 =	vld [tilespmem:$0x1FA00]  }
0x231: {  	s22 =	spop (v2sf);
	v22 =	vmul.f32 v22, v12;
	v49 =	vadd.f32 v58, v4;
	[tilespmem:s21+$0x6220] =	vst.add.f32.msk $0xffff, v51  }
0x232: {  	v46 =	vmul.f32 v24, v8;
	(erf) = vrcp.f32 v57;
	[tilespmem:s22+$0x6200] =	vst.add.f32.msk $0xffff, v34  }
0x233: {  	v23 =	vmul.f32 v23, v17;
	v53 =	vpop (erf);
	(erf) = vrcp.f32 v49;
	v49 =	vld [tilespmem:$0x1F9E0]  }
0x234: {  	v24 =	vmul.f32 v24, v9;
	v26 =	vmul.f32 v53, v46;
	v46 =	vld [tilespmem:$0x1F9D0]  }
0x235: {  	v60 =	vbroadcast v48, $0xA;
	v55 =	vpop (erf);
	[tilespmem:s22+$0x6230] =	vst.add.f32.msk $0xffff, v54  }
0x236: {  	v22 =	vsub.f32 v22, v23;
	v57 =	vmul.f32 v55, v24;
	v24 =	vbroadcast v47, $0xA;
	[tilespmem:s22+$0x6240] =	vst.add.f32.msk $0xffff, v56  }
0x237: {  	(v2sf) =	vpush v21, $0xA;
	v59 =	vadd.f32 v58, v5;
	v56 =	vld [tilespmem:$0x1FB30]  }
0x238: {  	v22 =	vadd.f32 $5.000000000e-01, v22;
	v53 =	vmul.f32 v60, v15;
	v51 =	vmul.f32 v24, v13;
	[tilespmem:s22+$0x6220] =	vst.add.f32.msk $0xffff, v49  }
0x239: {  	v61 =	vbroadcast v50, $0xA;
	[tilespmem:s22+$0x6210] =	vst.add.f32.msk $0xffff, v46  }
0x23a: {  	s23 =	spop (v2sf);
	(erf) = vrcp.f32 v59;
	v34 =	vmul.f32 v57, v22;
	v22 =	vsub.f32 v51, v53;
	v51 =	vld [tilespmem:$0x1FA30]  }
0x23b: {  	v25 =	vadd.f32 $5.000000000e-01, v25;
	v55 =	vmul.f32 v61, v18;
	[tilespmem:s23+$0x6200] =	vst.add.f32.msk $0xffff, v62  }
0x23c: {  	v63 =	vmul.f32 v24, v10;
	v49 =	vadd.f32 v58, v6;
	v57 =	vpop (erf);
	v46 =	vmul.f32 v60, v14;
	[tilespmem:s23+$0x6210] =	vst.add.f32.msk $0xffff, v31  }
0x23d: {  	v45 =	vmovc v2;
	v54 =	vmul.f32 v24, v20;
	v53 =	vadd.f32 v58, v7;
	v0 =	vmul.f32 v57, v55;
	v57 =	vld [tilespmem:$0x1FA40]  }
0x23e: {  	v55 =	vmul.f32 v60, v45;
	(erf) = vrcp.f32 v49;
	v23 =	vsub.f32 v63, v46;
	v46 =	vld [tilespmem:$0x1FA50]  }
0x23f: {  	v62 =	vpop (erf);
	(erf) = vrcp.f32 v53;
	v53 =	vld [tilespmem:$0x1FA60]  }
0x240: {  	v33 =	vmul.f32 v26, v25;
	v49 =	vsub.f32 v54, v55;
	v54 =	vld [tilespmem:$0x1FA70]  }
0x241: {  	v2 =	vmov v1;
	v26 =	vmul.f32 v61, v19;
	v58 =	vbroadcast v52, $0xB;
	[tilespmem:s23+$0x6220] =	vst.add.f32.msk $0xffff, v51  }
0x242: {  	(v2sf) =	vpush v21, $0xB;
	v63 =	vmul.f32 v61, v2;
	[tilespmem:s23+$0x6230] =	vst.add.f32.msk $0xffff, v57  }
0x243: {  	v25 =	vmul.f32 v62, v26;
	v62 =	vadd.f32 v58, v3;
	v51 =	vpop (erf);
	v57 =	vld [tilespmem:$0x1FA80]  }
0x244: {  	v23 =	vadd.f32 $5.000000000e-01, v23;
	v28 =	vmul.f32 v51, v63;
	v63 =	vld [tilespmem:$0x1FA90]  }
0x245: {  	(erf) = vrcp.f32 v62;
	v62 =	vld [tilespmem:$0x1FAD0]  }
0x246: {  	v29 =	vmul.f32 v25, v23;
	v25 =	vld [tilespmem:$0x1FB40]  }
0x247: {  	s24 =	spop (v2sf);
	[tilespmem:s23+$0x6240] =	vst.add.f32.msk $0xffff, v46  }
0x248: {  	[tilespmem:s24+$0x6200] =	vst.add.f32.msk $0xffff, v53  }
0x249: {  	v22 =	vadd.f32 $5.000000000e-01, v22;
	v55 =	vbroadcast v44, $0xA;
	[tilespmem:s24+$0x6210] =	vst.add.f32.msk $0xffff, v54  }
0x24a: {  	vm10 =	veq.f32 v59, $0.0e+00;
	(v2sf) =	vpush v21, $0xC;
	[tilespmem:s24+$0x6240] =	vst.add.f32.msk $0xffff, v27  }
0x24b: {  	(v2sf) =	vpush v21, $0xD;
	v31 =	vmul.f32 v0, v22;
	v22 =	vsel vm10, v55, v28;
	v28 =	vld [tilespmem:$0x1FAB0]  }
0x24c: {  	(v2sf) =	vpush v21, $0xE;
	v26 =	vadd.f32 $5.000000000e-01, v49;
	v53 =	vld [tilespmem:$0x1FAC0]  }
0x24d: {  	(v2sf) =	vpush v21, $0xF;
	v21 =	vmul.f32 v24, v12;
	v54 =	vmul.f32 v60, v17;
	v27 =	vld [tilespmem:$0x1FAE0]  }
0x24e: {  	v0 =	vmul.f32 v22, v26;
	v22 =	vld [tilespmem:s15+$0x290]  }
0x24f: {  	v21 =	vsub.f32 v21, v54;
	v54 =	vld [tilespmem:$0x1FB20]  }
0x250: {  	[tilespmem:s24+$0x6220] =	vst.add.f32.msk $0xffff, v57  }
0x251: {  	s25 =	spop (v2sf);
	v49 =	vmul.f32 v61, v8;
	[tilespmem:s24+$0x6230] =	vst.add.f32.msk $0xffff, v63  }
0x252: {  	v57 =	vpop (erf);
	[tilespmem:s25+$0x6220] =	vst.add.f32.msk $0xffff, v62  }
0x253: {  	v59 =	vbroadcast v47, $0xB;
	v51 =	vadd.f32 v58, v4;
	v23 =	vmul.f32 v57, v49;
	v49 =	vld [tilespmem:$0x1FB10]  }
0x254: {  	v46 =	vmul.f32 v60, v16;
	v55 =	vmul.f32 v61, v9;
	v61 =	vadd.f32 v58, v5;
	[tilespmem:s25+$0x6200] =	vst.add.f32.msk $0xffff, v28  }
0x255: {  	v60 =	vbroadcast v48, $0xB;
	(erf) = vrcp.f32 v51;
	v28 =	vld [tilespmem:$0x1FAF0]  }
0x256: {  	vm11 =	veq.f32 v61, $0.0e+00;
	[tilespmem:$0x1FEA0] =	vst v0;
	v0 =	vmul.f32 v24, v11;
	v63 =	vpop (erf);
	(erf) = vrcp.f32 v61;
	v61 =	vld [tilespmem:$0x1FC00]  }
0x257: {  	v51 =	vmul.f32 v59, v13;
	[tilespmem:s25+$0x6210] =	vst.add.f32.msk $0xffff, v53  }
0x258: {  	v0 =	vsub.f32 v0, v46;
	v24 =	vmul.f32 v63, v55;
	v46 =	vld [tilespmem:$0x1FB00];
	v53 =	vmul.f32 v60, v15  }
0x259: {  	v26 =	vadd.f32 $5.000000000e-01, v21;
	[tilespmem:s25+$0x6230] =	vst.add.f32.msk $0xffff, v27  }
0x25a: {  	v63 =	vsub.f32 v51, v53;
	v53 =	vadd.f32 v58, v6;
	[tilespmem:s25+$0x6240] =	vst.add.f32.msk $0xffff, v28  }
0x25b: {  	v28 =	vmul.f32 v24, v26;
	v26 =	vld [tilespmem:$0x1FB50]  }
0x25c: {  	s26 =	spop (v2sf);
	v24 =	vpop (erf);
	(erf) = vrcp.f32 v53;
	v53 =	vld [tilespmem:$0x1FBC0]  }
0x25d: {  	[tilespmem:s26+$0x6200] =	vst.add.f32.msk $0xffff, v46  }
0x25e: {  	v62 =	vbroadcast v50, $0xB;
	[tilespmem:s26+$0x6210] =	vst.add.f32.msk $0xffff, v49  }
0x25f: {  	[tilespmem:s26+$0x6220] =	vst.add.f32.msk $0xffff, v54  }
0x260: {  	v22 =	vmin.f32 v22, $4.016000000e+03;
	v55 =	vmul.f32 v62, v18;
	[tilespmem:s26+$0x6230] =	vst.add.f32.msk $0xffff, v56  }
0x261: {  	v22 =	vtrunc.f32 v22;
	v0 =	vadd.f32 $5.000000000e-01, v0;
	v51 =	vmul.f32 v60, v45;
	v49 =	vld [tilespmem:$0x1FB60]  }
0x262: {  	v21 =	vcvt.f32.s32 v22;
	v22 =	vmul.f32 v24, v55;
	v24 =	vld [tilespmem:$0x1FB70]  }
0x263: {  	s28 =	spop (v2sf);
	v27 =	vmul.f32 v23, v0;
	v0 =	vadd.f32 $5.000000000e-01, v63;
	v63 =	vmul.f32 v62, v19;
	[tilespmem:s26+$0x6240] =	vst.add.f32.msk $0xffff, v25  }
0x264: {  	v23 =	vmul.f32 v59, v10;
	v46 =	vmul.f32 v60, v14;
	v25 =	vpop (erf);
	[tilespmem:s28+$0x6200] =	vst.add.f32.msk $0xffff, v26  }
0x265: {  	v26 =	vmul.f32 v22, v0;
	v22 =	vmul.f32 v25, v63;
	v63 =	vld [tilespmem:$0x1FB90]  }
0x266: {  	[tilespmem:s28+$0x6210] =	vst.add.f32.msk $0xffff, v49  }
0x267: {  	v56 =	vmul.f32 v59, v20;
	v0 =	vsub.f32 v23, v46;
	[tilespmem:s28+$0x6220] =	vst.add.f32.msk $0xffff, v24  }
0x268: {  	v46 =	vmul.f32 v62, v2;
	v49 =	vld [tilespmem:$0x1FB80]  }
0x269: {  	v55 =	vsub.f32 v56, v51;
	v51 =	vpop (erf);
	v24 =	vld [tilespmem:$0x1FBA0];
	v0 =	vadd.f32 $5.000000000e-01, v0  }
0x26a: {  	v56 =	vmul.f32 v51, v46;
	v46 =	vld [tilespmem:$0x1FBB0]  }
0x26b: {  	v0 =	vmul.f32 v22, v0;
	v22 =	vld [tilespmem:$0x1FC20]  }
0x26c: {  	[tilespmem:s28+$0x6240] =	vst.add.f32.msk $0xffff, v63  }
0x26d: {  	(v2sf) =	vpush v21, $0x0;
	v63 =	vld [tilespmem:$0x1FC10]  }
0x26e: {  	s29 =	spop (v2sf);
	[tilespmem:s28+$0x6230] =	vst.add.f32.msk $0xffff, v49  }
0x26f: {  	[tilespmem:s29+$0x6200] =	vst.add.f32.msk $0xffff, v24  }
0x270: {  	[tilespmem:s29+$0x6210] =	vst.add.f32.msk $0xffff, v46  }
0x271: {  	v24 =	vld [tilespmem:$0x1FBD0]  }
0x272: {  	v25 =	vadd.f32 v58, v7;
	v49 =	vbroadcast v44, $0xB;
	v46 =	vld [tilespmem:$0x1FBE0]  }
0x273: {  	v54 =	vadd.f32 $5.000000000e-01, v55;
	[tilespmem:s29+$0x6220] =	vst.add.f32.msk $0xffff, v53  }
0x274: {  	(erf) = vrcp.f32 v25;
	v25 =	vsel vm11, v49, v56;
	v49 =	vld [tilespmem:$0x1FBF0]  }
0x275: {  	v25 =	vmul.f32 v25, v54;
	v54 =	vld [tilespmem:$0x1FC40]  }
0x276: {  	[tilespmem:s29+$0x6230] =	vst.add.f32.msk $0xffff, v24  }
0x277: {  	[tilespmem:s29+$0x6240] =	vst.add.f32.msk $0xffff, v46  }
0x278: {  	s30 =	spop (v2sf);
	v23 =	vbroadcast v52, $0xC;
	v24 =	vld [tilespmem:$0x1FC30]  }
0x279: {  	[tilespmem:s30+$0x6200] =	vst.add.f32.msk $0xffff, v49  }
0x27a: {  	v51 =	vadd.f32 v23, v3;
	[tilespmem:s30+$0x6210] =	vst.add.f32.msk $0xffff, v61  }
0x27b: {  	[tilespmem:s30+$0x6220] =	vst.add.f32.msk $0xffff, v63  }
0x27c: {  	v57 =	vmul.f32 v59, v12;
	(erf) = vrcp.f32 v51;
	s31 =	spop (v2sf);
	[tilespmem:s30+$0x6230] =	vst.add.f32.msk $0xffff, v22  }
0x27d: {  	(v2sf) =	vpush v21, $0x1;
	v51 =	vmul.f32 v59, v11;
	v53 =	vmul.f32 v60, v16;
	[tilespmem:s31+$0x6200] =	vst.add.f32.msk $0xffff, v54  }
0x27e: {  	v58 =	vbroadcast v47, $0xC;
	v55 =	vadd.f32 v23, v4;
	v59 =	vbroadcast v48, $0xC;
	[tilespmem:$0x1FEB0] =	vst v0;
	v54 =	vld [tilespmem:$0x1FC60]  }
0x27f: {  	v56 =	vmul.f32 v60, v17;
	v60 =	vmul.f32 v62, v8;
	v0 =	vsub.f32 v51, v53;
	[tilespmem:s30+$0x6240] =	vst.add.f32.msk $0xffff, v24  }
0x280: {  	(erf) = vrcp.f32 v55;
	v46 =	vmul.f32 v59, v15;
	v22 =	vpop (erf);
	v24 =	vld [tilespmem:$0x1FC50]  }
0x281: {  	v55 =	vmul.f32 v62, v9;
	v0 =	vadd.f32 $5.000000000e-01, v0;
	v63 =	vld [tilespmem:$0x1FCB0];
	v60 =	vmul.f32 v22, v60  }
0x282: {  	v61 =	vmul.f32 v58, v13;
	v49 =	vbroadcast v50, $0xC;
	v22 =	vld [tilespmem:$0x1FC70]  }
0x283: {  	v62 =	vmul.f32 v60, v0;
	v60 =	vld [tilespmem:$0x1FC90]  }
0x284: {  	v61 =	vsub.f32 v61, v46;
	v51 =	vmul.f32 v49, v18;
	v46 =	vpop (erf);
	[tilespmem:s31+$0x6220] =	vst.add.f32.msk $0xffff, v54  }
0x285: {  	v56 =	vsub.f32 v57, v56;
	v57 =	vmul.f32 v46, v55;
	v55 =	vpop (erf);
	[tilespmem:s31+$0x6210] =	vst.add.f32.msk $0xffff, v24  }
0x286: {  	(v2sf) =	vpush v21, $0x2;
	v53 =	vadd.f32 v23, v5;
	v24 =	vmul.f32 v55, v51;
	v55 =	vld [tilespmem:$0x1FC80]  }
0x287: {  	[tilespmem:s31+$0x6230] =	vst.add.f32.msk $0xffff, v22  }
0x288: {  	(erf) = vrcp.f32 v53;
	v61 =	vadd.f32 $5.000000000e-01, v61;
	v22 =	vld [tilespmem:$0x1FCC0]  }
0x289: {  	v54 =	vld [tilespmem:$0x1FCE0]  }
0x28a: {  	v24 =	vmul.f32 v24, v61;
	v61 =	vld [tilespmem:$0x1FCA0]  }
0x28b: {  	[tilespmem:s31+$0x6240] =	vst.add.f32.msk $0xffff, v55  }
0x28c: {  	s16 =	spop (v2sf);
	v56 =	vadd.f32 $5.000000000e-01, v56;
	v0 =	vmul.f32 v59, v45;
	v51 =	vadd.f32 v23, v6;
	v55 =	vmovc v45;
	v45 =	vld [tilespmem:$0x1FCD0]  }
0x28d: {  	[tilespmem:s16+$0x6200] =	vst.add.f32.msk $0xffff, v60  }
0x28e: {  	(v2sf) =	vpush v21, $0x3;
	v46 =	vmul.f32 v58, v10;
	v56 =	vmul.f32 v57, v56;
	[tilespmem:s16+$0x6220] =	vst.add.f32.msk $0xffff, v63  }
0x28f: {  	v57 =	vmul.f32 v59, v14;
	v60 =	vmul.f32 v49, v19;
	[tilespmem:s16+$0x6230] =	vst.add.f32.msk $0xffff, v22  }
0x290: {  	(erf) = vrcp.f32 v51;
	v51 =	vpop (erf);
	v22 =	vmul.f32 v49, v2;
	v63 =	vld [tilespmem:$0x1FCF0]  }
0x291: {  	v46 =	vsub.f32 v46, v57;
	[tilespmem:s16+$0x6210] =	vst.add.f32.msk $0xffff, v61;
	v57 =	vmul.f32 v51, v60;
	v51 =	vpop (erf)  }
0x292: {  	v1 =	vmul.f32 v51, v22;
	v22 =	vld [tilespmem:$0x1FD00]  }
0x293: {  	v51 =	vld [tilespmem:$0x1FD20]  }
0x294: {  	[tilespmem:s16+$0x6240] =	vst.add.f32.msk $0xffff, v45  }
0x295: {  	s17 =	spop (v2sf);
	v45 =	vld [tilespmem:$0x1FD10]  }
0x296: {  	[tilespmem:s17+$0x6200] =	vst.add.f32.msk $0xffff, v54  }
0x297: {  	[tilespmem:s17+$0x6210] =	vst.add.f32.msk $0xffff, v63  }
0x298: {  	v54 =	vld [tilespmem:$0x1FD30]  }
0x299: {  	(v2sf) =	vpush v21, $0x4;
	[tilespmem:s17+$0x6240] =	vst.add.f32.msk $0xffff, v51  }
0x29a: {  	v51 =	vld [tilespmem:$0x1FD50]  }
0x29b: {  	[tilespmem:s17+$0x6230] =	vst.add.f32.msk $0xffff, v45  }
0x29c: {  	v23 =	vadd.f32 v23, v7;
	v45 =	vld [tilespmem:$0x1FD40]  }
0x29d: {  	s18 =	spop (v2sf);
	[tilespmem:s17+$0x6220] =	vst.add.f32.msk $0xffff, v22  }
0x29e: {  	(erf) = vrcp.f32 v23;
	[tilespmem:s18+$0x6200] =	vst.add.f32.msk $0xffff, v54  }
0x29f: {  	v23 =	vbroadcast v52, $0xD;
	v60 =	vbroadcast v44, $0xC;
	[tilespmem:s18+$0x6220] =	vst.add.f32.msk $0xffff, v51  }
0x2a0: {  	vm12 =	veq.f32 v53, $0.0e+00;
	v51 =	vld [tilespmem:$0x1FD70]  }
0x2a1: {  	v46 =	vadd.f32 $5.000000000e-01, v46;
	v1 =	vsel vm12, v60, v1;
	v60 =	vadd.f32 v23, v3;
	[tilespmem:s18+$0x6210] =	vst.add.f32.msk $0xffff, v45  }
0x2a2: {  	v53 =	vmul.f32 v58, v11;
	v61 =	vmul.f32 v58, v20;
	v54 =	vadd.f32 v23, v4;
	v45 =	vld [tilespmem:$0x1FD60]  }
0x2a3: {  	v46 =	vmul.f32 v57, v46;
	(erf) = vrcp.f32 v60  }
0x2a4: {  	v0 =	vsub.f32 v61, v0;
	v63 =	vmul.f32 v59, v16;
	(erf) = vrcp.f32 v54;
	v54 =	vld [tilespmem:$0x1FD80]  }
0x2a5: {  	(v2sf) =	vpush v21, $0x5;
	v57 =	vmul.f32 v58, v12;
	v58 =	vmul.f32 v59, v17;
	v59 =	vld [tilespmem:$0x1FD90]  }
0x2a6: {  	v0 =	vadd.f32 $5.000000000e-01, v0;
	[tilespmem:s18+$0x6240] =	vst.add.f32.msk $0xffff, v51  }
0x2a7: {  	v61 =	vmul.f32 v49, v8;
	v49 =	vmul.f32 v49, v9;
	[tilespmem:s18+$0x6230] =	vst.add.f32.msk $0xffff, v45  }
0x2a8: {  	s19 =	spop (v2sf);
	v60 =	vbroadcast v47, $0xD;
	v22 =	vmul.f32 v1, v0;
	v0 =	vsub.f32 v53, v63;
	v63 =	vpop (erf);
	v45 =	vld [tilespmem:$0x1FDA0]  }
0x2a9: {  	v53 =	vmul.f32 v63, v61;
	v63 =	vbroadcast v48, $0xD;
	[tilespmem:s19+$0x6200] =	vst.add.f32.msk $0xffff, v54  }
0x2aa: {  	v57 =	vsub.f32 v57, v58;
	v58 =	vmul.f32 v60, v13;
	[tilespmem:s19+$0x6210] =	vst.add.f32.msk $0xffff, v59;
	v59 =	vpop (erf)  }
0x2ab: {  	v54 =	vmul.f32 v63, v15;
	v49 =	vmul.f32 v59, v49;
	v59 =	vld [tilespmem:$0x1FDB0];
	_ =	sdelay $0x1  }
0x2ac: {  	v54 =	vsub.f32 v58, v54;
	v58 =	vld [tilespmem:$0x1FDD0]  }
0x2ad: {  	[tilespmem:s19+$0x6220] =	vst.add.f32.msk $0xffff, v45  }
0x2ae: {  	v45 =	vld [tilespmem:$0x1FDC0]  }
0x2af: {  	v0 =	vadd.f32 $5.000000000e-01, v0;
	[tilespmem:s19+$0x6230] =	vst.add.f32.msk $0xffff, v59;
	v59 =	vadd.f32 v23, v6  }
0x2b0: {  	v61 =	vadd.f32 v23, v5;
	v51 =	vbroadcast v50, $0xD  }
0x2b1: {  	(v2sf) =	vpush v21, $0x6;
	v53 =	vmul.f32 v53, v0  }
0x2b2: {  	v0 =	vadd.f32 $5.000000000e-01, v57;
	(erf) = vrcp.f32 v61;
	v57 =	vmul.f32 v51, v18  }
0x2b3: {  	s20 =	spop (v2sf);
	(erf) = vrcp.f32 v59;
	[tilespmem:s19+$0x6240] =	vst.add.f32.msk $0xffff, v45;
	v59 =	vpop (erf)  }
0x2b4: {  	[tilespmem:s20+$0x6200] =	vst.add.f32.msk $0xffff, v58;
	v58 =	vmul.f32 v49, v0;
	v0 =	vadd.f32 $5.000000000e-01, v54;
	v49 =	vmul.f32 v59, v57;
	_ =	sdelay $0x1  }
0x2b5: {  	v1 =	vmul.f32 v49, v0;
	v0 =	vld [tilespmem:$0x1FE10];
	_ =	sdelay $0x1  }
0x2b6: {  	v54 =	vld [tilespmem:$0x1FDE0]  }
0x2b7: {  	v57 =	vld [tilespmem:$0x1FDF0]  }
0x2b8: {  	v59 =	vld [tilespmem:$0x1FE00]  }
0x2b9: {  	[tilespmem:s20+$0x6240] =	vst.add.f32.msk $0xffff, v0  }
0x2ba: {  	v0 =	vld [tilespmem:$0x1FE20]  }
0x2bb: {  	vm13 =	veq.f32 v61, $0.0e+00;
	v61 =	vld [tilespmem:$0x1FE40]  }
0x2bc: {  	[tilespmem:s20+$0x6210] =	vst.add.f32.msk $0xffff, v54  }
0x2bd: {  	(v2sf) =	vpush v21, $0x7;
	[tilespmem:s20+$0x6220] =	vst.add.f32.msk $0xffff, v57  }
0x2be: {  	v30 =	vmov v2;
	s21 =	spop (v2sf);
	v2 =	vmul.f32 v63, v14;
	[tilespmem:s20+$0x6230] =	vst.add.f32.msk $0xffff, v59  }
0x2bf: {  	v45 =	vmul.f32 v60, v10;
	v54 =	vmul.f32 v60, v20;
	[tilespmem:s21+$0x6200] =	vst.add.f32.msk $0xffff, v0  }
0x2c0: {  	v0 =	vadd.f32 v23, v7;
	v23 =	vld [tilespmem:$0x1FE30]  }
0x2c1: {  	v2 =	vsub.f32 v45, v2;
	v45 =	vmul.f32 v51, v19;
	v57 =	vmul.f32 v63, v55  }
0x2c2: {  	(v2sf) =	vpush v21, $0x8;
	v49 =	vpop (erf);
	v59 =	vmul.f32 v51, v30  }
0x2c3: {  	v45 =	vmul.f32 v49, v45;
	v49 =	vsub.f32 v54, v57;
	v57 =	vbroadcast v52, $0xE;
	v54 =	vpop (erf)  }
0x2c4: {  	v2 =	vadd.f32 $5.000000000e-01, v2;
	[tilespmem:s21+$0x6220] =	vst.add.f32.msk $0xffff, v61;
	v54 =	vmul.f32 v54, v59;
	v59 =	vbroadcast v44, $0xD  }
0x2c5: {  	v61 =	vadd.f32 $5.000000000e-01, v49;
	[tilespmem:s21+$0x6210] =	vst.add.f32.msk $0xffff, v23  }
0x2c6: {  	v23 =	vmul.f32 v45, v2;
	v2 =	vadd.f32 v57, v3;
	v45 =	vsel vm13, v59, v54;
	v54 =	vld [tilespmem:$0x1FE50]  }
0x2c7: {  	v59 =	vld [tilespmem:$0x1FE60]  }
0x2c8: {  	(erf) = vrcp.f32 v0;
	v49 =	vmul.f32 v45, v61;
	v45 =	vadd.f32 v57, v4;
	v61 =	vld [tilespmem:$0x1FE70]  }
0x2c9: {  	(v2sf) =	vpush v21, $0x9;
	v0 =	vmul.f32 v60, v11;
	(erf) = vrcp.f32 v2  }
0x2ca: {  	v2 =	vpop (erf);
	(erf) = vrcp.f32 v45;
	v45 =	vmul.f32 v60, v12;
	v60 =	vld [tilespmem:$0x1FE90]  }
0x2cb: {  	[tilespmem:s21+$0x6230] =	vst.add.f32.msk $0xffff, v54  }
0x2cc: {  	s22 =	spop (v2sf);
	[tilespmem:s21+$0x6240] =	vst.add.f32.msk $0xffff, v59  }
0x2cd: {  	(v2sf) =	vpush v21, $0xA;
	[tilespmem:s22+$0x6200] =	vst.add.f32.msk $0xffff, v61  }
0x2ce: {  	v61 =	vld [tilespmem:$0x1FE80];
	_ =	sdelay $0x1  }
0x2cf: {  	[tilespmem:s22+$0x6230] =	vst.add.f32.msk $0xffff, v42  }
0x2d0: {  	v54 =	vmul.f32 v51, v8;
	v59 =	vmul.f32 v63, v16;
	[tilespmem:s22+$0x6240] =	vst.add.f32.msk $0xffff, v43  }
0x2d1: {  	v42 =	vbroadcast v47, $0xE;
	[tilespmem:s22+$0x6220] =	vst.add.f32.msk $0xffff, v60  }
0x2d2: {  	s23 =	spop (v2sf);
	v2 =	vmul.f32 v2, v54;
	v54 =	vadd.f32 v57, v5;
	v0 =	vsub.f32 v0, v59;
	[tilespmem:s22+$0x6210] =	vst.add.f32.msk $0xffff, v61  }
0x2d3: {  	(v2sf) =	vpush v21, $0xB;
	v43 =	vmul.f32 v51, v9;
	v60 =	vbroadcast v48, $0xE;
	[tilespmem:s23+$0x6200] =	vst.add.f32.msk $0xffff, v41  }
0x2d4: {  	v59 =	vmul.f32 v63, v17;
	(erf) = vrcp.f32 v54;
	v0 =	vadd.f32 $5.000000000e-01, v0;
	[tilespmem:s23+$0x6210] =	vst.add.f32.msk $0xffff, v37  }
0x2d5: {  	(v2sf) =	vpush v21, $0xC;
	v51 =	vbroadcast v50, $0xE;
	v61 =	vmul.f32 v60, v15;
	[tilespmem:s23+$0x6220] =	vst.add.f32.msk $0xffff, v38  }
0x2d6: {  	v63 =	vpop (erf);
	v0 =	vmul.f32 v2, v0;
	v2 =	vsub.f32 v45, v59;
	v41 =	vmul.f32 v42, v13;
	[tilespmem:s23+$0x6230] =	vst.add.f32.msk $0xffff, v39  }
0x2d7: {  	s24 =	spop (v2sf);
	v59 =	vmul.f32 v51, v18;
	v37 =	vmul.f32 v63, v43;
	v63 =	vadd.f32 v57, v6;
	[tilespmem:s23+$0x6240] =	vst.add.f32.msk $0xffff, v40  }
0x2d8: {  	v40 =	vbroadcast v52, $0xF;
	v2 =	vadd.f32 $5.000000000e-01, v2;
	[tilespmem:s24+$0x6200] =	vst.add.f32.msk $0xffff, v35;
	v38 =	vsub.f32 v41, v61  }
0x2d9: {  	(v2sf) =	vpush v21, $0xD;
	[tilespmem:s24+$0x6210] =	vst.add.f32.msk $0xffff, v36;
	(erf) = vrcp.f32 v63;
	v63 =	vmul.f32 v51, v30;
	v61 =	vpop (erf)  }
0x2da: {  	[tilespmem:s24+$0x6220] =	vst.add.f32.msk $0xffff, v32;
	v2 =	vmul.f32 v37, v2;
	v39 =	vmul.f32 v61, v59;
	v38 =	vadd.f32 $5.000000000e-01, v38  }
0x2db: {  	s25 =	spop (v2sf);
	(v2sf) =	vpush v21, $0xE;
	[tilespmem:s24+$0x6230] =	vst.add.f32.msk $0xffff, v33;
	v59 =	vmul.f32 v42, v10;
	v61 =	vmul.f32 v60, v14  }
0x2dc: {  	v45 =	vmov v30;
	[tilespmem:s24+$0x6240] =	vst.add.f32.msk $0xffff, v34;
	v37 =	vmul.f32 v60, v55;
	v35 =	vpop (erf);
	v36 =	vmul.f32 v39, v38  }
0x2dd: {  	[tilespmem:s25+$0x6200] =	vst.add.f32.msk $0xffff, v31;
	v38 =	vsub.f32 v59, v61;
	v39 =	vmul.f32 v42, v20;
	v30 =	vpop (erf);
	v59 =	vmul.f32 v42, v11  }
0x2de: {  	v61 =	vmul.f32 v60, v16;
	v32 =	vmul.f32 v30, v63;
	v63 =	vadd.f32 v57, v7;
	v57 =	vld [tilespmem:$0x1FEA0]  }
0x2df: {  	vm14 =	veq.f32 v54, $0.0e+00;
	v54 =	vbroadcast v44, $0xE;
	[tilespmem:s25+$0x6210] =	vst.add.f32.msk $0xffff, v29;
	v37 =	vsub.f32 v39, v37  }
0x2e0: {  	v43 =	vmul.f32 v42, v12;
	v41 =	vld [tilespmem:$0x1FEB0];
	v39 =	vadd.f32 v40, v3;
	v52 =	vsub.f32 v59, v61  }
0x2e1: {  	[tilespmem:s25+$0x6230] =	vst.add.f32.msk $0xffff, v27;
	v59 =	vmul.f32 v51, v8;
	v30 =	vsel vm14, v54, v32;
	(erf) = vrcp.f32 v63  }
0x2e2: {  	[tilespmem:s25+$0x6240] =	vst.add.f32.msk $0xffff, v28;
	v54 =	vmul.f32 v51, v19;
	(erf) = vrcp.f32 v39;
	v32 =	vadd.f32 $5.000000000e-01, v37  }
0x2e3: {  	s26 =	spop (v2sf);
	v37 =	vadd.f32 $5.000000000e-01, v52;
	v39 =	vadd.f32 v40, v4;
	v52 =	vmul.f32 v60, v17;
	[tilespmem:s25+$0x6220] =	vst.add.f32.msk $0xffff, v57  }
0x2e4: {  	v63 =	vmul.f32 v35, v54;
	v3 =	vpop (erf);
	v54 =	vmul.f32 v51, v9;
	[tilespmem:s26+$0x6200] =	vst.add.f32.msk $0xffff, v26  }
0x2e5: {  	v61 =	vadd.f32 $5.000000000e-01, v38;
	v38 =	vmul.f32 v3, v59;
	(erf) = vrcp.f32 v39;
	[tilespmem:s26+$0x6210] =	vst.add.f32.msk $0xffff, v41  }
0x2e6: {  	s28 =	spop (v2sf);
	(v2sf) =	vpush v21, $0xF;
	v27 =	vmul.f32 v30, v32;
	v32 =	vbroadcast v50, $0xF;
	[tilespmem:s26+$0x6220] =	vst.add.f32.msk $0xffff, v25  }
0x2e7: {  	v30 =	vadd.f32 v40, v5;
	v59 =	vbroadcast v48, $0xF;
	v26 =	vmul.f32 v63, v61;
	[tilespmem:s26+$0x6230] =	vst.add.f32.msk $0xffff, v62  }
0x2e8: {  	[tilespmem:s26+$0x6240] =	vst.add.f32.msk $0xffff, v56;
	v56 =	vbroadcast v47, $0xF;
	v25 =	vsub.f32 v43, v52;
	v52 =	vbroadcast v44, $0xF  }
0x2e9: {  	v28 =	vmul.f32 v38, v37;
	(erf) = vrcp.f32 v30;
	[tilespmem:s28+$0x6200] =	vst.add.f32.msk $0xffff, v24  }
0x2ea: {  	v60 =	vmul.f32 v32, v18;
	[tilespmem:s28+$0x6210] =	vst.add.f32.msk $0xffff, v46;
	v3 =	vmul.f32 v59, v15  }
0x2eb: {  	v4 =	vadd.f32 v40, v6;
	[tilespmem:s28+$0x6220] =	vst.add.f32.msk $0xffff, v22;
	v6 =	vmul.f32 v59, v14;
	v41 =	vmul.f32 v59, v55  }
0x2ec: {  	[tilespmem:s28+$0x6230] =	vst.add.f32.msk $0xffff, v53;
	v42 =	vmul.f32 v32, v45;
	v5 =	vmul.f32 v56, v10;
	v10 =	vadd.f32 v40, v7;
	v57 =	vpop (erf)  }
0x2ed: {  	s29 =	spop (v2sf);
	[tilespmem:s28+$0x6240] =	vst.add.f32.msk $0xffff, v58;
	v51 =	vmul.f32 v59, v16;
	(erf) = vrcp.f32 v4;
	v63 =	vpop (erf)  }
0x2ee: {  	v24 =	vmul.f32 v59, v17;
	[tilespmem:s29+$0x6200] =	vst.add.f32.msk $0xffff, v1;
	v18 =	vpop (erf);
	(erf) = vrcp.f32 v10  }
0x2ef: {  	v53 =	vmul.f32 v32, v8;
	vm15 =	veq.f32 v30, $0.0e+00;
	v55 =	vmul.f32 v32, v9;
	[tilespmem:s29+$0x6210] =	vst.add.f32.msk $0xffff, v23  }
0x2f0: {  	v62 =	vmul.f32 v56, v13;
	v13 =	vmul.f32 v32, v19;
	v14 =	vadd.f32 $5.000000000e-01, v25;
	[tilespmem:s29+$0x6220] =	vst.add.f32.msk $0xffff, v49  }
0x2f1: {  	v40 =	vmul.f32 v56, v20;
	[tilespmem:s29+$0x6230] =	vst.add.f32.msk $0xffff, v0;
	v50 =	vmul.f32 v56, v11;
	v15 =	vsub.f32 v5, v6  }
0x2f2: {  	s30 =	spop (v2sf);
	[tilespmem:s29+$0x6240] =	vst.add.f32.msk $0xffff, v2;
	v21 =	vmul.f32 v56, v12;
	v22 =	vsub.f32 v62, v3;
	v61 =	vmul.f32 v57, v54  }
0x2f3: {  	[tilespmem:s30+$0x6200] =	vst.add.f32.msk $0xffff, v36;
	v48 =	vsub.f32 v40, v41;
	v25 =	vadd.f32 $5.000000000e-01, v15;
	v19 =	vmul.f32 v18, v13  }
0x2f4: {  	[tilespmem:s30+$0x6210] =	vst.add.f32.msk $0xffff, v26;
	v22 =	vadd.f32 $5.000000000e-01, v22;
	v33 =	vmul.f32 v63, v60;
	v45 =	vmul.f32 v61, v14;
	v43 =	vpop (erf)  }
0x2f5: {  	[tilespmem:s30+$0x6220] =	vst.add.f32.msk $0xffff, v27;
	v47 =	vmul.f32 v19, v25;
	v49 =	vmul.f32 v43, v42;
	v25 =	vsub.f32 v50, v51  }
0x2f6: {  	[tilespmem:s30+$0x6230] =	vst.add.f32.msk $0xffff, v28;
	v21 =	vsub.f32 v21, v24;
	v46 =	vmul.f32 v33, v22;
	v22 =	vadd.f32 $5.000000000e-01, v48;
	v54 =	vpop (erf)  }
0x2f7: {  	p0 =	slt.u32 s13, $0xBE0;
	s31 =	spop (v2sf);
	[tilespmem:s30+$0x6240] =	vst.add.f32.msk $0xffff, v45;
	v56 =	vsel vm15, v52, v49;
	v57 =	vadd.f32 $5.000000000e-01, v25;
	v58 =	vmul.f32 v54, v53;
	v59 =	vpop (erf)  }
.Ltmp1:
0x2f8: {  	v60 =	vadd.f32 $5.000000000e-01, v21;
	[tilespmem:s31+$0x6200] =	vst.add.f32.msk $0xffff, v46;
	v0 =	vmul.f32 v56, v22;
	v61 =	vmul.f32 v59, v55;
	(pc) =	sbr.rel @p0 .LBB2_4-.Ltmp1, $4  }
0x2f9: {  	[tilespmem:s31+$0x6210] =	vst.add.f32.msk $0xffff, v47;
	v62 =	vmul.f32 v58, v57  }
0x2fa: {  	[tilespmem:s31+$0x6220] =	vst.add.f32.msk $0xffff, v0;
	v63 =	vmul.f32 v61, v60  }
0x2fb: {  	[tilespmem:s31+$0x6230] =	vst.add.f32.msk $0xffff, v62  }
0x2fc: {  	s14 =	sadd.s32 $0x100, s14;
	[tilespmem:s31+$0x6240] =	vst.add.f32.msk $0xffff, v63  }
0x2fd: {  	s12 =	sadd.s32 $0x1, s12  }
0x2fe: {  	p0 =	sne.s32 s12, s6  }
.Ltmp2:
0x2ff: {  	_ = 	snop;
	(pc) =	sbr.rel @p0 .LBB2_1-.Ltmp2, $4  }
0x300: {  	[hbm4b:s5+s9] =	stream.strided.scatter [tilespmem:s11], [sflag:$0x1], $0xF80, s10, s9, $0x38;
	[tilespmem:$0x7200] =	vst v63  }
0x301: {  	_ =	swait.ge [sflag:s7], $0xF80  }
0x302: {  	[sflag:s7] =	ssyncset.done $0x0  }
0x303: {  	v0 =	vimm.f32 $0.0e+00;
	[sflag:s7] =	ssyncadd.s32 $0xFFFFF080  }
0x304: {  	_ =	sfence.sel $0x180000  }
0x305: {  	[bflag:$0x0] =	sbarrier.arrive $0xFFFF  }
0x306: {  	p0 =	sne.s32 s0, $0x0;
	_ =	strace $0x90000047  }
0x307: {  	s0 =	sadd.s32 @!p0 $0x100000, s1;
	[bflag:$0x2] =	sbarrier.arrive $0xFFFF  }
0x308: {  	[sflag:s0] =	ssyncadd.tile.s32 @!p0 $0x1;
	_ =	shalt  }
.Lfunc_end2:
_tile_overlayer_lowered:
.L_overlay_start_2:
0x309: {  	(tag) =	ssettag $0x2  }
0x30a: {  	s0 =	rddreg [dreg:$0x0];
	s2 =	stileid.u32  }
0x30b: {  	s1 =	rddreg [dreg:$0x1];
	p0 =	sne.s32 s2, $0x0  }
0x30c: {  	s3 =	rddreg [dreg:$0x2];
	[bflag:$0x3] =	sbarrier.arrive $0xFFFF;
	s2 =	simm.s32 @!p0 $0x1C01  }
0x30d: {  	[timem:s3], [sflag:s2] =	dma.local @!p0 [hbm:s0], s1  }
0x30e: {  	s0 =	simm.s32 @!p0 $0x1  }
0x30f: {  	_ =	swait.ge @!p0 [sflag:s0], s1  }
0x310: {  	s1 =	ssub.s32 @!p0 $0x0, s1;
	[sflag:s0] =	ssyncset.done @!p0 $0x0  }
0x311: {  	[sflag:s0] =	ssyncadd.s32 @!p0 s1  }
0x312: {  	[bflag:$0x3] =	sbarrier.arrive $0xFFFF  }
0x313: {  	_ =	shalt  }

</sc_bundles>
